<compile_context>
chip_gen: v7x
topology: tpu7x:2x2x1
jax: 0.10.2.dev20260603
libtpu: 0.0.44.dev20260713+nightly
codegen_flags: <defaults>
</compile_context>

<pallas_src>
import jax
import jax.numpy as jnp
from jax import lax
from jax.experimental import pallas as pl
from jax.experimental.pallas import tpu as pltpu
from jax.experimental.pallas import tpu_sc as plsc

N = 10000
D = 256
QD = D // 4
NC = 2
NS = 16
CHUNK = 128
RPS = 624
TAIL = N - RPS * NS
AGG_ROWS = N + 16

ROW_BLK = 1000
NUM_BLK = N // ROW_BLK



def _sc_agg_body(x0, x1, x2, x3, srcp, dstp, z0, z1, z2, z3,
                 sidx, didx, m0, m1, xs, agg, sem0, sem1, sems0, sems1):
    c = lax.axis_index("c")
    s = lax.axis_index("s")
    ch = srcp.shape[0] // NS

    def run(x_hbm, z_hbm, stage_idx, prev_z):
        xsd = pltpu.async_copy(x_hbm.at[pl.ds(s * RPS, RPS)],
                               xs.at[pl.ds(s * RPS, RPS)], sem0)
        if prev_z is not None:
            pltpu.make_async_copy(agg.at[pl.ds(s * RPS, RPS)],
                                  prev_z.at[pl.ds(s * RPS, RPS)],
                                  sems1).wait()
        agd = pltpu.async_copy(x_hbm.at[pl.ds(s * RPS, RPS)],
                               agg.at[pl.ds(s * RPS, RPS)], sem1)
        if stage_idx:
            idx0 = pltpu.async_copy(srcp.at[pl.ds(s * ch, ch)], sidx, sems0)
            idx1 = pltpu.async_copy(dstp.at[pl.ds(s * ch, ch)], didx, sems1)

        @pl.when(s == NS - 1)
        def _():
            pltpu.sync_copy(x_hbm.at[pl.ds(NS * RPS, TAIL)],
                            xs.at[pl.ds(NS * RPS, TAIL)])
            pltpu.sync_copy(x_hbm.at[pl.ds(NS * RPS, TAIL)],
                            agg.at[pl.ds(NS * RPS, TAIL)])
            pltpu.sync_copy(x_hbm.at[pl.ds(0, AGG_ROWS - N)],
                            agg.at[pl.ds(N, AGG_ROWS - N)])

        xsd.wait()
        agd.wait()
        if stage_idx:
            idx0.wait()
            idx1.wait()

        plsc.subcore_barrier()

        pltpu.async_copy(xs.at[sidx.at[0]], m0, sem0)
        pltpu.async_copy(xs.at[sidx.at[1]], m1, sem1)

        def pair(i, carry):
            j0 = 2 * i
            j1 = j0 + 1
            pltpu.make_async_copy(xs.at[sidx.at[j0]], m0, sem0).wait()
            pltpu.async_copy(m0, agg.at[didx.at[j0]], sems0,
                             add=True).wait()

            @pl.when(j0 + 2 < ch)
            def _():
                pltpu.async_copy(xs.at[sidx.at[j0 + 2]], m0, sem0)

            pltpu.make_async_copy(xs.at[sidx.at[j1]], m1, sem1).wait()
            pltpu.async_copy(m1, agg.at[didx.at[j1]], sems1,
                             add=True).wait()

            @pl.when(j1 + 2 < ch)
            def _():
                pltpu.async_copy(xs.at[sidx.at[j1 + 2]], m1, sem1)

            return carry

        lax.fori_loop(0, ch // 2, pair, 0)
        plsc.subcore_barrier()
        pltpu.async_copy(agg.at[pl.ds(s * RPS, RPS)],
                         z_hbm.at[pl.ds(s * RPS, RPS)], sems1)
        if prev_z is not None:
            pltpu.make_async_copy(agg.at[pl.ds(s * RPS, RPS)],
                                  z_hbm.at[pl.ds(s * RPS, RPS)],
                                  sems1).wait()

        @pl.when(s == NS - 1)
        def _():
            pltpu.sync_copy(agg.at[pl.ds(NS * RPS, TAIL)],
                            z_hbm.at[pl.ds(NS * RPS, TAIL)])

    @pl.when(c == 0)
    def _():
        run(x0, z0, True, None)
        run(x1, z1, False, z0)

    @pl.when(c == 1)
    def _():
        run(x2, z2, True, None)
        run(x3, z3, False, z2)


def _make_sc_agg(chunk_rows):
    mesh = plsc.VectorSubcoreMesh(core_axis_name="c", subcore_axis_name="s",
                                  num_cores=NC, num_subcores=NS)
    ch = chunk_rows // NS
    quarter = jax.ShapeDtypeStruct((N, QD), jnp.float32)
    return pl.kernel(
        _sc_agg_body,
        out_type=(quarter,) * 4,
        mesh=mesh,
        compiler_params=pltpu.CompilerParams(use_tc_tiling_on_sc=False),
        scratch_types=[
            pltpu.VMEM((ch, CHUNK), jnp.int32),
            pltpu.VMEM((ch, CHUNK), jnp.int32),
            pltpu.VMEM((CHUNK, QD), jnp.float32),
            pltpu.VMEM((CHUNK, QD), jnp.float32),
            pltpu.VMEM_SHARED((N, QD), jnp.float32),
            pltpu.VMEM_SHARED((AGG_ROWS, QD), jnp.float32),
            pltpu.SemaphoreType.DMA,
            pltpu.SemaphoreType.DMA,
            pltpu.SemaphoreType.DMA,
            pltpu.SemaphoreType.DMA,
        ],
    )



def _emb_body(h_ref, w_ref, b_ref, o0, o1, o2, o3):
    x = jnp.dot(h_ref[...], w_ref[...],
                preferred_element_type=jnp.float32) + b_ref[...]
    o0[...] = x[:, :QD]
    o1[...] = x[:, QD:2 * QD]
    o2[...] = x[:, 2 * QD:3 * QD]
    o3[...] = x[:, 3 * QD:]


def _mlp_body(z0, z1, z2, z3, w1, b1, w2, b2, o0, o1, o2, o3):
    z = jnp.concatenate([z0[...], z1[...], z2[...], z3[...]], axis=1)
    t = jnp.maximum(jnp.dot(z, w1[...],
                            preferred_element_type=jnp.float32) + b1[...], 0.0)
    t = jnp.maximum(jnp.dot(t, w2[...],
                            preferred_element_type=jnp.float32) + b2[...], 0.0)
    o0[...] = t[:, :QD]
    o1[...] = t[:, QD:2 * QD]
    o2[...] = t[:, 2 * QD:3 * QD]
    o3[...] = t[:, 3 * QD:]


def _mlp_read_body(z0, z1, z2, z3, w1, b1, w2, b2, wr, br, o):
    z = jnp.concatenate([z0[...], z1[...], z2[...], z3[...]], axis=1)
    t = jnp.maximum(jnp.dot(z, w1[...],
                            preferred_element_type=jnp.float32) + b1[...], 0.0)
    t = jnp.maximum(jnp.dot(t, w2[...],
                            preferred_element_type=jnp.float32) + b2[...], 0.0)
    o[...] = jnp.dot(t, wr[...],
                     preferred_element_type=jnp.float32) + br[...]


def _row_spec(w):
    return pl.BlockSpec((ROW_BLK, w), lambda i: (i, 0))


def _full_spec(r, c):
    return pl.BlockSpec((r, c), lambda i: (0, 0))


_QUAD_OUT = (jax.ShapeDtypeStruct((N, QD), jnp.float32),) * 4

_emb = pl.pallas_call(
    _emb_body,
    grid=(NUM_BLK,),
    in_specs=[_row_spec(D), _full_spec(D, D), _full_spec(1, D)],
    out_specs=(_row_spec(QD),) * 4,
    out_shape=_QUAD_OUT,
)

_mlp = pl.pallas_call(
    _mlp_body,
    grid=(NUM_BLK,),
    in_specs=[_row_spec(QD)] * 4 + [_full_spec(D, D), _full_spec(1, D),
                                    _full_spec(D, D), _full_spec(1, D)],
    out_specs=(_row_spec(QD),) * 4,
    out_shape=_QUAD_OUT,
)

_mlp_read = pl.pallas_call(
    _mlp_read_body,
    grid=(NUM_BLK,),
    in_specs=[_row_spec(QD)] * 4 + [_full_spec(D, D), _full_spec(1, D),
                                    _full_spec(D, D), _full_spec(1, D),
                                    _full_spec(D, D), _full_spec(1, D)],
    out_specs=_row_spec(D),
    out_shape=jax.ShapeDtypeStruct((N, D), jnp.float32),
)



def kernel(h, edge_index, W_emb, b_emb, W1, b1, W2, b2, W_read, b_read):
    E = edge_index.shape[1]
    per = 16 * NS * CHUNK
    e_pad = ((E + per - 1) // per) * per
    src = edge_index[0]
    dst = edge_index[1]
    srcp = jnp.concatenate(
        [src, jnp.zeros((e_pad - E,), jnp.int32)]).reshape(-1, CHUNK)
    dstp = jnp.concatenate(
        [dst, jnp.full((e_pad - E,), N, jnp.int32)]).reshape(-1, CHUNK)

    sc_agg = _make_sc_agg(e_pad // CHUNK)

    q = _emb(h, W_emb, b_emb.reshape(1, -1))
    L = W1.shape[0]
    for l in range(L):
        zq = sc_agg(*q, srcp, dstp)
        if l + 1 < L:
            q = _mlp(*zq, W1[l], b1[l].reshape(1, -1),
                     W2[l], b2[l].reshape(1, -1))
        else:
            out = _mlp_read(*zq, W1[l], b1[l].reshape(1, -1),
                            W2[l], b2[l].reshape(1, -1),
                            W_read, b_read.reshape(1, -1))
    return out

# --- scband reference (transcript-rebuilt; emitter-appended) ---
"""Pipeline reference for scband-gin-7069516169392 (READ-ONLY COPY).

The authoritative reference and input builder live on the scoring server;
editing this copy changes nothing except your own understanding.
"""

import jax, jax.numpy as jnp
import numpy as np

N = 10000
E = 160000
D = 256
H = 256
O = 256
L = 3

def setup_inputs(seed: int = 0) -> dict:
    key = jax.random.key(seed)
    ks = jax.random.split(key, 12)
    h = jax.random.normal(ks[0], (N, D), dtype=jnp.float32)
    edge_index = jax.random.randint(ks[1], (2, E), 0, N, dtype=jnp.int32)
    s = 0.05
    W_emb = jax.random.normal(ks[2], (D, H), dtype=jnp.float32) * s
    b_emb = jnp.zeros((H,), dtype=jnp.float32)
    W1 = jax.random.normal(ks[3], (L, H, H), dtype=jnp.float32) * s
    b1 = jnp.zeros((L, H), dtype=jnp.float32)
    W2 = jax.random.normal(ks[4], (L, H, H), dtype=jnp.float32) * s
    b2 = jnp.zeros((L, H), dtype=jnp.float32)
    W_read = jax.random.normal(ks[5], (H, O), dtype=jnp.float32) * s
    b_read = jnp.zeros((O,), dtype=jnp.float32)
    return {"h": h, "edge_index": edge_index, "W_emb": W_emb, "b_emb": b_emb,
            "W1": W1, "b1": b1, "W2": W2, "b2": b2,
            "W_read": W_read, "b_read": b_read}

def reference(h, edge_index, W_emb, b_emb, W1, b1, W2, b2, W_read, b_read):
    # GIN forward (eval mode, dropout=0.0, eps=0, sum aggregator)
    src = edge_index[0]
    dst = edge_index[1]
    x = h @ W_emb + b_emb
    for l in range(L):
        # GINConv: MLP((1+eps)*x + sum_{j in N(i)} x_j), eps=0
        msgs = x[src]                              # gather (SparseCore)
        agg = jax.ops.segment_sum(msgs, dst, num_segments=N)  # scatter-add
        z = x + agg
        z = jnp.maximum(z @ W1[l] + b1[l], 0.0) @ W2[l] + b2[l]
        x = jnp.maximum(z, 0.0)  # outer F.relu; dropout p=0 in eval -> identity
    out = x @ W_read + b_read
    return out

if __name__ == "__main__":
    import jax
    _d = setup_inputs()
    print(jax.jit(kernel)(*tuple(_d.values())))

</pallas_src>

<mosaic_0001>
#map = affine_map<(d0, d1) -> (0, 0)>
module attributes {stable_mosaic.version = 14 : i64} {
  func.func @_sc_agg_body(%arg0: i32, %arg1: i32, %arg2: memref<10000x64xf32, #tpu.memory_space<hbm>>, %arg3: memref<10000x64xf32, #tpu.memory_space<hbm>>, %arg4: memref<10000x64xf32, #tpu.memory_space<hbm>>, %arg5: memref<10000x64xf32, #tpu.memory_space<hbm>>, %arg6: memref<1280x128xi32, #tpu.memory_space<hbm>>, %arg7: memref<1280x128xi32, #tpu.memory_space<hbm>>, %arg8: memref<10000x64xf32, #tpu.memory_space<hbm>>, %arg9: memref<10000x64xf32, #tpu.memory_space<hbm>>, %arg10: memref<10000x64xf32, #tpu.memory_space<hbm>>, %arg11: memref<10000x64xf32, #tpu.memory_space<hbm>>, %arg12: memref<80x128xi32, #tpu.memory_space<vmem>>, %arg13: memref<80x128xi32, #tpu.memory_space<vmem>>, %arg14: memref<128x64xf32, #tpu.memory_space<vmem>>, %arg15: memref<128x64xf32, #tpu.memory_space<vmem>>, %arg16: memref<10000x64xf32, #tpu.memory_space<vmem_shared>>, %arg17: memref<10016x64xf32, #tpu.memory_space<vmem_shared>>, %arg18: memref<!tpu.dma_semaphore, #tpu.memory_space<semaphore_mem>>, %arg19: memref<!tpu.dma_semaphore, #tpu.memory_space<semaphore_mem>>, %arg20: memref<!tpu.dma_semaphore, #tpu.memory_space<semaphore_mem>>, %arg21: memref<!tpu.dma_semaphore, #tpu.memory_space<semaphore_mem>>) attributes {dimension_semantics = [#tpu.dimension_semantics<core_parallel>, #tpu.dimension_semantics<subcore_parallel>], iteration_bounds = array<i64: 2, 16>, scalar_prefetch = 0 : i64, scratch_operands = 10 : i64, tpu.core_type = #tpu.core_type<sc_vector_subcore>, window_params = [{transform_indices = #map}, {transform_indices = #map}, {transform_indices = #map}, {transform_indices = #map}, {transform_indices = #map}, {transform_indices = #map}, {transform_indices = #map}, {transform_indices = #map}, {transform_indices = #map}, {transform_indices = #map}]} {
    %eq3A = arith.constant 0 : i32
    %eq3A_0 = arith.cmpi eq, %arg0, %eq3A : i32
    %convert_element_type3A = arith.extui %eq3A_0 : i1 to i32
    %cond3A = arith.constant 0 : i32
    %cond3A_1 = arith.cmpi ne, %convert_element_type3A, %cond3A : i32
    scf.if %cond3A_1 {
      %mul3A = arith.constant 624 : i32
      %mul3A_7 = arith.muli %arg1, %mul3A : i32
      %mul3A_8 = arith.constant 624 : i32
      %mul3A_9 = arith.muli %arg1, %mul3A_8 : i32
      %dma_start3A = arith.constant 0 : i32
      %dma_start3A_10 = tpu.memref_slice %arg16[%mul3A_9, %dma_start3A] : memref<10000x64xf32, #tpu.memory_space<vmem_shared>> -> memref<624x64xf32, #tpu.memory_space<vmem_shared>>
      %dma_start3A_11 = arith.constant 0 : i32
      %dma_start3A_12 = tpu.memref_slice %arg2[%mul3A_7, %dma_start3A_11] : memref<10000x64xf32, #tpu.memory_space<hbm>> -> memref<624x64xf32, #tpu.memory_space<hbm>>
      tpu.enqueue_dma source(%dma_start3A_12 : memref<624x64xf32, #tpu.memory_space<hbm>>) target(%dma_start3A_10 : memref<624x64xf32, #tpu.memory_space<vmem_shared>>) target_semaphore(%arg18 : memref<!tpu.dma_semaphore, #tpu.memory_space<semaphore_mem>>)
      %mul3A_13 = arith.constant 624 : i32
      %mul3A_14 = arith.muli %arg1, %mul3A_13 : i32
      %mul3A_15 = arith.constant 624 : i32
      %mul3A_16 = arith.muli %arg1, %mul3A_15 : i32
      %dma_start3A_17 = arith.constant 0 : i32
      %dma_start3A_18 = tpu.memref_slice %arg17[%mul3A_16, %dma_start3A_17] : memref<10016x64xf32, #tpu.memory_space<vmem_shared>> -> memref<624x64xf32, #tpu.memory_space<vmem_shared>>
      %dma_start3A_19 = arith.constant 0 : i32
      %dma_start3A_20 = tpu.memref_slice %arg2[%mul3A_14, %dma_start3A_19] : memref<10000x64xf32, #tpu.memory_space<hbm>> -> memref<624x64xf32, #tpu.memory_space<hbm>>
      tpu.enqueue_dma source(%dma_start3A_20 : memref<624x64xf32, #tpu.memory_space<hbm>>) target(%dma_start3A_18 : memref<624x64xf32, #tpu.memory_space<vmem_shared>>) target_semaphore(%arg19 : memref<!tpu.dma_semaphore, #tpu.memory_space<semaphore_mem>>)
      %mul3A_21 = arith.constant 80 : i32
      %mul3A_22 = arith.muli %arg1, %mul3A_21 : i32
      %dma_start3A_23 = arith.constant 0 : i32
      %dma_start3A_24 = tpu.memref_slice %arg6[%mul3A_22, %dma_start3A_23] : memref<1280x128xi32, #tpu.memory_space<hbm>> -> memref<80x128xi32, #tpu.memory_space<hbm>>
      %dma_start3A_25 = arith.constant 0 : i32
      %dma_start3A_26 = tpu.memref_slice %arg6[%mul3A_22, %dma_start3A_25] : memref<1280x128xi32, #tpu.memory_space<hbm>> -> memref<80x128xi32, #tpu.memory_space<hbm>>
      tpu.enqueue_dma source(%dma_start3A_26 : memref<80x128xi32, #tpu.memory_space<hbm>>) target(%arg12 : memref<80x128xi32, #tpu.memory_space<vmem>>) target_semaphore(%arg20 : memref<!tpu.dma_semaphore, #tpu.memory_space<semaphore_mem>>)
      %mul3A_27 = arith.constant 80 : i32
      %mul3A_28 = arith.muli %arg1, %mul3A_27 : i32
      %dma_start3A_29 = arith.constant 0 : i32
      %dma_start3A_30 = tpu.memref_slice %arg7[%mul3A_28, %dma_start3A_29] : memref<1280x128xi32, #tpu.memory_space<hbm>> -> memref<80x128xi32, #tpu.memory_space<hbm>>
      %dma_start3A_31 = arith.constant 0 : i32
      %dma_start3A_32 = tpu.memref_slice %arg7[%mul3A_28, %dma_start3A_31] : memref<1280x128xi32, #tpu.memory_space<hbm>> -> memref<80x128xi32, #tpu.memory_space<hbm>>
      tpu.enqueue_dma source(%dma_start3A_32 : memref<80x128xi32, #tpu.memory_space<hbm>>) target(%arg13 : memref<80x128xi32, #tpu.memory_space<vmem>>) target_semaphore(%arg21 : memref<!tpu.dma_semaphore, #tpu.memory_space<semaphore_mem>>)
      %eq3A_33 = arith.constant 15 : i32
      %eq3A_34 = arith.cmpi eq, %arg1, %eq3A_33 : i32
      %convert_element_type3A_35 = arith.extui %eq3A_34 : i1 to i32
      %cond3A_36 = arith.constant 0 : i32
      %cond3A_37 = arith.cmpi ne, %convert_element_type3A_35, %cond3A_36 : i32
      scf.if %cond3A_37 {
        "tpu.region"() ({
          %run_scoped3A = tpu.sem_alloc : memref<!tpu.dma_semaphore, #tpu.memory_space<semaphore_mem>>
          %dma_start3A_166 = arith.constant 9984 : i32
          %dma_start3A_167 = arith.constant 0 : i32
          %dma_start3A_168 = tpu.memref_slice %arg16[%dma_start3A_166, %dma_start3A_167] : memref<10000x64xf32, #tpu.memory_space<vmem_shared>> -> memref<16x64xf32, #tpu.memory_space<vmem_shared>>
          %dma_start3A_169 = arith.constant 9984 : i32
          %dma_start3A_170 = arith.constant 0 : i32
          %dma_start3A_171 = tpu.memref_slice %arg2[%dma_start3A_169, %dma_start3A_170] : memref<10000x64xf32, #tpu.memory_space<hbm>> -> memref<16x64xf32, #tpu.memory_space<hbm>>
          tpu.enqueue_dma source(%dma_start3A_171 : memref<16x64xf32, #tpu.memory_space<hbm>>) target(%dma_start3A_168 : memref<16x64xf32, #tpu.memory_space<vmem_shared>>) target_semaphore(%run_scoped3A : memref<!tpu.dma_semaphore, #tpu.memory_space<semaphore_mem>>)
          %dma_wait3A_172 = arith.constant 9984 : i32
          %dma_wait3A_173 = arith.constant 0 : i32
          %dma_wait3A_174 = tpu.memref_slice %arg16[%dma_wait3A_172, %dma_wait3A_173] : memref<10000x64xf32, #tpu.memory_space<vmem_shared>> -> memref<16x64xf32, #tpu.memory_space<vmem_shared>>
          %dma_wait3A_175 = arith.constant 9984 : i32
          %dma_wait3A_176 = arith.constant 0 : i32
          %dma_wait3A_177 = tpu.memref_slice %arg2[%dma_wait3A_175, %dma_wait3A_176] : memref<10000x64xf32, #tpu.memory_space<hbm>> -> memref<16x64xf32, #tpu.memory_space<hbm>>
          tpu.wait_dma2 semaphore(%run_scoped3A : memref<!tpu.dma_semaphore, #tpu.memory_space<semaphore_mem>>) src(%dma_wait3A_177 : memref<16x64xf32, #tpu.memory_space<hbm>>) dst(%dma_wait3A_174 : memref<16x64xf32, #tpu.memory_space<vmem_shared>>)
          tpu.yield
        }) : () -> ()
        "tpu.region"() ({
          %run_scoped3A = tpu.sem_alloc : memref<!tpu.dma_semaphore, #tpu.memory_space<semaphore_mem>>
          %dma_start3A_166 = arith.constant 9984 : i32
          %dma_start3A_167 = arith.constant 0 : i32
          %dma_start3A_168 = tpu.memref_slice %arg17[%dma_start3A_166, %dma_start3A_167] : memref<10016x64xf32, #tpu.memory_space<vmem_shared>> -> memref<16x64xf32, #tpu.memory_space<vmem_shared>>
          %dma_start3A_169 = arith.constant 9984 : i32
          %dma_start3A_170 = arith.constant 0 : i32
          %dma_start3A_171 = tpu.memref_slice %arg2[%dma_start3A_169, %dma_start3A_170] : memref<10000x64xf32, #tpu.memory_space<hbm>> -> memref<16x64xf32, #tpu.memory_space<hbm>>
          tpu.enqueue_dma source(%dma_start3A_171 : memref<16x64xf32, #tpu.memory_space<hbm>>) target(%dma_start3A_168 : memref<16x64xf32, #tpu.memory_space<vmem_shared>>) target_semaphore(%run_scoped3A : memref<!tpu.dma_semaphore, #tpu.memory_space<semaphore_mem>>)
          %dma_wait3A_172 = arith.constant 9984 : i32
          %dma_wait3A_173 = arith.constant 0 : i32
          %dma_wait3A_174 = tpu.memref_slice %arg17[%dma_wait3A_172, %dma_wait3A_173] : memref<10016x64xf32, #tpu.memory_space<vmem_shared>> -> memref<16x64xf32, #tpu.memory_space<vmem_shared>>
          %dma_wait3A_175 = arith.constant 9984 : i32
          %dma_wait3A_176 = arith.constant 0 : i32
          %dma_wait3A_177 = tpu.memref_slice %arg2[%dma_wait3A_175, %dma_wait3A_176] : memref<10000x64xf32, #tpu.memory_space<hbm>> -> memref<16x64xf32, #tpu.memory_space<hbm>>
          tpu.wait_dma2 semaphore(%run_scoped3A : memref<!tpu.dma_semaphore, #tpu.memory_space<semaphore_mem>>) src(%dma_wait3A_177 : memref<16x64xf32, #tpu.memory_space<hbm>>) dst(%dma_wait3A_174 : memref<16x64xf32, #tpu.memory_space<vmem_shared>>)
          tpu.yield
        }) : () -> ()
        "tpu.region"() ({
          %run_scoped3A = tpu.sem_alloc : memref<!tpu.dma_semaphore, #tpu.memory_space<semaphore_mem>>
          %dma_start3A_166 = arith.constant 10000 : i32
          %dma_start3A_167 = arith.constant 0 : i32
          %dma_start3A_168 = tpu.memref_slice %arg17[%dma_start3A_166, %dma_start3A_167] : memref<10016x64xf32, #tpu.memory_space<vmem_shared>> -> memref<16x64xf32, #tpu.memory_space<vmem_shared>>
          %dma_start3A_169 = arith.constant 0 : i32
          %dma_start3A_170 = arith.constant 0 : i32
          %dma_start3A_171 = tpu.memref_slice %arg2[%dma_start3A_169, %dma_start3A_170] : memref<10000x64xf32, #tpu.memory_space<hbm>> -> memref<16x64xf32, #tpu.memory_space<hbm>>
          tpu.enqueue_dma source(%dma_start3A_171 : memref<16x64xf32, #tpu.memory_space<hbm>>) target(%dma_start3A_168 : memref<16x64xf32, #tpu.memory_space<vmem_shared>>) target_semaphore(%run_scoped3A : memref<!tpu.dma_semaphore, #tpu.memory_space<semaphore_mem>>)
          %dma_wait3A_172 = arith.constant 10000 : i32
          %dma_wait3A_173 = arith.constant 0 : i32
          %dma_wait3A_174 = tpu.memref_slice %arg17[%dma_wait3A_172, %dma_wait3A_173] : memref<10016x64xf32, #tpu.memory_space<vmem_shared>> -> memref<16x64xf32, #tpu.memory_space<vmem_shared>>
          %dma_wait3A_175 = arith.constant 0 : i32
          %dma_wait3A_176 = arith.constant 0 : i32
          %dma_wait3A_177 = tpu.memref_slice %arg2[%dma_wait3A_175, %dma_wait3A_176] : memref<10000x64xf32, #tpu.memory_space<hbm>> -> memref<16x64xf32, #tpu.memory_space<hbm>>
          tpu.wait_dma2 semaphore(%run_scoped3A : memref<!tpu.dma_semaphore, #tpu.memory_space<semaphore_mem>>) src(%dma_wait3A_177 : memref<16x64xf32, #tpu.memory_space<hbm>>) dst(%dma_wait3A_174 : memref<16x64xf32, #tpu.memory_space<vmem_shared>>)
          tpu.yield
        }) : () -> ()
      } else {
      }
      %dma_wait3A = arith.constant 0 : i32
      %dma_wait3A_38 = tpu.memref_slice %arg16[%mul3A_9, %dma_wait3A] : memref<10000x64xf32, #tpu.memory_space<vmem_shared>> -> memref<624x64xf32, #tpu.memory_space<vmem_shared>>
      %dma_wait3A_39 = arith.constant 0 : i32
      %dma_wait3A_40 = tpu.memref_slice %arg2[%mul3A_7, %dma_wait3A_39] : memref<10000x64xf32, #tpu.memory_space<hbm>> -> memref<624x64xf32, #tpu.memory_space<hbm>>
      tpu.wait_dma2 semaphore(%arg18 : memref<!tpu.dma_semaphore, #tpu.memory_space<semaphore_mem>>) src(%dma_wait3A_40 : memref<624x64xf32, #tpu.memory_space<hbm>>) dst(%dma_wait3A_38 : memref<624x64xf32, #tpu.memory_space<vmem_shared>>)
      %dma_wait3A_41 = arith.constant 0 : i32
      %dma_wait3A_42 = tpu.memref_slice %arg17[%mul3A_16, %dma_wait3A_41] : memref<10016x64xf32, #tpu.memory_space<vmem_shared>> -> memref<624x64xf32, #tpu.memory_space<vmem_shared>>
      %dma_wait3A_43 = arith.constant 0 : i32
      %dma_wait3A_44 = tpu.memref_slice %arg2[%mul3A_14, %dma_wait3A_43] : memref<10000x64xf32, #tpu.memory_space<hbm>> -> memref<624x64xf32, #tpu.memory_space<hbm>>
      tpu.wait_dma2 semaphore(%arg19 : memref<!tpu.dma_semaphore, #tpu.memory_space<semaphore_mem>>) src(%dma_wait3A_44 : memref<624x64xf32, #tpu.memory_space<hbm>>) dst(%dma_wait3A_42 : memref<624x64xf32, #tpu.memory_space<vmem_shared>>)
      %dma_wait3A_45 = arith.constant 0 : i32
      %dma_wait3A_46 = tpu.memref_slice %arg6[%mul3A_22, %dma_wait3A_45] : memref<1280x128xi32, #tpu.memory_space<hbm>> -> memref<80x128xi32, #tpu.memory_space<hbm>>
      %dma_wait3A_47 = arith.constant 0 : i32
      %dma_wait3A_48 = tpu.memref_slice %arg6[%mul3A_22, %dma_wait3A_47] : memref<1280x128xi32, #tpu.memory_space<hbm>> -> memref<80x128xi32, #tpu.memory_space<hbm>>
      tpu.wait_dma2 semaphore(%arg20 : memref<!tpu.dma_semaphore, #tpu.memory_space<semaphore_mem>>) src(%dma_wait3A_48 : memref<80x128xi32, #tpu.memory_space<hbm>>) dst(%arg12 : memref<80x128xi32, #tpu.memory_space<vmem>>)
      %dma_wait3A_49 = arith.constant 0 : i32
      %dma_wait3A_50 = tpu.memref_slice %arg7[%mul3A_28, %dma_wait3A_49] : memref<1280x128xi32, #tpu.memory_space<hbm>> -> memref<80x128xi32, #tpu.memory_space<hbm>>
      %dma_wait3A_51 = arith.constant 0 : i32
      %dma_wait3A_52 = tpu.memref_slice %arg7[%mul3A_28, %dma_wait3A_51] : memref<1280x128xi32, #tpu.memory_space<hbm>> -> memref<80x128xi32, #tpu.memory_space<hbm>>
      tpu.wait_dma2 semaphore(%arg21 : memref<!tpu.dma_semaphore, #tpu.memory_space<semaphore_mem>>) src(%dma_wait3A_52 : memref<80x128xi32, #tpu.memory_space<hbm>>) dst(%arg13 : memref<80x128xi32, #tpu.memory_space<vmem>>)
      %barrier3A = arith.constant 0 : index
      tpu.barrier barrier_id(%barrier3A)
      %dma_start3A_53 = arith.constant 0 : i32
      %dma_start3A_54 = arith.constant 0 : i32
      %dma_start3A_55 = tpu.memref_slice %arg12[%dma_start3A_53, %dma_start3A_54] : memref<80x128xi32, #tpu.memory_space<vmem>> -> memref<1x128xi32, #tpu.memory_space<vmem>>
      %dma_start3A_56 = tpu.memref_squeeze %dma_start3A_55 : memref<1x128xi32, #tpu.memory_space<vmem>> -> memref<128xi32, #tpu.memory_space<vmem>>
      %dma_start3A_57 = arith.constant 0 : i32
      %dma_start3A_58 = arith.constant 0 : i32
      %dma_start3A_59 = tpu.memref_slice %arg16[%dma_start3A_57, %dma_start3A_58] : memref<10000x64xf32, #tpu.memory_space<vmem_shared>> -> memref<10000x64xf32, #tpu.memory_space<vmem_shared>>
      tpu.enqueue_indirect_dma source(%dma_start3A_59 : memref<10000x64xf32, #tpu.memory_space<vmem_shared>>) target(%arg14 : memref<128x64xf32, #tpu.memory_space<vmem>>) offsets(%dma_start3A_56 : memref<128xi32, #tpu.memory_space<vmem>>) semaphore(%arg18 : memref<!tpu.dma_semaphore, #tpu.memory_space<semaphore_mem>>)
      %dma_start3A_60 = arith.constant 1 : i32
      %dma_start3A_61 = arith.constant 0 : i32
      %dma_start3A_62 = tpu.memref_slice %arg12[%dma_start3A_60, %dma_start3A_61] : memref<80x128xi32, #tpu.memory_space<vmem>> -> memref<1x128xi32, #tpu.memory_space<vmem>>
      %dma_start3A_63 = tpu.memref_squeeze %dma_start3A_62 : memref<1x128xi32, #tpu.memory_space<vmem>> -> memref<128xi32, #tpu.memory_space<vmem>>
      %dma_start3A_64 = arith.constant 0 : i32
      %dma_start3A_65 = arith.constant 0 : i32
      %dma_start3A_66 = tpu.memref_slice %arg16[%dma_start3A_64, %dma_start3A_65] : memref<10000x64xf32, #tpu.memory_space<vmem_shared>> -> memref<10000x64xf32, #tpu.memory_space<vmem_shared>>
      tpu.enqueue_indirect_dma source(%dma_start3A_66 : memref<10000x64xf32, #tpu.memory_space<vmem_shared>>) target(%arg15 : memref<128x64xf32, #tpu.memory_space<vmem>>) offsets(%dma_start3A_63 : memref<128xi32, #tpu.memory_space<vmem>>) semaphore(%arg19 : memref<!tpu.dma_semaphore, #tpu.memory_space<semaphore_mem>>)
      %scan3A = arith.constant 0 : i32
      %scan3A_67 = arith.constant 0 : i32
      %scan3A_68 = arith.constant 40 : i32
      %scan3A_69 = arith.addi %scan3A_67, %scan3A_68 : i32
      %scan3A_70 = arith.constant 1 : i32
      scf.for %scan3A_166 = %scan3A_67 to %scan3A_69 step %scan3A_70  : i32 {
        %mul3A_167 = arith.constant 2 : i32
        %mul3A_168 = arith.muli %mul3A_167, %scan3A_166 : i32
        %add3A = arith.constant 1 : i32
        %add3A_169 = arith.addi %mul3A_168, %add3A : i32
        %dma_wait3A_170 = arith.constant 0 : i32
        %dma_wait3A_171 = tpu.memref_slice %arg12[%mul3A_168, %dma_wait3A_170] : memref<80x128xi32, #tpu.memory_space<vmem>> -> memref<1x128xi32, #tpu.memory_space<vmem>>
        %dma_wait3A_172 = tpu.memref_squeeze %dma_wait3A_171 : memref<1x128xi32, #tpu.memory_space<vmem>> -> memref<128xi32, #tpu.memory_space<vmem>>
        %dma_wait3A_173 = arith.constant 0 : i32
        %dma_wait3A_174 = arith.constant 0 : i32
        %dma_wait3A_175 = tpu.memref_slice %arg16[%dma_wait3A_173, %dma_wait3A_174] : memref<10000x64xf32, #tpu.memory_space<vmem_shared>> -> memref<10000x64xf32, #tpu.memory_space<vmem_shared>>
        tpu.wait_indirect_dma semaphore(%arg18 : memref<!tpu.dma_semaphore, #tpu.memory_space<semaphore_mem>>) src(%dma_wait3A_175 : memref<10000x64xf32, #tpu.memory_space<vmem_shared>>) dst(%arg14 : memref<128x64xf32, #tpu.memory_space<vmem>>)
        %dma_start3A_176 = arith.constant 0 : i32
        %dma_start3A_177 = tpu.memref_slice %arg13[%mul3A_168, %dma_start3A_176] : memref<80x128xi32, #tpu.memory_space<vmem>> -> memref<1x128xi32, #tpu.memory_space<vmem>>
        %dma_start3A_178 = tpu.memref_squeeze %dma_start3A_177 : memref<1x128xi32, #tpu.memory_space<vmem>> -> memref<128xi32, #tpu.memory_space<vmem>>
        %dma_start3A_179 = arith.constant 0 : i32
        %dma_start3A_180 = arith.constant 0 : i32
        %dma_start3A_181 = tpu.memref_slice %arg17[%dma_start3A_179, %dma_start3A_180] : memref<10016x64xf32, #tpu.memory_space<vmem_shared>> -> memref<10016x64xf32, #tpu.memory_space<vmem_shared>>
        tpu.enqueue_indirect_dma source(%arg14 : memref<128x64xf32, #tpu.memory_space<vmem>>) target(%dma_start3A_181 : memref<10016x64xf32, #tpu.memory_space<vmem_shared>>) offsets(%dma_start3A_178 : memref<128xi32, #tpu.memory_space<vmem>>) semaphore(%arg20 : memref<!tpu.dma_semaphore, #tpu.memory_space<semaphore_mem>>) {add = true}
        %dma_wait3A_182 = arith.constant 0 : i32
        %dma_wait3A_183 = tpu.memref_slice %arg13[%mul3A_168, %dma_wait3A_182] : memref<80x128xi32, #tpu.memory_space<vmem>> -> memref<1x128xi32, #tpu.memory_space<vmem>>
        %dma_wait3A_184 = tpu.memref_squeeze %dma_wait3A_183 : memref<1x128xi32, #tpu.memory_space<vmem>> -> memref<128xi32, #tpu.memory_space<vmem>>
        %dma_wait3A_185 = arith.constant 0 : i32
        %dma_wait3A_186 = arith.constant 0 : i32
        %dma_wait3A_187 = tpu.memref_slice %arg17[%dma_wait3A_185, %dma_wait3A_186] : memref<10016x64xf32, #tpu.memory_space<vmem_shared>> -> memref<10016x64xf32, #tpu.memory_space<vmem_shared>>
        tpu.wait_indirect_dma semaphore(%arg20 : memref<!tpu.dma_semaphore, #tpu.memory_space<semaphore_mem>>) src(%arg14 : memref<128x64xf32, #tpu.memory_space<vmem>>) dst(%dma_wait3A_187 : memref<10016x64xf32, #tpu.memory_space<vmem_shared>>)
        %add3A_188 = arith.constant 2 : i32
        %add3A_189 = arith.addi %mul3A_168, %add3A_188 : i32
        %lt3A = arith.constant 80 : i32
        %lt3A_190 = arith.cmpi slt, %add3A_189, %lt3A : i32
        %convert_element_type3A_191 = arith.extui %lt3A_190 : i1 to i32
        %cond3A_192 = arith.constant 0 : i32
        %cond3A_193 = arith.cmpi ne, %convert_element_type3A_191, %cond3A_192 : i32
        scf.if %cond3A_193 {
          %add3A_219 = arith.constant 2 : i32
          %add3A_220 = arith.addi %mul3A_168, %add3A_219 : i32
          %dma_start3A_221 = arith.constant 0 : i32
          %dma_start3A_222 = tpu.memref_slice %arg12[%add3A_220, %dma_start3A_221] : memref<80x128xi32, #tpu.memory_space<vmem>> -> memref<1x128xi32, #tpu.memory_space<vmem>>
          %dma_start3A_223 = tpu.memref_squeeze %dma_start3A_222 : memref<1x128xi32, #tpu.memory_space<vmem>> -> memref<128xi32, #tpu.memory_space<vmem>>
          %dma_start3A_224 = arith.constant 0 : i32
          %dma_start3A_225 = arith.constant 0 : i32
          %dma_start3A_226 = tpu.memref_slice %arg16[%dma_start3A_224, %dma_start3A_225] : memref<10000x64xf32, #tpu.memory_space<vmem_shared>> -> memref<10000x64xf32, #tpu.memory_space<vmem_shared>>
          tpu.enqueue_indirect_dma source(%dma_start3A_226 : memref<10000x64xf32, #tpu.memory_space<vmem_shared>>) target(%arg14 : memref<128x64xf32, #tpu.memory_space<vmem>>) offsets(%dma_start3A_223 : memref<128xi32, #tpu.memory_space<vmem>>) semaphore(%arg18 : memref<!tpu.dma_semaphore, #tpu.memory_space<semaphore_mem>>)
        } else {
        }
        %dma_wait3A_194 = arith.constant 0 : i32
        %dma_wait3A_195 = tpu.memref_slice %arg12[%add3A_169, %dma_wait3A_194] : memref<80x128xi32, #tpu.memory_space<vmem>> -> memref<1x128xi32, #tpu.memory_space<vmem>>
        %dma_wait3A_196 = tpu.memref_squeeze %dma_wait3A_195 : memref<1x128xi32, #tpu.memory_space<vmem>> -> memref<128xi32, #tpu.memory_space<vmem>>
        %dma_wait3A_197 = arith.constant 0 : i32
        %dma_wait3A_198 = arith.constant 0 : i32
        %dma_wait3A_199 = tpu.memref_slice %arg16[%dma_wait3A_197, %dma_wait3A_198] : memref<10000x64xf32, #tpu.memory_space<vmem_shared>> -> memref<10000x64xf32, #tpu.memory_space<vmem_shared>>
        tpu.wait_indirect_dma semaphore(%arg19 : memref<!tpu.dma_semaphore, #tpu.memory_space<semaphore_mem>>) src(%dma_wait3A_199 : memref<10000x64xf32, #tpu.memory_space<vmem_shared>>) dst(%arg15 : memref<128x64xf32, #tpu.memory_space<vmem>>)
        %dma_start3A_200 = arith.constant 0 : i32
        %dma_start3A_201 = tpu.memref_slice %arg13[%add3A_169, %dma_start3A_200] : memref<80x128xi32, #tpu.memory_space<vmem>> -> memref<1x128xi32, #tpu.memory_space<vmem>>
        %dma_start3A_202 = tpu.memref_squeeze %dma_start3A_201 : memref<1x128xi32, #tpu.memory_space<vmem>> -> memref<128xi32, #tpu.memory_space<vmem>>
        %dma_start3A_203 = arith.constant 0 : i32
        %dma_start3A_204 = arith.constant 0 : i32
        %dma_start3A_205 = tpu.memref_slice %arg17[%dma_start3A_203, %dma_start3A_204] : memref<10016x64xf32, #tpu.memory_space<vmem_shared>> -> memref<10016x64xf32, #tpu.memory_space<vmem_shared>>
        tpu.enqueue_indirect_dma source(%arg15 : memref<128x64xf32, #tpu.memory_space<vmem>>) target(%dma_start3A_205 : memref<10016x64xf32, #tpu.memory_space<vmem_shared>>) offsets(%dma_start3A_202 : memref<128xi32, #tpu.memory_space<vmem>>) semaphore(%arg21 : memref<!tpu.dma_semaphore, #tpu.memory_space<semaphore_mem>>) {add = true}
        %dma_wait3A_206 = arith.constant 0 : i32
        %dma_wait3A_207 = tpu.memref_slice %arg13[%add3A_169, %dma_wait3A_206] : memref<80x128xi32, #tpu.memory_space<vmem>> -> memref<1x128xi32, #tpu.memory_space<vmem>>
        %dma_wait3A_208 = tpu.memref_squeeze %dma_wait3A_207 : memref<1x128xi32, #tpu.memory_space<vmem>> -> memref<128xi32, #tpu.memory_space<vmem>>
        %dma_wait3A_209 = arith.constant 0 : i32
        %dma_wait3A_210 = arith.constant 0 : i32
        %dma_wait3A_211 = tpu.memref_slice %arg17[%dma_wait3A_209, %dma_wait3A_210] : memref<10016x64xf32, #tpu.memory_space<vmem_shared>> -> memref<10016x64xf32, #tpu.memory_space<vmem_shared>>
        tpu.wait_indirect_dma semaphore(%arg21 : memref<!tpu.dma_semaphore, #tpu.memory_space<semaphore_mem>>) src(%arg15 : memref<128x64xf32, #tpu.memory_space<vmem>>) dst(%dma_wait3A_211 : memref<10016x64xf32, #tpu.memory_space<vmem_shared>>)
        %add3A_212 = arith.constant 2 : i32
        %add3A_213 = arith.addi %add3A_169, %add3A_212 : i32
        %lt3A_214 = arith.constant 80 : i32
        %lt3A_215 = arith.cmpi slt, %add3A_213, %lt3A_214 : i32
        %convert_element_type3A_216 = arith.extui %lt3A_215 : i1 to i32
        %cond3A_217 = arith.constant 0 : i32
        %cond3A_218 = arith.cmpi ne, %convert_element_type3A_216, %cond3A_217 : i32
        scf.if %cond3A_218 {
          %add3A_219 = arith.constant 2 : i32
          %add3A_220 = arith.addi %add3A_169, %add3A_219 : i32
          %dma_start3A_221 = arith.constant 0 : i32
          %dma_start3A_222 = tpu.memref_slice %arg12[%add3A_220, %dma_start3A_221] : memref<80x128xi32, #tpu.memory_space<vmem>> -> memref<1x128xi32, #tpu.memory_space<vmem>>
          %dma_start3A_223 = tpu.memref_squeeze %dma_start3A_222 : memref<1x128xi32, #tpu.memory_space<vmem>> -> memref<128xi32, #tpu.memory_space<vmem>>
          %dma_start3A_224 = arith.constant 0 : i32
          %dma_start3A_225 = arith.constant 0 : i32
          %dma_start3A_226 = tpu.memref_slice %arg16[%dma_start3A_224, %dma_start3A_225] : memref<10000x64xf32, #tpu.memory_space<vmem_shared>> -> memref<10000x64xf32, #tpu.memory_space<vmem_shared>>
          tpu.enqueue_indirect_dma source(%dma_start3A_226 : memref<10000x64xf32, #tpu.memory_space<vmem_shared>>) target(%arg15 : memref<128x64xf32, #tpu.memory_space<vmem>>) offsets(%dma_start3A_223 : memref<128xi32, #tpu.memory_space<vmem>>) semaphore(%arg19 : memref<!tpu.dma_semaphore, #tpu.memory_space<semaphore_mem>>)
        } else {
        }
      }
      %scan3A_71 = arith.constant 40 : i32
      %barrier3A_72 = arith.constant 0 : index
      tpu.barrier barrier_id(%barrier3A_72)
      %mul3A_73 = arith.constant 624 : i32
      %mul3A_74 = arith.muli %arg1, %mul3A_73 : i32
      %mul3A_75 = arith.constant 624 : i32
      %mul3A_76 = arith.muli %arg1, %mul3A_75 : i32
      %dma_start3A_77 = arith.constant 0 : i32
      %dma_start3A_78 = tpu.memref_slice %arg8[%mul3A_76, %dma_start3A_77] : memref<10000x64xf32, #tpu.memory_space<hbm>> -> memref<624x64xf32, #tpu.memory_space<hbm>>
      %dma_start3A_79 = arith.constant 0 : i32
      %dma_start3A_80 = tpu.memref_slice %arg17[%mul3A_74, %dma_start3A_79] : memref<10016x64xf32, #tpu.memory_space<vmem_shared>> -> memref<624x64xf32, #tpu.memory_space<vmem_shared>>
      tpu.enqueue_dma source(%dma_start3A_80 : memref<624x64xf32, #tpu.memory_space<vmem_shared>>) target(%dma_start3A_78 : memref<624x64xf32, #tpu.memory_space<hbm>>) target_semaphore(%arg21 : memref<!tpu.dma_semaphore, #tpu.memory_space<semaphore_mem>>)
      %eq3A_81 = arith.constant 15 : i32
      %eq3A_82 = arith.cmpi eq, %arg1, %eq3A_81 : i32
      %convert_element_type3A_83 = arith.extui %eq3A_82 : i1 to i32
      %cond3A_84 = arith.constant 0 : i32
      %cond3A_85 = arith.cmpi ne, %convert_element_type3A_83, %cond3A_84 : i32
      scf.if %cond3A_85 {
        "tpu.region"() ({
          %run_scoped3A = tpu.sem_alloc : memref<!tpu.dma_semaphore, #tpu.memory_space<semaphore_mem>>
          %dma_start3A_166 = arith.constant 9984 : i32
          %dma_start3A_167 = arith.constant 0 : i32
          %dma_start3A_168 = tpu.memref_slice %arg8[%dma_start3A_166, %dma_start3A_167] : memref<10000x64xf32, #tpu.memory_space<hbm>> -> memref<16x64xf32, #tpu.memory_space<hbm>>
          %dma_start3A_169 = arith.constant 9984 : i32
          %dma_start3A_170 = arith.constant 0 : i32
          %dma_start3A_171 = tpu.memref_slice %arg17[%dma_start3A_169, %dma_start3A_170] : memref<10016x64xf32, #tpu.memory_space<vmem_shared>> -> memref<16x64xf32, #tpu.memory_space<vmem_shared>>
          tpu.enqueue_dma source(%dma_start3A_171 : memref<16x64xf32, #tpu.memory_space<vmem_shared>>) target(%dma_start3A_168 : memref<16x64xf32, #tpu.memory_space<hbm>>) target_semaphore(%run_scoped3A : memref<!tpu.dma_semaphore, #tpu.memory_space<semaphore_mem>>)
          %dma_wait3A_172 = arith.constant 9984 : i32
          %dma_wait3A_173 = arith.constant 0 : i32
          %dma_wait3A_174 = tpu.memref_slice %arg8[%dma_wait3A_172, %dma_wait3A_173] : memref<10000x64xf32, #tpu.memory_space<hbm>> -> memref<16x64xf32, #tpu.memory_space<hbm>>
          %dma_wait3A_175 = arith.constant 9984 : i32
          %dma_wait3A_176 = arith.constant 0 : i32
          %dma_wait3A_177 = tpu.memref_slice %arg17[%dma_wait3A_175, %dma_wait3A_176] : memref<10016x64xf32, #tpu.memory_space<vmem_shared>> -> memref<16x64xf32, #tpu.memory_space<vmem_shared>>
          tpu.wait_dma2 semaphore(%run_scoped3A : memref<!tpu.dma_semaphore, #tpu.memory_space<semaphore_mem>>) src(%dma_wait3A_177 : memref<16x64xf32, #tpu.memory_space<vmem_shared>>) dst(%dma_wait3A_174 : memref<16x64xf32, #tpu.memory_space<hbm>>)
          tpu.yield
        }) : () -> ()
      } else {
      }
      %mul3A_86 = arith.constant 624 : i32
      %mul3A_87 = arith.muli %arg1, %mul3A_86 : i32
      %mul3A_88 = arith.constant 624 : i32
      %mul3A_89 = arith.muli %arg1, %mul3A_88 : i32
      %dma_start3A_90 = arith.constant 0 : i32
      %dma_start3A_91 = tpu.memref_slice %arg16[%mul3A_89, %dma_start3A_90] : memref<10000x64xf32, #tpu.memory_space<vmem_shared>> -> memref<624x64xf32, #tpu.memory_space<vmem_shared>>
      %dma_start3A_92 = arith.constant 0 : i32
      %dma_start3A_93 = tpu.memref_slice %arg3[%mul3A_87, %dma_start3A_92] : memref<10000x64xf32, #tpu.memory_space<hbm>> -> memref<624x64xf32, #tpu.memory_space<hbm>>
      tpu.enqueue_dma source(%dma_start3A_93 : memref<624x64xf32, #tpu.memory_space<hbm>>) target(%dma_start3A_91 : memref<624x64xf32, #tpu.memory_space<vmem_shared>>) target_semaphore(%arg18 : memref<!tpu.dma_semaphore, #tpu.memory_space<semaphore_mem>>)
      %mul3A_94 = arith.constant 624 : i32
      %mul3A_95 = arith.muli %arg1, %mul3A_94 : i32
      %mul3A_96 = arith.constant 624 : i32
      %mul3A_97 = arith.muli %arg1, %mul3A_96 : i32
      %dma_wait3A_98 = arith.constant 0 : i32
      %dma_wait3A_99 = tpu.memref_slice %arg8[%mul3A_97, %dma_wait3A_98] : memref<10000x64xf32, #tpu.memory_space<hbm>> -> memref<624x64xf32, #tpu.memory_space<hbm>>
      %dma_wait3A_100 = arith.constant 0 : i32
      %dma_wait3A_101 = tpu.memref_slice %arg17[%mul3A_95, %dma_wait3A_100] : memref<10016x64xf32, #tpu.memory_space<vmem_shared>> -> memref<624x64xf32, #tpu.memory_space<vmem_shared>>
      tpu.wait_dma2 semaphore(%arg21 : memref<!tpu.dma_semaphore, #tpu.memory_space<semaphore_mem>>) src(%dma_wait3A_101 : memref<624x64xf32, #tpu.memory_space<vmem_shared>>) dst(%dma_wait3A_99 : memref<624x64xf32, #tpu.memory_space<hbm>>)
      %mul3A_102 = arith.constant 624 : i32
      %mul3A_103 = arith.muli %arg1, %mul3A_102 : i32
      %mul3A_104 = arith.constant 624 : i32
      %mul3A_105 = arith.muli %arg1, %mul3A_104 : i32
      %dma_start3A_106 = arith.constant 0 : i32
      %dma_start3A_107 = tpu.memref_slice %arg17[%mul3A_105, %dma_start3A_106] : memref<10016x64xf32, #tpu.memory_space<vmem_shared>> -> memref<624x64xf32, #tpu.memory_space<vmem_shared>>
      %dma_start3A_108 = arith.constant 0 : i32
      %dma_start3A_109 = tpu.memref_slice %arg3[%mul3A_103, %dma_start3A_108] : memref<10000x64xf32, #tpu.memory_space<hbm>> -> memref<624x64xf32, #tpu.memory_space<hbm>>
      tpu.enqueue_dma source(%dma_start3A_109 : memref<624x64xf32, #tpu.memory_space<hbm>>) target(%dma_start3A_107 : memref<624x64xf32, #tpu.memory_space<vmem_shared>>) target_semaphore(%arg19 : memref<!tpu.dma_semaphore, #tpu.memory_space<semaphore_mem>>)
      %eq3A_110 = arith.constant 15 : i32
      %eq3A_111 = arith.cmpi eq, %arg1, %eq3A_110 : i32
      %convert_element_type3A_112 = arith.extui %eq3A_111 : i1 to i32
      %cond3A_113 = arith.constant 0 : i32
      %cond3A_114 = arith.cmpi ne, %convert_element_type3A_112, %cond3A_113 : i32
      scf.if %cond3A_114 {
        "tpu.region"() ({
          %run_scoped3A = tpu.sem_alloc : memref<!tpu.dma_semaphore, #tpu.memory_space<semaphore_mem>>
          %dma_start3A_166 = arith.constant 9984 : i32
          %dma_start3A_167 = arith.constant 0 : i32
          %dma_start3A_168 = tpu.memref_slice %arg16[%dma_start3A_166, %dma_start3A_167] : memref<10000x64xf32, #tpu.memory_space<vmem_shared>> -> memref<16x64xf32, #tpu.memory_space<vmem_shared>>
          %dma_start3A_169 = arith.constant 9984 : i32
          %dma_start3A_170 = arith.constant 0 : i32
          %dma_start3A_171 = tpu.memref_slice %arg3[%dma_start3A_169, %dma_start3A_170] : memref<10000x64xf32, #tpu.memory_space<hbm>> -> memref<16x64xf32, #tpu.memory_space<hbm>>
          tpu.enqueue_dma source(%dma_start3A_171 : memref<16x64xf32, #tpu.memory_space<hbm>>) target(%dma_start3A_168 : memref<16x64xf32, #tpu.memory_space<vmem_shared>>) target_semaphore(%run_scoped3A : memref<!tpu.dma_semaphore, #tpu.memory_space<semaphore_mem>>)
          %dma_wait3A_172 = arith.constant 9984 : i32
          %dma_wait3A_173 = arith.constant 0 : i32
          %dma_wait3A_174 = tpu.memref_slice %arg16[%dma_wait3A_172, %dma_wait3A_173] : memref<10000x64xf32, #tpu.memory_space<vmem_shared>> -> memref<16x64xf32, #tpu.memory_space<vmem_shared>>
          %dma_wait3A_175 = arith.constant 9984 : i32
          %dma_wait3A_176 = arith.constant 0 : i32
          %dma_wait3A_177 = tpu.memref_slice %arg3[%dma_wait3A_175, %dma_wait3A_176] : memref<10000x64xf32, #tpu.memory_space<hbm>> -> memref<16x64xf32, #tpu.memory_space<hbm>>
          tpu.wait_dma2 semaphore(%run_scoped3A : memref<!tpu.dma_semaphore, #tpu.memory_space<semaphore_mem>>) src(%dma_wait3A_177 : memref<16x64xf32, #tpu.memory_space<hbm>>) dst(%dma_wait3A_174 : memref<16x64xf32, #tpu.memory_space<vmem_shared>>)
          tpu.yield
        }) : () -> ()
        "tpu.region"() ({
          %run_scoped3A = tpu.sem_alloc : memref<!tpu.dma_semaphore, #tpu.memory_space<semaphore_mem>>
          %dma_start3A_166 = arith.constant 9984 : i32
          %dma_start3A_167 = arith.constant 0 : i32
          %dma_start3A_168 = tpu.memref_slice %arg17[%dma_start3A_166, %dma_start3A_167] : memref<10016x64xf32, #tpu.memory_space<vmem_shared>> -> memref<16x64xf32, #tpu.memory_space<vmem_shared>>
          %dma_start3A_169 = arith.constant 9984 : i32
          %dma_start3A_170 = arith.constant 0 : i32
          %dma_start3A_171 = tpu.memref_slice %arg3[%dma_start3A_169, %dma_start3A_170] : memref<10000x64xf32, #tpu.memory_space<hbm>> -> memref<16x64xf32, #tpu.memory_space<hbm>>
          tpu.enqueue_dma source(%dma_start3A_171 : memref<16x64xf32, #tpu.memory_space<hbm>>) target(%dma_start3A_168 : memref<16x64xf32, #tpu.memory_space<vmem_shared>>) target_semaphore(%run_scoped3A : memref<!tpu.dma_semaphore, #tpu.memory_space<semaphore_mem>>)
          %dma_wait3A_172 = arith.constant 9984 : i32
          %dma_wait3A_173 = arith.constant 0 : i32
          %dma_wait3A_174 = tpu.memref_slice %arg17[%dma_wait3A_172, %dma_wait3A_173] : memref<10016x64xf32, #tpu.memory_space<vmem_shared>> -> memref<16x64xf32, #tpu.memory_space<vmem_shared>>
          %dma_wait3A_175 = arith.constant 9984 : i32
          %dma_wait3A_176 = arith.constant 0 : i32
          %dma_wait3A_177 = tpu.memref_slice %arg3[%dma_wait3A_175, %dma_wait3A_176] : memref<10000x64xf32, #tpu.memory_space<hbm>> -> memref<16x64xf32, #tpu.memory_space<hbm>>
          tpu.wait_dma2 semaphore(%run_scoped3A : memref<!tpu.dma_semaphore, #tpu.memory_space<semaphore_mem>>) src(%dma_wait3A_177 : memref<16x64xf32, #tpu.memory_space<hbm>>) dst(%dma_wait3A_174 : memref<16x64xf32, #tpu.memory_space<vmem_shared>>)
          tpu.yield
        }) : () -> ()
        "tpu.region"() ({
          %run_scoped3A = tpu.sem_alloc : memref<!tpu.dma_semaphore, #tpu.memory_space<semaphore_mem>>
          %dma_start3A_166 = arith.constant 10000 : i32
          %dma_start3A_167 = arith.constant 0 : i32
          %dma_start3A_168 = tpu.memref_slice %arg17[%dma_start3A_166, %dma_start3A_167] : memref<10016x64xf32, #tpu.memory_space<vmem_shared>> -> memref<16x64xf32, #tpu.memory_space<vmem_shared>>
          %dma_start3A_169 = arith.constant 0 : i32
          %dma_start3A_170 = arith.constant 0 : i32
          %dma_start3A_171 = tpu.memref_slice %arg3[%dma_start3A_169, %dma_start3A_170] : memref<10000x64xf32, #tpu.memory_space<hbm>> -> memref<16x64xf32, #tpu.memory_space<hbm>>
          tpu.enqueue_dma source(%dma_start3A_171 : memref<16x64xf32, #tpu.memory_space<hbm>>) target(%dma_start3A_168 : memref<16x64xf32, #tpu.memory_space<vmem_shared>>) target_semaphore(%run_scoped3A : memref<!tpu.dma_semaphore, #tpu.memory_space<semaphore_mem>>)
          %dma_wait3A_172 = arith.constant 10000 : i32
          %dma_wait3A_173 = arith.constant 0 : i32
          %dma_wait3A_174 = tpu.memref_slice %arg17[%dma_wait3A_172, %dma_wait3A_173] : memref<10016x64xf32, #tpu.memory_space<vmem_shared>> -> memref<16x64xf32, #tpu.memory_space<vmem_shared>>
          %dma_wait3A_175 = arith.constant 0 : i32
          %dma_wait3A_176 = arith.constant 0 : i32
          %dma_wait3A_177 = tpu.memref_slice %arg3[%dma_wait3A_175, %dma_wait3A_176] : memref<10000x64xf32, #tpu.memory_space<hbm>> -> memref<16x64xf32, #tpu.memory_space<hbm>>
          tpu.wait_dma2 semaphore(%run_scoped3A : memref<!tpu.dma_semaphore, #tpu.memory_space<semaphore_mem>>) src(%dma_wait3A_177 : memref<16x64xf32, #tpu.memory_space<hbm>>) dst(%dma_wait3A_174 : memref<16x64xf32, #tpu.memory_space<vmem_shared>>)
          tpu.yield
        }) : () -> ()
      } else {
      }
      %dma_wait3A_115 = arith.constant 0 : i32
      %dma_wait3A_116 = tpu.memref_slice %arg16[%mul3A_89, %dma_wait3A_115] : memref<10000x64xf32, #tpu.memory_space<vmem_shared>> -> memref<624x64xf32, #tpu.memory_space<vmem_shared>>
      %dma_wait3A_117 = arith.constant 0 : i32
      %dma_wait3A_118 = tpu.memref_slice %arg3[%mul3A_87, %dma_wait3A_117] : memref<10000x64xf32, #tpu.memory_space<hbm>> -> memref<624x64xf32, #tpu.memory_space<hbm>>
      tpu.wait_dma2 semaphore(%arg18 : memref<!tpu.dma_semaphore, #tpu.memory_space<semaphore_mem>>) src(%dma_wait3A_118 : memref<624x64xf32, #tpu.memory_space<hbm>>) dst(%dma_wait3A_116 : memref<624x64xf32, #tpu.memory_space<vmem_shared>>)
      %dma_wait3A_119 = arith.constant 0 : i32
      %dma_wait3A_120 = tpu.memref_slice %arg17[%mul3A_105, %dma_wait3A_119] : memref<10016x64xf32, #tpu.memory_space<vmem_shared>> -> memref<624x64xf32, #tpu.memory_space<vmem_shared>>
      %dma_wait3A_121 = arith.constant 0 : i32
      %dma_wait3A_122 = tpu.memref_slice %arg3[%mul3A_103, %dma_wait3A_121] : memref<10000x64xf32, #tpu.memory_space<hbm>> -> memref<624x64xf32, #tpu.memory_space<hbm>>
      tpu.wait_dma2 semaphore(%arg19 : memref<!tpu.dma_semaphore, #tpu.memory_space<semaphore_mem>>) src(%dma_wait3A_122 : memref<624x64xf32, #tpu.memory_space<hbm>>) dst(%dma_wait3A_120 : memref<624x64xf32, #tpu.memory_space<vmem_shared>>)
      %barrier3A_123 = arith.constant 0 : index
      tpu.barrier barrier_id(%barrier3A_123)
      %dma_start3A_124 = arith.constant 0 : i32
      %dma_start3A_125 = arith.constant 0 : i32
      %dma_start3A_126 = tpu.memref_slice %arg12[%dma_start3A_124, %dma_start3A_125] : memref<80x128xi32, #tpu.memory_space<vmem>> -> memref<1x128xi32, #tpu.memory_space<vmem>>
      %dma_start3A_127 = tpu.memref_squeeze %dma_start3A_126 : memref<1x128xi32, #tpu.memory_space<vmem>> -> memref<128xi32, #tpu.memory_space<vmem>>
      %dma_start3A_128 = arith.constant 0 : i32
      %dma_start3A_129 = arith.constant 0 : i32
      %dma_start3A_130 = tpu.memref_slice %arg16[%dma_start3A_128, %dma_start3A_129] : memref<10000x64xf32, #tpu.memory_space<vmem_shared>> -> memref<10000x64xf32, #tpu.memory_space<vmem_shared>>
      tpu.enqueue_indirect_dma source(%dma_start3A_130 : memref<10000x64xf32, #tpu.memory_space<vmem_shared>>) target(%arg14 : memref<128x64xf32, #tpu.memory_space<vmem>>) offsets(%dma_start3A_127 : memref<128xi32, #tpu.memory_space<vmem>>) semaphore(%arg18 : memref<!tpu.dma_semaphore, #tpu.memory_space<semaphore_mem>>)
      %dma_start3A_131 = arith.constant 1 : i32
      %dma_start3A_132 = arith.constant 0 : i32
      %dma_start3A_133 = tpu.memref_slice %arg12[%dma_start3A_131, %dma_start3A_132] : memref<80x128xi32, #tpu.memory_space<vmem>> -> memref<1x128xi32, #tpu.memory_space<vmem>>
      %dma_start3A_134 = tpu.memref_squeeze %dma_start3A_133 : memref<1x128xi32, #tpu.memory_space<vmem>> -> memref<128xi32, #tpu.memory_space<vmem>>
      %dma_start3A_135 = arith.constant 0 : i32
      %dma_start3A_136 = arith.constant 0 : i32
      %dma_start3A_137 = tpu.memref_slice %arg16[%dma_start3A_135, %dma_start3A_136] : memref<10000x64xf32, #tpu.memory_space<vmem_shared>> -> memref<10000x64xf32, #tpu.memory_space<vmem_shared>>
      tpu.enqueue_indirect_dma source(%dma_start3A_137 : memref<10000x64xf32, #tpu.memory_space<vmem_shared>>) target(%arg15 : memref<128x64xf32, #tpu.memory_space<vmem>>) offsets(%dma_start3A_134 : memref<128xi32, #tpu.memory_space<vmem>>) semaphore(%arg19 : memref<!tpu.dma_semaphore, #tpu.memory_space<semaphore_mem>>)
      %scan3A_138 = arith.constant 0 : i32
      %scan3A_139 = arith.constant 0 : i32
      %scan3A_140 = arith.constant 40 : i32
      %scan3A_141 = arith.addi %scan3A_139, %scan3A_140 : i32
      %scan3A_142 = arith.constant 1 : i32
      scf.for %scan3A_166 = %scan3A_139 to %scan3A_141 step %scan3A_142  : i32 {
        %mul3A_167 = arith.constant 2 : i32
        %mul3A_168 = arith.muli %mul3A_167, %scan3A_166 : i32
        %add3A = arith.constant 1 : i32
        %add3A_169 = arith.addi %mul3A_168, %add3A : i32
        %dma_wait3A_170 = arith.constant 0 : i32
        %dma_wait3A_171 = tpu.memref_slice %arg12[%mul3A_168, %dma_wait3A_170] : memref<80x128xi32, #tpu.memory_space<vmem>> -> memref<1x128xi32, #tpu.memory_space<vmem>>
        %dma_wait3A_172 = tpu.memref_squeeze %dma_wait3A_171 : memref<1x128xi32, #tpu.memory_space<vmem>> -> memref<128xi32, #tpu.memory_space<vmem>>
        %dma_wait3A_173 = arith.constant 0 : i32
        %dma_wait3A_174 = arith.constant 0 : i32
        %dma_wait3A_175 = tpu.memref_slice %arg16[%dma_wait3A_173, %dma_wait3A_174] : memref<10000x64xf32, #tpu.memory_space<vmem_shared>> -> memref<10000x64xf32, #tpu.memory_space<vmem_shared>>
        tpu.wait_indirect_dma semaphore(%arg18 : memref<!tpu.dma_semaphore, #tpu.memory_space<semaphore_mem>>) src(%dma_wait3A_175 : memref<10000x64xf32, #tpu.memory_space<vmem_shared>>) dst(%arg14 : memref<128x64xf32, #tpu.memory_space<vmem>>)
        %dma_start3A_176 = arith.constant 0 : i32
        %dma_start3A_177 = tpu.memref_slice %arg13[%mul3A_168, %dma_start3A_176] : memref<80x128xi32, #tpu.memory_space<vmem>> -> memref<1x128xi32, #tpu.memory_space<vmem>>
        %dma_start3A_178 = tpu.memref_squeeze %dma_start3A_177 : memref<1x128xi32, #tpu.memory_space<vmem>> -> memref<128xi32, #tpu.memory_space<vmem>>
        %dma_start3A_179 = arith.constant 0 : i32
        %dma_start3A_180 = arith.constant 0 : i32
        %dma_start3A_181 = tpu.memref_slice %arg17[%dma_start3A_179, %dma_start3A_180] : memref<10016x64xf32, #tpu.memory_space<vmem_shared>> -> memref<10016x64xf32, #tpu.memory_space<vmem_shared>>
        tpu.enqueue_indirect_dma source(%arg14 : memref<128x64xf32, #tpu.memory_space<vmem>>) target(%dma_start3A_181 : memref<10016x64xf32, #tpu.memory_space<vmem_shared>>) offsets(%dma_start3A_178 : memref<128xi32, #tpu.memory_space<vmem>>) semaphore(%arg20 : memref<!tpu.dma_semaphore, #tpu.memory_space<semaphore_mem>>) {add = true}
        %dma_wait3A_182 = arith.constant 0 : i32
        %dma_wait3A_183 = tpu.memref_slice %arg13[%mul3A_168, %dma_wait3A_182] : memref<80x128xi32, #tpu.memory_space<vmem>> -> memref<1x128xi32, #tpu.memory_space<vmem>>
        %dma_wait3A_184 = tpu.memref_squeeze %dma_wait3A_183 : memref<1x128xi32, #tpu.memory_space<vmem>> -> memref<128xi32, #tpu.memory_space<vmem>>
        %dma_wait3A_185 = arith.constant 0 : i32
        %dma_wait3A_186 = arith.constant 0 : i32
        %dma_wait3A_187 = tpu.memref_slice %arg17[%dma_wait3A_185, %dma_wait3A_186] : memref<10016x64xf32, #tpu.memory_space<vmem_shared>> -> memref<10016x64xf32, #tpu.memory_space<vmem_shared>>
        tpu.wait_indirect_dma semaphore(%arg20 : memref<!tpu.dma_semaphore, #tpu.memory_space<semaphore_mem>>) src(%arg14 : memref<128x64xf32, #tpu.memory_space<vmem>>) dst(%dma_wait3A_187 : memref<10016x64xf32, #tpu.memory_space<vmem_shared>>)
        %add3A_188 = arith.constant 2 : i32
        %add3A_189 = arith.addi %mul3A_168, %add3A_188 : i32
        %lt3A = arith.constant 80 : i32
        %lt3A_190 = arith.cmpi slt, %add3A_189, %lt3A : i32
        %convert_element_type3A_191 = arith.extui %lt3A_190 : i1 to i32
        %cond3A_192 = arith.constant 0 : i32
        %cond3A_193 = arith.cmpi ne, %convert_element_type3A_191, %cond3A_192 : i32
        scf.if %cond3A_193 {
          %add3A_219 = arith.constant 2 : i32
          %add3A_220 = arith.addi %mul3A_168, %add3A_219 : i32
          %dma_start3A_221 = arith.constant 0 : i32
          %dma_start3A_222 = tpu.memref_slice %arg12[%add3A_220, %dma_start3A_221] : memref<80x128xi32, #tpu.memory_space<vmem>> -> memref<1x128xi32, #tpu.memory_space<vmem>>
          %dma_start3A_223 = tpu.memref_squeeze %dma_start3A_222 : memref<1x128xi32, #tpu.memory_space<vmem>> -> memref<128xi32, #tpu.memory_space<vmem>>
          %dma_start3A_224 = arith.constant 0 : i32
          %dma_start3A_225 = arith.constant 0 : i32
          %dma_start3A_226 = tpu.memref_slice %arg16[%dma_start3A_224, %dma_start3A_225] : memref<10000x64xf32, #tpu.memory_space<vmem_shared>> -> memref<10000x64xf32, #tpu.memory_space<vmem_shared>>
          tpu.enqueue_indirect_dma source(%dma_start3A_226 : memref<10000x64xf32, #tpu.memory_space<vmem_shared>>) target(%arg14 : memref<128x64xf32, #tpu.memory_space<vmem>>) offsets(%dma_start3A_223 : memref<128xi32, #tpu.memory_space<vmem>>) semaphore(%arg18 : memref<!tpu.dma_semaphore, #tpu.memory_space<semaphore_mem>>)
        } else {
        }
        %dma_wait3A_194 = arith.constant 0 : i32
        %dma_wait3A_195 = tpu.memref_slice %arg12[%add3A_169, %dma_wait3A_194] : memref<80x128xi32, #tpu.memory_space<vmem>> -> memref<1x128xi32, #tpu.memory_space<vmem>>
        %dma_wait3A_196 = tpu.memref_squeeze %dma_wait3A_195 : memref<1x128xi32, #tpu.memory_space<vmem>> -> memref<128xi32, #tpu.memory_space<vmem>>
        %dma_wait3A_197 = arith.constant 0 : i32
        %dma_wait3A_198 = arith.constant 0 : i32
        %dma_wait3A_199 = tpu.memref_slice %arg16[%dma_wait3A_197, %dma_wait3A_198] : memref<10000x64xf32, #tpu.memory_space<vmem_shared>> -> memref<10000x64xf32, #tpu.memory_space<vmem_shared>>
        tpu.wait_indirect_dma semaphore(%arg19 : memref<!tpu.dma_semaphore, #tpu.memory_space<semaphore_mem>>) src(%dma_wait3A_199 : memref<10000x64xf32, #tpu.memory_space<vmem_shared>>) dst(%arg15 : memref<128x64xf32, #tpu.memory_space<vmem>>)
        %dma_start3A_200 = arith.constant 0 : i32
        %dma_start3A_201 = tpu.memref_slice %arg13[%add3A_169, %dma_start3A_200] : memref<80x128xi32, #tpu.memory_space<vmem>> -> memref<1x128xi32, #tpu.memory_space<vmem>>
        %dma_start3A_202 = tpu.memref_squeeze %dma_start3A_201 : memref<1x128xi32, #tpu.memory_space<vmem>> -> memref<128xi32, #tpu.memory_space<vmem>>
        %dma_start3A_203 = arith.constant 0 : i32
        %dma_start3A_204 = arith.constant 0 : i32
        %dma_start3A_205 = tpu.memref_slice %arg17[%dma_start3A_203, %dma_start3A_204] : memref<10016x64xf32, #tpu.memory_space<vmem_shared>> -> memref<10016x64xf32, #tpu.memory_space<vmem_shared>>
        tpu.enqueue_indirect_dma source(%arg15 : memref<128x64xf32, #tpu.memory_space<vmem>>) target(%dma_start3A_205 : memref<10016x64xf32, #tpu.memory_space<vmem_shared>>) offsets(%dma_start3A_202 : memref<128xi32, #tpu.memory_space<vmem>>) semaphore(%arg21 : memref<!tpu.dma_semaphore, #tpu.memory_space<semaphore_mem>>) {add = true}
        %dma_wait3A_206 = arith.constant 0 : i32
        %dma_wait3A_207 = tpu.memref_slice %arg13[%add3A_169, %dma_wait3A_206] : memref<80x128xi32, #tpu.memory_space<vmem>> -> memref<1x128xi32, #tpu.memory_space<vmem>>
        %dma_wait3A_208 = tpu.memref_squeeze %dma_wait3A_207 : memref<1x128xi32, #tpu.memory_space<vmem>> -> memref<128xi32, #tpu.memory_space<vmem>>
        %dma_wait3A_209 = arith.constant 0 : i32
        %dma_wait3A_210 = arith.constant 0 : i32
        %dma_wait3A_211 = tpu.memref_slice %arg17[%dma_wait3A_209, %dma_wait3A_210] : memref<10016x64xf32, #tpu.memory_space<vmem_shared>> -> memref<10016x64xf32, #tpu.memory_space<vmem_shared>>
        tpu.wait_indirect_dma semaphore(%arg21 : memref<!tpu.dma_semaphore, #tpu.memory_space<semaphore_mem>>) src(%arg15 : memref<128x64xf32, #tpu.memory_space<vmem>>) dst(%dma_wait3A_211 : memref<10016x64xf32, #tpu.memory_space<vmem_shared>>)
        %add3A_212 = arith.constant 2 : i32
        %add3A_213 = arith.addi %add3A_169, %add3A_212 : i32
        %lt3A_214 = arith.constant 80 : i32
        %lt3A_215 = arith.cmpi slt, %add3A_213, %lt3A_214 : i32
        %convert_element_type3A_216 = arith.extui %lt3A_215 : i1 to i32
        %cond3A_217 = arith.constant 0 : i32
        %cond3A_218 = arith.cmpi ne, %convert_element_type3A_216, %cond3A_217 : i32
        scf.if %cond3A_218 {
          %add3A_219 = arith.constant 2 : i32
          %add3A_220 = arith.addi %add3A_169, %add3A_219 : i32
          %dma_start3A_221 = arith.constant 0 : i32
          %dma_start3A_222 = tpu.memref_slice %arg12[%add3A_220, %dma_start3A_221] : memref<80x128xi32, #tpu.memory_space<vmem>> -> memref<1x128xi32, #tpu.memory_space<vmem>>
          %dma_start3A_223 = tpu.memref_squeeze %dma_start3A_222 : memref<1x128xi32, #tpu.memory_space<vmem>> -> memref<128xi32, #tpu.memory_space<vmem>>
          %dma_start3A_224 = arith.constant 0 : i32
          %dma_start3A_225 = arith.constant 0 : i32
          %dma_start3A_226 = tpu.memref_slice %arg16[%dma_start3A_224, %dma_start3A_225] : memref<10000x64xf32, #tpu.memory_space<vmem_shared>> -> memref<10000x64xf32, #tpu.memory_space<vmem_shared>>
          tpu.enqueue_indirect_dma source(%dma_start3A_226 : memref<10000x64xf32, #tpu.memory_space<vmem_shared>>) target(%arg15 : memref<128x64xf32, #tpu.memory_space<vmem>>) offsets(%dma_start3A_223 : memref<128xi32, #tpu.memory_space<vmem>>) semaphore(%arg19 : memref<!tpu.dma_semaphore, #tpu.memory_space<semaphore_mem>>)
        } else {
        }
      }
      %scan3A_143 = arith.constant 40 : i32
      %barrier3A_144 = arith.constant 0 : index
      tpu.barrier barrier_id(%barrier3A_144)
      %mul3A_145 = arith.constant 624 : i32
      %mul3A_146 = arith.muli %arg1, %mul3A_145 : i32
      %mul3A_147 = arith.constant 624 : i32
      %mul3A_148 = arith.muli %arg1, %mul3A_147 : i32
      %dma_start3A_149 = arith.constant 0 : i32
      %dma_start3A_150 = tpu.memref_slice %arg9[%mul3A_148, %dma_start3A_149] : memref<10000x64xf32, #tpu.memory_space<hbm>> -> memref<624x64xf32, #tpu.memory_space<hbm>>
      %dma_start3A_151 = arith.constant 0 : i32
      %dma_start3A_152 = tpu.memref_slice %arg17[%mul3A_146, %dma_start3A_151] : memref<10016x64xf32, #tpu.memory_space<vmem_shared>> -> memref<624x64xf32, #tpu.memory_space<vmem_shared>>
      tpu.enqueue_dma source(%dma_start3A_152 : memref<624x64xf32, #tpu.memory_space<vmem_shared>>) target(%dma_start3A_150 : memref<624x64xf32, #tpu.memory_space<hbm>>) target_semaphore(%arg21 : memref<!tpu.dma_semaphore, #tpu.memory_space<semaphore_mem>>)
      %mul3A_153 = arith.constant 624 : i32
      %mul3A_154 = arith.muli %arg1, %mul3A_153 : i32
      %mul3A_155 = arith.constant 624 : i32
      %mul3A_156 = arith.muli %arg1, %mul3A_155 : i32
      %dma_wait3A_157 = arith.constant 0 : i32
      %dma_wait3A_158 = tpu.memref_slice %arg9[%mul3A_156, %dma_wait3A_157] : memref<10000x64xf32, #tpu.memory_space<hbm>> -> memref<624x64xf32, #tpu.memory_space<hbm>>
      %dma_wait3A_159 = arith.constant 0 : i32
      %dma_wait3A_160 = tpu.memref_slice %arg17[%mul3A_154, %dma_wait3A_159] : memref<10016x64xf32, #tpu.memory_space<vmem_shared>> -> memref<624x64xf32, #tpu.memory_space<vmem_shared>>
      tpu.wait_dma2 semaphore(%arg21 : memref<!tpu.dma_semaphore, #tpu.memory_space<semaphore_mem>>) src(%dma_wait3A_160 : memref<624x64xf32, #tpu.memory_space<vmem_shared>>) dst(%dma_wait3A_158 : memref<624x64xf32, #tpu.memory_space<hbm>>)
      %eq3A_161 = arith.constant 15 : i32
      %eq3A_162 = arith.cmpi eq, %arg1, %eq3A_161 : i32
      %convert_element_type3A_163 = arith.extui %eq3A_162 : i1 to i32
      %cond3A_164 = arith.constant 0 : i32
      %cond3A_165 = arith.cmpi ne, %convert_element_type3A_163, %cond3A_164 : i32
      scf.if %cond3A_165 {
        "tpu.region"() ({
          %run_scoped3A = tpu.sem_alloc : memref<!tpu.dma_semaphore, #tpu.memory_space<semaphore_mem>>
          %dma_start3A_166 = arith.constant 9984 : i32
          %dma_start3A_167 = arith.constant 0 : i32
          %dma_start3A_168 = tpu.memref_slice %arg9[%dma_start3A_166, %dma_start3A_167] : memref<10000x64xf32, #tpu.memory_space<hbm>> -> memref<16x64xf32, #tpu.memory_space<hbm>>
          %dma_start3A_169 = arith.constant 9984 : i32
          %dma_start3A_170 = arith.constant 0 : i32
          %dma_start3A_171 = tpu.memref_slice %arg17[%dma_start3A_169, %dma_start3A_170] : memref<10016x64xf32, #tpu.memory_space<vmem_shared>> -> memref<16x64xf32, #tpu.memory_space<vmem_shared>>
          tpu.enqueue_dma source(%dma_start3A_171 : memref<16x64xf32, #tpu.memory_space<vmem_shared>>) target(%dma_start3A_168 : memref<16x64xf32, #tpu.memory_space<hbm>>) target_semaphore(%run_scoped3A : memref<!tpu.dma_semaphore, #tpu.memory_space<semaphore_mem>>)
          %dma_wait3A_172 = arith.constant 9984 : i32
          %dma_wait3A_173 = arith.constant 0 : i32
          %dma_wait3A_174 = tpu.memref_slice %arg9[%dma_wait3A_172, %dma_wait3A_173] : memref<10000x64xf32, #tpu.memory_space<hbm>> -> memref<16x64xf32, #tpu.memory_space<hbm>>
          %dma_wait3A_175 = arith.constant 9984 : i32
          %dma_wait3A_176 = arith.constant 0 : i32
          %dma_wait3A_177 = tpu.memref_slice %arg17[%dma_wait3A_175, %dma_wait3A_176] : memref<10016x64xf32, #tpu.memory_space<vmem_shared>> -> memref<16x64xf32, #tpu.memory_space<vmem_shared>>
          tpu.wait_dma2 semaphore(%run_scoped3A : memref<!tpu.dma_semaphore, #tpu.memory_space<semaphore_mem>>) src(%dma_wait3A_177 : memref<16x64xf32, #tpu.memory_space<vmem_shared>>) dst(%dma_wait3A_174 : memref<16x64xf32, #tpu.memory_space<hbm>>)
          tpu.yield
        }) : () -> ()
      } else {
      }
    } else {
    }
    %eq3A_2 = arith.constant 1 : i32
    %eq3A_3 = arith.cmpi eq, %arg0, %eq3A_2 : i32
    %convert_element_type3A_4 = arith.extui %eq3A_3 : i1 to i32
    %cond3A_5 = arith.constant 0 : i32
    %cond3A_6 = arith.cmpi ne, %convert_element_type3A_4, %cond3A_5 : i32
    scf.if %cond3A_6 {
      %mul3A = arith.constant 624 : i32
      %mul3A_7 = arith.muli %arg1, %mul3A : i32
      %mul3A_8 = arith.constant 624 : i32
      %mul3A_9 = arith.muli %arg1, %mul3A_8 : i32
      %dma_start3A = arith.constant 0 : i32
      %dma_start3A_10 = tpu.memref_slice %arg16[%mul3A_9, %dma_start3A] : memref<10000x64xf32, #tpu.memory_space<vmem_shared>> -> memref<624x64xf32, #tpu.memory_space<vmem_shared>>
      %dma_start3A_11 = arith.constant 0 : i32
      %dma_start3A_12 = tpu.memref_slice %arg4[%mul3A_7, %dma_start3A_11] : memref<10000x64xf32, #tpu.memory_space<hbm>> -> memref<624x64xf32, #tpu.memory_space<hbm>>
      tpu.enqueue_dma source(%dma_start3A_12 : memref<624x64xf32, #tpu.memory_space<hbm>>) target(%dma_start3A_10 : memref<624x64xf32, #tpu.memory_space<vmem_shared>>) target_semaphore(%arg18 : memref<!tpu.dma_semaphore, #tpu.memory_space<semaphore_mem>>)
      %mul3A_13 = arith.constant 624 : i32
      %mul3A_14 = arith.muli %arg1, %mul3A_13 : i32
      %mul3A_15 = arith.constant 624 : i32
      %mul3A_16 = arith.muli %arg1, %mul3A_15 : i32
      %dma_start3A_17 = arith.constant 0 : i32
      %dma_start3A_18 = tpu.memref_slice %arg17[%mul3A_16, %dma_start3A_17] : memref<10016x64xf32, #tpu.memory_space<vmem_shared>> -> memref<624x64xf32, #tpu.memory_space<vmem_shared>>
      %dma_start3A_19 = arith.constant 0 : i32
      %dma_start3A_20 = tpu.memref_slice %arg4[%mul3A_14, %dma_start3A_19] : memref<10000x64xf32, #tpu.memory_space<hbm>> -> memref<624x64xf32, #tpu.memory_space<hbm>>
      tpu.enqueue_dma source(%dma_start3A_20 : memref<624x64xf32, #tpu.memory_space<hbm>>) target(%dma_start3A_18 : memref<624x64xf32, #tpu.memory_space<vmem_shared>>) target_semaphore(%arg19 : memref<!tpu.dma_semaphore, #tpu.memory_space<semaphore_mem>>)
      %mul3A_21 = arith.constant 80 : i32
      %mul3A_22 = arith.muli %arg1, %mul3A_21 : i32
      %dma_start3A_23 = arith.constant 0 : i32
      %dma_start3A_24 = tpu.memref_slice %arg6[%mul3A_22, %dma_start3A_23] : memref<1280x128xi32, #tpu.memory_space<hbm>> -> memref<80x128xi32, #tpu.memory_space<hbm>>
      %dma_start3A_25 = arith.constant 0 : i32
      %dma_start3A_26 = tpu.memref_slice %arg6[%mul3A_22, %dma_start3A_25] : memref<1280x128xi32, #tpu.memory_space<hbm>> -> memref<80x128xi32, #tpu.memory_space<hbm>>
      tpu.enqueue_dma source(%dma_start3A_26 : memref<80x128xi32, #tpu.memory_space<hbm>>) target(%arg12 : memref<80x128xi32, #tpu.memory_space<vmem>>) target_semaphore(%arg20 : memref<!tpu.dma_semaphore, #tpu.memory_space<semaphore_mem>>)
      %mul3A_27 = arith.constant 80 : i32
      %mul3A_28 = arith.muli %arg1, %mul3A_27 : i32
      %dma_start3A_29 = arith.constant 0 : i32
      %dma_start3A_30 = tpu.memref_slice %arg7[%mul3A_28, %dma_start3A_29] : memref<1280x128xi32, #tpu.memory_space<hbm>> -> memref<80x128xi32, #tpu.memory_space<hbm>>
      %dma_start3A_31 = arith.constant 0 : i32
      %dma_start3A_32 = tpu.memref_slice %arg7[%mul3A_28, %dma_start3A_31] : memref<1280x128xi32, #tpu.memory_space<hbm>> -> memref<80x128xi32, #tpu.memory_space<hbm>>
      tpu.enqueue_dma source(%dma_start3A_32 : memref<80x128xi32, #tpu.memory_space<hbm>>) target(%arg13 : memref<80x128xi32, #tpu.memory_space<vmem>>) target_semaphore(%arg21 : memref<!tpu.dma_semaphore, #tpu.memory_space<semaphore_mem>>)
      %eq3A_33 = arith.constant 15 : i32
      %eq3A_34 = arith.cmpi eq, %arg1, %eq3A_33 : i32
      %convert_element_type3A_35 = arith.extui %eq3A_34 : i1 to i32
      %cond3A_36 = arith.constant 0 : i32
      %cond3A_37 = arith.cmpi ne, %convert_element_type3A_35, %cond3A_36 : i32
      scf.if %cond3A_37 {
        "tpu.region"() ({
          %run_scoped3A = tpu.sem_alloc : memref<!tpu.dma_semaphore, #tpu.memory_space<semaphore_mem>>
          %dma_start3A_166 = arith.constant 9984 : i32
          %dma_start3A_167 = arith.constant 0 : i32
          %dma_start3A_168 = tpu.memref_slice %arg16[%dma_start3A_166, %dma_start3A_167] : memref<10000x64xf32, #tpu.memory_space<vmem_shared>> -> memref<16x64xf32, #tpu.memory_space<vmem_shared>>
          %dma_start3A_169 = arith.constant 9984 : i32
          %dma_start3A_170 = arith.constant 0 : i32
          %dma_start3A_171 = tpu.memref_slice %arg4[%dma_start3A_169, %dma_start3A_170] : memref<10000x64xf32, #tpu.memory_space<hbm>> -> memref<16x64xf32, #tpu.memory_space<hbm>>
          tpu.enqueue_dma source(%dma_start3A_171 : memref<16x64xf32, #tpu.memory_space<hbm>>) target(%dma_start3A_168 : memref<16x64xf32, #tpu.memory_space<vmem_shared>>) target_semaphore(%run_scoped3A : memref<!tpu.dma_semaphore, #tpu.memory_space<semaphore_mem>>)
          %dma_wait3A_172 = arith.constant 9984 : i32
          %dma_wait3A_173 = arith.constant 0 : i32
          %dma_wait3A_174 = tpu.memref_slice %arg16[%dma_wait3A_172, %dma_wait3A_173] : memref<10000x64xf32, #tpu.memory_space<vmem_shared>> -> memref<16x64xf32, #tpu.memory_space<vmem_shared>>
          %dma_wait3A_175 = arith.constant 9984 : i32
          %dma_wait3A_176 = arith.constant 0 : i32
          %dma_wait3A_177 = tpu.memref_slice %arg4[%dma_wait3A_175, %dma_wait3A_176] : memref<10000x64xf32, #tpu.memory_space<hbm>> -> memref<16x64xf32, #tpu.memory_space<hbm>>
          tpu.wait_dma2 semaphore(%run_scoped3A : memref<!tpu.dma_semaphore, #tpu.memory_space<semaphore_mem>>) src(%dma_wait3A_177 : memref<16x64xf32, #tpu.memory_space<hbm>>) dst(%dma_wait3A_174 : memref<16x64xf32, #tpu.memory_space<vmem_shared>>)
          tpu.yield
        }) : () -> ()
        "tpu.region"() ({
          %run_scoped3A = tpu.sem_alloc : memref<!tpu.dma_semaphore, #tpu.memory_space<semaphore_mem>>
          %dma_start3A_166 = arith.constant 9984 : i32
          %dma_start3A_167 = arith.constant 0 : i32
          %dma_start3A_168 = tpu.memref_slice %arg17[%dma_start3A_166, %dma_start3A_167] : memref<10016x64xf32, #tpu.memory_space<vmem_shared>> -> memref<16x64xf32, #tpu.memory_space<vmem_shared>>
          %dma_start3A_169 = arith.constant 9984 : i32
          %dma_start3A_170 = arith.constant 0 : i32
          %dma_start3A_171 = tpu.memref_slice %arg4[%dma_start3A_169, %dma_start3A_170] : memref<10000x64xf32, #tpu.memory_space<hbm>> -> memref<16x64xf32, #tpu.memory_space<hbm>>
          tpu.enqueue_dma source(%dma_start3A_171 : memref<16x64xf32, #tpu.memory_space<hbm>>) target(%dma_start3A_168 : memref<16x64xf32, #tpu.memory_space<vmem_shared>>) target_semaphore(%run_scoped3A : memref<!tpu.dma_semaphore, #tpu.memory_space<semaphore_mem>>)
          %dma_wait3A_172 = arith.constant 9984 : i32
          %dma_wait3A_173 = arith.constant 0 : i32
          %dma_wait3A_174 = tpu.memref_slice %arg17[%dma_wait3A_172, %dma_wait3A_173] : memref<10016x64xf32, #tpu.memory_space<vmem_shared>> -> memref<16x64xf32, #tpu.memory_space<vmem_shared>>
          %dma_wait3A_175 = arith.constant 9984 : i32
          %dma_wait3A_176 = arith.constant 0 : i32
          %dma_wait3A_177 = tpu.memref_slice %arg4[%dma_wait3A_175, %dma_wait3A_176] : memref<10000x64xf32, #tpu.memory_space<hbm>> -> memref<16x64xf32, #tpu.memory_space<hbm>>
          tpu.wait_dma2 semaphore(%run_scoped3A : memref<!tpu.dma_semaphore, #tpu.memory_space<semaphore_mem>>) src(%dma_wait3A_177 : memref<16x64xf32, #tpu.memory_space<hbm>>) dst(%dma_wait3A_174 : memref<16x64xf32, #tpu.memory_space<vmem_shared>>)
          tpu.yield
        }) : () -> ()
        "tpu.region"() ({
          %run_scoped3A = tpu.sem_alloc : memref<!tpu.dma_semaphore, #tpu.memory_space<semaphore_mem>>
          %dma_start3A_166 = arith.constant 10000 : i32
          %dma_start3A_167 = arith.constant 0 : i32
          %dma_start3A_168 = tpu.memref_slice %arg17[%dma_start3A_166, %dma_start3A_167] : memref<10016x64xf32, #tpu.memory_space<vmem_shared>> -> memref<16x64xf32, #tpu.memory_space<vmem_shared>>
          %dma_start3A_169 = arith.constant 0 : i32
          %dma_start3A_170 = arith.constant 0 : i32
          %dma_start3A_171 = tpu.memref_slice %arg4[%dma_start3A_169, %dma_start3A_170] : memref<10000x64xf32, #tpu.memory_space<hbm>> -> memref<16x64xf32, #tpu.memory_space<hbm>>
          tpu.enqueue_dma source(%dma_start3A_171 : memref<16x64xf32, #tpu.memory_space<hbm>>) target(%dma_start3A_168 : memref<16x64xf32, #tpu.memory_space<vmem_shared>>) target_semaphore(%run_scoped3A : memref<!tpu.dma_semaphore, #tpu.memory_space<semaphore_mem>>)
          %dma_wait3A_172 = arith.constant 10000 : i32
          %dma_wait3A_173 = arith.constant 0 : i32
          %dma_wait3A_174 = tpu.memref_slice %arg17[%dma_wait3A_172, %dma_wait3A_173] : memref<10016x64xf32, #tpu.memory_space<vmem_shared>> -> memref<16x64xf32, #tpu.memory_space<vmem_shared>>
          %dma_wait3A_175 = arith.constant 0 : i32
          %dma_wait3A_176 = arith.constant 0 : i32
          %dma_wait3A_177 = tpu.memref_slice %arg4[%dma_wait3A_175, %dma_wait3A_176] : memref<10000x64xf32, #tpu.memory_space<hbm>> -> memref<16x64xf32, #tpu.memory_space<hbm>>
          tpu.wait_dma2 semaphore(%run_scoped3A : memref<!tpu.dma_semaphore, #tpu.memory_space<semaphore_mem>>) src(%dma_wait3A_177 : memref<16x64xf32, #tpu.memory_space<hbm>>) dst(%dma_wait3A_174 : memref<16x64xf32, #tpu.memory_space<vmem_shared>>)
          tpu.yield
        }) : () -> ()
      } else {
      }
      %dma_wait3A = arith.constant 0 : i32
      %dma_wait3A_38 = tpu.memref_slice %arg16[%mul3A_9, %dma_wait3A] : memref<10000x64xf32, #tpu.memory_space<vmem_shared>> -> memref<624x64xf32, #tpu.memory_space<vmem_shared>>
      %dma_wait3A_39 = arith.constant 0 : i32
      %dma_wait3A_40 = tpu.memref_slice %arg4[%mul3A_7, %dma_wait3A_39] : memref<10000x64xf32, #tpu.memory_space<hbm>> -> memref<624x64xf32, #tpu.memory_space<hbm>>
      tpu.wait_dma2 semaphore(%arg18 : memref<!tpu.dma_semaphore, #tpu.memory_space<semaphore_mem>>) src(%dma_wait3A_40 : memref<624x64xf32, #tpu.memory_space<hbm>>) dst(%dma_wait3A_38 : memref<624x64xf32, #tpu.memory_space<vmem_shared>>)
      %dma_wait3A_41 = arith.constant 0 : i32
      %dma_wait3A_42 = tpu.memref_slice %arg17[%mul3A_16, %dma_wait3A_41] : memref<10016x64xf32, #tpu.memory_space<vmem_shared>> -> memref<624x64xf32, #tpu.memory_space<vmem_shared>>
      %dma_wait3A_43 = arith.constant 0 : i32
      %dma_wait3A_44 = tpu.memref_slice %arg4[%mul3A_14, %dma_wait3A_43] : memref<10000x64xf32, #tpu.memory_space<hbm>> -> memref<624x64xf32, #tpu.memory_space<hbm>>
      tpu.wait_dma2 semaphore(%arg19 : memref<!tpu.dma_semaphore, #tpu.memory_space<semaphore_mem>>) src(%dma_wait3A_44 : memref<624x64xf32, #tpu.memory_space<hbm>>) dst(%dma_wait3A_42 : memref<624x64xf32, #tpu.memory_space<vmem_shared>>)
      %dma_wait3A_45 = arith.constant 0 : i32
      %dma_wait3A_46 = tpu.memref_slice %arg6[%mul3A_22, %dma_wait3A_45] : memref<1280x128xi32, #tpu.memory_space<hbm>> -> memref<80x128xi32, #tpu.memory_space<hbm>>
      %dma_wait3A_47 = arith.constant 0 : i32
      %dma_wait3A_48 = tpu.memref_slice %arg6[%mul3A_22, %dma_wait3A_47] : memref<1280x128xi32, #tpu.memory_space<hbm>> -> memref<80x128xi32, #tpu.memory_space<hbm>>
      tpu.wait_dma2 semaphore(%arg20 : memref<!tpu.dma_semaphore, #tpu.memory_space<semaphore_mem>>) src(%dma_wait3A_48 : memref<80x128xi32, #tpu.memory_space<hbm>>) dst(%arg12 : memref<80x128xi32, #tpu.memory_space<vmem>>)
      %dma_wait3A_49 = arith.constant 0 : i32
      %dma_wait3A_50 = tpu.memref_slice %arg7[%mul3A_28, %dma_wait3A_49] : memref<1280x128xi32, #tpu.memory_space<hbm>> -> memref<80x128xi32, #tpu.memory_space<hbm>>
      %dma_wait3A_51 = arith.constant 0 : i32
      %dma_wait3A_52 = tpu.memref_slice %arg7[%mul3A_28, %dma_wait3A_51] : memref<1280x128xi32, #tpu.memory_space<hbm>> -> memref<80x128xi32, #tpu.memory_space<hbm>>
      tpu.wait_dma2 semaphore(%arg21 : memref<!tpu.dma_semaphore, #tpu.memory_space<semaphore_mem>>) src(%dma_wait3A_52 : memref<80x128xi32, #tpu.memory_space<hbm>>) dst(%arg13 : memref<80x128xi32, #tpu.memory_space<vmem>>)
      %barrier3A = arith.constant 0 : index
      tpu.barrier barrier_id(%barrier3A)
      %dma_start3A_53 = arith.constant 0 : i32
      %dma_start3A_54 = arith.constant 0 : i32
      %dma_start3A_55 = tpu.memref_slice %arg12[%dma_start3A_53, %dma_start3A_54] : memref<80x128xi32, #tpu.memory_space<vmem>> -> memref<1x128xi32, #tpu.memory_space<vmem>>
      %dma_start3A_56 = tpu.memref_squeeze %dma_start3A_55 : memref<1x128xi32, #tpu.memory_space<vmem>> -> memref<128xi32, #tpu.memory_space<vmem>>
      %dma_start3A_57 = arith.constant 0 : i32
      %dma_start3A_58 = arith.constant 0 : i32
      %dma_start3A_59 = tpu.memref_slice %arg16[%dma_start3A_57, %dma_start3A_58] : memref<10000x64xf32, #tpu.memory_space<vmem_shared>> -> memref<10000x64xf32, #tpu.memory_space<vmem_shared>>
      tpu.enqueue_indirect_dma source(%dma_start3A_59 : memref<10000x64xf32, #tpu.memory_space<vmem_shared>>) target(%arg14 : memref<128x64xf32, #tpu.memory_space<vmem>>) offsets(%dma_start3A_56 : memref<128xi32, #tpu.memory_space<vmem>>) semaphore(%arg18 : memref<!tpu.dma_semaphore, #tpu.memory_space<semaphore_mem>>)
      %dma_start3A_60 = arith.constant 1 : i32
      %dma_start3A_61 = arith.constant 0 : i32
      %dma_start3A_62 = tpu.memref_slice %arg12[%dma_start3A_60, %dma_start3A_61] : memref<80x128xi32, #tpu.memory_space<vmem>> -> memref<1x128xi32, #tpu.memory_space<vmem>>
      %dma_start3A_63 = tpu.memref_squeeze %dma_start3A_62 : memref<1x128xi32, #tpu.memory_space<vmem>> -> memref<128xi32, #tpu.memory_space<vmem>>
      %dma_start3A_64 = arith.constant 0 : i32
      %dma_start3A_65 = arith.constant 0 : i32
      %dma_start3A_66 = tpu.memref_slice %arg16[%dma_start3A_64, %dma_start3A_65] : memref<10000x64xf32, #tpu.memory_space<vmem_shared>> -> memref<10000x64xf32, #tpu.memory_space<vmem_shared>>
      tpu.enqueue_indirect_dma source(%dma_start3A_66 : memref<10000x64xf32, #tpu.memory_space<vmem_shared>>) target(%arg15 : memref<128x64xf32, #tpu.memory_space<vmem>>) offsets(%dma_start3A_63 : memref<128xi32, #tpu.memory_space<vmem>>) semaphore(%arg19 : memref<!tpu.dma_semaphore, #tpu.memory_space<semaphore_mem>>)
      %scan3A = arith.constant 0 : i32
      %scan3A_67 = arith.constant 0 : i32
      %scan3A_68 = arith.constant 40 : i32
      %scan3A_69 = arith.addi %scan3A_67, %scan3A_68 : i32
      %scan3A_70 = arith.constant 1 : i32
      scf.for %scan3A_166 = %scan3A_67 to %scan3A_69 step %scan3A_70  : i32 {
        %mul3A_167 = arith.constant 2 : i32
        %mul3A_168 = arith.muli %mul3A_167, %scan3A_166 : i32
        %add3A = arith.constant 1 : i32
        %add3A_169 = arith.addi %mul3A_168, %add3A : i32
        %dma_wait3A_170 = arith.constant 0 : i32
        %dma_wait3A_171 = tpu.memref_slice %arg12[%mul3A_168, %dma_wait3A_170] : memref<80x128xi32, #tpu.memory_space<vmem>> -> memref<1x128xi32, #tpu.memory_space<vmem>>
        %dma_wait3A_172 = tpu.memref_squeeze %dma_wait3A_171 : memref<1x128xi32, #tpu.memory_space<vmem>> -> memref<128xi32, #tpu.memory_space<vmem>>
        %dma_wait3A_173 = arith.constant 0 : i32
        %dma_wait3A_174 = arith.constant 0 : i32
        %dma_wait3A_175 = tpu.memref_slice %arg16[%dma_wait3A_173, %dma_wait3A_174] : memref<10000x64xf32, #tpu.memory_space<vmem_shared>> -> memref<10000x64xf32, #tpu.memory_space<vmem_shared>>
        tpu.wait_indirect_dma semaphore(%arg18 : memref<!tpu.dma_semaphore, #tpu.memory_space<semaphore_mem>>) src(%dma_wait3A_175 : memref<10000x64xf32, #tpu.memory_space<vmem_shared>>) dst(%arg14 : memref<128x64xf32, #tpu.memory_space<vmem>>)
        %dma_start3A_176 = arith.constant 0 : i32
        %dma_start3A_177 = tpu.memref_slice %arg13[%mul3A_168, %dma_start3A_176] : memref<80x128xi32, #tpu.memory_space<vmem>> -> memref<1x128xi32, #tpu.memory_space<vmem>>
        %dma_start3A_178 = tpu.memref_squeeze %dma_start3A_177 : memref<1x128xi32, #tpu.memory_space<vmem>> -> memref<128xi32, #tpu.memory_space<vmem>>
        %dma_start3A_179 = arith.constant 0 : i32
        %dma_start3A_180 = arith.constant 0 : i32
        %dma_start3A_181 = tpu.memref_slice %arg17[%dma_start3A_179, %dma_start3A_180] : memref<10016x64xf32, #tpu.memory_space<vmem_shared>> -> memref<10016x64xf32, #tpu.memory_space<vmem_shared>>
        tpu.enqueue_indirect_dma source(%arg14 : memref<128x64xf32, #tpu.memory_space<vmem>>) target(%dma_start3A_181 : memref<10016x64xf32, #tpu.memory_space<vmem_shared>>) offsets(%dma_start3A_178 : memref<128xi32, #tpu.memory_space<vmem>>) semaphore(%arg20 : memref<!tpu.dma_semaphore, #tpu.memory_space<semaphore_mem>>) {add = true}
        %dma_wait3A_182 = arith.constant 0 : i32
        %dma_wait3A_183 = tpu.memref_slice %arg13[%mul3A_168, %dma_wait3A_182] : memref<80x128xi32, #tpu.memory_space<vmem>> -> memref<1x128xi32, #tpu.memory_space<vmem>>
        %dma_wait3A_184 = tpu.memref_squeeze %dma_wait3A_183 : memref<1x128xi32, #tpu.memory_space<vmem>> -> memref<128xi32, #tpu.memory_space<vmem>>
        %dma_wait3A_185 = arith.constant 0 : i32
        %dma_wait3A_186 = arith.constant 0 : i32
        %dma_wait3A_187 = tpu.memref_slice %arg17[%dma_wait3A_185, %dma_wait3A_186] : memref<10016x64xf32, #tpu.memory_space<vmem_shared>> -> memref<10016x64xf32, #tpu.memory_space<vmem_shared>>
        tpu.wait_indirect_dma semaphore(%arg20 : memref<!tpu.dma_semaphore, #tpu.memory_space<semaphore_mem>>) src(%arg14 : memref<128x64xf32, #tpu.memory_space<vmem>>) dst(%dma_wait3A_187 : memref<10016x64xf32, #tpu.memory_space<vmem_shared>>)
        %add3A_188 = arith.constant 2 : i32
        %add3A_189 = arith.addi %mul3A_168, %add3A_188 : i32
        %lt3A = arith.constant 80 : i32
        %lt3A_190 = arith.cmpi slt, %add3A_189, %lt3A : i32
        %convert_element_type3A_191 = arith.extui %lt3A_190 : i1 to i32
        %cond3A_192 = arith.constant 0 : i32
        %cond3A_193 = arith.cmpi ne, %convert_element_type3A_191, %cond3A_192 : i32
        scf.if %cond3A_193 {
          %add3A_219 = arith.constant 2 : i32
          %add3A_220 = arith.addi %mul3A_168, %add3A_219 : i32
          %dma_start3A_221 = arith.constant 0 : i32
          %dma_start3A_222 = tpu.memref_slice %arg12[%add3A_220, %dma_start3A_221] : memref<80x128xi32, #tpu.memory_space<vmem>> -> memref<1x128xi32, #tpu.memory_space<vmem>>
          %dma_start3A_223 = tpu.memref_squeeze %dma_start3A_222 : memref<1x128xi32, #tpu.memory_space<vmem>> -> memref<128xi32, #tpu.memory_space<vmem>>
          %dma_start3A_224 = arith.constant 0 : i32
          %dma_start3A_225 = arith.constant 0 : i32
          %dma_start3A_226 = tpu.memref_slice %arg16[%dma_start3A_224, %dma_start3A_225] : memref<10000x64xf32, #tpu.memory_space<vmem_shared>> -> memref<10000x64xf32, #tpu.memory_space<vmem_shared>>
          tpu.enqueue_indirect_dma source(%dma_start3A_226 : memref<10000x64xf32, #tpu.memory_space<vmem_shared>>) target(%arg14 : memref<128x64xf32, #tpu.memory_space<vmem>>) offsets(%dma_start3A_223 : memref<128xi32, #tpu.memory_space<vmem>>) semaphore(%arg18 : memref<!tpu.dma_semaphore, #tpu.memory_space<semaphore_mem>>)
        } else {
        }
        %dma_wait3A_194 = arith.constant 0 : i32
        %dma_wait3A_195 = tpu.memref_slice %arg12[%add3A_169, %dma_wait3A_194] : memref<80x128xi32, #tpu.memory_space<vmem>> -> memref<1x128xi32, #tpu.memory_space<vmem>>
        %dma_wait3A_196 = tpu.memref_squeeze %dma_wait3A_195 : memref<1x128xi32, #tpu.memory_space<vmem>> -> memref<128xi32, #tpu.memory_space<vmem>>
        %dma_wait3A_197 = arith.constant 0 : i32
        %dma_wait3A_198 = arith.constant 0 : i32
        %dma_wait3A_199 = tpu.memref_slice %arg16[%dma_wait3A_197, %dma_wait3A_198] : memref<10000x64xf32, #tpu.memory_space<vmem_shared>> -> memref<10000x64xf32, #tpu.memory_space<vmem_shared>>
        tpu.wait_indirect_dma semaphore(%arg19 : memref<!tpu.dma_semaphore, #tpu.memory_space<semaphore_mem>>) src(%dma_wait3A_199 : memref<10000x64xf32, #tpu.memory_space<vmem_shared>>) dst(%arg15 : memref<128x64xf32, #tpu.memory_space<vmem>>)
        %dma_start3A_200 = arith.constant 0 : i32
        %dma_start3A_201 = tpu.memref_slice %arg13[%add3A_169, %dma_start3A_200] : memref<80x128xi32, #tpu.memory_space<vmem>> -> memref<1x128xi32, #tpu.memory_space<vmem>>
        %dma_start3A_202 = tpu.memref_squeeze %dma_start3A_201 : memref<1x128xi32, #tpu.memory_space<vmem>> -> memref<128xi32, #tpu.memory_space<vmem>>
        %dma_start3A_203 = arith.constant 0 : i32
        %dma_start3A_204 = arith.constant 0 : i32
        %dma_start3A_205 = tpu.memref_slice %arg17[%dma_start3A_203, %dma_start3A_204] : memref<10016x64xf32, #tpu.memory_space<vmem_shared>> -> memref<10016x64xf32, #tpu.memory_space<vmem_shared>>
        tpu.enqueue_indirect_dma source(%arg15 : memref<128x64xf32, #tpu.memory_space<vmem>>) target(%dma_start3A_205 : memref<10016x64xf32, #tpu.memory_space<vmem_shared>>) offsets(%dma_start3A_202 : memref<128xi32, #tpu.memory_space<vmem>>) semaphore(%arg21 : memref<!tpu.dma_semaphore, #tpu.memory_space<semaphore_mem>>) {add = true}
        %dma_wait3A_206 = arith.constant 0 : i32
        %dma_wait3A_207 = tpu.memref_slice %arg13[%add3A_169, %dma_wait3A_206] : memref<80x128xi32, #tpu.memory_space<vmem>> -> memref<1x128xi32, #tpu.memory_space<vmem>>
        %dma_wait3A_208 = tpu.memref_squeeze %dma_wait3A_207 : memref<1x128xi32, #tpu.memory_space<vmem>> -> memref<128xi32, #tpu.memory_space<vmem>>
        %dma_wait3A_209 = arith.constant 0 : i32
        %dma_wait3A_210 = arith.constant 0 : i32
        %dma_wait3A_211 = tpu.memref_slice %arg17[%dma_wait3A_209, %dma_wait3A_210] : memref<10016x64xf32, #tpu.memory_space<vmem_shared>> -> memref<10016x64xf32, #tpu.memory_space<vmem_shared>>
        tpu.wait_indirect_dma semaphore(%arg21 : memref<!tpu.dma_semaphore, #tpu.memory_space<semaphore_mem>>) src(%arg15 : memref<128x64xf32, #tpu.memory_space<vmem>>) dst(%dma_wait3A_211 : memref<10016x64xf32, #tpu.memory_space<vmem_shared>>)
        %add3A_212 = arith.constant 2 : i32
        %add3A_213 = arith.addi %add3A_169, %add3A_212 : i32
        %lt3A_214 = arith.constant 80 : i32
        %lt3A_215 = arith.cmpi slt, %add3A_213, %lt3A_214 : i32
        %convert_element_type3A_216 = arith.extui %lt3A_215 : i1 to i32
        %cond3A_217 = arith.constant 0 : i32
        %cond3A_218 = arith.cmpi ne, %convert_element_type3A_216, %cond3A_217 : i32
        scf.if %cond3A_218 {
          %add3A_219 = arith.constant 2 : i32
          %add3A_220 = arith.addi %add3A_169, %add3A_219 : i32
          %dma_start3A_221 = arith.constant 0 : i32
          %dma_start3A_222 = tpu.memref_slice %arg12[%add3A_220, %dma_start3A_221] : memref<80x128xi32, #tpu.memory_space<vmem>> -> memref<1x128xi32, #tpu.memory_space<vmem>>
          %dma_start3A_223 = tpu.memref_squeeze %dma_start3A_222 : memref<1x128xi32, #tpu.memory_space<vmem>> -> memref<128xi32, #tpu.memory_space<vmem>>
          %dma_start3A_224 = arith.constant 0 : i32
          %dma_start3A_225 = arith.constant 0 : i32
          %dma_start3A_226 = tpu.memref_slice %arg16[%dma_start3A_224, %dma_start3A_225] : memref<10000x64xf32, #tpu.memory_space<vmem_shared>> -> memref<10000x64xf32, #tpu.memory_space<vmem_shared>>
          tpu.enqueue_indirect_dma source(%dma_start3A_226 : memref<10000x64xf32, #tpu.memory_space<vmem_shared>>) target(%arg15 : memref<128x64xf32, #tpu.memory_space<vmem>>) offsets(%dma_start3A_223 : memref<128xi32, #tpu.memory_space<vmem>>) semaphore(%arg19 : memref<!tpu.dma_semaphore, #tpu.memory_space<semaphore_mem>>)
        } else {
        }
      }
      %scan3A_71 = arith.constant 40 : i32
      %barrier3A_72 = arith.constant 0 : index
      tpu.barrier barrier_id(%barrier3A_72)
      %mul3A_73 = arith.constant 624 : i32
      %mul3A_74 = arith.muli %arg1, %mul3A_73 : i32
      %mul3A_75 = arith.constant 624 : i32
      %mul3A_76 = arith.muli %arg1, %mul3A_75 : i32
      %dma_start3A_77 = arith.constant 0 : i32
      %dma_start3A_78 = tpu.memref_slice %arg10[%mul3A_76, %dma_start3A_77] : memref<10000x64xf32, #tpu.memory_space<hbm>> -> memref<624x64xf32, #tpu.memory_space<hbm>>
      %dma_start3A_79 = arith.constant 0 : i32
      %dma_start3A_80 = tpu.memref_slice %arg17[%mul3A_74, %dma_start3A_79] : memref<10016x64xf32, #tpu.memory_space<vmem_shared>> -> memref<624x64xf32, #tpu.memory_space<vmem_shared>>
      tpu.enqueue_dma source(%dma_start3A_80 : memref<624x64xf32, #tpu.memory_space<vmem_shared>>) target(%dma_start3A_78 : memref<624x64xf32, #tpu.memory_space<hbm>>) target_semaphore(%arg21 : memref<!tpu.dma_semaphore, #tpu.memory_space<semaphore_mem>>)
      %eq3A_81 = arith.constant 15 : i32
      %eq3A_82 = arith.cmpi eq, %arg1, %eq3A_81 : i32
      %convert_element_type3A_83 = arith.extui %eq3A_82 : i1 to i32
      %cond3A_84 = arith.constant 0 : i32
      %cond3A_85 = arith.cmpi ne, %convert_element_type3A_83, %cond3A_84 : i32
      scf.if %cond3A_85 {
        "tpu.region"() ({
          %run_scoped3A = tpu.sem_alloc : memref<!tpu.dma_semaphore, #tpu.memory_space<semaphore_mem>>
          %dma_start3A_166 = arith.constant 9984 : i32
          %dma_start3A_167 = arith.constant 0 : i32
          %dma_start3A_168 = tpu.memref_slice %arg10[%dma_start3A_166, %dma_start3A_167] : memref<10000x64xf32, #tpu.memory_space<hbm>> -> memref<16x64xf32, #tpu.memory_space<hbm>>
          %dma_start3A_169 = arith.constant 9984 : i32
          %dma_start3A_170 = arith.constant 0 : i32
          %dma_start3A_171 = tpu.memref_slice %arg17[%dma_start3A_169, %dma_start3A_170] : memref<10016x64xf32, #tpu.memory_space<vmem_shared>> -> memref<16x64xf32, #tpu.memory_space<vmem_shared>>
          tpu.enqueue_dma source(%dma_start3A_171 : memref<16x64xf32, #tpu.memory_space<vmem_shared>>) target(%dma_start3A_168 : memref<16x64xf32, #tpu.memory_space<hbm>>) target_semaphore(%run_scoped3A : memref<!tpu.dma_semaphore, #tpu.memory_space<semaphore_mem>>)
          %dma_wait3A_172 = arith.constant 9984 : i32
          %dma_wait3A_173 = arith.constant 0 : i32
          %dma_wait3A_174 = tpu.memref_slice %arg10[%dma_wait3A_172, %dma_wait3A_173] : memref<10000x64xf32, #tpu.memory_space<hbm>> -> memref<16x64xf32, #tpu.memory_space<hbm>>
          %dma_wait3A_175 = arith.constant 9984 : i32
          %dma_wait3A_176 = arith.constant 0 : i32
          %dma_wait3A_177 = tpu.memref_slice %arg17[%dma_wait3A_175, %dma_wait3A_176] : memref<10016x64xf32, #tpu.memory_space<vmem_shared>> -> memref<16x64xf32, #tpu.memory_space<vmem_shared>>
          tpu.wait_dma2 semaphore(%run_scoped3A : memref<!tpu.dma_semaphore, #tpu.memory_space<semaphore_mem>>) src(%dma_wait3A_177 : memref<16x64xf32, #tpu.memory_space<vmem_shared>>) dst(%dma_wait3A_174 : memref<16x64xf32, #tpu.memory_space<hbm>>)
          tpu.yield
        }) : () -> ()
      } else {
      }
      %mul3A_86 = arith.constant 624 : i32
      %mul3A_87 = arith.muli %arg1, %mul3A_86 : i32
      %mul3A_88 = arith.constant 624 : i32
      %mul3A_89 = arith.muli %arg1, %mul3A_88 : i32
      %dma_start3A_90 = arith.constant 0 : i32
      %dma_start3A_91 = tpu.memref_slice %arg16[%mul3A_89, %dma_start3A_90] : memref<10000x64xf32, #tpu.memory_space<vmem_shared>> -> memref<624x64xf32, #tpu.memory_space<vmem_shared>>
      %dma_start3A_92 = arith.constant 0 : i32
      %dma_start3A_93 = tpu.memref_slice %arg5[%mul3A_87, %dma_start3A_92] : memref<10000x64xf32, #tpu.memory_space<hbm>> -> memref<624x64xf32, #tpu.memory_space<hbm>>
      tpu.enqueue_dma source(%dma_start3A_93 : memref<624x64xf32, #tpu.memory_space<hbm>>) target(%dma_start3A_91 : memref<624x64xf32, #tpu.memory_space<vmem_shared>>) target_semaphore(%arg18 : memref<!tpu.dma_semaphore, #tpu.memory_space<semaphore_mem>>)
      %mul3A_94 = arith.constant 624 : i32
      %mul3A_95 = arith.muli %arg1, %mul3A_94 : i32
      %mul3A_96 = arith.constant 624 : i32
      %mul3A_97 = arith.muli %arg1, %mul3A_96 : i32
      %dma_wait3A_98 = arith.constant 0 : i32
      %dma_wait3A_99 = tpu.memref_slice %arg10[%mul3A_97, %dma_wait3A_98] : memref<10000x64xf32, #tpu.memory_space<hbm>> -> memref<624x64xf32, #tpu.memory_space<hbm>>
      %dma_wait3A_100 = arith.constant 0 : i32
      %dma_wait3A_101 = tpu.memref_slice %arg17[%mul3A_95, %dma_wait3A_100] : memref<10016x64xf32, #tpu.memory_space<vmem_shared>> -> memref<624x64xf32, #tpu.memory_space<vmem_shared>>
      tpu.wait_dma2 semaphore(%arg21 : memref<!tpu.dma_semaphore, #tpu.memory_space<semaphore_mem>>) src(%dma_wait3A_101 : memref<624x64xf32, #tpu.memory_space<vmem_shared>>) dst(%dma_wait3A_99 : memref<624x64xf32, #tpu.memory_space<hbm>>)
      %mul3A_102 = arith.constant 624 : i32
      %mul3A_103 = arith.muli %arg1, %mul3A_102 : i32
      %mul3A_104 = arith.constant 624 : i32
      %mul3A_105 = arith.muli %arg1, %mul3A_104 : i32
      %dma_start3A_106 = arith.constant 0 : i32
      %dma_start3A_107 = tpu.memref_slice %arg17[%mul3A_105, %dma_start3A_106] : memref<10016x64xf32, #tpu.memory_space<vmem_shared>> -> memref<624x64xf32, #tpu.memory_space<vmem_shared>>
      %dma_start3A_108 = arith.constant 0 : i32
      %dma_start3A_109 = tpu.memref_slice %arg5[%mul3A_103, %dma_start3A_108] : memref<10000x64xf32, #tpu.memory_space<hbm>> -> memref<624x64xf32, #tpu.memory_space<hbm>>
      tpu.enqueue_dma source(%dma_start3A_109 : memref<624x64xf32, #tpu.memory_space<hbm>>) target(%dma_start3A_107 : memref<624x64xf32, #tpu.memory_space<vmem_shared>>) target_semaphore(%arg19 : memref<!tpu.dma_semaphore, #tpu.memory_space<semaphore_mem>>)
      %eq3A_110 = arith.constant 15 : i32
      %eq3A_111 = arith.cmpi eq, %arg1, %eq3A_110 : i32
      %convert_element_type3A_112 = arith.extui %eq3A_111 : i1 to i32
      %cond3A_113 = arith.constant 0 : i32
      %cond3A_114 = arith.cmpi ne, %convert_element_type3A_112, %cond3A_113 : i32
      scf.if %cond3A_114 {
        "tpu.region"() ({
          %run_scoped3A = tpu.sem_alloc : memref<!tpu.dma_semaphore, #tpu.memory_space<semaphore_mem>>
          %dma_start3A_166 = arith.constant 9984 : i32
          %dma_start3A_167 = arith.constant 0 : i32
          %dma_start3A_168 = tpu.memref_slice %arg16[%dma_start3A_166, %dma_start3A_167] : memref<10000x64xf32, #tpu.memory_space<vmem_shared>> -> memref<16x64xf32, #tpu.memory_space<vmem_shared>>
          %dma_start3A_169 = arith.constant 9984 : i32
          %dma_start3A_170 = arith.constant 0 : i32
          %dma_start3A_171 = tpu.memref_slice %arg5[%dma_start3A_169, %dma_start3A_170] : memref<10000x64xf32, #tpu.memory_space<hbm>> -> memref<16x64xf32, #tpu.memory_space<hbm>>
          tpu.enqueue_dma source(%dma_start3A_171 : memref<16x64xf32, #tpu.memory_space<hbm>>) target(%dma_start3A_168 : memref<16x64xf32, #tpu.memory_space<vmem_shared>>) target_semaphore(%run_scoped3A : memref<!tpu.dma_semaphore, #tpu.memory_space<semaphore_mem>>)
          %dma_wait3A_172 = arith.constant 9984 : i32
          %dma_wait3A_173 = arith.constant 0 : i32
          %dma_wait3A_174 = tpu.memref_slice %arg16[%dma_wait3A_172, %dma_wait3A_173] : memref<10000x64xf32, #tpu.memory_space<vmem_shared>> -> memref<16x64xf32, #tpu.memory_space<vmem_shared>>
          %dma_wait3A_175 = arith.constant 9984 : i32
          %dma_wait3A_176 = arith.constant 0 : i32
          %dma_wait3A_177 = tpu.memref_slice %arg5[%dma_wait3A_175, %dma_wait3A_176] : memref<10000x64xf32, #tpu.memory_space<hbm>> -> memref<16x64xf32, #tpu.memory_space<hbm>>
          tpu.wait_dma2 semaphore(%run_scoped3A : memref<!tpu.dma_semaphore, #tpu.memory_space<semaphore_mem>>) src(%dma_wait3A_177 : memref<16x64xf32, #tpu.memory_space<hbm>>) dst(%dma_wait3A_174 : memref<16x64xf32, #tpu.memory_space<vmem_shared>>)
          tpu.yield
        }) : () -> ()
        "tpu.region"() ({
          %run_scoped3A = tpu.sem_alloc : memref<!tpu.dma_semaphore, #tpu.memory_space<semaphore_mem>>
          %dma_start3A_166 = arith.constant 9984 : i32
          %dma_start3A_167 = arith.constant 0 : i32
          %dma_start3A_168 = tpu.memref_slice %arg17[%dma_start3A_166, %dma_start3A_167] : memref<10016x64xf32, #tpu.memory_space<vmem_shared>> -> memref<16x64xf32, #tpu.memory_space<vmem_shared>>
          %dma_start3A_169 = arith.constant 9984 : i32
          %dma_start3A_170 = arith.constant 0 : i32
          %dma_start3A_171 = tpu.memref_slice %arg5[%dma_start3A_169, %dma_start3A_170] : memref<10000x64xf32, #tpu.memory_space<hbm>> -> memref<16x64xf32, #tpu.memory_space<hbm>>
          tpu.enqueue_dma source(%dma_start3A_171 : memref<16x64xf32, #tpu.memory_space<hbm>>) target(%dma_start3A_168 : memref<16x64xf32, #tpu.memory_space<vmem_shared>>) target_semaphore(%run_scoped3A : memref<!tpu.dma_semaphore, #tpu.memory_space<semaphore_mem>>)
          %dma_wait3A_172 = arith.constant 9984 : i32
          %dma_wait3A_173 = arith.constant 0 : i32
          %dma_wait3A_174 = tpu.memref_slice %arg17[%dma_wait3A_172, %dma_wait3A_173] : memref<10016x64xf32, #tpu.memory_space<vmem_shared>> -> memref<16x64xf32, #tpu.memory_space<vmem_shared>>
          %dma_wait3A_175 = arith.constant 9984 : i32
          %dma_wait3A_176 = arith.constant 0 : i32
          %dma_wait3A_177 = tpu.memref_slice %arg5[%dma_wait3A_175, %dma_wait3A_176] : memref<10000x64xf32, #tpu.memory_space<hbm>> -> memref<16x64xf32, #tpu.memory_space<hbm>>
          tpu.wait_dma2 semaphore(%run_scoped3A : memref<!tpu.dma_semaphore, #tpu.memory_space<semaphore_mem>>) src(%dma_wait3A_177 : memref<16x64xf32, #tpu.memory_space<hbm>>) dst(%dma_wait3A_174 : memref<16x64xf32, #tpu.memory_space<vmem_shared>>)
          tpu.yield
        }) : () -> ()
        "tpu.region"() ({
          %run_scoped3A = tpu.sem_alloc : memref<!tpu.dma_semaphore, #tpu.memory_space<semaphore_mem>>
          %dma_start3A_166 = arith.constant 10000 : i32
          %dma_start3A_167 = arith.constant 0 : i32
          %dma_start3A_168 = tpu.memref_slice %arg17[%dma_start3A_166, %dma_start3A_167] : memref<10016x64xf32, #tpu.memory_space<vmem_shared>> -> memref<16x64xf32, #tpu.memory_space<vmem_shared>>
          %dma_start3A_169 = arith.constant 0 : i32
          %dma_start3A_170 = arith.constant 0 : i32
          %dma_start3A_171 = tpu.memref_slice %arg5[%dma_start3A_169, %dma_start3A_170] : memref<10000x64xf32, #tpu.memory_space<hbm>> -> memref<16x64xf32, #tpu.memory_space<hbm>>
          tpu.enqueue_dma source(%dma_start3A_171 : memref<16x64xf32, #tpu.memory_space<hbm>>) target(%dma_start3A_168 : memref<16x64xf32, #tpu.memory_space<vmem_shared>>) target_semaphore(%run_scoped3A : memref<!tpu.dma_semaphore, #tpu.memory_space<semaphore_mem>>)
          %dma_wait3A_172 = arith.constant 10000 : i32
          %dma_wait3A_173 = arith.constant 0 : i32
          %dma_wait3A_174 = tpu.memref_slice %arg17[%dma_wait3A_172, %dma_wait3A_173] : memref<10016x64xf32, #tpu.memory_space<vmem_shared>> -> memref<16x64xf32, #tpu.memory_space<vmem_shared>>
          %dma_wait3A_175 = arith.constant 0 : i32
          %dma_wait3A_176 = arith.constant 0 : i32
          %dma_wait3A_177 = tpu.memref_slice %arg5[%dma_wait3A_175, %dma_wait3A_176] : memref<10000x64xf32, #tpu.memory_space<hbm>> -> memref<16x64xf32, #tpu.memory_space<hbm>>
          tpu.wait_dma2 semaphore(%run_scoped3A : memref<!tpu.dma_semaphore, #tpu.memory_space<semaphore_mem>>) src(%dma_wait3A_177 : memref<16x64xf32, #tpu.memory_space<hbm>>) dst(%dma_wait3A_174 : memref<16x64xf32, #tpu.memory_space<vmem_shared>>)
          tpu.yield
        }) : () -> ()
      } else {
      }
      %dma_wait3A_115 = arith.constant 0 : i32
      %dma_wait3A_116 = tpu.memref_slice %arg16[%mul3A_89, %dma_wait3A_115] : memref<10000x64xf32, #tpu.memory_space<vmem_shared>> -> memref<624x64xf32, #tpu.memory_space<vmem_shared>>
      %dma_wait3A_117 = arith.constant 0 : i32
      %dma_wait3A_118 = tpu.memref_slice %arg5[%mul3A_87, %dma_wait3A_117] : memref<10000x64xf32, #tpu.memory_space<hbm>> -> memref<624x64xf32, #tpu.memory_space<hbm>>
      tpu.wait_dma2 semaphore(%arg18 : memref<!tpu.dma_semaphore, #tpu.memory_space<semaphore_mem>>) src(%dma_wait3A_118 : memref<624x64xf32, #tpu.memory_space<hbm>>) dst(%dma_wait3A_116 : memref<624x64xf32, #tpu.memory_space<vmem_shared>>)
      %dma_wait3A_119 = arith.constant 0 : i32
      %dma_wait3A_120 = tpu.memref_slice %arg17[%mul3A_105, %dma_wait3A_119] : memref<10016x64xf32, #tpu.memory_space<vmem_shared>> -> memref<624x64xf32, #tpu.memory_space<vmem_shared>>
      %dma_wait3A_121 = arith.constant 0 : i32
      %dma_wait3A_122 = tpu.memref_slice %arg5[%mul3A_103, %dma_wait3A_121] : memref<10000x64xf32, #tpu.memory_space<hbm>> -> memref<624x64xf32, #tpu.memory_space<hbm>>
      tpu.wait_dma2 semaphore(%arg19 : memref<!tpu.dma_semaphore, #tpu.memory_space<semaphore_mem>>) src(%dma_wait3A_122 : memref<624x64xf32, #tpu.memory_space<hbm>>) dst(%dma_wait3A_120 : memref<624x64xf32, #tpu.memory_space<vmem_shared>>)
      %barrier3A_123 = arith.constant 0 : index
      tpu.barrier barrier_id(%barrier3A_123)
      %dma_start3A_124 = arith.constant 0 : i32
      %dma_start3A_125 = arith.constant 0 : i32
      %dma_start3A_126 = tpu.memref_slice %arg12[%dma_start3A_124, %dma_start3A_125] : memref<80x128xi32, #tpu.memory_space<vmem>> -> memref<1x128xi32, #tpu.memory_space<vmem>>
      %dma_start3A_127 = tpu.memref_squeeze %dma_start3A_126 : memref<1x128xi32, #tpu.memory_space<vmem>> -> memref<128xi32, #tpu.memory_space<vmem>>
      %dma_start3A_128 = arith.constant 0 : i32
      %dma_start3A_129 = arith.constant 0 : i32
      %dma_start3A_130 = tpu.memref_slice %arg16[%dma_start3A_128, %dma_start3A_129] : memref<10000x64xf32, #tpu.memory_space<vmem_shared>> -> memref<10000x64xf32, #tpu.memory_space<vmem_shared>>
      tpu.enqueue_indirect_dma source(%dma_start3A_130 : memref<10000x64xf32, #tpu.memory_space<vmem_shared>>) target(%arg14 : memref<128x64xf32, #tpu.memory_space<vmem>>) offsets(%dma_start3A_127 : memref<128xi32, #tpu.memory_space<vmem>>) semaphore(%arg18 : memref<!tpu.dma_semaphore, #tpu.memory_space<semaphore_mem>>)
      %dma_start3A_131 = arith.constant 1 : i32
      %dma_start3A_132 = arith.constant 0 : i32
      %dma_start3A_133 = tpu.memref_slice %arg12[%dma_start3A_131, %dma_start3A_132] : memref<80x128xi32, #tpu.memory_space<vmem>> -> memref<1x128xi32, #tpu.memory_space<vmem>>
      %dma_start3A_134 = tpu.memref_squeeze %dma_start3A_133 : memref<1x128xi32, #tpu.memory_space<vmem>> -> memref<128xi32, #tpu.memory_space<vmem>>
      %dma_start3A_135 = arith.constant 0 : i32
      %dma_start3A_136 = arith.constant 0 : i32
      %dma_start3A_137 = tpu.memref_slice %arg16[%dma_start3A_135, %dma_start3A_136] : memref<10000x64xf32, #tpu.memory_space<vmem_shared>> -> memref<10000x64xf32, #tpu.memory_space<vmem_shared>>
      tpu.enqueue_indirect_dma source(%dma_start3A_137 : memref<10000x64xf32, #tpu.memory_space<vmem_shared>>) target(%arg15 : memref<128x64xf32, #tpu.memory_space<vmem>>) offsets(%dma_start3A_134 : memref<128xi32, #tpu.memory_space<vmem>>) semaphore(%arg19 : memref<!tpu.dma_semaphore, #tpu.memory_space<semaphore_mem>>)
      %scan3A_138 = arith.constant 0 : i32
      %scan3A_139 = arith.constant 0 : i32
      %scan3A_140 = arith.constant 40 : i32
      %scan3A_141 = arith.addi %scan3A_139, %scan3A_140 : i32
      %scan3A_142 = arith.constant 1 : i32
      scf.for %scan3A_166 = %scan3A_139 to %scan3A_141 step %scan3A_142  : i32 {
        %mul3A_167 = arith.constant 2 : i32
        %mul3A_168 = arith.muli %mul3A_167, %scan3A_166 : i32
        %add3A = arith.constant 1 : i32
        %add3A_169 = arith.addi %mul3A_168, %add3A : i32
        %dma_wait3A_170 = arith.constant 0 : i32
        %dma_wait3A_171 = tpu.memref_slice %arg12[%mul3A_168, %dma_wait3A_170] : memref<80x128xi32, #tpu.memory_space<vmem>> -> memref<1x128xi32, #tpu.memory_space<vmem>>
        %dma_wait3A_172 = tpu.memref_squeeze %dma_wait3A_171 : memref<1x128xi32, #tpu.memory_space<vmem>> -> memref<128xi32, #tpu.memory_space<vmem>>
        %dma_wait3A_173 = arith.constant 0 : i32
        %dma_wait3A_174 = arith.constant 0 : i32
        %dma_wait3A_175 = tpu.memref_slice %arg16[%dma_wait3A_173, %dma_wait3A_174] : memref<10000x64xf32, #tpu.memory_space<vmem_shared>> -> memref<10000x64xf32, #tpu.memory_space<vmem_shared>>
        tpu.wait_indirect_dma semaphore(%arg18 : memref<!tpu.dma_semaphore, #tpu.memory_space<semaphore_mem>>) src(%dma_wait3A_175 : memref<10000x64xf32, #tpu.memory_space<vmem_shared>>) dst(%arg14 : memref<128x64xf32, #tpu.memory_space<vmem>>)
        %dma_start3A_176 = arith.constant 0 : i32
        %dma_start3A_177 = tpu.memref_slice %arg13[%mul3A_168, %dma_start3A_176] : memref<80x128xi32, #tpu.memory_space<vmem>> -> memref<1x128xi32, #tpu.memory_space<vmem>>
        %dma_start3A_178 = tpu.memref_squeeze %dma_start3A_177 : memref<1x128xi32, #tpu.memory_space<vmem>> -> memref<128xi32, #tpu.memory_space<vmem>>
        %dma_start3A_179 = arith.constant 0 : i32
        %dma_start3A_180 = arith.constant 0 : i32
        %dma_start3A_181 = tpu.memref_slice %arg17[%dma_start3A_179, %dma_start3A_180] : memref<10016x64xf32, #tpu.memory_space<vmem_shared>> -> memref<10016x64xf32, #tpu.memory_space<vmem_shared>>
        tpu.enqueue_indirect_dma source(%arg14 : memref<128x64xf32, #tpu.memory_space<vmem>>) target(%dma_start3A_181 : memref<10016x64xf32, #tpu.memory_space<vmem_shared>>) offsets(%dma_start3A_178 : memref<128xi32, #tpu.memory_space<vmem>>) semaphore(%arg20 : memref<!tpu.dma_semaphore, #tpu.memory_space<semaphore_mem>>) {add = true}
        %dma_wait3A_182 = arith.constant 0 : i32
        %dma_wait3A_183 = tpu.memref_slice %arg13[%mul3A_168, %dma_wait3A_182] : memref<80x128xi32, #tpu.memory_space<vmem>> -> memref<1x128xi32, #tpu.memory_space<vmem>>
        %dma_wait3A_184 = tpu.memref_squeeze %dma_wait3A_183 : memref<1x128xi32, #tpu.memory_space<vmem>> -> memref<128xi32, #tpu.memory_space<vmem>>
        %dma_wait3A_185 = arith.constant 0 : i32
        %dma_wait3A_186 = arith.constant 0 : i32
        %dma_wait3A_187 = tpu.memref_slice %arg17[%dma_wait3A_185, %dma_wait3A_186] : memref<10016x64xf32, #tpu.memory_space<vmem_shared>> -> memref<10016x64xf32, #tpu.memory_space<vmem_shared>>
        tpu.wait_indirect_dma semaphore(%arg20 : memref<!tpu.dma_semaphore, #tpu.memory_space<semaphore_mem>>) src(%arg14 : memref<128x64xf32, #tpu.memory_space<vmem>>) dst(%dma_wait3A_187 : memref<10016x64xf32, #tpu.memory_space<vmem_shared>>)
        %add3A_188 = arith.constant 2 : i32
        %add3A_189 = arith.addi %mul3A_168, %add3A_188 : i32
        %lt3A = arith.constant 80 : i32
        %lt3A_190 = arith.cmpi slt, %add3A_189, %lt3A : i32
        %convert_element_type3A_191 = arith.extui %lt3A_190 : i1 to i32
        %cond3A_192 = arith.constant 0 : i32
        %cond3A_193 = arith.cmpi ne, %convert_element_type3A_191, %cond3A_192 : i32
        scf.if %cond3A_193 {
          %add3A_219 = arith.constant 2 : i32
          %add3A_220 = arith.addi %mul3A_168, %add3A_219 : i32
          %dma_start3A_221 = arith.constant 0 : i32
          %dma_start3A_222 = tpu.memref_slice %arg12[%add3A_220, %dma_start3A_221] : memref<80x128xi32, #tpu.memory_space<vmem>> -> memref<1x128xi32, #tpu.memory_space<vmem>>
          %dma_start3A_223 = tpu.memref_squeeze %dma_start3A_222 : memref<1x128xi32, #tpu.memory_space<vmem>> -> memref<128xi32, #tpu.memory_space<vmem>>
          %dma_start3A_224 = arith.constant 0 : i32
          %dma_start3A_225 = arith.constant 0 : i32
          %dma_start3A_226 = tpu.memref_slice %arg16[%dma_start3A_224, %dma_start3A_225] : memref<10000x64xf32, #tpu.memory_space<vmem_shared>> -> memref<10000x64xf32, #tpu.memory_space<vmem_shared>>
          tpu.enqueue_indirect_dma source(%dma_start3A_226 : memref<10000x64xf32, #tpu.memory_space<vmem_shared>>) target(%arg14 : memref<128x64xf32, #tpu.memory_space<vmem>>) offsets(%dma_start3A_223 : memref<128xi32, #tpu.memory_space<vmem>>) semaphore(%arg18 : memref<!tpu.dma_semaphore, #tpu.memory_space<semaphore_mem>>)
        } else {
        }
        %dma_wait3A_194 = arith.constant 0 : i32
        %dma_wait3A_195 = tpu.memref_slice %arg12[%add3A_169, %dma_wait3A_194] : memref<80x128xi32, #tpu.memory_space<vmem>> -> memref<1x128xi32, #tpu.memory_space<vmem>>
        %dma_wait3A_196 = tpu.memref_squeeze %dma_wait3A_195 : memref<1x128xi32, #tpu.memory_space<vmem>> -> memref<128xi32, #tpu.memory_space<vmem>>
        %dma_wait3A_197 = arith.constant 0 : i32
        %dma_wait3A_198 = arith.constant 0 : i32
        %dma_wait3A_199 = tpu.memref_slice %arg16[%dma_wait3A_197, %dma_wait3A_198] : memref<10000x64xf32, #tpu.memory_space<vmem_shared>> -> memref<10000x64xf32, #tpu.memory_space<vmem_shared>>
        tpu.wait_indirect_dma semaphore(%arg19 : memref<!tpu.dma_semaphore, #tpu.memory_space<semaphore_mem>>) src(%dma_wait3A_199 : memref<10000x64xf32, #tpu.memory_space<vmem_shared>>) dst(%arg15 : memref<128x64xf32, #tpu.memory_space<vmem>>)
        %dma_start3A_200 = arith.constant 0 : i32
        %dma_start3A_201 = tpu.memref_slice %arg13[%add3A_169, %dma_start3A_200] : memref<80x128xi32, #tpu.memory_space<vmem>> -> memref<1x128xi32, #tpu.memory_space<vmem>>
        %dma_start3A_202 = tpu.memref_squeeze %dma_start3A_201 : memref<1x128xi32, #tpu.memory_space<vmem>> -> memref<128xi32, #tpu.memory_space<vmem>>
        %dma_start3A_203 = arith.constant 0 : i32
        %dma_start3A_204 = arith.constant 0 : i32
        %dma_start3A_205 = tpu.memref_slice %arg17[%dma_start3A_203, %dma_start3A_204] : memref<10016x64xf32, #tpu.memory_space<vmem_shared>> -> memref<10016x64xf32, #tpu.memory_space<vmem_shared>>
        tpu.enqueue_indirect_dma source(%arg15 : memref<128x64xf32, #tpu.memory_space<vmem>>) target(%dma_start3A_205 : memref<10016x64xf32, #tpu.memory_space<vmem_shared>>) offsets(%dma_start3A_202 : memref<128xi32, #tpu.memory_space<vmem>>) semaphore(%arg21 : memref<!tpu.dma_semaphore, #tpu.memory_space<semaphore_mem>>) {add = true}
        %dma_wait3A_206 = arith.constant 0 : i32
        %dma_wait3A_207 = tpu.memref_slice %arg13[%add3A_169, %dma_wait3A_206] : memref<80x128xi32, #tpu.memory_space<vmem>> -> memref<1x128xi32, #tpu.memory_space<vmem>>
        %dma_wait3A_208 = tpu.memref_squeeze %dma_wait3A_207 : memref<1x128xi32, #tpu.memory_space<vmem>> -> memref<128xi32, #tpu.memory_space<vmem>>
        %dma_wait3A_209 = arith.constant 0 : i32
        %dma_wait3A_210 = arith.constant 0 : i32
        %dma_wait3A_211 = tpu.memref_slice %arg17[%dma_wait3A_209, %dma_wait3A_210] : memref<10016x64xf32, #tpu.memory_space<vmem_shared>> -> memref<10016x64xf32, #tpu.memory_space<vmem_shared>>
        tpu.wait_indirect_dma semaphore(%arg21 : memref<!tpu.dma_semaphore, #tpu.memory_space<semaphore_mem>>) src(%arg15 : memref<128x64xf32, #tpu.memory_space<vmem>>) dst(%dma_wait3A_211 : memref<10016x64xf32, #tpu.memory_space<vmem_shared>>)
        %add3A_212 = arith.constant 2 : i32
        %add3A_213 = arith.addi %add3A_169, %add3A_212 : i32
        %lt3A_214 = arith.constant 80 : i32
        %lt3A_215 = arith.cmpi slt, %add3A_213, %lt3A_214 : i32
        %convert_element_type3A_216 = arith.extui %lt3A_215 : i1 to i32
        %cond3A_217 = arith.constant 0 : i32
        %cond3A_218 = arith.cmpi ne, %convert_element_type3A_216, %cond3A_217 : i32
        scf.if %cond3A_218 {
          %add3A_219 = arith.constant 2 : i32
          %add3A_220 = arith.addi %add3A_169, %add3A_219 : i32
          %dma_start3A_221 = arith.constant 0 : i32
          %dma_start3A_222 = tpu.memref_slice %arg12[%add3A_220, %dma_start3A_221] : memref<80x128xi32, #tpu.memory_space<vmem>> -> memref<1x128xi32, #tpu.memory_space<vmem>>
          %dma_start3A_223 = tpu.memref_squeeze %dma_start3A_222 : memref<1x128xi32, #tpu.memory_space<vmem>> -> memref<128xi32, #tpu.memory_space<vmem>>
          %dma_start3A_224 = arith.constant 0 : i32
          %dma_start3A_225 = arith.constant 0 : i32
          %dma_start3A_226 = tpu.memref_slice %arg16[%dma_start3A_224, %dma_start3A_225] : memref<10000x64xf32, #tpu.memory_space<vmem_shared>> -> memref<10000x64xf32, #tpu.memory_space<vmem_shared>>
          tpu.enqueue_indirect_dma source(%dma_start3A_226 : memref<10000x64xf32, #tpu.memory_space<vmem_shared>>) target(%arg15 : memref<128x64xf32, #tpu.memory_space<vmem>>) offsets(%dma_start3A_223 : memref<128xi32, #tpu.memory_space<vmem>>) semaphore(%arg19 : memref<!tpu.dma_semaphore, #tpu.memory_space<semaphore_mem>>)
        } else {
        }
      }
      %scan3A_143 = arith.constant 40 : i32
      %barrier3A_144 = arith.constant 0 : index
      tpu.barrier barrier_id(%barrier3A_144)
      %mul3A_145 = arith.constant 624 : i32
      %mul3A_146 = arith.muli %arg1, %mul3A_145 : i32
      %mul3A_147 = arith.constant 624 : i32
      %mul3A_148 = arith.muli %arg1, %mul3A_147 : i32
      %dma_start3A_149 = arith.constant 0 : i32
      %dma_start3A_150 = tpu.memref_slice %arg11[%mul3A_148, %dma_start3A_149] : memref<10000x64xf32, #tpu.memory_space<hbm>> -> memref<624x64xf32, #tpu.memory_space<hbm>>
      %dma_start3A_151 = arith.constant 0 : i32
      %dma_start3A_152 = tpu.memref_slice %arg17[%mul3A_146, %dma_start3A_151] : memref<10016x64xf32, #tpu.memory_space<vmem_shared>> -> memref<624x64xf32, #tpu.memory_space<vmem_shared>>
      tpu.enqueue_dma source(%dma_start3A_152 : memref<624x64xf32, #tpu.memory_space<vmem_shared>>) target(%dma_start3A_150 : memref<624x64xf32, #tpu.memory_space<hbm>>) target_semaphore(%arg21 : memref<!tpu.dma_semaphore, #tpu.memory_space<semaphore_mem>>)
      %mul3A_153 = arith.constant 624 : i32
      %mul3A_154 = arith.muli %arg1, %mul3A_153 : i32
      %mul3A_155 = arith.constant 624 : i32
      %mul3A_156 = arith.muli %arg1, %mul3A_155 : i32
      %dma_wait3A_157 = arith.constant 0 : i32
      %dma_wait3A_158 = tpu.memref_slice %arg11[%mul3A_156, %dma_wait3A_157] : memref<10000x64xf32, #tpu.memory_space<hbm>> -> memref<624x64xf32, #tpu.memory_space<hbm>>
      %dma_wait3A_159 = arith.constant 0 : i32
      %dma_wait3A_160 = tpu.memref_slice %arg17[%mul3A_154, %dma_wait3A_159] : memref<10016x64xf32, #tpu.memory_space<vmem_shared>> -> memref<624x64xf32, #tpu.memory_space<vmem_shared>>
      tpu.wait_dma2 semaphore(%arg21 : memref<!tpu.dma_semaphore, #tpu.memory_space<semaphore_mem>>) src(%dma_wait3A_160 : memref<624x64xf32, #tpu.memory_space<vmem_shared>>) dst(%dma_wait3A_158 : memref<624x64xf32, #tpu.memory_space<hbm>>)
      %eq3A_161 = arith.constant 15 : i32
      %eq3A_162 = arith.cmpi eq, %arg1, %eq3A_161 : i32
      %convert_element_type3A_163 = arith.extui %eq3A_162 : i1 to i32
      %cond3A_164 = arith.constant 0 : i32
      %cond3A_165 = arith.cmpi ne, %convert_element_type3A_163, %cond3A_164 : i32
      scf.if %cond3A_165 {
        "tpu.region"() ({
          %run_scoped3A = tpu.sem_alloc : memref<!tpu.dma_semaphore, #tpu.memory_space<semaphore_mem>>
          %dma_start3A_166 = arith.constant 9984 : i32
          %dma_start3A_167 = arith.constant 0 : i32
          %dma_start3A_168 = tpu.memref_slice %arg11[%dma_start3A_166, %dma_start3A_167] : memref<10000x64xf32, #tpu.memory_space<hbm>> -> memref<16x64xf32, #tpu.memory_space<hbm>>
          %dma_start3A_169 = arith.constant 9984 : i32
          %dma_start3A_170 = arith.constant 0 : i32
          %dma_start3A_171 = tpu.memref_slice %arg17[%dma_start3A_169, %dma_start3A_170] : memref<10016x64xf32, #tpu.memory_space<vmem_shared>> -> memref<16x64xf32, #tpu.memory_space<vmem_shared>>
          tpu.enqueue_dma source(%dma_start3A_171 : memref<16x64xf32, #tpu.memory_space<vmem_shared>>) target(%dma_start3A_168 : memref<16x64xf32, #tpu.memory_space<hbm>>) target_semaphore(%run_scoped3A : memref<!tpu.dma_semaphore, #tpu.memory_space<semaphore_mem>>)
          %dma_wait3A_172 = arith.constant 9984 : i32
          %dma_wait3A_173 = arith.constant 0 : i32
          %dma_wait3A_174 = tpu.memref_slice %arg11[%dma_wait3A_172, %dma_wait3A_173] : memref<10000x64xf32, #tpu.memory_space<hbm>> -> memref<16x64xf32, #tpu.memory_space<hbm>>
          %dma_wait3A_175 = arith.constant 9984 : i32
          %dma_wait3A_176 = arith.constant 0 : i32
          %dma_wait3A_177 = tpu.memref_slice %arg17[%dma_wait3A_175, %dma_wait3A_176] : memref<10016x64xf32, #tpu.memory_space<vmem_shared>> -> memref<16x64xf32, #tpu.memory_space<vmem_shared>>
          tpu.wait_dma2 semaphore(%run_scoped3A : memref<!tpu.dma_semaphore, #tpu.memory_space<semaphore_mem>>) src(%dma_wait3A_177 : memref<16x64xf32, #tpu.memory_space<vmem_shared>>) dst(%dma_wait3A_174 : memref<16x64xf32, #tpu.memory_space<hbm>>)
          tpu.yield
        }) : () -> ()
      } else {
      }
    } else {
    }
    return
  }
}

#map = affine_map<(d0, d1) -> (0, 0)>
module attributes {stable_mosaic.version = 14 : i64} {
  func.func @_sc_agg_body(%arg0: i32, %arg1: i32, %arg2: memref<10000x64xf32, #tpu.memory_space<hbm>>, %arg3: memref<10000x64xf32, #tpu.memory_space<hbm>>, %arg4: memref<10000x64xf32, #tpu.memory_space<hbm>>, %arg5: memref<10000x64xf32, #tpu.memory_space<hbm>>, %arg6: memref<1280x128xi32, #tpu.memory_space<hbm>>, %arg7: memref<1280x128xi32, #tpu.memory_space<hbm>>, %arg8: memref<10000x64xf32, #tpu.memory_space<hbm>>, %arg9: memref<10000x64xf32, #tpu.memory_space<hbm>>, %arg10: memref<10000x64xf32, #tpu.memory_space<hbm>>, %arg11: memref<10000x64xf32, #tpu.memory_space<hbm>>, %arg12: memref<80x128xi32, #tpu.memory_space<vmem>>, %arg13: memref<80x128xi32, #tpu.memory_space<vmem>>, %arg14: memref<128x64xf32, #tpu.memory_space<vmem>>, %arg15: memref<128x64xf32, #tpu.memory_space<vmem>>, %arg16: memref<10000x64xf32, #tpu.memory_space<vmem_shared>>, %arg17: memref<10016x64xf32, #tpu.memory_space<vmem_shared>>, %arg18: memref<!tpu.dma_semaphore, #tpu.memory_space<semaphore_mem>>, %arg19: memref<!tpu.dma_semaphore, #tpu.memory_space<semaphore_mem>>, %arg20: memref<!tpu.dma_semaphore, #tpu.memory_space<semaphore_mem>>, %arg21: memref<!tpu.dma_semaphore, #tpu.memory_space<semaphore_mem>>) attributes {dimension_semantics = [#tpu.dimension_semantics<core_parallel>, #tpu.dimension_semantics<subcore_parallel>], iteration_bounds = array<i64: 2, 16>, scalar_prefetch = 0 : i64, scratch_operands = 10 : i64, tpu.core_type = #tpu.core_type<sc_vector_subcore>, window_params = [{transform_indices = #map}, {transform_indices = #map}, {transform_indices = #map}, {transform_indices = #map}, {transform_indices = #map}, {transform_indices = #map}, {transform_indices = #map}, {transform_indices = #map}, {transform_indices = #map}, {transform_indices = #map}]} {
    %eq3A = arith.constant 0 : i32
    %eq3A_0 = arith.cmpi eq, %arg0, %eq3A : i32
    %convert_element_type3A = arith.extui %eq3A_0 : i1 to i32
    %cond3A = arith.constant 0 : i32
    %cond3A_1 = arith.cmpi ne, %convert_element_type3A, %cond3A : i32
    scf.if %cond3A_1 {
      %mul3A = arith.constant 624 : i32
      %mul3A_7 = arith.muli %arg1, %mul3A : i32
      %mul3A_8 = arith.constant 624 : i32
      %mul3A_9 = arith.muli %arg1, %mul3A_8 : i32
      %dma_start3A = arith.constant 0 : i32
      %dma_start3A_10 = tpu.memref_slice %arg16[%mul3A_9, %dma_start3A] : memref<10000x64xf32, #tpu.memory_space<vmem_shared>> -> memref<624x64xf32, #tpu.memory_space<vmem_shared>>
      %dma_start3A_11 = arith.constant 0 : i32
      %dma_start3A_12 = tpu.memref_slice %arg2[%mul3A_7, %dma_start3A_11] : memref<10000x64xf32, #tpu.memory_space<hbm>> -> memref<624x64xf32, #tpu.memory_space<hbm>>
      tpu.enqueue_dma source(%dma_start3A_12 : memref<624x64xf32, #tpu.memory_space<hbm>>) target(%dma_start3A_10 : memref<624x64xf32, #tpu.memory_space<vmem_shared>>) target_semaphore(%arg18 : memref<!tpu.dma_semaphore, #tpu.memory_space<semaphore_mem>>)
      %mul3A_13 = arith.constant 624 : i32
      %mul3A_14 = arith.muli %arg1, %mul3A_13 : i32
      %mul3A_15 = arith.constant 624 : i32
      %mul3A_16 = arith.muli %arg1, %mul3A_15 : i32
      %dma_start3A_17 = arith.constant 0 : i32
      %dma_start3A_18 = tpu.memref_slice %arg17[%mul3A_16, %dma_start3A_17] : memref<10016x64xf32, #tpu.memory_space<vmem_shared>> -> memref<624x64xf32, #tpu.memory_space<vmem_shared>>
      %dma_start3A_19 = arith.constant 0 : i32
      %dma_start3A_20 = tpu.memref_slice %arg2[%mul3A_14, %dma_start3A_19] : memref<10000x64xf32, #tpu.memory_space<hbm>> -> memref<624x64xf32, #tpu.memory_space<hbm>>
      tpu.enqueue_dma source(%dma_start3A_20 : memref<624x64xf32, #tpu.memory_space<hbm>>) target(%dma_start3A_18 : memref<624x64xf32, #tpu.memory_space<vmem_shared>>) target_semaphore(%arg19 : memref<!tpu.dma_semaphore, #tpu.memory_space<semaphore_mem>>)
      %mul3A_21 = arith.constant 80 : i32
      %mul3A_22 = arith.muli %arg1, %mul3A_21 : i32
      %dma_start3A_23 = arith.constant 0 : i32
      %dma_start3A_24 = tpu.memref_slice %arg6[%mul3A_22, %dma_start3A_23] : memref<1280x128xi32, #tpu.memory_space<hbm>> -> memref<80x128xi32, #tpu.memory_space<hbm>>
      %dma_start3A_25 = arith.constant 0 : i32
      %dma_start3A_26 = tpu.memref_slice %arg6[%mul3A_22, %dma_start3A_25] : memref<1280x128xi32, #tpu.memory_space<hbm>> -> memref<80x128xi32, #tpu.memory_space<hbm>>
      tpu.enqueue_dma source(%dma_start3A_26 : memref<80x128xi32, #tpu.memory_space<hbm>>) target(%arg12 : memref<80x128xi32, #tpu.memory_space<vmem>>) target_semaphore(%arg20 : memref<!tpu.dma_semaphore, #tpu.memory_space<semaphore_mem>>)
      %mul3A_27 = arith.constant 80 : i32
      %mul3A_28 = arith.muli %arg1, %mul3A_27 : i32
      %dma_start3A_29 = arith.constant 0 : i32
      %dma_start3A_30 = tpu.memref_slice %arg7[%mul3A_28, %dma_start3A_29] : memref<1280x128xi32, #tpu.memory_space<hbm>> -> memref<80x128xi32, #tpu.memory_space<hbm>>
      %dma_start3A_31 = arith.constant 0 : i32
      %dma_start3A_32 = tpu.memref_slice %arg7[%mul3A_28, %dma_start3A_31] : memref<1280x128xi32, #tpu.memory_space<hbm>> -> memref<80x128xi32, #tpu.memory_space<hbm>>
      tpu.enqueue_dma source(%dma_start3A_32 : memref<80x128xi32, #tpu.memory_space<hbm>>) target(%arg13 : memref<80x128xi32, #tpu.memory_space<vmem>>) target_semaphore(%arg21 : memref<!tpu.dma_semaphore, #tpu.memory_space<semaphore_mem>>)
      %eq3A_33 = arith.constant 15 : i32
      %eq3A_34 = arith.cmpi eq, %arg1, %eq3A_33 : i32
      %convert_element_type3A_35 = arith.extui %eq3A_34 : i1 to i32
      %cond3A_36 = arith.constant 0 : i32
      %cond3A_37 = arith.cmpi ne, %convert_element_type3A_35, %cond3A_36 : i32
      scf.if %cond3A_37 {
        "tpu.region"() ({
          %run_scoped3A = tpu.sem_alloc : memref<!tpu.dma_semaphore, #tpu.memory_space<semaphore_mem>>
          %dma_start3A_166 = arith.constant 9984 : i32
          %dma_start3A_167 = arith.constant 0 : i32
          %dma_start3A_168 = tpu.memref_slice %arg16[%dma_start3A_166, %dma_start3A_167] : memref<10000x64xf32, #tpu.memory_space<vmem_shared>> -> memref<16x64xf32, #tpu.memory_space<vmem_shared>>
          %dma_start3A_169 = arith.constant 9984 : i32
          %dma_start3A_170 = arith.constant 0 : i32
          %dma_start3A_171 = tpu.memref_slice %arg2[%dma_start3A_169, %dma_start3A_170] : memref<10000x64xf32, #tpu.memory_space<hbm>> -> memref<16x64xf32, #tpu.memory_space<hbm>>
          tpu.enqueue_dma source(%dma_start3A_171 : memref<16x64xf32, #tpu.memory_space<hbm>>) target(%dma_start3A_168 : memref<16x64xf32, #tpu.memory_space<vmem_shared>>) target_semaphore(%run_scoped3A : memref<!tpu.dma_semaphore, #tpu.memory_space<semaphore_mem>>)
          %dma_wait3A_172 = arith.constant 9984 : i32
          %dma_wait3A_173 = arith.constant 0 : i32
          %dma_wait3A_174 = tpu.memref_slice %arg16[%dma_wait3A_172, %dma_wait3A_173] : memref<10000x64xf32, #tpu.memory_space<vmem_shared>> -> memref<16x64xf32, #tpu.memory_space<vmem_shared>>
          %dma_wait3A_175 = arith.constant 9984 : i32
          %dma_wait3A_176 = arith.constant 0 : i32
          %dma_wait3A_177 = tpu.memref_slice %arg2[%dma_wait3A_175, %dma_wait3A_176] : memref<10000x64xf32, #tpu.memory_space<hbm>> -> memref<16x64xf32, #tpu.memory_space<hbm>>
          tpu.wait_dma2 semaphore(%run_scoped3A : memref<!tpu.dma_semaphore, #tpu.memory_space<semaphore_mem>>) src(%dma_wait3A_177 : memref<16x64xf32, #tpu.memory_space<hbm>>) dst(%dma_wait3A_174 : memref<16x64xf32, #tpu.memory_space<vmem_shared>>)
          tpu.yield
        }) : () -> ()
        "tpu.region"() ({
          %run_scoped3A = tpu.sem_alloc : memref<!tpu.dma_semaphore, #tpu.memory_space<semaphore_mem>>
          %dma_start3A_166 = arith.constant 9984 : i32
          %dma_start3A_167 = arith.constant 0 : i32
          %dma_start3A_168 = tpu.memref_slice %arg17[%dma_start3A_166, %dma_start3A_167] : memref<10016x64xf32, #tpu.memory_space<vmem_shared>> -> memref<16x64xf32, #tpu.memory_space<vmem_shared>>
          %dma_start3A_169 = arith.constant 9984 : i32
          %dma_start3A_170 = arith.constant 0 : i32
          %dma_start3A_171 = tpu.memref_slice %arg2[%dma_start3A_169, %dma_start3A_170] : memref<10000x64xf32, #tpu.memory_space<hbm>> -> memref<16x64xf32, #tpu.memory_space<hbm>>
          tpu.enqueue_dma source(%dma_start3A_171 : memref<16x64xf32, #tpu.memory_space<hbm>>) target(%dma_start3A_168 : memref<16x64xf32, #tpu.memory_space<vmem_shared>>) target_semaphore(%run_scoped3A : memref<!tpu.dma_semaphore, #tpu.memory_space<semaphore_mem>>)
          %dma_wait3A_172 = arith.constant 9984 : i32
          %dma_wait3A_173 = arith.constant 0 : i32
          %dma_wait3A_174 = tpu.memref_slice %arg17[%dma_wait3A_172, %dma_wait3A_173] : memref<10016x64xf32, #tpu.memory_space<vmem_shared>> -> memref<16x64xf32, #tpu.memory_space<vmem_shared>>
          %dma_wait3A_175 = arith.constant 9984 : i32
          %dma_wait3A_176 = arith.constant 0 : i32
          %dma_wait3A_177 = tpu.memref_slice %arg2[%dma_wait3A_175, %dma_wait3A_176] : memref<10000x64xf32, #tpu.memory_space<hbm>> -> memref<16x64xf32, #tpu.memory_space<hbm>>
          tpu.wait_dma2 semaphore(%run_scoped3A : memref<!tpu.dma_semaphore, #tpu.memory_space<semaphore_mem>>) src(%dma_wait3A_177 : memref<16x64xf32, #tpu.memory_space<hbm>>) dst(%dma_wait3A_174 : memref<16x64xf32, #tpu.memory_space<vmem_shared>>)
          tpu.yield
        }) : () -> ()
        "tpu.region"() ({
          %run_scoped3A = tpu.sem_alloc : memref<!tpu.dma_semaphore, #tpu.memory_space<semaphore_mem>>
          %dma_start3A_166 = arith.constant 10000 : i32
          %dma_start3A_167 = arith.constant 0 : i32
          %dma_start3A_168 = tpu.memref_slice %arg17[%dma_start3A_166, %dma_start3A_167] : memref<10016x64xf32, #tpu.memory_space<vmem_shared>> -> memref<16x64xf32, #tpu.memory_space<vmem_shared>>
          %dma_start3A_169 = arith.constant 0 : i32
          %dma_start3A_170 = arith.constant 0 : i32
          %dma_start3A_171 = tpu.memref_slice %arg2[%dma_start3A_169, %dma_start3A_170] : memref<10000x64xf32, #tpu.memory_space<hbm>> -> memref<16x64xf32, #tpu.memory_space<hbm>>
          tpu.enqueue_dma source(%dma_start3A_171 : memref<16x64xf32, #tpu.memory_space<hbm>>) target(%dma_start3A_168 : memref<16x64xf32, #tpu.memory_space<vmem_shared>>) target_semaphore(%run_scoped3A : memref<!tpu.dma_semaphore, #tpu.memory_space<semaphore_mem>>)
          %dma_wait3A_172 = arith.constant 10000 : i32
          %dma_wait3A_173 = arith.constant 0 : i32
          %dma_wait3A_174 = tpu.memref_slice %arg17[%dma_wait3A_172, %dma_wait3A_173] : memref<10016x64xf32, #tpu.memory_space<vmem_shared>> -> memref<16x64xf32, #tpu.memory_space<vmem_shared>>
          %dma_wait3A_175 = arith.constant 0 : i32
          %dma_wait3A_176 = arith.constant 0 : i32
          %dma_wait3A_177 = tpu.memref_slice %arg2[%dma_wait3A_175, %dma_wait3A_176] : memref<10000x64xf32, #tpu.memory_space<hbm>> -> memref<16x64xf32, #tpu.memory_space<hbm>>
          tpu.wait_dma2 semaphore(%run_scoped3A : memref<!tpu.dma_semaphore, #tpu.memory_space<semaphore_mem>>) src(%dma_wait3A_177 : memref<16x64xf32, #tpu.memory_space<hbm>>) dst(%dma_wait3A_174 : memref<16x64xf32, #tpu.memory_space<vmem_shared>>)
          tpu.yield
        }) : () -> ()
      } else {
      }
      %dma_wait3A = arith.constant 0 : i32
      %dma_wait3A_38 = tpu.memref_slice %arg16[%mul3A_9, %dma_wait3A] : memref<10000x64xf32, #tpu.memory_space<vmem_shared>> -> memref<624x64xf32, #tpu.memory_space<vmem_shared>>
      %dma_wait3A_39 = arith.constant 0 : i32
      %dma_wait3A_40 = tpu.memref_slice %arg2[%mul3A_7, %dma_wait3A_39] : memref<10000x64xf32, #tpu.memory_space<hbm>> -> memref<624x64xf32, #tpu.memory_space<hbm>>
      tpu.wait_dma2 semaphore(%arg18 : memref<!tpu.dma_semaphore, #tpu.memory_space<semaphore_mem>>) src(%dma_wait3A_40 : memref<624x64xf32, #tpu.memory_space<hbm>>) dst(%dma_wait3A_38 : memref<624x64xf32, #tpu.memory_space<vmem_shared>>)
      %dma_wait3A_41 = arith.constant 0 : i32
      %dma_wait3A_42 = tpu.memref_slice %arg17[%mul3A_16, %dma_wait3A_41] : memref<10016x64xf32, #tpu.memory_space<vmem_shared>> -> memref<624x64xf32, #tpu.memory_space<vmem_shared>>
      %dma_wait3A_43 = arith.constant 0 : i32
      %dma_wait3A_44 = tpu.memref_slice %arg2[%mul3A_14, %dma_wait3A_43] : memref<10000x64xf32, #tpu.memory_space<hbm>> -> memref<624x64xf32, #tpu.memory_space<hbm>>
      tpu.wait_dma2 semaphore(%arg19 : memref<!tpu.dma_semaphore, #tpu.memory_space<semaphore_mem>>) src(%dma_wait3A_44 : memref<624x64xf32, #tpu.memory_space<hbm>>) dst(%dma_wait3A_42 : memref<624x64xf32, #tpu.memory_space<vmem_shared>>)
      %dma_wait3A_45 = arith.constant 0 : i32
      %dma_wait3A_46 = tpu.memref_slice %arg6[%mul3A_22, %dma_wait3A_45] : memref<1280x128xi32, #tpu.memory_space<hbm>> -> memref<80x128xi32, #tpu.memory_space<hbm>>
      %dma_wait3A_47 = arith.constant 0 : i32
      %dma_wait3A_48 = tpu.memref_slice %arg6[%mul3A_22, %dma_wait3A_47] : memref<1280x128xi32, #tpu.memory_space<hbm>> -> memref<80x128xi32, #tpu.memory_space<hbm>>
      tpu.wait_dma2 semaphore(%arg20 : memref<!tpu.dma_semaphore, #tpu.memory_space<semaphore_mem>>) src(%dma_wait3A_48 : memref<80x128xi32, #tpu.memory_space<hbm>>) dst(%arg12 : memref<80x128xi32, #tpu.memory_space<vmem>>)
      %dma_wait3A_49 = arith.constant 0 : i32
      %dma_wait3A_50 = tpu.memref_slice %arg7[%mul3A_28, %dma_wait3A_49] : memref<1280x128xi32, #tpu.memory_space<hbm>> -> memref<80x128xi32, #tpu.memory_space<hbm>>
      %dma_wait3A_51 = arith.constant 0 : i32
      %dma_wait3A_52 = tpu.memref_slice %arg7[%mul3A_28, %dma_wait3A_51] : memref<1280x128xi32, #tpu.memory_space<hbm>> -> memref<80x128xi32, #tpu.memory_space<hbm>>
      tpu.wait_dma2 semaphore(%arg21 : memref<!tpu.dma_semaphore, #tpu.memory_space<semaphore_mem>>) src(%dma_wait3A_52 : memref<80x128xi32, #tpu.memory_space<hbm>>) dst(%arg13 : memref<80x128xi32, #tpu.memory_space<vmem>>)
      %barrier3A = arith.constant 0 : index
      tpu.barrier barrier_id(%barrier3A)
      %dma_start3A_53 = arith.constant 0 : i32
      %dma_start3A_54 = arith.constant 0 : i32
      %dma_start3A_55 = tpu.memref_slice %arg12[%dma_start3A_53, %dma_start3A_54] : memref<80x128xi32, #tpu.memory_space<vmem>> -> memref<1x128xi32, #tpu.memory_space<vmem>>
      %dma_start3A_56 = tpu.memref_squeeze %dma_start3A_55 : memref<1x128xi32, #tpu.memory_space<vmem>> -> memref<128xi32, #tpu.memory_space<vmem>>
      %dma_start3A_57 = arith.constant 0 : i32
      %dma_start3A_58 = arith.constant 0 : i32
      %dma_start3A_59 = tpu.memref_slice %arg16[%dma_start3A_57, %dma_start3A_58] : memref<10000x64xf32, #tpu.memory_space<vmem_shared>> -> memref<10000x64xf32, #tpu.memory_space<vmem_shared>>
      tpu.enqueue_indirect_dma source(%dma_start3A_59 : memref<10000x64xf32, #tpu.memory_space<vmem_shared>>) target(%arg14 : memref<128x64xf32, #tpu.memory_space<vmem>>) offsets(%dma_start3A_56 : memref<128xi32, #tpu.memory_space<vmem>>) semaphore(%arg18 : memref<!tpu.dma_semaphore, #tpu.memory_space<semaphore_mem>>)
      %dma_start3A_60 = arith.constant 1 : i32
      %dma_start3A_61 = arith.constant 0 : i32
      %dma_start3A_62 = tpu.memref_slice %arg12[%dma_start3A_60, %dma_start3A_61] : memref<80x128xi32, #tpu.memory_space<vmem>> -> memref<1x128xi32, #tpu.memory_space<vmem>>
      %dma_start3A_63 = tpu.memref_squeeze %dma_start3A_62 : memref<1x128xi32, #tpu.memory_space<vmem>> -> memref<128xi32, #tpu.memory_space<vmem>>
      %dma_start3A_64 = arith.constant 0 : i32
      %dma_start3A_65 = arith.constant 0 : i32
      %dma_start3A_66 = tpu.memref_slice %arg16[%dma_start3A_64, %dma_start3A_65] : memref<10000x64xf32, #tpu.memory_space<vmem_shared>> -> memref<10000x64xf32, #tpu.memory_space<vmem_shared>>
      tpu.enqueue_indirect_dma source(%dma_start3A_66 : memref<10000x64xf32, #tpu.memory_space<vmem_shared>>) target(%arg15 : memref<128x64xf32, #tpu.memory_space<vmem>>) offsets(%dma_start3A_63 : memref<128xi32, #tpu.memory_space<vmem>>) semaphore(%arg19 : memref<!tpu.dma_semaphore, #tpu.memory_space<semaphore_mem>>)
      %scan3A = arith.constant 0 : i32
      %scan3A_67 = arith.constant 0 : i32
      %scan3A_68 = arith.constant 40 : i32
      %scan3A_69 = arith.addi %scan3A_67, %scan3A_68 : i32
      %scan3A_70 = arith.constant 1 : i32
      scf.for %scan3A_166 = %scan3A_67 to %scan3A_69 step %scan3A_70  : i32 {
        %mul3A_167 = arith.constant 2 : i32
        %mul3A_168 = arith.muli %mul3A_167, %scan3A_166 : i32
        %add3A = arith.constant 1 : i32
        %add3A_169 = arith.addi %mul3A_168, %add3A : i32
        %dma_wait3A_170 = arith.constant 0 : i32
        %dma_wait3A_171 = tpu.memref_slice %arg12[%mul3A_168, %dma_wait3A_170] : memref<80x128xi32, #tpu.memory_space<vmem>> -> memref<1x128xi32, #tpu.memory_space<vmem>>
        %dma_wait3A_172 = tpu.memref_squeeze %dma_wait3A_171 : memref<1x128xi32, #tpu.memory_space<vmem>> -> memref<128xi32, #tpu.memory_space<vmem>>
        %dma_wait3A_173 = arith.constant 0 : i32
        %dma_wait3A_174 = arith.constant 0 : i32
        %dma_wait3A_175 = tpu.memref_slice %arg16[%dma_wait3A_173, %dma_wait3A_174] : memref<10000x64xf32, #tpu.memory_space<vmem_shared>> -> memref<10000x64xf32, #tpu.memory_space<vmem_shared>>
        tpu.wait_indirect_dma semaphore(%arg18 : memref<!tpu.dma_semaphore, #tpu.memory_space<semaphore_mem>>) src(%dma_wait3A_175 : memref<10000x64xf32, #tpu.memory_space<vmem_shared>>) dst(%arg14 : memref<128x64xf32, #tpu.memory_space<vmem>>)
        %dma_start3A_176 = arith.constant 0 : i32
        %dma_start3A_177 = tpu.memref_slice %arg13[%mul3A_168, %dma_start3A_176] : memref<80x128xi32, #tpu.memory_space<vmem>> -> memref<1x128xi32, #tpu.memory_space<vmem>>
        %dma_start3A_178 = tpu.memref_squeeze %dma_start3A_177 : memref<1x128xi32, #tpu.memory_space<vmem>> -> memref<128xi32, #tpu.memory_space<vmem>>
        %dma_start3A_179 = arith.constant 0 : i32
        %dma_start3A_180 = arith.constant 0 : i32
        %dma_start3A_181 = tpu.memref_slice %arg17[%dma_start3A_179, %dma_start3A_180] : memref<10016x64xf32, #tpu.memory_space<vmem_shared>> -> memref<10016x64xf32, #tpu.memory_space<vmem_shared>>
        tpu.enqueue_indirect_dma source(%arg14 : memref<128x64xf32, #tpu.memory_space<vmem>>) target(%dma_start3A_181 : memref<10016x64xf32, #tpu.memory_space<vmem_shared>>) offsets(%dma_start3A_178 : memref<128xi32, #tpu.memory_space<vmem>>) semaphore(%arg20 : memref<!tpu.dma_semaphore, #tpu.memory_space<semaphore_mem>>) {add = true}
        %dma_wait3A_182 = arith.constant 0 : i32
        %dma_wait3A_183 = tpu.memref_slice %arg13[%mul3A_168, %dma_wait3A_182] : memref<80x128xi32, #tpu.memory_space<vmem>> -> memref<1x128xi32, #tpu.memory_space<vmem>>
        %dma_wait3A_184 = tpu.memref_squeeze %dma_wait3A_183 : memref<1x128xi32, #tpu.memory_space<vmem>> -> memref<128xi32, #tpu.memory_space<vmem>>
        %dma_wait3A_185 = arith.constant 0 : i32
        %dma_wait3A_186 = arith.constant 0 : i32
        %dma_wait3A_187 = tpu.memref_slice %arg17[%dma_wait3A_185, %dma_wait3A_186] : memref<10016x64xf32, #tpu.memory_space<vmem_shared>> -> memref<10016x64xf32, #tpu.memory_space<vmem_shared>>
        tpu.wait_indirect_dma semaphore(%arg20 : memref<!tpu.dma_semaphore, #tpu.memory_space<semaphore_mem>>) src(%arg14 : memref<128x64xf32, #tpu.memory_space<vmem>>) dst(%dma_wait3A_187 : memref<10016x64xf32, #tpu.memory_space<vmem_shared>>)
        %add3A_188 = arith.constant 2 : i32
        %add3A_189 = arith.addi %mul3A_168, %add3A_188 : i32
        %lt3A = arith.constant 80 : i32
        %lt3A_190 = arith.cmpi slt, %add3A_189, %lt3A : i32
        %convert_element_type3A_191 = arith.extui %lt3A_190 : i1 to i32
        %cond3A_192 = arith.constant 0 : i32
        %cond3A_193 = arith.cmpi ne, %convert_element_type3A_191, %cond3A_192 : i32
        scf.if %cond3A_193 {
          %add3A_219 = arith.constant 2 : i32
          %add3A_220 = arith.addi %mul3A_168, %add3A_219 : i32
          %dma_start3A_221 = arith.constant 0 : i32
          %dma_start3A_222 = tpu.memref_slice %arg12[%add3A_220, %dma_start3A_221] : memref<80x128xi32, #tpu.memory_space<vmem>> -> memref<1x128xi32, #tpu.memory_space<vmem>>
          %dma_start3A_223 = tpu.memref_squeeze %dma_start3A_222 : memref<1x128xi32, #tpu.memory_space<vmem>> -> memref<128xi32, #tpu.memory_space<vmem>>
          %dma_start3A_224 = arith.constant 0 : i32
          %dma_start3A_225 = arith.constant 0 : i32
          %dma_start3A_226 = tpu.memref_slice %arg16[%dma_start3A_224, %dma_start3A_225] : memref<10000x64xf32, #tpu.memory_space<vmem_shared>> -> memref<10000x64xf32, #tpu.memory_space<vmem_shared>>
          tpu.enqueue_indirect_dma source(%dma_start3A_226 : memref<10000x64xf32, #tpu.memory_space<vmem_shared>>) target(%arg14 : memref<128x64xf32, #tpu.memory_space<vmem>>) offsets(%dma_start3A_223 : memref<128xi32, #tpu.memory_space<vmem>>) semaphore(%arg18 : memref<!tpu.dma_semaphore, #tpu.memory_space<semaphore_mem>>)
        } else {
        }
        %dma_wait3A_194 = arith.constant 0 : i32
        %dma_wait3A_195 = tpu.memref_slice %arg12[%add3A_169, %dma_wait3A_194] : memref<80x128xi32, #tpu.memory_space<vmem>> -> memref<1x128xi32, #tpu.memory_space<vmem>>
        %dma_wait3A_196 = tpu.memref_squeeze %dma_wait3A_195 : memref<1x128xi32, #tpu.memory_space<vmem>> -> memref<128xi32, #tpu.memory_space<vmem>>
        %dma_wait3A_197 = arith.constant 0 : i32
        %dma_wait3A_198 = arith.constant 0 : i32
        %dma_wait3A_199 = tpu.memref_slice %arg16[%dma_wait3A_197, %dma_wait3A_198] : memref<10000x64xf32, #tpu.memory_space<vmem_shared>> -> memref<10000x64xf32, #tpu.memory_space<vmem_shared>>
        tpu.wait_indirect_dma semaphore(%arg19 : memref<!tpu.dma_semaphore, #tpu.memory_space<semaphore_mem>>) src(%dma_wait3A_199 : memref<10000x64xf32, #tpu.memory_space<vmem_shared>>) dst(%arg15 : memref<128x64xf32, #tpu.memory_space<vmem>>)
        %dma_start3A_200 = arith.constant 0 : i32
        %dma_start3A_201 = tpu.memref_slice %arg13[%add3A_169, %dma_start3A_200] : memref<80x128xi32, #tpu.memory_space<vmem>> -> memref<1x128xi32, #tpu.memory_space<vmem>>
        %dma_start3A_202 = tpu.memref_squeeze %dma_start3A_201 : memref<1x128xi32, #tpu.memory_space<vmem>> -> memref<128xi32, #tpu.memory_space<vmem>>
        %dma_start3A_203 = arith.constant 0 : i32
        %dma_start3A_204 = arith.constant 0 : i32
        %dma_start3A_205 = tpu.memref_slice %arg17[%dma_start3A_203, %dma_start3A_204] : memref<10016x64xf32, #tpu.memory_space<vmem_shared>> -> memref<10016x64xf32, #tpu.memory_space<vmem_shared>>
        tpu.enqueue_indirect_dma source(%arg15 : memref<128x64xf32, #tpu.memory_space<vmem>>) target(%dma_start3A_205 : memref<10016x64xf32, #tpu.memory_space<vmem_shared>>) offsets(%dma_start3A_202 : memref<128xi32, #tpu.memory_space<vmem>>) semaphore(%arg21 : memref<!tpu.dma_semaphore, #tpu.memory_space<semaphore_mem>>) {add = true}
        %dma_wait3A_206 = arith.constant 0 : i32
        %dma_wait3A_207 = tpu.memref_slice %arg13[%add3A_169, %dma_wait3A_206] : memref<80x128xi32, #tpu.memory_space<vmem>> -> memref<1x128xi32, #tpu.memory_space<vmem>>
        %dma_wait3A_208 = tpu.memref_squeeze %dma_wait3A_207 : memref<1x128xi32, #tpu.memory_space<vmem>> -> memref<128xi32, #tpu.memory_space<vmem>>
        %dma_wait3A_209 = arith.constant 0 : i32
        %dma_wait3A_210 = arith.constant 0 : i32
        %dma_wait3A_211 = tpu.memref_slice %arg17[%dma_wait3A_209, %dma_wait3A_210] : memref<10016x64xf32, #tpu.memory_space<vmem_shared>> -> memref<10016x64xf32, #tpu.memory_space<vmem_shared>>
        tpu.wait_indirect_dma semaphore(%arg21 : memref<!tpu.dma_semaphore, #tpu.memory_space<semaphore_mem>>) src(%arg15 : memref<128x64xf32, #tpu.memory_space<vmem>>) dst(%dma_wait3A_211 : memref<10016x64xf32, #tpu.memory_space<vmem_shared>>)
        %add3A_212 = arith.constant 2 : i32
        %add3A_213 = arith.addi %add3A_169, %add3A_212 : i32
        %lt3A_214 = arith.constant 80 : i32
        %lt3A_215 = arith.cmpi slt, %add3A_213, %lt3A_214 : i32
        %convert_element_type3A_216 = arith.extui %lt3A_215 : i1 to i32
        %cond3A_217 = arith.constant 0 : i32
        %cond3A_218 = arith.cmpi ne, %convert_element_type3A_216, %cond3A_217 : i32
        scf.if %cond3A_218 {
          %add3A_219 = arith.constant 2 : i32
          %add3A_220 = arith.addi %add3A_169, %add3A_219 : i32
          %dma_start3A_221 = arith.constant 0 : i32
          %dma_start3A_222 = tpu.memref_slice %arg12[%add3A_220, %dma_start3A_221] : memref<80x128xi32, #tpu.memory_space<vmem>> -> memref<1x128xi32, #tpu.memory_space<vmem>>
          %dma_start3A_223 = tpu.memref_squeeze %dma_start3A_222 : memref<1x128xi32, #tpu.memory_space<vmem>> -> memref<128xi32, #tpu.memory_space<vmem>>
          %dma_start3A_224 = arith.constant 0 : i32
          %dma_start3A_225 = arith.constant 0 : i32
          %dma_start3A_226 = tpu.memref_slice %arg16[%dma_start3A_224, %dma_start3A_225] : memref<10000x64xf32, #tpu.memory_space<vmem_shared>> -> memref<10000x64xf32, #tpu.memory_space<vmem_shared>>
          tpu.enqueue_indirect_dma source(%dma_start3A_226 : memref<10000x64xf32, #tpu.memory_space<vmem_shared>>) target(%arg15 : memref<128x64xf32, #tpu.memory_space<vmem>>) offsets(%dma_start3A_223 : memref<128xi32, #tpu.memory_space<vmem>>) semaphore(%arg19 : memref<!tpu.dma_semaphore, #tpu.memory_space<semaphore_mem>>)
        } else {
        }
      }
      %scan3A_71 = arith.constant 40 : i32
      %barrier3A_72 = arith.constant 0 : index
      tpu.barrier barrier_id(%barrier3A_72)
      %mul3A_73 = arith.constant 624 : i32
      %mul3A_74 = arith.muli %arg1, %mul3A_73 : i32
      %mul3A_75 = arith.constant 624 : i32
      %mul3A_76 = arith.muli %arg1, %mul3A_75 : i32
      %dma_start3A_77 = arith.constant 0 : i32
      %dma_start3A_78 = tpu.memref_slice %arg8[%mul3A_76, %dma_start3A_77] : memref<10000x64xf32, #tpu.memory_space<hbm>> -> memref<624x64xf32, #tpu.memory_space<hbm>>
      %dma_start3A_79 = arith.constant 0 : i32
      %dma_start3A_80 = tpu.memref_slice %arg17[%mul3A_74, %dma_start3A_79] : memref<10016x64xf32, #tpu.memory_space<vmem_shared>> -> memref<624x64xf32, #tpu.memory_space<vmem_shared>>
      tpu.enqueue_dma source(%dma_start3A_80 : memref<624x64xf32, #tpu.memory_space<vmem_shared>>) target(%dma_start3A_78 : memref<624x64xf32, #tpu.memory_space<hbm>>) target_semaphore(%arg21 : memref<!tpu.dma_semaphore, #tpu.memory_space<semaphore_mem>>)
      %eq3A_81 = arith.constant 15 : i32
      %eq3A_82 = arith.cmpi eq, %arg1, %eq3A_81 : i32
      %convert_element_type3A_83 = arith.extui %eq3A_82 : i1 to i32
      %cond3A_84 = arith.constant 0 : i32
      %cond3A_85 = arith.cmpi ne, %convert_element_type3A_83, %cond3A_84 : i32
      scf.if %cond3A_85 {
        "tpu.region"() ({
          %run_scoped3A = tpu.sem_alloc : memref<!tpu.dma_semaphore, #tpu.memory_space<semaphore_mem>>
          %dma_start3A_166 = arith.constant 9984 : i32
          %dma_start3A_167 = arith.constant 0 : i32
          %dma_start3A_168 = tpu.memref_slice %arg8[%dma_start3A_166, %dma_start3A_167] : memref<10000x64xf32, #tpu.memory_space<hbm>> -> memref<16x64xf32, #tpu.memory_space<hbm>>
          %dma_start3A_169 = arith.constant 9984 : i32
          %dma_start3A_170 = arith.constant 0 : i32
          %dma_start3A_171 = tpu.memref_slice %arg17[%dma_start3A_169, %dma_start3A_170] : memref<10016x64xf32, #tpu.memory_space<vmem_shared>> -> memref<16x64xf32, #tpu.memory_space<vmem_shared>>
          tpu.enqueue_dma source(%dma_start3A_171 : memref<16x64xf32, #tpu.memory_space<vmem_shared>>) target(%dma_start3A_168 : memref<16x64xf32, #tpu.memory_space<hbm>>) target_semaphore(%run_scoped3A : memref<!tpu.dma_semaphore, #tpu.memory_space<semaphore_mem>>)
          %dma_wait3A_172 = arith.constant 9984 : i32
          %dma_wait3A_173 = arith.constant 0 : i32
          %dma_wait3A_174 = tpu.memref_slice %arg8[%dma_wait3A_172, %dma_wait3A_173] : memref<10000x64xf32, #tpu.memory_space<hbm>> -> memref<16x64xf32, #tpu.memory_space<hbm>>
          %dma_wait3A_175 = arith.constant 9984 : i32
          %dma_wait3A_176 = arith.constant 0 : i32
          %dma_wait3A_177 = tpu.memref_slice %arg17[%dma_wait3A_175, %dma_wait3A_176] : memref<10016x64xf32, #tpu.memory_space<vmem_shared>> -> memref<16x64xf32, #tpu.memory_space<vmem_shared>>
          tpu.wait_dma2 semaphore(%run_scoped3A : memref<!tpu.dma_semaphore, #tpu.memory_space<semaphore_mem>>) src(%dma_wait3A_177 : memref<16x64xf32, #tpu.memory_space<vmem_shared>>) dst(%dma_wait3A_174 : memref<16x64xf32, #tpu.memory_space<hbm>>)
          tpu.yield
        }) : () -> ()
      } else {
      }
      %mul3A_86 = arith.constant 624 : i32
      %mul3A_87 = arith.muli %arg1, %mul3A_86 : i32
      %mul3A_88 = arith.constant 624 : i32
      %mul3A_89 = arith.muli %arg1, %mul3A_88 : i32
      %dma_start3A_90 = arith.constant 0 : i32
      %dma_start3A_91 = tpu.memref_slice %arg16[%mul3A_89, %dma_start3A_90] : memref<10000x64xf32, #tpu.memory_space<vmem_shared>> -> memref<624x64xf32, #tpu.memory_space<vmem_shared>>
      %dma_start3A_92 = arith.constant 0 : i32
      %dma_start3A_93 = tpu.memref_slice %arg3[%mul3A_87, %dma_start3A_92] : memref<10000x64xf32, #tpu.memory_space<hbm>> -> memref<624x64xf32, #tpu.memory_space<hbm>>
      tpu.enqueue_dma source(%dma_start3A_93 : memref<624x64xf32, #tpu.memory_space<hbm>>) target(%dma_start3A_91 : memref<624x64xf32, #tpu.memory_space<vmem_shared>>) target_semaphore(%arg18 : memref<!tpu.dma_semaphore, #tpu.memory_space<semaphore_mem>>)
      %mul3A_94 = arith.constant 624 : i32
      %mul3A_95 = arith.muli %arg1, %mul3A_94 : i32
      %mul3A_96 = arith.constant 624 : i32
      %mul3A_97 = arith.muli %arg1, %mul3A_96 : i32
      %dma_wait3A_98 = arith.constant 0 : i32
      %dma_wait3A_99 = tpu.memref_slice %arg8[%mul3A_97, %dma_wait3A_98] : memref<10000x64xf32, #tpu.memory_space<hbm>> -> memref<624x64xf32, #tpu.memory_space<hbm>>
      %dma_wait3A_100 = arith.constant 0 : i32
      %dma_wait3A_101 = tpu.memref_slice %arg17[%mul3A_95, %dma_wait3A_100] : memref<10016x64xf32, #tpu.memory_space<vmem_shared>> -> memref<624x64xf32, #tpu.memory_space<vmem_shared>>
      tpu.wait_dma2 semaphore(%arg21 : memref<!tpu.dma_semaphore, #tpu.memory_space<semaphore_mem>>) src(%dma_wait3A_101 : memref<624x64xf32, #tpu.memory_space<vmem_shared>>) dst(%dma_wait3A_99 : memref<624x64xf32, #tpu.memory_space<hbm>>)
      %mul3A_102 = arith.constant 624 : i32
      %mul3A_103 = arith.muli %arg1, %mul3A_102 : i32
      %mul3A_104 = arith.constant 624 : i32
      %mul3A_105 = arith.muli %arg1, %mul3A_104 : i32
      %dma_start3A_106 = arith.constant 0 : i32
      %dma_start3A_107 = tpu.memref_slice %arg17[%mul3A_105, %dma_start3A_106] : memref<10016x64xf32, #tpu.memory_space<vmem_shared>> -> memref<624x64xf32, #tpu.memory_space<vmem_shared>>
      %dma_start3A_108 = arith.constant 0 : i32
      %dma_start3A_109 = tpu.memref_slice %arg3[%mul3A_103, %dma_start3A_108] : memref<10000x64xf32, #tpu.memory_space<hbm>> -> memref<624x64xf32, #tpu.memory_space<hbm>>
      tpu.enqueue_dma source(%dma_start3A_109 : memref<624x64xf32, #tpu.memory_space<hbm>>) target(%dma_start3A_107 : memref<624x64xf32, #tpu.memory_space<vmem_shared>>) target_semaphore(%arg19 : memref<!tpu.dma_semaphore, #tpu.memory_space<semaphore_mem>>)
      %eq3A_110 = arith.constant 15 : i32
      %eq3A_111 = arith.cmpi eq, %arg1, %eq3A_110 : i32
      %convert_element_type3A_112 = arith.extui %eq3A_111 : i1 to i32
      %cond3A_113 = arith.constant 0 : i32
      %cond3A_114 = arith.cmpi ne, %convert_element_type3A_112, %cond3A_113 : i32
      scf.if %cond3A_114 {
        "tpu.region"() ({
          %run_scoped3A = tpu.sem_alloc : memref<!tpu.dma_semaphore, #tpu.memory_space<semaphore_mem>>
          %dma_start3A_166 = arith.constant 9984 : i32
          %dma_start3A_167 = arith.constant 0 : i32
          %dma_start3A_168 = tpu.memref_slice %arg16[%dma_start3A_166, %dma_start3A_167] : memref<10000x64xf32, #tpu.memory_space<vmem_shared>> -> memref<16x64xf32, #tpu.memory_space<vmem_shared>>
          %dma_start3A_169 = arith.constant 9984 : i32
          %dma_start3A_170 = arith.constant 0 : i32
          %dma_start3A_171 = tpu.memref_slice %arg3[%dma_start3A_169, %dma_start3A_170] : memref<10000x64xf32, #tpu.memory_space<hbm>> -> memref<16x64xf32, #tpu.memory_space<hbm>>
          tpu.enqueue_dma source(%dma_start3A_171 : memref<16x64xf32, #tpu.memory_space<hbm>>) target(%dma_start3A_168 : memref<16x64xf32, #tpu.memory_space<vmem_shared>>) target_semaphore(%run_scoped3A : memref<!tpu.dma_semaphore, #tpu.memory_space<semaphore_mem>>)
          %dma_wait3A_172 = arith.constant 9984 : i32
          %dma_wait3A_173 = arith.constant 0 : i32
          %dma_wait3A_174 = tpu.memref_slice %arg16[%dma_wait3A_172, %dma_wait3A_173] : memref<10000x64xf32, #tpu.memory_space<vmem_shared>> -> memref<16x64xf32, #tpu.memory_space<vmem_shared>>
          %dma_wait3A_175 = arith.constant 9984 : i32
          %dma_wait3A_176 = arith.constant 0 : i32
          %dma_wait3A_177 = tpu.memref_slice %arg3[%dma_wait3A_175, %dma_wait3A_176] : memref<10000x64xf32, #tpu.memory_space<hbm>> -> memref<16x64xf32, #tpu.memory_space<hbm>>
          tpu.wait_dma2 semaphore(%run_scoped3A : memref<!tpu.dma_semaphore, #tpu.memory_space<semaphore_mem>>) src(%dma_wait3A_177 : memref<16x64xf32, #tpu.memory_space<hbm>>) dst(%dma_wait3A_174 : memref<16x64xf32, #tpu.memory_space<vmem_shared>>)
          tpu.yield
        }) : () -> ()
        "tpu.region"() ({
          %run_scoped3A = tpu.sem_alloc : memref<!tpu.dma_semaphore, #tpu.memory_space<semaphore_mem>>
          %dma_start3A_166 = arith.constant 9984 : i32
          %dma_start3A_167 = arith.constant 0 : i32
          %dma_start3A_168 = tpu.memref_slice %arg17[%dma_start3A_166, %dma_start3A_167] : memref<10016x64xf32, #tpu.memory_space<vmem_shared>> -> memref<16x64xf32, #tpu.memory_space<vmem_shared>>
          %dma_start3A_169 = arith.constant 9984 : i32
          %dma_start3A_170 = arith.constant 0 : i32
          %dma_start3A_171 = tpu.memref_slice %arg3[%dma_start3A_169, %dma_start3A_170] : memref<10000x64xf32, #tpu.memory_space<hbm>> -> memref<16x64xf32, #tpu.memory_space<hbm>>
          tpu.enqueue_dma source(%dma_start3A_171 : memref<16x64xf32, #tpu.memory_space<hbm>>) target(%dma_start3A_168 : memref<16x64xf32, #tpu.memory_space<vmem_shared>>) target_semaphore(%run_scoped3A : memref<!tpu.dma_semaphore, #tpu.memory_space<semaphore_mem>>)
          %dma_wait3A_172 = arith.constant 9984 : i32
          %dma_wait3A_173 = arith.constant 0 : i32
          %dma_wait3A_174 = tpu.memref_slice %arg17[%dma_wait3A_172, %dma_wait3A_173] : memref<10016x64xf32, #tpu.memory_space<vmem_shared>> -> memref<16x64xf32, #tpu.memory_space<vmem_shared>>
          %dma_wait3A_175 = arith.constant 9984 : i32
          %dma_wait3A_176 = arith.constant 0 : i32
          %dma_wait3A_177 = tpu.memref_slice %arg3[%dma_wait3A_175, %dma_wait3A_176] : memref<10000x64xf32, #tpu.memory_space<hbm>> -> memref<16x64xf32, #tpu.memory_space<hbm>>
          tpu.wait_dma2 semaphore(%run_scoped3A : memref<!tpu.dma_semaphore, #tpu.memory_space<semaphore_mem>>) src(%dma_wait3A_177 : memref<16x64xf32, #tpu.memory_space<hbm>>) dst(%dma_wait3A_174 : memref<16x64xf32, #tpu.memory_space<vmem_shared>>)
          tpu.yield
        }) : () -> ()
        "tpu.region"() ({
          %run_scoped3A = tpu.sem_alloc : memref<!tpu.dma_semaphore, #tpu.memory_space<semaphore_mem>>
          %dma_start3A_166 = arith.constant 10000 : i32
          %dma_start3A_167 = arith.constant 0 : i32
          %dma_start3A_168 = tpu.memref_slice %arg17[%dma_start3A_166, %dma_start3A_167] : memref<10016x64xf32, #tpu.memory_space<vmem_shared>> -> memref<16x64xf32, #tpu.memory_space<vmem_shared>>
          %dma_start3A_169 = arith.constant 0 : i32
          %dma_start3A_170 = arith.constant 0 : i32
          %dma_start3A_171 = tpu.memref_slice %arg3[%dma_start3A_169, %dma_start3A_170] : memref<10000x64xf32, #tpu.memory_space<hbm>> -> memref<16x64xf32, #tpu.memory_space<hbm>>
          tpu.enqueue_dma source(%dma_start3A_171 : memref<16x64xf32, #tpu.memory_space<hbm>>) target(%dma_start3A_168 : memref<16x64xf32, #tpu.memory_space<vmem_shared>>) target_semaphore(%run_scoped3A : memref<!tpu.dma_semaphore, #tpu.memory_space<semaphore_mem>>)
          %dma_wait3A_172 = arith.constant 10000 : i32
          %dma_wait3A_173 = arith.constant 0 : i32
          %dma_wait3A_174 = tpu.memref_slice %arg17[%dma_wait3A_172, %dma_wait3A_173] : memref<10016x64xf32, #tpu.memory_space<vmem_shared>> -> memref<16x64xf32, #tpu.memory_space<vmem_shared>>
          %dma_wait3A_175 = arith.constant 0 : i32
          %dma_wait3A_176 = arith.constant 0 : i32
          %dma_wait3A_177 = tpu.memref_slice %arg3[%dma_wait3A_175, %dma_wait3A_176] : memref<10000x64xf32, #tpu.memory_space<hbm>> -> memref<16x64xf32, #tpu.memory_space<hbm>>
          tpu.wait_dma2 semaphore(%run_scoped3A : memref<!tpu.dma_semaphore, #tpu.memory_space<semaphore_mem>>) src(%dma_wait3A_177 : memref<16x64xf32, #tpu.memory_space<hbm>>) dst(%dma_wait3A_174 : memref<16x64xf32, #tpu.memory_space<vmem_shared>>)
          tpu.yield
        }) : () -> ()
      } else {
      }
      %dma_wait3A_115 = arith.constant 0 : i32
      %dma_wait3A_116 = tpu.memref_slice %arg16[%mul3A_89, %dma_wait3A_115] : memref<10000x64xf32, #tpu.memory_space<vmem_shared>> -> memref<624x64xf32, #tpu.memory_space<vmem_shared>>
      %dma_wait3A_117 = arith.constant 0 : i32
      %dma_wait3A_118 = tpu.memref_slice %arg3[%mul3A_87, %dma_wait3A_117] : memref<10000x64xf32, #tpu.memory_space<hbm>> -> memref<624x64xf32, #tpu.memory_space<hbm>>
      tpu.wait_dma2 semaphore(%arg18 : memref<!tpu.dma_semaphore, #tpu.memory_space<semaphore_mem>>) src(%dma_wait3A_118 : memref<624x64xf32, #tpu.memory_space<hbm>>) dst(%dma_wait3A_116 : memref<624x64xf32, #tpu.memory_space<vmem_shared>>)
      %dma_wait3A_119 = arith.constant 0 : i32
      %dma_wait3A_120 = tpu.memref_slice %arg17[%mul3A_105, %dma_wait3A_119] : memref<10016x64xf32, #tpu.memory_space<vmem_shared>> -> memref<624x64xf32, #tpu.memory_space<vmem_shared>>
      %dma_wait3A_121 = arith.constant 0 : i32
      %dma_wait3A_122 = tpu.memref_slice %arg3[%mul3A_103, %dma_wait3A_121] : memref<10000x64xf32, #tpu.memory_space<hbm>> -> memref<624x64xf32, #tpu.memory_space<hbm>>
      tpu.wait_dma2 semaphore(%arg19 : memref<!tpu.dma_semaphore, #tpu.memory_space<semaphore_mem>>) src(%dma_wait3A_122 : memref<624x64xf32, #tpu.memory_space<hbm>>) dst(%dma_wait3A_120 : memref<624x64xf32, #tpu.memory_space<vmem_shared>>)
      %barrier3A_123 = arith.constant 0 : index
      tpu.barrier barrier_id(%barrier3A_123)
      %dma_start3A_124 = arith.constant 0 : i32
      %dma_start3A_125 = arith.constant 0 : i32
      %dma_start3A_126 = tpu.memref_slice %arg12[%dma_start3A_124, %dma_start3A_125] : memref<80x128xi32, #tpu.memory_space<vmem>> -> memref<1x128xi32, #tpu.memory_space<vmem>>
      %dma_start3A_127 = tpu.memref_squeeze %dma_start3A_126 : memref<1x128xi32, #tpu.memory_space<vmem>> -> memref<128xi32, #tpu.memory_space<vmem>>
      %dma_start3A_128 = arith.constant 0 : i32
      %dma_start3A_129 = arith.constant 0 : i32
      %dma_start3A_130 = tpu.memref_slice %arg16[%dma_start3A_128, %dma_start3A_129] : memref<10000x64xf32, #tpu.memory_space<vmem_shared>> -> memref<10000x64xf32, #tpu.memory_space<vmem_shared>>
      tpu.enqueue_indirect_dma source(%dma_start3A_130 : memref<10000x64xf32, #tpu.memory_space<vmem_shared>>) target(%arg14 : memref<128x64xf32, #tpu.memory_space<vmem>>) offsets(%dma_start3A_127 : memref<128xi32, #tpu.memory_space<vmem>>) semaphore(%arg18 : memref<!tpu.dma_semaphore, #tpu.memory_space<semaphore_mem>>)
      %dma_start3A_131 = arith.constant 1 : i32
      %dma_start3A_132 = arith.constant 0 : i32
      %dma_start3A_133 = tpu.memref_slice %arg12[%dma_start3A_131, %dma_start3A_132] : memref<80x128xi32, #tpu.memory_space<vmem>> -> memref<1x128xi32, #tpu.memory_space<vmem>>
      %dma_start3A_134 = tpu.memref_squeeze %dma_start3A_133 : memref<1x128xi32, #tpu.memory_space<vmem>> -> memref<128xi32, #tpu.memory_space<vmem>>
      %dma_start3A_135 = arith.constant 0 : i32
      %dma_start3A_136 = arith.constant 0 : i32
      %dma_start3A_137 = tpu.memref_slice %arg16[%dma_start3A_135, %dma_start3A_136] : memref<10000x64xf32, #tpu.memory_space<vmem_shared>> -> memref<10000x64xf32, #tpu.memory_space<vmem_shared>>
      tpu.enqueue_indirect_dma source(%dma_start3A_137 : memref<10000x64xf32, #tpu.memory_space<vmem_shared>>) target(%arg15 : memref<128x64xf32, #tpu.memory_space<vmem>>) offsets(%dma_start3A_134 : memref<128xi32, #tpu.memory_space<vmem>>) semaphore(%arg19 : memref<!tpu.dma_semaphore, #tpu.memory_space<semaphore_mem>>)
      %scan3A_138 = arith.constant 0 : i32
      %scan3A_139 = arith.constant 0 : i32
      %scan3A_140 = arith.constant 40 : i32
      %scan3A_141 = arith.addi %scan3A_139, %scan3A_140 : i32
      %scan3A_142 = arith.constant 1 : i32
      scf.for %scan3A_166 = %scan3A_139 to %scan3A_141 step %scan3A_142  : i32 {
        %mul3A_167 = arith.constant 2 : i32
        %mul3A_168 = arith.muli %mul3A_167, %scan3A_166 : i32
        %add3A = arith.constant 1 : i32
        %add3A_169 = arith.addi %mul3A_168, %add3A : i32
        %dma_wait3A_170 = arith.constant 0 : i32
        %dma_wait3A_171 = tpu.memref_slice %arg12[%mul3A_168, %dma_wait3A_170] : memref<80x128xi32, #tpu.memory_space<vmem>> -> memref<1x128xi32, #tpu.memory_space<vmem>>
        %dma_wait3A_172 = tpu.memref_squeeze %dma_wait3A_171 : memref<1x128xi32, #tpu.memory_space<vmem>> -> memref<128xi32, #tpu.memory_space<vmem>>
        %dma_wait3A_173 = arith.constant 0 : i32
        %dma_wait3A_174 = arith.constant 0 : i32
        %dma_wait3A_175 = tpu.memref_slice %arg16[%dma_wait3A_173, %dma_wait3A_174] : memref<10000x64xf32, #tpu.memory_space<vmem_shared>> -> memref<10000x64xf32, #tpu.memory_space<vmem_shared>>
        tpu.wait_indirect_dma semaphore(%arg18 : memref<!tpu.dma_semaphore, #tpu.memory_space<semaphore_mem>>) src(%dma_wait3A_175 : memref<10000x64xf32, #tpu.memory_space<vmem_shared>>) dst(%arg14 : memref<128x64xf32, #tpu.memory_space<vmem>>)
        %dma_start3A_176 = arith.constant 0 : i32
        %dma_start3A_177 = tpu.memref_slice %arg13[%mul3A_168, %dma_start3A_176] : memref<80x128xi32, #tpu.memory_space<vmem>> -> memref<1x128xi32, #tpu.memory_space<vmem>>
        %dma_start3A_178 = tpu.memref_squeeze %dma_start3A_177 : memref<1x128xi32, #tpu.memory_space<vmem>> -> memref<128xi32, #tpu.memory_space<vmem>>
        %dma_start3A_179 = arith.constant 0 : i32
        %dma_start3A_180 = arith.constant 0 : i32
        %dma_start3A_181 = tpu.memref_slice %arg17[%dma_start3A_179, %dma_start3A_180] : memref<10016x64xf32, #tpu.memory_space<vmem_shared>> -> memref<10016x64xf32, #tpu.memory_space<vmem_shared>>
        tpu.enqueue_indirect_dma source(%arg14 : memref<128x64xf32, #tpu.memory_space<vmem>>) target(%dma_start3A_181 : memref<10016x64xf32, #tpu.memory_space<vmem_shared>>) offsets(%dma_start3A_178 : memref<128xi32, #tpu.memory_space<vmem>>) semaphore(%arg20 : memref<!tpu.dma_semaphore, #tpu.memory_space<semaphore_mem>>) {add = true}
        %dma_wait3A_182 = arith.constant 0 : i32
        %dma_wait3A_183 = tpu.memref_slice %arg13[%mul3A_168, %dma_wait3A_182] : memref<80x128xi32, #tpu.memory_space<vmem>> -> memref<1x128xi32, #tpu.memory_space<vmem>>
        %dma_wait3A_184 = tpu.memref_squeeze %dma_wait3A_183 : memref<1x128xi32, #tpu.memory_space<vmem>> -> memref<128xi32, #tpu.memory_space<vmem>>
        %dma_wait3A_185 = arith.constant 0 : i32
        %dma_wait3A_186 = arith.constant 0 : i32
        %dma_wait3A_187 = tpu.memref_slice %arg17[%dma_wait3A_185, %dma_wait3A_186] : memref<10016x64xf32, #tpu.memory_space<vmem_shared>> -> memref<10016x64xf32, #tpu.memory_space<vmem_shared>>
        tpu.wait_indirect_dma semaphore(%arg20 : memref<!tpu.dma_semaphore, #tpu.memory_space<semaphore_mem>>) src(%arg14 : memref<128x64xf32, #tpu.memory_space<vmem>>) dst(%dma_wait3A_187 : memref<10016x64xf32, #tpu.memory_space<vmem_shared>>)
        %add3A_188 = arith.constant 2 : i32
        %add3A_189 = arith.addi %mul3A_168, %add3A_188 : i32
        %lt3A = arith.constant 80 : i32
        %lt3A_190 = arith.cmpi slt, %add3A_189, %lt3A : i32
        %convert_element_type3A_191 = arith.extui %lt3A_190 : i1 to i32
        %cond3A_192 = arith.constant 0 : i32
        %cond3A_193 = arith.cmpi ne, %convert_element_type3A_191, %cond3A_192 : i32
        scf.if %cond3A_193 {
          %add3A_219 = arith.constant 2 : i32
          %add3A_220 = arith.addi %mul3A_168, %add3A_219 : i32
          %dma_start3A_221 = arith.constant 0 : i32
          %dma_start3A_222 = tpu.memref_slice %arg12[%add3A_220, %dma_start3A_221] : memref<80x128xi32, #tpu.memory_space<vmem>> -> memref<1x128xi32, #tpu.memory_space<vmem>>
          %dma_start3A_223 = tpu.memref_squeeze %dma_start3A_222 : memref<1x128xi32, #tpu.memory_space<vmem>> -> memref<128xi32, #tpu.memory_space<vmem>>
          %dma_start3A_224 = arith.constant 0 : i32
          %dma_start3A_225 = arith.constant 0 : i32
          %dma_start3A_226 = tpu.memref_slice %arg16[%dma_start3A_224, %dma_start3A_225] : memref<10000x64xf32, #tpu.memory_space<vmem_shared>> -> memref<10000x64xf32, #tpu.memory_space<vmem_shared>>
          tpu.enqueue_indirect_dma source(%dma_start3A_226 : memref<10000x64xf32, #tpu.memory_space<vmem_shared>>) target(%arg14 : memref<128x64xf32, #tpu.memory_space<vmem>>) offsets(%dma_start3A_223 : memref<128xi32, #tpu.memory_space<vmem>>) semaphore(%arg18 : memref<!tpu.dma_semaphore, #tpu.memory_space<semaphore_mem>>)
        } else {
        }
        %dma_wait3A_194 = arith.constant 0 : i32
        %dma_wait3A_195 = tpu.memref_slice %arg12[%add3A_169, %dma_wait3A_194] : memref<80x128xi32, #tpu.memory_space<vmem>> -> memref<1x128xi32, #tpu.memory_space<vmem>>
        %dma_wait3A_196 = tpu.memref_squeeze %dma_wait3A_195 : memref<1x128xi32, #tpu.memory_space<vmem>> -> memref<128xi32, #tpu.memory_space<vmem>>
        %dma_wait3A_197 = arith.constant 0 : i32
        %dma_wait3A_198 = arith.constant 0 : i32
        %dma_wait3A_199 = tpu.memref_slice %arg16[%dma_wait3A_197, %dma_wait3A_198] : memref<10000x64xf32, #tpu.memory_space<vmem_shared>> -> memref<10000x64xf32, #tpu.memory_space<vmem_shared>>
        tpu.wait_indirect_dma semaphore(%arg19 : memref<!tpu.dma_semaphore, #tpu.memory_space<semaphore_mem>>) src(%dma_wait3A_199 : memref<10000x64xf32, #tpu.memory_space<vmem_shared>>) dst(%arg15 : memref<128x64xf32, #tpu.memory_space<vmem>>)
        %dma_start3A_200 = arith.constant 0 : i32
        %dma_start3A_201 = tpu.memref_slice %arg13[%add3A_169, %dma_start3A_200] : memref<80x128xi32, #tpu.memory_space<vmem>> -> memref<1x128xi32, #tpu.memory_space<vmem>>
        %dma_start3A_202 = tpu.memref_squeeze %dma_start3A_201 : memref<1x128xi32, #tpu.memory_space<vmem>> -> memref<128xi32, #tpu.memory_space<vmem>>
        %dma_start3A_203 = arith.constant 0 : i32
        %dma_start3A_204 = arith.constant 0 : i32
        %dma_start3A_205 = tpu.memref_slice %arg17[%dma_start3A_203, %dma_start3A_204] : memref<10016x64xf32, #tpu.memory_space<vmem_shared>> -> memref<10016x64xf32, #tpu.memory_space<vmem_shared>>
        tpu.enqueue_indirect_dma source(%arg15 : memref<128x64xf32, #tpu.memory_space<vmem>>) target(%dma_start3A_205 : memref<10016x64xf32, #tpu.memory_space<vmem_shared>>) offsets(%dma_start3A_202 : memref<128xi32, #tpu.memory_space<vmem>>) semaphore(%arg21 : memref<!tpu.dma_semaphore, #tpu.memory_space<semaphore_mem>>) {add = true}
        %dma_wait3A_206 = arith.constant 0 : i32
        %dma_wait3A_207 = tpu.memref_slice %arg13[%add3A_169, %dma_wait3A_206] : memref<80x128xi32, #tpu.memory_space<vmem>> -> memref<1x128xi32, #tpu.memory_space<vmem>>
        %dma_wait3A_208 = tpu.memref_squeeze %dma_wait3A_207 : memref<1x128xi32, #tpu.memory_space<vmem>> -> memref<128xi32, #tpu.memory_space<vmem>>
        %dma_wait3A_209 = arith.constant 0 : i32
        %dma_wait3A_210 = arith.constant 0 : i32
        %dma_wait3A_211 = tpu.memref_slice %arg17[%dma_wait3A_209, %dma_wait3A_210] : memref<10016x64xf32, #tpu.memory_space<vmem_shared>> -> memref<10016x64xf32, #tpu.memory_space<vmem_shared>>
        tpu.wait_indirect_dma semaphore(%arg21 : memref<!tpu.dma_semaphore, #tpu.memory_space<semaphore_mem>>) src(%arg15 : memref<128x64xf32, #tpu.memory_space<vmem>>) dst(%dma_wait3A_211 : memref<10016x64xf32, #tpu.memory_space<vmem_shared>>)
        %add3A_212 = arith.constant 2 : i32
        %add3A_213 = arith.addi %add3A_169, %add3A_212 : i32
        %lt3A_214 = arith.constant 80 : i32
        %lt3A_215 = arith.cmpi slt, %add3A_213, %lt3A_214 : i32
        %convert_element_type3A_216 = arith.extui %lt3A_215 : i1 to i32
        %cond3A_217 = arith.constant 0 : i32
        %cond3A_218 = arith.cmpi ne, %convert_element_type3A_216, %cond3A_217 : i32
        scf.if %cond3A_218 {
          %add3A_219 = arith.constant 2 : i32
          %add3A_220 = arith.addi %add3A_169, %add3A_219 : i32
          %dma_start3A_221 = arith.constant 0 : i32
          %dma_start3A_222 = tpu.memref_slice %arg12[%add3A_220, %dma_start3A_221] : memref<80x128xi32, #tpu.memory_space<vmem>> -> memref<1x128xi32, #tpu.memory_space<vmem>>
          %dma_start3A_223 = tpu.memref_squeeze %dma_start3A_222 : memref<1x128xi32, #tpu.memory_space<vmem>> -> memref<128xi32, #tpu.memory_space<vmem>>
          %dma_start3A_224 = arith.constant 0 : i32
          %dma_start3A_225 = arith.constant 0 : i32
          %dma_start3A_226 = tpu.memref_slice %arg16[%dma_start3A_224, %dma_start3A_225] : memref<10000x64xf32, #tpu.memory_space<vmem_shared>> -> memref<10000x64xf32, #tpu.memory_space<vmem_shared>>
          tpu.enqueue_indirect_dma source(%dma_start3A_226 : memref<10000x64xf32, #tpu.memory_space<vmem_shared>>) target(%arg15 : memref<128x64xf32, #tpu.memory_space<vmem>>) offsets(%dma_start3A_223 : memref<128xi32, #tpu.memory_space<vmem>>) semaphore(%arg19 : memref<!tpu.dma_semaphore, #tpu.memory_space<semaphore_mem>>)
        } else {
        }
      }
      %scan3A_143 = arith.constant 40 : i32
      %barrier3A_144 = arith.constant 0 : index
      tpu.barrier barrier_id(%barrier3A_144)
      %mul3A_145 = arith.constant 624 : i32
      %mul3A_146 = arith.muli %arg1, %mul3A_145 : i32
      %mul3A_147 = arith.constant 624 : i32
      %mul3A_148 = arith.muli %arg1, %mul3A_147 : i32
      %dma_start3A_149 = arith.constant 0 : i32
      %dma_start3A_150 = tpu.memref_slice %arg9[%mul3A_148, %dma_start3A_149] : memref<10000x64xf32, #tpu.memory_space<hbm>> -> memref<624x64xf32, #tpu.memory_space<hbm>>
      %dma_start3A_151 = arith.constant 0 : i32
      %dma_start3A_152 = tpu.memref_slice %arg17[%mul3A_146, %dma_start3A_151] : memref<10016x64xf32, #tpu.memory_space<vmem_shared>> -> memref<624x64xf32, #tpu.memory_space<vmem_shared>>
      tpu.enqueue_dma source(%dma_start3A_152 : memref<624x64xf32, #tpu.memory_space<vmem_shared>>) target(%dma_start3A_150 : memref<624x64xf32, #tpu.memory_space<hbm>>) target_semaphore(%arg21 : memref<!tpu.dma_semaphore, #tpu.memory_space<semaphore_mem>>)
      %mul3A_153 = arith.constant 624 : i32
      %mul3A_154 = arith.muli %arg1, %mul3A_153 : i32
      %mul3A_155 = arith.constant 624 : i32
      %mul3A_156 = arith.muli %arg1, %mul3A_155 : i32
      %dma_wait3A_157 = arith.constant 0 : i32
      %dma_wait3A_158 = tpu.memref_slice %arg9[%mul3A_156, %dma_wait3A_157] : memref<10000x64xf32, #tpu.memory_space<hbm>> -> memref<624x64xf32, #tpu.memory_space<hbm>>
      %dma_wait3A_159 = arith.constant 0 : i32
      %dma_wait3A_160 = tpu.memref_slice %arg17[%mul3A_154, %dma_wait3A_159] : memref<10016x64xf32, #tpu.memory_space<vmem_shared>> -> memref<624x64xf32, #tpu.memory_space<vmem_shared>>
      tpu.wait_dma2 semaphore(%arg21 : memref<!tpu.dma_semaphore, #tpu.memory_space<semaphore_mem>>) src(%dma_wait3A_160 : memref<624x64xf32, #tpu.memory_space<vmem_shared>>) dst(%dma_wait3A_158 : memref<624x64xf32, #tpu.memory_space<hbm>>)
      %eq3A_161 = arith.constant 15 : i32
      %eq3A_162 = arith.cmpi eq, %arg1, %eq3A_161 : i32
      %convert_element_type3A_163 = arith.extui %eq3A_162 : i1 to i32
      %cond3A_164 = arith.constant 0 : i32
      %cond3A_165 = arith.cmpi ne, %convert_element_type3A_163, %cond3A_164 : i32
      scf.if %cond3A_165 {
        "tpu.region"() ({
          %run_scoped3A = tpu.sem_alloc : memref<!tpu.dma_semaphore, #tpu.memory_space<semaphore_mem>>
          %dma_start3A_166 = arith.constant 9984 : i32
          %dma_start3A_167 = arith.constant 0 : i32
          %dma_start3A_168 = tpu.memref_slice %arg9[%dma_start3A_166, %dma_start3A_167] : memref<10000x64xf32, #tpu.memory_space<hbm>> -> memref<16x64xf32, #tpu.memory_space<hbm>>
          %dma_start3A_169 = arith.constant 9984 : i32
          %dma_start3A_170 = arith.constant 0 : i32
          %dma_start3A_171 = tpu.memref_slice %arg17[%dma_start3A_169, %dma_start3A_170] : memref<10016x64xf32, #tpu.memory_space<vmem_shared>> -> memref<16x64xf32, #tpu.memory_space<vmem_shared>>
          tpu.enqueue_dma source(%dma_start3A_171 : memref<16x64xf32, #tpu.memory_space<vmem_shared>>) target(%dma_start3A_168 : memref<16x64xf32, #tpu.memory_space<hbm>>) target_semaphore(%run_scoped3A : memref<!tpu.dma_semaphore, #tpu.memory_space<semaphore_mem>>)
          %dma_wait3A_172 = arith.constant 9984 : i32
          %dma_wait3A_173 = arith.constant 0 : i32
          %dma_wait3A_174 = tpu.memref_slice %arg9[%dma_wait3A_172, %dma_wait3A_173] : memref<10000x64xf32, #tpu.memory_space<hbm>> -> memref<16x64xf32, #tpu.memory_space<hbm>>
          %dma_wait3A_175 = arith.constant 9984 : i32
          %dma_wait3A_176 = arith.constant 0 : i32
          %dma_wait3A_177 = tpu.memref_slice %arg17[%dma_wait3A_175, %dma_wait3A_176] : memref<10016x64xf32, #tpu.memory_space<vmem_shared>> -> memref<16x64xf32, #tpu.memory_space<vmem_shared>>
          tpu.wait_dma2 semaphore(%run_scoped3A : memref<!tpu.dma_semaphore, #tpu.memory_space<semaphore_mem>>) src(%dma_wait3A_177 : memref<16x64xf32, #tpu.memory_space<vmem_shared>>) dst(%dma_wait3A_174 : memref<16x64xf32, #tpu.memory_space<hbm>>)
          tpu.yield
        }) : () -> ()
      } else {
      }
    } else {
    }
    %eq3A_2 = arith.constant 1 : i32
    %eq3A_3 = arith.cmpi eq, %arg0, %eq3A_2 : i32
    %convert_element_type3A_4 = arith.extui %eq3A_3 : i1 to i32
    %cond3A_5 = arith.constant 0 : i32
    %cond3A_6 = arith.cmpi ne, %convert_element_type3A_4, %cond3A_5 : i32
    scf.if %cond3A_6 {
      %mul3A = arith.constant 624 : i32
      %mul3A_7 = arith.muli %arg1, %mul3A : i32
      %mul3A_8 = arith.constant 624 : i32
      %mul3A_9 = arith.muli %arg1, %mul3A_8 : i32
      %dma_start3A = arith.constant 0 : i32
      %dma_start3A_10 = tpu.memref_slice %arg16[%mul3A_9, %dma_start3A] : memref<10000x64xf32, #tpu.memory_space<vmem_shared>> -> memref<624x64xf32, #tpu.memory_space<vmem_shared>>
      %dma_start3A_11 = arith.constant 0 : i32
      %dma_start3A_12 = tpu.memref_slice %arg4[%mul3A_7, %dma_start3A_11] : memref<10000x64xf32, #tpu.memory_space<hbm>> -> memref<624x64xf32, #tpu.memory_space<hbm>>
      tpu.enqueue_dma source(%dma_start3A_12 : memref<624x64xf32, #tpu.memory_space<hbm>>) target(%dma_start3A_10 : memref<624x64xf32, #tpu.memory_space<vmem_shared>>) target_semaphore(%arg18 : memref<!tpu.dma_semaphore, #tpu.memory_space<semaphore_mem>>)
      %mul3A_13 = arith.constant 624 : i32
      %mul3A_14 = arith.muli %arg1, %mul3A_13 : i32
      %mul3A_15 = arith.constant 624 : i32
      %mul3A_16 = arith.muli %arg1, %mul3A_15 : i32
      %dma_start3A_17 = arith.constant 0 : i32
      %dma_start3A_18 = tpu.memref_slice %arg17[%mul3A_16, %dma_start3A_17] : memref<10016x64xf32, #tpu.memory_space<vmem_shared>> -> memref<624x64xf32, #tpu.memory_space<vmem_shared>>
      %dma_start3A_19 = arith.constant 0 : i32
      %dma_start3A_20 = tpu.memref_slice %arg4[%mul3A_14, %dma_start3A_19] : memref<10000x64xf32, #tpu.memory_space<hbm>> -> memref<624x64xf32, #tpu.memory_space<hbm>>
      tpu.enqueue_dma source(%dma_start3A_20 : memref<624x64xf32, #tpu.memory_space<hbm>>) target(%dma_start3A_18 : memref<624x64xf32, #tpu.memory_space<vmem_shared>>) target_semaphore(%arg19 : memref<!tpu.dma_semaphore, #tpu.memory_space<semaphore_mem>>)
      %mul3A_21 = arith.constant 80 : i32
      %mul3A_22 = arith.muli %arg1, %mul3A_21 : i32
      %dma_start3A_23 = arith.constant 0 : i32
      %dma_start3A_24 = tpu.memref_slice %arg6[%mul3A_22, %dma_start3A_23] : memref<1280x128xi32, #tpu.memory_space<hbm>> -> memref<80x128xi32, #tpu.memory_space<hbm>>
      %dma_start3A_25 = arith.constant 0 : i32
      %dma_start3A_26 = tpu.memref_slice %arg6[%mul3A_22, %dma_start3A_25] : memref<1280x128xi32, #tpu.memory_space<hbm>> -> memref<80x128xi32, #tpu.memory_space<hbm>>
      tpu.enqueue_dma source(%dma_start3A_26 : memref<80x128xi32, #tpu.memory_space<hbm>>) target(%arg12 : memref<80x128xi32, #tpu.memory_space<vmem>>) target_semaphore(%arg20 : memref<!tpu.dma_semaphore, #tpu.memory_space<semaphore_mem>>)
      %mul3A_27 = arith.constant 80 : i32
      %mul3A_28 = arith.muli %arg1, %mul3A_27 : i32
      %dma_start3A_29 = arith.constant 0 : i32
      %dma_start3A_30 = tpu.memref_slice %arg7[%mul3A_28, %dma_start3A_29] : memref<1280x128xi32, #tpu.memory_space<hbm>> -> memref<80x128xi32, #tpu.memory_space<hbm>>
      %dma_start3A_31 = arith.constant 0 : i32
      %dma_start3A_32 = tpu.memref_slice %arg7[%mul3A_28, %dma_start3A_31] : memref<1280x128xi32, #tpu.memory_space<hbm>> -> memref<80x128xi32, #tpu.memory_space<hbm>>
      tpu.enqueue_dma source(%dma_start3A_32 : memref<80x128xi32, #tpu.memory_space<hbm>>) target(%arg13 : memref<80x128xi32, #tpu.memory_space<vmem>>) target_semaphore(%arg21 : memref<!tpu.dma_semaphore, #tpu.memory_space<semaphore_mem>>)
      %eq3A_33 = arith.constant 15 : i32
      %eq3A_34 = arith.cmpi eq, %arg1, %eq3A_33 : i32
      %convert_element_type3A_35 = arith.extui %eq3A_34 : i1 to i32
      %cond3A_36 = arith.constant 0 : i32
      %cond3A_37 = arith.cmpi ne, %convert_element_type3A_35, %cond3A_36 : i32
      scf.if %cond3A_37 {
        "tpu.region"() ({
          %run_scoped3A = tpu.sem_alloc : memref<!tpu.dma_semaphore, #tpu.memory_space<semaphore_mem>>
          %dma_start3A_166 = arith.constant 9984 : i32
          %dma_start3A_167 = arith.constant 0 : i32
          %dma_start3A_168 = tpu.memref_slice %arg16[%dma_start3A_166, %dma_start3A_167] : memref<10000x64xf32, #tpu.memory_space<vmem_shared>> -> memref<16x64xf32, #tpu.memory_space<vmem_shared>>
          %dma_start3A_169 = arith.constant 9984 : i32
          %dma_start3A_170 = arith.constant 0 : i32
          %dma_start3A_171 = tpu.memref_slice %arg4[%dma_start3A_169, %dma_start3A_170] : memref<10000x64xf32, #tpu.memory_space<hbm>> -> memref<16x64xf32, #tpu.memory_space<hbm>>
          tpu.enqueue_dma source(%dma_start3A_171 : memref<16x64xf32, #tpu.memory_space<hbm>>) target(%dma_start3A_168 : memref<16x64xf32, #tpu.memory_space<vmem_shared>>) target_semaphore(%run_scoped3A : memref<!tpu.dma_semaphore, #tpu.memory_space<semaphore_mem>>)
          %dma_wait3A_172 = arith.constant 9984 : i32
          %dma_wait3A_173 = arith.constant 0 : i32
          %dma_wait3A_174 = tpu.memref_slice %arg16[%dma_wait3A_172, %dma_wait3A_173] : memref<10000x64xf32, #tpu.memory_space<vmem_shared>> -> memref<16x64xf32, #tpu.memory_space<vmem_shared>>
          %dma_wait3A_175 = arith.constant 9984 : i32
          %dma_wait3A_176 = arith.constant 0 : i32
          %dma_wait3A_177 = tpu.memref_slice %arg4[%dma_wait3A_175, %dma_wait3A_176] : memref<10000x64xf32, #tpu.memory_space<hbm>> -> memref<16x64xf32, #tpu.memory_space<hbm>>
          tpu.wait_dma2 semaphore(%run_scoped3A : memref<!tpu.dma_semaphore, #tpu.memory_space<semaphore_mem>>) src(%dma_wait3A_177 : memref<16x64xf32, #tpu.memory_space<hbm>>) dst(%dma_wait3A_174 : memref<16x64xf32, #tpu.memory_space<vmem_shared>>)
          tpu.yield
        }) : () -> ()
        "tpu.region"() ({
          %run_scoped3A = tpu.sem_alloc : memref<!tpu.dma_semaphore, #tpu.memory_space<semaphore_mem>>
          %dma_start3A_166 = arith.constant 9984 : i32
          %dma_start3A_167 = arith.constant 0 : i32
          %dma_start3A_168 = tpu.memref_slice %arg17[%dma_start3A_166, %dma_start3A_167] : memref<10016x64xf32, #tpu.memory_space<vmem_shared>> -> memref<16x64xf32, #tpu.memory_space<vmem_shared>>
          %dma_start3A_169 = arith.constant 9984 : i32
          %dma_start3A_170 = arith.constant 0 : i32
          %dma_start3A_171 = tpu.memref_slice %arg4[%dma_start3A_169, %dma_start3A_170] : memref<10000x64xf32, #tpu.memory_space<hbm>> -> memref<16x64xf32, #tpu.memory_space<hbm>>
          tpu.enqueue_dma source(%dma_start3A_171 : memref<16x64xf32, #tpu.memory_space<hbm>>) target(%dma_start3A_168 : memref<16x64xf32, #tpu.memory_space<vmem_shared>>) target_semaphore(%run_scoped3A : memref<!tpu.dma_semaphore, #tpu.memory_space<semaphore_mem>>)
          %dma_wait3A_172 = arith.constant 9984 : i32
          %dma_wait3A_173 = arith.constant 0 : i32
          %dma_wait3A_174 = tpu.memref_slice %arg17[%dma_wait3A_172, %dma_wait3A_173] : memref<10016x64xf32, #tpu.memory_space<vmem_shared>> -> memref<16x64xf32, #tpu.memory_space<vmem_shared>>
          %dma_wait3A_175 = arith.constant 9984 : i32
          %dma_wait3A_176 = arith.constant 0 : i32
          %dma_wait3A_177 = tpu.memref_slice %arg4[%dma_wait3A_175, %dma_wait3A_176] : memref<10000x64xf32, #tpu.memory_space<hbm>> -> memref<16x64xf32, #tpu.memory_space<hbm>>
          tpu.wait_dma2 semaphore(%run_scoped3A : memref<!tpu.dma_semaphore, #tpu.memory_space<semaphore_mem>>) src(%dma_wait3A_177 : memref<16x64xf32, #tpu.memory_space<hbm>>) dst(%dma_wait3A_174 : memref<16x64xf32, #tpu.memory_space<vmem_shared>>)
          tpu.yield
        }) : () -> ()
        "tpu.region"() ({
          %run_scoped3A = tpu.sem_alloc : memref<!tpu.dma_semaphore, #tpu.memory_space<semaphore_mem>>
          %dma_start3A_166 = arith.constant 10000 : i32
          %dma_start3A_167 = arith.constant 0 : i32
          %dma_start3A_168 = tpu.memref_slice %arg17[%dma_start3A_166, %dma_start3A_167] : memref<10016x64xf32, #tpu.memory_space<vmem_shared>> -> memref<16x64xf32, #tpu.memory_space<vmem_shared>>
          %dma_start3A_169 = arith.constant 0 : i32
          %dma_start3A_170 = arith.constant 0 : i32
          %dma_start3A_171 = tpu.memref_slice %arg4[%dma_start3A_169, %dma_start3A_170] : memref<10000x64xf32, #tpu.memory_space<hbm>> -> memref<16x64xf32, #tpu.memory_space<hbm>>
          tpu.enqueue_dma source(%dma_start3A_171 : memref<16x64xf32, #tpu.memory_space<hbm>>) target(%dma_start3A_168 : memref<16x64xf32, #tpu.memory_space<vmem_shared>>) target_semaphore(%run_scoped3A : memref<!tpu.dma_semaphore, #tpu.memory_space<semaphore_mem>>)
          %dma_wait3A_172 = arith.constant 10000 : i32
          %dma_wait3A_173 = arith.constant 0 : i32
          %dma_wait3A_174 = tpu.memref_slice %arg17[%dma_wait3A_172, %dma_wait3A_173] : memref<10016x64xf32, #tpu.memory_space<vmem_shared>> -> memref<16x64xf32, #tpu.memory_space<vmem_shared>>
          %dma_wait3A_175 = arith.constant 0 : i32
          %dma_wait3A_176 = arith.constant 0 : i32
          %dma_wait3A_177 = tpu.memref_slice %arg4[%dma_wait3A_175, %dma_wait3A_176] : memref<10000x64xf32, #tpu.memory_space<hbm>> -> memref<16x64xf32, #tpu.memory_space<hbm>>
          tpu.wait_dma2 semaphore(%run_scoped3A : memref<!tpu.dma_semaphore, #tpu.memory_space<semaphore_mem>>) src(%dma_wait3A_177 : memref<16x64xf32, #tpu.memory_space<hbm>>) dst(%dma_wait3A_174 : memref<16x64xf32, #tpu.memory_space<vmem_shared>>)
          tpu.yield
        }) : () -> ()
      } else {
      }
      %dma_wait3A = arith.constant 0 : i32
      %dma_wait3A_38 = tpu.memref_slice %arg16[%mul3A_9, %dma_wait3A] : memref<10000x64xf32, #tpu.memory_space<vmem_shared>> -> memref<624x64xf32, #tpu.memory_space<vmem_shared>>
      %dma_wait3A_39 = arith.constant 0 : i32
      %dma_wait3A_40 = tpu.memref_slice %arg4[%mul3A_7, %dma_wait3A_39] : memref<10000x64xf32, #tpu.memory_space<hbm>> -> memref<624x64xf32, #tpu.memory_space<hbm>>
      tpu.wait_dma2 semaphore(%arg18 : memref<!tpu.dma_semaphore, #tpu.memory_space<semaphore_mem>>) src(%dma_wait3A_40 : memref<624x64xf32, #tpu.memory_space<hbm>>) dst(%dma_wait3A_38 : memref<624x64xf32, #tpu.memory_space<vmem_shared>>)
      %dma_wait3A_41 = arith.constant 0 : i32
      %dma_wait3A_42 = tpu.memref_slice %arg17[%mul3A_16, %dma_wait3A_41] : memref<10016x64xf32, #tpu.memory_space<vmem_shared>> -> memref<624x64xf32, #tpu.memory_space<vmem_shared>>
      %dma_wait3A_43 = arith.constant 0 : i32
      %dma_wait3A_44 = tpu.memref_slice %arg4[%mul3A_14, %dma_wait3A_43] : memref<10000x64xf32, #tpu.memory_space<hbm>> -> memref<624x64xf32, #tpu.memory_space<hbm>>
      tpu.wait_dma2 semaphore(%arg19 : memref<!tpu.dma_semaphore, #tpu.memory_space<semaphore_mem>>) src(%dma_wait3A_44 : memref<624x64xf32, #tpu.memory_space<hbm>>) dst(%dma_wait3A_42 : memref<624x64xf32, #tpu.memory_space<vmem_shared>>)
      %dma_wait3A_45 = arith.constant 0 : i32
      %dma_wait3A_46 = tpu.memref_slice %arg6[%mul3A_22, %dma_wait3A_45] : memref<1280x128xi32, #tpu.memory_space<hbm>> -> memref<80x128xi32, #tpu.memory_space<hbm>>
      %dma_wait3A_47 = arith.constant 0 : i32
      %dma_wait3A_48 = tpu.memref_slice %arg6[%mul3A_22, %dma_wait3A_47] : memref<1280x128xi32, #tpu.memory_space<hbm>> -> memref<80x128xi32, #tpu.memory_space<hbm>>
      tpu.wait_dma2 semaphore(%arg20 : memref<!tpu.dma_semaphore, #tpu.memory_space<semaphore_mem>>) src(%dma_wait3A_48 : memref<80x128xi32, #tpu.memory_space<hbm>>) dst(%arg12 : memref<80x128xi32, #tpu.memory_space<vmem>>)
      %dma_wait3A_49 = arith.constant 0 : i32
      %dma_wait3A_50 = tpu.memref_slice %arg7[%mul3A_28, %dma_wait3A_49] : memref<1280x128xi32, #tpu.memory_space<hbm>> -> memref<80x128xi32, #tpu.memory_space<hbm>>
      %dma_wait3A_51 = arith.constant 0 : i32
      %dma_wait3A_52 = tpu.memref_slice %arg7[%mul3A_28, %dma_wait3A_51] : memref<1280x128xi32, #tpu.memory_space<hbm>> -> memref<80x128xi32, #tpu.memory_space<hbm>>
      tpu.wait_dma2 semaphore(%arg21 : memref<!tpu.dma_semaphore, #tpu.memory_space<semaphore_mem>>) src(%dma_wait3A_52 : memref<80x128xi32, #tpu.memory_space<hbm>>) dst(%arg13 : memref<80x128xi32, #tpu.memory_space<vmem>>)
      %barrier3A = arith.constant 0 : index
      tpu.barrier barrier_id(%barrier3A)
      %dma_start3A_53 = arith.constant 0 : i32
      %dma_start3A_54 = arith.constant 0 : i32
      %dma_start3A_55 = tpu.memref_slice %arg12[%dma_start3A_53, %dma_start3A_54] : memref<80x128xi32, #tpu.memory_space<vmem>> -> memref<1x128xi32, #tpu.memory_space<vmem>>
      %dma_start3A_56 = tpu.memref_squeeze %dma_start3A_55 : memref<1x128xi32, #tpu.memory_space<vmem>> -> memref<128xi32, #tpu.memory_space<vmem>>
      %dma_start3A_57 = arith.constant 0 : i32
      %dma_start3A_58 = arith.constant 0 : i32
      %dma_start3A_59 = tpu.memref_slice %arg16[%dma_start3A_57, %dma_start3A_58] : memref<10000x64xf32, #tpu.memory_space<vmem_shared>> -> memref<10000x64xf32, #tpu.memory_space<vmem_shared>>
      tpu.enqueue_indirect_dma source(%dma_start3A_59 : memref<10000x64xf32, #tpu.memory_space<vmem_shared>>) target(%arg14 : memref<128x64xf32, #tpu.memory_space<vmem>>) offsets(%dma_start3A_56 : memref<128xi32, #tpu.memory_space<vmem>>) semaphore(%arg18 : memref<!tpu.dma_semaphore, #tpu.memory_space<semaphore_mem>>)
      %dma_start3A_60 = arith.constant 1 : i32
      %dma_start3A_61 = arith.constant 0 : i32
      %dma_start3A_62 = tpu.memref_slice %arg12[%dma_start3A_60, %dma_start3A_61] : memref<80x128xi32, #tpu.memory_space<vmem>> -> memref<1x128xi32, #tpu.memory_space<vmem>>
      %dma_start3A_63 = tpu.memref_squeeze %dma_start3A_62 : memref<1x128xi32, #tpu.memory_space<vmem>> -> memref<128xi32, #tpu.memory_space<vmem>>
      %dma_start3A_64 = arith.constant 0 : i32
      %dma_start3A_65 = arith.constant 0 : i32
      %dma_start3A_66 = tpu.memref_slice %arg16[%dma_start3A_64, %dma_start3A_65] : memref<10000x64xf32, #tpu.memory_space<vmem_shared>> -> memref<10000x64xf32, #tpu.memory_space<vmem_shared>>
      tpu.enqueue_indirect_dma source(%dma_start3A_66 : memref<10000x64xf32, #tpu.memory_space<vmem_shared>>) target(%arg15 : memref<128x64xf32, #tpu.memory_space<vmem>>) offsets(%dma_start3A_63 : memref<128xi32, #tpu.memory_space<vmem>>) semaphore(%arg19 : memref<!tpu.dma_semaphore, #tpu.memory_space<semaphore_mem>>)
      %scan3A = arith.constant 0 : i32
      %scan3A_67 = arith.constant 0 : i32
      %scan3A_68 = arith.constant 40 : i32
      %scan3A_69 = arith.addi %scan3A_67, %scan3A_68 : i32
      %scan3A_70 = arith.constant 1 : i32
      scf.for %scan3A_166 = %scan3A_67 to %scan3A_69 step %scan3A_70  : i32 {
        %mul3A_167 = arith.constant 2 : i32
        %mul3A_168 = arith.muli %mul3A_167, %scan3A_166 : i32
        %add3A = arith.constant 1 : i32
        %add3A_169 = arith.addi %mul3A_168, %add3A : i32
        %dma_wait3A_170 = arith.constant 0 : i32
        %dma_wait3A_171 = tpu.memref_slice %arg12[%mul3A_168, %dma_wait3A_170] : memref<80x128xi32, #tpu.memory_space<vmem>> -> memref<1x128xi32, #tpu.memory_space<vmem>>
        %dma_wait3A_172 = tpu.memref_squeeze %dma_wait3A_171 : memref<1x128xi32, #tpu.memory_space<vmem>> -> memref<128xi32, #tpu.memory_space<vmem>>
        %dma_wait3A_173 = arith.constant 0 : i32
        %dma_wait3A_174 = arith.constant 0 : i32
        %dma_wait3A_175 = tpu.memref_slice %arg16[%dma_wait3A_173, %dma_wait3A_174] : memref<10000x64xf32, #tpu.memory_space<vmem_shared>> -> memref<10000x64xf32, #tpu.memory_space<vmem_shared>>
        tpu.wait_indirect_dma semaphore(%arg18 : memref<!tpu.dma_semaphore, #tpu.memory_space<semaphore_mem>>) src(%dma_wait3A_175 : memref<10000x64xf32, #tpu.memory_space<vmem_shared>>) dst(%arg14 : memref<128x64xf32, #tpu.memory_space<vmem>>)
        %dma_start3A_176 = arith.constant 0 : i32
        %dma_start3A_177 = tpu.memref_slice %arg13[%mul3A_168, %dma_start3A_176] : memref<80x128xi32, #tpu.memory_space<vmem>> -> memref<1x128xi32, #tpu.memory_space<vmem>>
        %dma_start3A_178 = tpu.memref_squeeze %dma_start3A_177 : memref<1x128xi32, #tpu.memory_space<vmem>> -> memref<128xi32, #tpu.memory_space<vmem>>
        %dma_start3A_179 = arith.constant 0 : i32
        %dma_start3A_180 = arith.constant 0 : i32
        %dma_start3A_181 = tpu.memref_slice %arg17[%dma_start3A_179, %dma_start3A_180] : memref<10016x64xf32, #tpu.memory_space<vmem_shared>> -> memref<10016x64xf32, #tpu.memory_space<vmem_shared>>
        tpu.enqueue_indirect_dma source(%arg14 : memref<128x64xf32, #tpu.memory_space<vmem>>) target(%dma_start3A_181 : memref<10016x64xf32, #tpu.memory_space<vmem_shared>>) offsets(%dma_start3A_178 : memref<128xi32, #tpu.memory_space<vmem>>) semaphore(%arg20 : memref<!tpu.dma_semaphore, #tpu.memory_space<semaphore_mem>>) {add = true}
        %dma_wait3A_182 = arith.constant 0 : i32
        %dma_wait3A_183 = tpu.memref_slice %arg13[%mul3A_168, %dma_wait3A_182] : memref<80x128xi32, #tpu.memory_space<vmem>> -> memref<1x128xi32, #tpu.memory_space<vmem>>
        %dma_wait3A_184 = tpu.memref_squeeze %dma_wait3A_183 : memref<1x128xi32, #tpu.memory_space<vmem>> -> memref<128xi32, #tpu.memory_space<vmem>>
        %dma_wait3A_185 = arith.constant 0 : i32
        %dma_wait3A_186 = arith.constant 0 : i32
        %dma_wait3A_187 = tpu.memref_slice %arg17[%dma_wait3A_185, %dma_wait3A_186] : memref<10016x64xf32, #tpu.memory_space<vmem_shared>> -> memref<10016x64xf32, #tpu.memory_space<vmem_shared>>
        tpu.wait_indirect_dma semaphore(%arg20 : memref<!tpu.dma_semaphore, #tpu.memory_space<semaphore_mem>>) src(%arg14 : memref<128x64xf32, #tpu.memory_space<vmem>>) dst(%dma_wait3A_187 : memref<10016x64xf32, #tpu.memory_space<vmem_shared>>)
        %add3A_188 = arith.constant 2 : i32
        %add3A_189 = arith.addi %mul3A_168, %add3A_188 : i32
        %lt3A = arith.constant 80 : i32
        %lt3A_190 = arith.cmpi slt, %add3A_189, %lt3A : i32
        %convert_element_type3A_191 = arith.extui %lt3A_190 : i1 to i32
        %cond3A_192 = arith.constant 0 : i32
        %cond3A_193 = arith.cmpi ne, %convert_element_type3A_191, %cond3A_192 : i32
        scf.if %cond3A_193 {
          %add3A_219 = arith.constant 2 : i32
          %add3A_220 = arith.addi %mul3A_168, %add3A_219 : i32
          %dma_start3A_221 = arith.constant 0 : i32
          %dma_start3A_222 = tpu.memref_slice %arg12[%add3A_220, %dma_start3A_221] : memref<80x128xi32, #tpu.memory_space<vmem>> -> memref<1x128xi32, #tpu.memory_space<vmem>>
          %dma_start3A_223 = tpu.memref_squeeze %dma_start3A_222 : memref<1x128xi32, #tpu.memory_space<vmem>> -> memref<128xi32, #tpu.memory_space<vmem>>
          %dma_start3A_224 = arith.constant 0 : i32
          %dma_start3A_225 = arith.constant 0 : i32
          %dma_start3A_226 = tpu.memref_slice %arg16[%dma_start3A_224, %dma_start3A_225] : memref<10000x64xf32, #tpu.memory_space<vmem_shared>> -> memref<10000x64xf32, #tpu.memory_space<vmem_shared>>
          tpu.enqueue_indirect_dma source(%dma_start3A_226 : memref<10000x64xf32, #tpu.memory_space<vmem_shared>>) target(%arg14 : memref<128x64xf32, #tpu.memory_space<vmem>>) offsets(%dma_start3A_223 : memref<128xi32, #tpu.memory_space<vmem>>) semaphore(%arg18 : memref<!tpu.dma_semaphore, #tpu.memory_space<semaphore_mem>>)
        } else {
        }
        %dma_wait3A_194 = arith.constant 0 : i32
        %dma_wait3A_195 = tpu.memref_slice %arg12[%add3A_169, %dma_wait3A_194] : memref<80x128xi32, #tpu.memory_space<vmem>> -> memref<1x128xi32, #tpu.memory_space<vmem>>
        %dma_wait3A_196 = tpu.memref_squeeze %dma_wait3A_195 : memref<1x128xi32, #tpu.memory_space<vmem>> -> memref<128xi32, #tpu.memory_space<vmem>>
        %dma_wait3A_197 = arith.constant 0 : i32
        %dma_wait3A_198 = arith.constant 0 : i32
        %dma_wait3A_199 = tpu.memref_slice %arg16[%dma_wait3A_197, %dma_wait3A_198] : memref<10000x64xf32, #tpu.memory_space<vmem_shared>> -> memref<10000x64xf32, #tpu.memory_space<vmem_shared>>
        tpu.wait_indirect_dma semaphore(%arg19 : memref<!tpu.dma_semaphore, #tpu.memory_space<semaphore_mem>>) src(%dma_wait3A_199 : memref<10000x64xf32, #tpu.memory_space<vmem_shared>>) dst(%arg15 : memref<128x64xf32, #tpu.memory_space<vmem>>)
        %dma_start3A_200 = arith.constant 0 : i32
        %dma_start3A_201 = tpu.memref_slice %arg13[%add3A_169, %dma_start3A_200] : memref<80x128xi32, #tpu.memory_space<vmem>> -> memref<1x128xi32, #tpu.memory_space<vmem>>
        %dma_start3A_202 = tpu.memref_squeeze %dma_start3A_201 : memref<1x128xi32, #tpu.memory_space<vmem>> -> memref<128xi32, #tpu.memory_space<vmem>>
        %dma_start3A_203 = arith.constant 0 : i32
        %dma_start3A_204 = arith.constant 0 : i32
        %dma_start3A_205 = tpu.memref_slice %arg17[%dma_start3A_203, %dma_start3A_204] : memref<10016x64xf32, #tpu.memory_space<vmem_shared>> -> memref<10016x64xf32, #tpu.memory_space<vmem_shared>>
        tpu.enqueue_indirect_dma source(%arg15 : memref<128x64xf32, #tpu.memory_space<vmem>>) target(%dma_start3A_205 : memref<10016x64xf32, #tpu.memory_space<vmem_shared>>) offsets(%dma_start3A_202 : memref<128xi32, #tpu.memory_space<vmem>>) semaphore(%arg21 : memref<!tpu.dma_semaphore, #tpu.memory_space<semaphore_mem>>) {add = true}
        %dma_wait3A_206 = arith.constant 0 : i32
        %dma_wait3A_207 = tpu.memref_slice %arg13[%add3A_169, %dma_wait3A_206] : memref<80x128xi32, #tpu.memory_space<vmem>> -> memref<1x128xi32, #tpu.memory_space<vmem>>
        %dma_wait3A_208 = tpu.memref_squeeze %dma_wait3A_207 : memref<1x128xi32, #tpu.memory_space<vmem>> -> memref<128xi32, #tpu.memory_space<vmem>>
        %dma_wait3A_209 = arith.constant 0 : i32
        %dma_wait3A_210 = arith.constant 0 : i32
        %dma_wait3A_211 = tpu.memref_slice %arg17[%dma_wait3A_209, %dma_wait3A_210] : memref<10016x64xf32, #tpu.memory_space<vmem_shared>> -> memref<10016x64xf32, #tpu.memory_space<vmem_shared>>
        tpu.wait_indirect_dma semaphore(%arg21 : memref<!tpu.dma_semaphore, #tpu.memory_space<semaphore_mem>>) src(%arg15 : memref<128x64xf32, #tpu.memory_space<vmem>>) dst(%dma_wait3A_211 : memref<10016x64xf32, #tpu.memory_space<vmem_shared>>)
        %add3A_212 = arith.constant 2 : i32
        %add3A_213 = arith.addi %add3A_169, %add3A_212 : i32
        %lt3A_214 = arith.constant 80 : i32
        %lt3A_215 = arith.cmpi slt, %add3A_213, %lt3A_214 : i32
        %convert_element_type3A_216 = arith.extui %lt3A_215 : i1 to i32
        %cond3A_217 = arith.constant 0 : i32
        %cond3A_218 = arith.cmpi ne, %convert_element_type3A_216, %cond3A_217 : i32
        scf.if %cond3A_218 {
          %add3A_219 = arith.constant 2 : i32
          %add3A_220 = arith.addi %add3A_169, %add3A_219 : i32
          %dma_start3A_221 = arith.constant 0 : i32
          %dma_start3A_222 = tpu.memref_slice %arg12[%add3A_220, %dma_start3A_221] : memref<80x128xi32, #tpu.memory_space<vmem>> -> memref<1x128xi32, #tpu.memory_space<vmem>>
          %dma_start3A_223 = tpu.memref_squeeze %dma_start3A_222 : memref<1x128xi32, #tpu.memory_space<vmem>> -> memref<128xi32, #tpu.memory_space<vmem>>
          %dma_start3A_224 = arith.constant 0 : i32
          %dma_start3A_225 = arith.constant 0 : i32
          %dma_start3A_226 = tpu.memref_slice %arg16[%dma_start3A_224, %dma_start3A_225] : memref<10000x64xf32, #tpu.memory_space<vmem_shared>> -> memref<10000x64xf32, #tpu.memory_space<vmem_shared>>
          tpu.enqueue_indirect_dma source(%dma_start3A_226 : memref<10000x64xf32, #tpu.memory_space<vmem_shared>>) target(%arg15 : memref<128x64xf32, #tpu.memory_space<vmem>>) offsets(%dma_start3A_223 : memref<128xi32, #tpu.memory_space<vmem>>) semaphore(%arg19 : memref<!tpu.dma_semaphore, #tpu.memory_space<semaphore_mem>>)
        } else {
        }
      }
      %scan3A_71 = arith.constant 40 : i32
      %barrier3A_72 = arith.constant 0 : index
      tpu.barrier barrier_id(%barrier3A_72)
      %mul3A_73 = arith.constant 624 : i32
      %mul3A_74 = arith.muli %arg1, %mul3A_73 : i32
      %mul3A_75 = arith.constant 624 : i32
      %mul3A_76 = arith.muli %arg1, %mul3A_75 : i32
      %dma_start3A_77 = arith.constant 0 : i32
      %dma_start3A_78 = tpu.memref_slice %arg10[%mul3A_76, %dma_start3A_77] : memref<10000x64xf32, #tpu.memory_space<hbm>> -> memref<624x64xf32, #tpu.memory_space<hbm>>
      %dma_start3A_79 = arith.constant 0 : i32
      %dma_start3A_80 = tpu.memref_slice %arg17[%mul3A_74, %dma_start3A_79] : memref<10016x64xf32, #tpu.memory_space<vmem_shared>> -> memref<624x64xf32, #tpu.memory_space<vmem_shared>>
      tpu.enqueue_dma source(%dma_start3A_80 : memref<624x64xf32, #tpu.memory_space<vmem_shared>>) target(%dma_start3A_78 : memref<624x64xf32, #tpu.memory_space<hbm>>) target_semaphore(%arg21 : memref<!tpu.dma_semaphore, #tpu.memory_space<semaphore_mem>>)
      %eq3A_81 = arith.constant 15 : i32
      %eq3A_82 = arith.cmpi eq, %arg1, %eq3A_81 : i32
      %convert_element_type3A_83 = arith.extui %eq3A_82 : i1 to i32
      %cond3A_84 = arith.constant 0 : i32
      %cond3A_85 = arith.cmpi ne, %convert_element_type3A_83, %cond3A_84 : i32
      scf.if %cond3A_85 {
        "tpu.region"() ({
          %run_scoped3A = tpu.sem_alloc : memref<!tpu.dma_semaphore, #tpu.memory_space<semaphore_mem>>
          %dma_start3A_166 = arith.constant 9984 : i32
          %dma_start3A_167 = arith.constant 0 : i32
          %dma_start3A_168 = tpu.memref_slice %arg10[%dma_start3A_166, %dma_start3A_167] : memref<10000x64xf32, #tpu.memory_space<hbm>> -> memref<16x64xf32, #tpu.memory_space<hbm>>
          %dma_start3A_169 = arith.constant 9984 : i32
          %dma_start3A_170 = arith.constant 0 : i32
          %dma_start3A_171 = tpu.memref_slice %arg17[%dma_start3A_169, %dma_start3A_170] : memref<10016x64xf32, #tpu.memory_space<vmem_shared>> -> memref<16x64xf32, #tpu.memory_space<vmem_shared>>
          tpu.enqueue_dma source(%dma_start3A_171 : memref<16x64xf32, #tpu.memory_space<vmem_shared>>) target(%dma_start3A_168 : memref<16x64xf32, #tpu.memory_space<hbm>>) target_semaphore(%run_scoped3A : memref<!tpu.dma_semaphore, #tpu.memory_space<semaphore_mem>>)
          %dma_wait3A_172 = arith.constant 9984 : i32
          %dma_wait3A_173 = arith.constant 0 : i32
          %dma_wait3A_174 = tpu.memref_slice %arg10[%dma_wait3A_172, %dma_wait3A_173] : memref<10000x64xf32, #tpu.memory_space<hbm>> -> memref<16x64xf32, #tpu.memory_space<hbm>>
          %dma_wait3A_175 = arith.constant 9984 : i32
          %dma_wait3A_176 = arith.constant 0 : i32
          %dma_wait3A_177 = tpu.memref_slice %arg17[%dma_wait3A_175, %dma_wait3A_176] : memref<10016x64xf32, #tpu.memory_space<vmem_shared>> -> memref<16x64xf32, #tpu.memory_space<vmem_shared>>
          tpu.wait_dma2 semaphore(%run_scoped3A : memref<!tpu.dma_semaphore, #tpu.memory_space<semaphore_mem>>) src(%dma_wait3A_177 : memref<16x64xf32, #tpu.memory_space<vmem_shared>>) dst(%dma_wait3A_174 : memref<16x64xf32, #tpu.memory_space<hbm>>)
          tpu.yield
        }) : () -> ()
      } else {
      }
      %mul3A_86 = arith.constant 624 : i32
      %mul3A_87 = arith.muli %arg1, %mul3A_86 : i32
      %mul3A_88 = arith.constant 624 : i32
      %mul3A_89 = arith.muli %arg1, %mul3A_88 : i32
      %dma_start3A_90 = arith.constant 0 : i32
      %dma_start3A_91 = tpu.memref_slice %arg16[%mul3A_89, %dma_start3A_90] : memref<10000x64xf32, #tpu.memory_space<vmem_shared>> -> memref<624x64xf32, #tpu.memory_space<vmem_shared>>
      %dma_start3A_92 = arith.constant 0 : i32
      %dma_start3A_93 = tpu.memref_slice %arg5[%mul3A_87, %dma_start3A_92] : memref<10000x64xf32, #tpu.memory_space<hbm>> -> memref<624x64xf32, #tpu.memory_space<hbm>>
      tpu.enqueue_dma source(%dma_start3A_93 : memref<624x64xf32, #tpu.memory_space<hbm>>) target(%dma_start3A_91 : memref<624x64xf32, #tpu.memory_space<vmem_shared>>) target_semaphore(%arg18 : memref<!tpu.dma_semaphore, #tpu.memory_space<semaphore_mem>>)
      %mul3A_94 = arith.constant 624 : i32
      %mul3A_95 = arith.muli %arg1, %mul3A_94 : i32
      %mul3A_96 = arith.constant 624 : i32
      %mul3A_97 = arith.muli %arg1, %mul3A_96 : i32
      %dma_wait3A_98 = arith.constant 0 : i32
      %dma_wait3A_99 = tpu.memref_slice %arg10[%mul3A_97, %dma_wait3A_98] : memref<10000x64xf32, #tpu.memory_space<hbm>> -> memref<624x64xf32, #tpu.memory_space<hbm>>
      %dma_wait3A_100 = arith.constant 0 : i32
      %dma_wait3A_101 = tpu.memref_slice %arg17[%mul3A_95, %dma_wait3A_100] : memref<10016x64xf32, #tpu.memory_space<vmem_shared>> -> memref<624x64xf32, #tpu.memory_space<vmem_shared>>
      tpu.wait_dma2 semaphore(%arg21 : memref<!tpu.dma_semaphore, #tpu.memory_space<semaphore_mem>>) src(%dma_wait3A_101 : memref<624x64xf32, #tpu.memory_space<vmem_shared>>) dst(%dma_wait3A_99 : memref<624x64xf32, #tpu.memory_space<hbm>>)
      %mul3A_102 = arith.constant 624 : i32
      %mul3A_103 = arith.muli %arg1, %mul3A_102 : i32
      %mul3A_104 = arith.constant 624 : i32
      %mul3A_105 = arith.muli %arg1, %mul3A_104 : i32
      %dma_start3A_106 = arith.constant 0 : i32
      %dma_start3A_107 = tpu.memref_slice %arg17[%mul3A_105, %dma_start3A_106] : memref<10016x64xf32, #tpu.memory_space<vmem_shared>> -> memref<624x64xf32, #tpu.memory_space<vmem_shared>>
      %dma_start3A_108 = arith.constant 0 : i32
      %dma_start3A_109 = tpu.memref_slice %arg5[%mul3A_103, %dma_start3A_108] : memref<10000x64xf32, #tpu.memory_space<hbm>> -> memref<624x64xf32, #tpu.memory_space<hbm>>
      tpu.enqueue_dma source(%dma_start3A_109 : memref<624x64xf32, #tpu.memory_space<hbm>>) target(%dma_start3A_107 : memref<624x64xf32, #tpu.memory_space<vmem_shared>>) target_semaphore(%arg19 : memref<!tpu.dma_semaphore, #tpu.memory_space<semaphore_mem>>)
      %eq3A_110 = arith.constant 15 : i32
      %eq3A_111 = arith.cmpi eq, %arg1, %eq3A_110 : i32
      %convert_element_type3A_112 = arith.extui %eq3A_111 : i1 to i32
      %cond3A_113 = arith.constant 0 : i32
      %cond3A_114 = arith.cmpi ne, %convert_element_type3A_112, %cond3A_113 : i32
      scf.if %cond3A_114 {
        "tpu.region"() ({
          %run_scoped3A = tpu.sem_alloc : memref<!tpu.dma_semaphore, #tpu.memory_space<semaphore_mem>>
          %dma_start3A_166 = arith.constant 9984 : i32
          %dma_start3A_167 = arith.constant 0 : i32
          %dma_start3A_168 = tpu.memref_slice %arg16[%dma_start3A_166, %dma_start3A_167] : memref<10000x64xf32, #tpu.memory_space<vmem_shared>> -> memref<16x64xf32, #tpu.memory_space<vmem_shared>>
          %dma_start3A_169 = arith.constant 9984 : i32
          %dma_start3A_170 = arith.constant 0 : i32
          %dma_start3A_171 = tpu.memref_slice %arg5[%dma_start3A_169, %dma_start3A_170] : memref<10000x64xf32, #tpu.memory_space<hbm>> -> memref<16x64xf32, #tpu.memory_space<hbm>>
          tpu.enqueue_dma source(%dma_start3A_171 : memref<16x64xf32, #tpu.memory_space<hbm>>) target(%dma_start3A_168 : memref<16x64xf32, #tpu.memory_space<vmem_shared>>) target_semaphore(%run_scoped3A : memref<!tpu.dma_semaphore, #tpu.memory_space<semaphore_mem>>)
          %dma_wait3A_172 = arith.constant 9984 : i32
          %dma_wait3A_173 = arith.constant 0 : i32
          %dma_wait3A_174 = tpu.memref_slice %arg16[%dma_wait3A_172, %dma_wait3A_173] : memref<10000x64xf32, #tpu.memory_space<vmem_shared>> -> memref<16x64xf32, #tpu.memory_space<vmem_shared>>
          %dma_wait3A_175 = arith.constant 9984 : i32
          %dma_wait3A_176 = arith.constant 0 : i32
          %dma_wait3A_177 = tpu.memref_slice %arg5[%dma_wait3A_175, %dma_wait3A_176] : memref<10000x64xf32, #tpu.memory_space<hbm>> -> memref<16x64xf32, #tpu.memory_space<hbm>>
          tpu.wait_dma2 semaphore(%run_scoped3A : memref<!tpu.dma_semaphore, #tpu.memory_space<semaphore_mem>>) src(%dma_wait3A_177 : memref<16x64xf32, #tpu.memory_space<hbm>>) dst(%dma_wait3A_174 : memref<16x64xf32, #tpu.memory_space<vmem_shared>>)
          tpu.yield
        }) : () -> ()
        "tpu.region"() ({
          %run_scoped3A = tpu.sem_alloc : memref<!tpu.dma_semaphore, #tpu.memory_space<semaphore_mem>>
          %dma_start3A_166 = arith.constant 9984 : i32
          %dma_start3A_167 = arith.constant 0 : i32
          %dma_start3A_168 = tpu.memref_slice %arg17[%dma_start3A_166, %dma_start3A_167] : memref<10016x64xf32, #tpu.memory_space<vmem_shared>> -> memref<16x64xf32, #tpu.memory_space<vmem_shared>>
          %dma_start3A_169 = arith.constant 9984 : i32
          %dma_start3A_170 = arith.constant 0 : i32
          %dma_start3A_171 = tpu.memref_slice %arg5[%dma_start3A_169, %dma_start3A_170] : memref<10000x64xf32, #tpu.memory_space<hbm>> -> memref<16x64xf32, #tpu.memory_space<hbm>>
          tpu.enqueue_dma source(%dma_start3A_171 : memref<16x64xf32, #tpu.memory_space<hbm>>) target(%dma_start3A_168 : memref<16x64xf32, #tpu.memory_space<vmem_shared>>) target_semaphore(%run_scoped3A : memref<!tpu.dma_semaphore, #tpu.memory_space<semaphore_mem>>)
          %dma_wait3A_172 = arith.constant 9984 : i32
          %dma_wait3A_173 = arith.constant 0 : i32
          %dma_wait3A_174 = tpu.memref_slice %arg17[%dma_wait3A_172, %dma_wait3A_173] : memref<10016x64xf32, #tpu.memory_space<vmem_shared>> -> memref<16x64xf32, #tpu.memory_space<vmem_shared>>
          %dma_wait3A_175 = arith.constant 9984 : i32
          %dma_wait3A_176 = arith.constant 0 : i32
          %dma_wait3A_177 = tpu.memref_slice %arg5[%dma_wait3A_175, %dma_wait3A_176] : memref<10000x64xf32, #tpu.memory_space<hbm>> -> memref<16x64xf32, #tpu.memory_space<hbm>>
          tpu.wait_dma2 semaphore(%run_scoped3A : memref<!tpu.dma_semaphore, #tpu.memory_space<semaphore_mem>>) src(%dma_wait3A_177 : memref<16x64xf32, #tpu.memory_space<hbm>>) dst(%dma_wait3A_174 : memref<16x64xf32, #tpu.memory_space<vmem_shared>>)
          tpu.yield
        }) : () -> ()
        "tpu.region"() ({
          %run_scoped3A = tpu.sem_alloc : memref<!tpu.dma_semaphore, #tpu.memory_space<semaphore_mem>>
          %dma_start3A_166 = arith.constant 10000 : i32
          %dma_start3A_167 = arith.constant 0 : i32
          %dma_start3A_168 = tpu.memref_slice %arg17[%dma_start3A_166, %dma_start3A_167] : memref<10016x64xf32, #tpu.memory_space<vmem_shared>> -> memref<16x64xf32, #tpu.memory_space<vmem_shared>>
          %dma_start3A_169 = arith.constant 0 : i32
          %dma_start3A_170 = arith.constant 0 : i32
          %dma_start3A_171 = tpu.memref_slice %arg5[%dma_start3A_169, %dma_start3A_170] : memref<10000x64xf32, #tpu.memory_space<hbm>> -> memref<16x64xf32, #tpu.memory_space<hbm>>
          tpu.enqueue_dma source(%dma_start3A_171 : memref<16x64xf32, #tpu.memory_space<hbm>>) target(%dma_start3A_168 : memref<16x64xf32, #tpu.memory_space<vmem_shared>>) target_semaphore(%run_scoped3A : memref<!tpu.dma_semaphore, #tpu.memory_space<semaphore_mem>>)
          %dma_wait3A_172 = arith.constant 10000 : i32
          %dma_wait3A_173 = arith.constant 0 : i32
          %dma_wait3A_174 = tpu.memref_slice %arg17[%dma_wait3A_172, %dma_wait3A_173] : memref<10016x64xf32, #tpu.memory_space<vmem_shared>> -> memref<16x64xf32, #tpu.memory_space<vmem_shared>>
          %dma_wait3A_175 = arith.constant 0 : i32
          %dma_wait3A_176 = arith.constant 0 : i32
          %dma_wait3A_177 = tpu.memref_slice %arg5[%dma_wait3A_175, %dma_wait3A_176] : memref<10000x64xf32, #tpu.memory_space<hbm>> -> memref<16x64xf32, #tpu.memory_space<hbm>>
          tpu.wait_dma2 semaphore(%run_scoped3A : memref<!tpu.dma_semaphore, #tpu.memory_space<semaphore_mem>>) src(%dma_wait3A_177 : memref<16x64xf32, #tpu.memory_space<hbm>>) dst(%dma_wait3A_174 : memref<16x64xf32, #tpu.memory_space<vmem_shared>>)
          tpu.yield
        }) : () -> ()
      } else {
      }
      %dma_wait3A_115 = arith.constant 0 : i32
      %dma_wait3A_116 = tpu.memref_slice %arg16[%mul3A_89, %dma_wait3A_115] : memref<10000x64xf32, #tpu.memory_space<vmem_shared>> -> memref<624x64xf32, #tpu.memory_space<vmem_shared>>
      %dma_wait3A_117 = arith.constant 0 : i32
      %dma_wait3A_118 = tpu.memref_slice %arg5[%mul3A_87, %dma_wait3A_117] : memref<10000x64xf32, #tpu.memory_space<hbm>> -> memref<624x64xf32, #tpu.memory_space<hbm>>
      tpu.wait_dma2 semaphore(%arg18 : memref<!tpu.dma_semaphore, #tpu.memory_space<semaphore_mem>>) src(%dma_wait3A_118 : memref<624x64xf32, #tpu.memory_space<hbm>>) dst(%dma_wait3A_116 : memref<624x64xf32, #tpu.memory_space<vmem_shared>>)
      %dma_wait3A_119 = arith.constant 0 : i32
      %dma_wait3A_120 = tpu.memref_slice %arg17[%mul3A_105, %dma_wait3A_119] : memref<10016x64xf32, #tpu.memory_space<vmem_shared>> -> memref<624x64xf32, #tpu.memory_space<vmem_shared>>
      %dma_wait3A_121 = arith.constant 0 : i32
      %dma_wait3A_122 = tpu.memref_slice %arg5[%mul3A_103, %dma_wait3A_121] : memref<10000x64xf32, #tpu.memory_space<hbm>> -> memref<624x64xf32, #tpu.memory_space<hbm>>
      tpu.wait_dma2 semaphore(%arg19 : memref<!tpu.dma_semaphore, #tpu.memory_space<semaphore_mem>>) src(%dma_wait3A_122 : memref<624x64xf32, #tpu.memory_space<hbm>>) dst(%dma_wait3A_120 : memref<624x64xf32, #tpu.memory_space<vmem_shared>>)
      %barrier3A_123 = arith.constant 0 : index
      tpu.barrier barrier_id(%barrier3A_123)
      %dma_start3A_124 = arith.constant 0 : i32
      %dma_start3A_125 = arith.constant 0 : i32
      %dma_start3A_126 = tpu.memref_slice %arg12[%dma_start3A_124, %dma_start3A_125] : memref<80x128xi32, #tpu.memory_space<vmem>> -> memref<1x128xi32, #tpu.memory_space<vmem>>
      %dma_start3A_127 = tpu.memref_squeeze %dma_start3A_126 : memref<1x128xi32, #tpu.memory_space<vmem>> -> memref<128xi32, #tpu.memory_space<vmem>>
      %dma_start3A_128 = arith.constant 0 : i32
      %dma_start3A_129 = arith.constant 0 : i32
      %dma_start3A_130 = tpu.memref_slice %arg16[%dma_start3A_128, %dma_start3A_129] : memref<10000x64xf32, #tpu.memory_space<vmem_shared>> -> memref<10000x64xf32, #tpu.memory_space<vmem_shared>>
      tpu.enqueue_indirect_dma source(%dma_start3A_130 : memref<10000x64xf32, #tpu.memory_space<vmem_shared>>) target(%arg14 : memref<128x64xf32, #tpu.memory_space<vmem>>) offsets(%dma_start3A_127 : memref<128xi32, #tpu.memory_space<vmem>>) semaphore(%arg18 : memref<!tpu.dma_semaphore, #tpu.memory_space<semaphore_mem>>)
      %dma_start3A_131 = arith.constant 1 : i32
      %dma_start3A_132 = arith.constant 0 : i32
      %dma_start3A_133 = tpu.memref_slice %arg12[%dma_start3A_131, %dma_start3A_132] : memref<80x128xi32, #tpu.memory_space<vmem>> -> memref<1x128xi32, #tpu.memory_space<vmem>>
      %dma_start3A_134 = tpu.memref_squeeze %dma_start3A_133 : memref<1x128xi32, #tpu.memory_space<vmem>> -> memref<128xi32, #tpu.memory_space<vmem>>
      %dma_start3A_135 = arith.constant 0 : i32
      %dma_start3A_136 = arith.constant 0 : i32
      %dma_start3A_137 = tpu.memref_slice %arg16[%dma_start3A_135, %dma_start3A_136] : memref<10000x64xf32, #tpu.memory_space<vmem_shared>> -> memref<10000x64xf32, #tpu.memory_space<vmem_shared>>
      tpu.enqueue_indirect_dma source(%dma_start3A_137 : memref<10000x64xf32, #tpu.memory_space<vmem_shared>>) target(%arg15 : memref<128x64xf32, #tpu.memory_space<vmem>>) offsets(%dma_start3A_134 : memref<128xi32, #tpu.memory_space<vmem>>) semaphore(%arg19 : memref<!tpu.dma_semaphore, #tpu.memory_space<semaphore_mem>>)
      %scan3A_138 = arith.constant 0 : i32
      %scan3A_139 = arith.constant 0 : i32
      %scan3A_140 = arith.constant 40 : i32
      %scan3A_141 = arith.addi %scan3A_139, %scan3A_140 : i32
      %scan3A_142 = arith.constant 1 : i32
      scf.for %scan3A_166 = %scan3A_139 to %scan3A_141 step %scan3A_142  : i32 {
        %mul3A_167 = arith.constant 2 : i32
        %mul3A_168 = arith.muli %mul3A_167, %scan3A_166 : i32
        %add3A = arith.constant 1 : i32
        %add3A_169 = arith.addi %mul3A_168, %add3A : i32
        %dma_wait3A_170 = arith.constant 0 : i32
        %dma_wait3A_171 = tpu.memref_slice %arg12[%mul3A_168, %dma_wait3A_170] : memref<80x128xi32, #tpu.memory_space<vmem>> -> memref<1x128xi32, #tpu.memory_space<vmem>>
        %dma_wait3A_172 = tpu.memref_squeeze %dma_wait3A_171 : memref<1x128xi32, #tpu.memory_space<vmem>> -> memref<128xi32, #tpu.memory_space<vmem>>
        %dma_wait3A_173 = arith.constant 0 : i32
        %dma_wait3A_174 = arith.constant 0 : i32
        %dma_wait3A_175 = tpu.memref_slice %arg16[%dma_wait3A_173, %dma_wait3A_174] : memref<10000x64xf32, #tpu.memory_space<vmem_shared>> -> memref<10000x64xf32, #tpu.memory_space<vmem_shared>>
        tpu.wait_indirect_dma semaphore(%arg18 : memref<!tpu.dma_semaphore, #tpu.memory_space<semaphore_mem>>) src(%dma_wait3A_175 : memref<10000x64xf32, #tpu.memory_space<vmem_shared>>) dst(%arg14 : memref<128x64xf32, #tpu.memory_space<vmem>>)
        %dma_start3A_176 = arith.constant 0 : i32
        %dma_start3A_177 = tpu.memref_slice %arg13[%mul3A_168, %dma_start3A_176] : memref<80x128xi32, #tpu.memory_space<vmem>> -> memref<1x128xi32, #tpu.memory_space<vmem>>
        %dma_start3A_178 = tpu.memref_squeeze %dma_start3A_177 : memref<1x128xi32, #tpu.memory_space<vmem>> -> memref<128xi32, #tpu.memory_space<vmem>>
        %dma_start3A_179 = arith.constant 0 : i32
        %dma_start3A_180 = arith.constant 0 : i32
        %dma_start3A_181 = tpu.memref_slice %arg17[%dma_start3A_179, %dma_start3A_180] : memref<10016x64xf32, #tpu.memory_space<vmem_shared>> -> memref<10016x64xf32, #tpu.memory_space<vmem_shared>>
        tpu.enqueue_indirect_dma source(%arg14 : memref<128x64xf32, #tpu.memory_space<vmem>>) target(%dma_start3A_181 : memref<10016x64xf32, #tpu.memory_space<vmem_shared>>) offsets(%dma_start3A_178 : memref<128xi32, #tpu.memory_space<vmem>>) semaphore(%arg20 : memref<!tpu.dma_semaphore, #tpu.memory_space<semaphore_mem>>) {add = true}
        %dma_wait3A_182 = arith.constant 0 : i32
        %dma_wait3A_183 = tpu.memref_slice %arg13[%mul3A_168, %dma_wait3A_182] : memref<80x128xi32, #tpu.memory_space<vmem>> -> memref<1x128xi32, #tpu.memory_space<vmem>>
        %dma_wait3A_184 = tpu.memref_squeeze %dma_wait3A_183 : memref<1x128xi32, #tpu.memory_space<vmem>> -> memref<128xi32, #tpu.memory_space<vmem>>
        %dma_wait3A_185 = arith.constant 0 : i32
        %dma_wait3A_186 = arith.constant 0 : i32
        %dma_wait3A_187 = tpu.memref_slice %arg17[%dma_wait3A_185, %dma_wait3A_186] : memref<10016x64xf32, #tpu.memory_space<vmem_shared>> -> memref<10016x64xf32, #tpu.memory_space<vmem_shared>>
        tpu.wait_indirect_dma semaphore(%arg20 : memref<!tpu.dma_semaphore, #tpu.memory_space<semaphore_mem>>) src(%arg14 : memref<128x64xf32, #tpu.memory_space<vmem>>) dst(%dma_wait3A_187 : memref<10016x64xf32, #tpu.memory_space<vmem_shared>>)
        %add3A_188 = arith.constant 2 : i32
        %add3A_189 = arith.addi %mul3A_168, %add3A_188 : i32
        %lt3A = arith.constant 80 : i32
        %lt3A_190 = arith.cmpi slt, %add3A_189, %lt3A : i32
        %convert_element_type3A_191 = arith.extui %lt3A_190 : i1 to i32
        %cond3A_192 = arith.constant 0 : i32
        %cond3A_193 = arith.cmpi ne, %convert_element_type3A_191, %cond3A_192 : i32
        scf.if %cond3A_193 {
          %add3A_219 = arith.constant 2 : i32
          %add3A_220 = arith.addi %mul3A_168, %add3A_219 : i32
          %dma_start3A_221 = arith.constant 0 : i32
          %dma_start3A_222 = tpu.memref_slice %arg12[%add3A_220, %dma_start3A_221] : memref<80x128xi32, #tpu.memory_space<vmem>> -> memref<1x128xi32, #tpu.memory_space<vmem>>
          %dma_start3A_223 = tpu.memref_squeeze %dma_start3A_222 : memref<1x128xi32, #tpu.memory_space<vmem>> -> memref<128xi32, #tpu.memory_space<vmem>>
          %dma_start3A_224 = arith.constant 0 : i32
          %dma_start3A_225 = arith.constant 0 : i32
          %dma_start3A_226 = tpu.memref_slice %arg16[%dma_start3A_224, %dma_start3A_225] : memref<10000x64xf32, #tpu.memory_space<vmem_shared>> -> memref<10000x64xf32, #tpu.memory_space<vmem_shared>>
          tpu.enqueue_indirect_dma source(%dma_start3A_226 : memref<10000x64xf32, #tpu.memory_space<vmem_shared>>) target(%arg14 : memref<128x64xf32, #tpu.memory_space<vmem>>) offsets(%dma_start3A_223 : memref<128xi32, #tpu.memory_space<vmem>>) semaphore(%arg18 : memref<!tpu.dma_semaphore, #tpu.memory_space<semaphore_mem>>)
        } else {
        }
        %dma_wait3A_194 = arith.constant 0 : i32
        %dma_wait3A_195 = tpu.memref_slice %arg12[%add3A_169, %dma_wait3A_194] : memref<80x128xi32, #tpu.memory_space<vmem>> -> memref<1x128xi32, #tpu.memory_space<vmem>>
        %dma_wait3A_196 = tpu.memref_squeeze %dma_wait3A_195 : memref<1x128xi32, #tpu.memory_space<vmem>> -> memref<128xi32, #tpu.memory_space<vmem>>
        %dma_wait3A_197 = arith.constant 0 : i32
        %dma_wait3A_198 = arith.constant 0 : i32
        %dma_wait3A_199 = tpu.memref_slice %arg16[%dma_wait3A_197, %dma_wait3A_198] : memref<10000x64xf32, #tpu.memory_space<vmem_shared>> -> memref<10000x64xf32, #tpu.memory_space<vmem_shared>>
        tpu.wait_indirect_dma semaphore(%arg19 : memref<!tpu.dma_semaphore, #tpu.memory_space<semaphore_mem>>) src(%dma_wait3A_199 : memref<10000x64xf32, #tpu.memory_space<vmem_shared>>) dst(%arg15 : memref<128x64xf32, #tpu.memory_space<vmem>>)
        %dma_start3A_200 = arith.constant 0 : i32
        %dma_start3A_201 = tpu.memref_slice %arg13[%add3A_169, %dma_start3A_200] : memref<80x128xi32, #tpu.memory_space<vmem>> -> memref<1x128xi32, #tpu.memory_space<vmem>>
        %dma_start3A_202 = tpu.memref_squeeze %dma_start3A_201 : memref<1x128xi32, #tpu.memory_space<vmem>> -> memref<128xi32, #tpu.memory_space<vmem>>
        %dma_start3A_203 = arith.constant 0 : i32
        %dma_start3A_204 = arith.constant 0 : i32
        %dma_start3A_205 = tpu.memref_slice %arg17[%dma_start3A_203, %dma_start3A_204] : memref<10016x64xf32, #tpu.memory_space<vmem_shared>> -> memref<10016x64xf32, #tpu.memory_space<vmem_shared>>
        tpu.enqueue_indirect_dma source(%arg15 : memref<128x64xf32, #tpu.memory_space<vmem>>) target(%dma_start3A_205 : memref<10016x64xf32, #tpu.memory_space<vmem_shared>>) offsets(%dma_start3A_202 : memref<128xi32, #tpu.memory_space<vmem>>) semaphore(%arg21 : memref<!tpu.dma_semaphore, #tpu.memory_space<semaphore_mem>>) {add = true}
        %dma_wait3A_206 = arith.constant 0 : i32
        %dma_wait3A_207 = tpu.memref_slice %arg13[%add3A_169, %dma_wait3A_206] : memref<80x128xi32, #tpu.memory_space<vmem>> -> memref<1x128xi32, #tpu.memory_space<vmem>>
        %dma_wait3A_208 = tpu.memref_squeeze %dma_wait3A_207 : memref<1x128xi32, #tpu.memory_space<vmem>> -> memref<128xi32, #tpu.memory_space<vmem>>
        %dma_wait3A_209 = arith.constant 0 : i32
        %dma_wait3A_210 = arith.constant 0 : i32
        %dma_wait3A_211 = tpu.memref_slice %arg17[%dma_wait3A_209, %dma_wait3A_210] : memref<10016x64xf32, #tpu.memory_space<vmem_shared>> -> memref<10016x64xf32, #tpu.memory_space<vmem_shared>>
        tpu.wait_indirect_dma semaphore(%arg21 : memref<!tpu.dma_semaphore, #tpu.memory_space<semaphore_mem>>) src(%arg15 : memref<128x64xf32, #tpu.memory_space<vmem>>) dst(%dma_wait3A_211 : memref<10016x64xf32, #tpu.memory_space<vmem_shared>>)
        %add3A_212 = arith.constant 2 : i32
        %add3A_213 = arith.addi %add3A_169, %add3A_212 : i32
        %lt3A_214 = arith.constant 80 : i32
        %lt3A_215 = arith.cmpi slt, %add3A_213, %lt3A_214 : i32
        %convert_element_type3A_216 = arith.extui %lt3A_215 : i1 to i32
        %cond3A_217 = arith.constant 0 : i32
        %cond3A_218 = arith.cmpi ne, %convert_element_type3A_216, %cond3A_217 : i32
        scf.if %cond3A_218 {
          %add3A_219 = arith.constant 2 : i32
          %add3A_220 = arith.addi %add3A_169, %add3A_219 : i32
          %dma_start3A_221 = arith.constant 0 : i32
          %dma_start3A_222 = tpu.memref_slice %arg12[%add3A_220, %dma_start3A_221] : memref<80x128xi32, #tpu.memory_space<vmem>> -> memref<1x128xi32, #tpu.memory_space<vmem>>
          %dma_start3A_223 = tpu.memref_squeeze %dma_start3A_222 : memref<1x128xi32, #tpu.memory_space<vmem>> -> memref<128xi32, #tpu.memory_space<vmem>>
          %dma_start3A_224 = arith.constant 0 : i32
          %dma_start3A_225 = arith.constant 0 : i32
          %dma_start3A_226 = tpu.memref_slice %arg16[%dma_start3A_224, %dma_start3A_225] : memref<10000x64xf32, #tpu.memory_space<vmem_shared>> -> memref<10000x64xf32, #tpu.memory_space<vmem_shared>>
          tpu.enqueue_indirect_dma source(%dma_start3A_226 : memref<10000x64xf32, #tpu.memory_space<vmem_shared>>) target(%arg15 : memref<128x64xf32, #tpu.memory_space<vmem>>) offsets(%dma_start3A_223 : memref<128xi32, #tpu.memory_space<vmem>>) semaphore(%arg19 : memref<!tpu.dma_semaphore, #tpu.memory_space<semaphore_mem>>)
        } else {
        }
      }
      %scan3A_143 = arith.constant 40 : i32
      %barrier3A_144 = arith.constant 0 : index
      tpu.barrier barrier_id(%barrier3A_144)
      %mul3A_145 = arith.constant 624 : i32
      %mul3A_146 = arith.muli %arg1, %mul3A_145 : i32
      %mul3A_147 = arith.constant 624 : i32
      %mul3A_148 = arith.muli %arg1, %mul3A_147 : i32
      %dma_start3A_149 = arith.constant 0 : i32
      %dma_start3A_150 = tpu.memref_slice %arg11[%mul3A_148, %dma_start3A_149] : memref<10000x64xf32, #tpu.memory_space<hbm>> -> memref<624x64xf32, #tpu.memory_space<hbm>>
      %dma_start3A_151 = arith.constant 0 : i32
      %dma_start3A_152 = tpu.memref_slice %arg17[%mul3A_146, %dma_start3A_151] : memref<10016x64xf32, #tpu.memory_space<vmem_shared>> -> memref<624x64xf32, #tpu.memory_space<vmem_shared>>
      tpu.enqueue_dma source(%dma_start3A_152 : memref<624x64xf32, #tpu.memory_space<vmem_shared>>) target(%dma_start3A_150 : memref<624x64xf32, #tpu.memory_space<hbm>>) target_semaphore(%arg21 : memref<!tpu.dma_semaphore, #tpu.memory_space<semaphore_mem>>)
      %mul3A_153 = arith.constant 624 : i32
      %mul3A_154 = arith.muli %arg1, %mul3A_153 : i32
      %mul3A_155 = arith.constant 624 : i32
      %mul3A_156 = arith.muli %arg1, %mul3A_155 : i32
      %dma_wait3A_157 = arith.constant 0 : i32
      %dma_wait3A_158 = tpu.memref_slice %arg11[%mul3A_156, %dma_wait3A_157] : memref<10000x64xf32, #tpu.memory_space<hbm>> -> memref<624x64xf32, #tpu.memory_space<hbm>>
      %dma_wait3A_159 = arith.constant 0 : i32
      %dma_wait3A_160 = tpu.memref_slice %arg17[%mul3A_154, %dma_wait3A_159] : memref<10016x64xf32, #tpu.memory_space<vmem_shared>> -> memref<624x64xf32, #tpu.memory_space<vmem_shared>>
      tpu.wait_dma2 semaphore(%arg21 : memref<!tpu.dma_semaphore, #tpu.memory_space<semaphore_mem>>) src(%dma_wait3A_160 : memref<624x64xf32, #tpu.memory_space<vmem_shared>>) dst(%dma_wait3A_158 : memref<624x64xf32, #tpu.memory_space<hbm>>)
      %eq3A_161 = arith.constant 15 : i32
      %eq3A_162 = arith.cmpi eq, %arg1, %eq3A_161 : i32
      %convert_element_type3A_163 = arith.extui %eq3A_162 : i1 to i32
      %cond3A_164 = arith.constant 0 : i32
      %cond3A_165 = arith.cmpi ne, %convert_element_type3A_163, %cond3A_164 : i32
      scf.if %cond3A_165 {
        "tpu.region"() ({
          %run_scoped3A = tpu.sem_alloc : memref<!tpu.dma_semaphore, #tpu.memory_space<semaphore_mem>>
          %dma_start3A_166 = arith.constant 9984 : i32
          %dma_start3A_167 = arith.constant 0 : i32
          %dma_start3A_168 = tpu.memref_slice %arg11[%dma_start3A_166, %dma_start3A_167] : memref<10000x64xf32, #tpu.memory_space<hbm>> -> memref<16x64xf32, #tpu.memory_space<hbm>>
          %dma_start3A_169 = arith.constant 9984 : i32
          %dma_start3A_170 = arith.constant 0 : i32
          %dma_start3A_171 = tpu.memref_slice %arg17[%dma_start3A_169, %dma_start3A_170] : memref<10016x64xf32, #tpu.memory_space<vmem_shared>> -> memref<16x64xf32, #tpu.memory_space<vmem_shared>>
          tpu.enqueue_dma source(%dma_start3A_171 : memref<16x64xf32, #tpu.memory_space<vmem_shared>>) target(%dma_start3A_168 : memref<16x64xf32, #tpu.memory_space<hbm>>) target_semaphore(%run_scoped3A : memref<!tpu.dma_semaphore, #tpu.memory_space<semaphore_mem>>)
          %dma_wait3A_172 = arith.constant 9984 : i32
          %dma_wait3A_173 = arith.constant 0 : i32
          %dma_wait3A_174 = tpu.memref_slice %arg11[%dma_wait3A_172, %dma_wait3A_173] : memref<10000x64xf32, #tpu.memory_space<hbm>> -> memref<16x64xf32, #tpu.memory_space<hbm>>
          %dma_wait3A_175 = arith.constant 9984 : i32
          %dma_wait3A_176 = arith.constant 0 : i32
          %dma_wait3A_177 = tpu.memref_slice %arg17[%dma_wait3A_175, %dma_wait3A_176] : memref<10016x64xf32, #tpu.memory_space<vmem_shared>> -> memref<16x64xf32, #tpu.memory_space<vmem_shared>>
          tpu.wait_dma2 semaphore(%run_scoped3A : memref<!tpu.dma_semaphore, #tpu.memory_space<semaphore_mem>>) src(%dma_wait3A_177 : memref<16x64xf32, #tpu.memory_space<vmem_shared>>) dst(%dma_wait3A_174 : memref<16x64xf32, #tpu.memory_space<hbm>>)
          tpu.yield
        }) : () -> ()
      } else {
      }
    } else {
    }
    return
  }
}

#map = affine_map<(d0, d1) -> (0, 0)>
module attributes {stable_mosaic.version = 14 : i64} {
  func.func @_sc_agg_body(%arg0: i32, %arg1: i32, %arg2: memref<10000x64xf32, #tpu.memory_space<hbm>>, %arg3: memref<10000x64xf32, #tpu.memory_space<hbm>>, %arg4: memref<10000x64xf32, #tpu.memory_space<hbm>>, %arg5: memref<10000x64xf32, #tpu.memory_space<hbm>>, %arg6: memref<1280x128xi32, #tpu.memory_space<hbm>>, %arg7: memref<1280x128xi32, #tpu.memory_space<hbm>>, %arg8: memref<10000x64xf32, #tpu.memory_space<hbm>>, %arg9: memref<10000x64xf32, #tpu.memory_space<hbm>>, %arg10: memref<10000x64xf32, #tpu.memory_space<hbm>>, %arg11: memref<10000x64xf32, #tpu.memory_space<hbm>>, %arg12: memref<80x128xi32, #tpu.memory_space<vmem>>, %arg13: memref<80x128xi32, #tpu.memory_space<vmem>>, %arg14: memref<128x64xf32, #tpu.memory_space<vmem>>, %arg15: memref<128x64xf32, #tpu.memory_space<vmem>>, %arg16: memref<10000x64xf32, #tpu.memory_space<vmem_shared>>, %arg17: memref<10016x64xf32, #tpu.memory_space<vmem_shared>>, %arg18: memref<!tpu.dma_semaphore, #tpu.memory_space<semaphore_mem>>, %arg19: memref<!tpu.dma_semaphore, #tpu.memory_space<semaphore_mem>>, %arg20: memref<!tpu.dma_semaphore, #tpu.memory_space<semaphore_mem>>, %arg21: memref<!tpu.dma_semaphore, #tpu.memory_space<semaphore_mem>>) attributes {dimension_semantics = [#tpu.dimension_semantics<core_parallel>, #tpu.dimension_semantics<subcore_parallel>], iteration_bounds = array<i64: 2, 16>, scalar_prefetch = 0 : i64, scratch_operands = 10 : i64, tpu.core_type = #tpu.core_type<sc_vector_subcore>, window_params = [{transform_indices = #map}, {transform_indices = #map}, {transform_indices = #map}, {transform_indices = #map}, {transform_indices = #map}, {transform_indices = #map}, {transform_indices = #map}, {transform_indices = #map}, {transform_indices = #map}, {transform_indices = #map}]} {
    %eq3A = arith.constant 0 : i32
    %eq3A_0 = arith.cmpi eq, %arg0, %eq3A : i32
    %convert_element_type3A = arith.extui %eq3A_0 : i1 to i32
    %cond3A = arith.constant 0 : i32
    %cond3A_1 = arith.cmpi ne, %convert_element_type3A, %cond3A : i32
    scf.if %cond3A_1 {
      %mul3A = arith.constant 624 : i32
      %mul3A_7 = arith.muli %arg1, %mul3A : i32
      %mul3A_8 = arith.constant 624 : i32
      %mul3A_9 = arith.muli %arg1, %mul3A_8 : i32
      %dma_start3A = arith.constant 0 : i32
      %dma_start3A_10 = tpu.memref_slice %arg16[%mul3A_9, %dma_start3A] : memref<10000x64xf32, #tpu.memory_space<vmem_shared>> -> memref<624x64xf32, #tpu.memory_space<vmem_shared>>
      %dma_start3A_11 = arith.constant 0 : i32
      %dma_start3A_12 = tpu.memref_slice %arg2[%mul3A_7, %dma_start3A_11] : memref<10000x64xf32, #tpu.memory_space<hbm>> -> memref<624x64xf32, #tpu.memory_space<hbm>>
      tpu.enqueue_dma source(%dma_start3A_12 : memref<624x64xf32, #tpu.memory_space<hbm>>) target(%dma_start3A_10 : memref<624x64xf32, #tpu.memory_space<vmem_shared>>) target_semaphore(%arg18 : memref<!tpu.dma_semaphore, #tpu.memory_space<semaphore_mem>>)
      %mul3A_13 = arith.constant 624 : i32
      %mul3A_14 = arith.muli %arg1, %mul3A_13 : i32
      %mul3A_15 = arith.constant 624 : i32
      %mul3A_16 = arith.muli %arg1, %mul3A_15 : i32
      %dma_start3A_17 = arith.constant 0 : i32
      %dma_start3A_18 = tpu.memref_slice %arg17[%mul3A_16, %dma_start3A_17] : memref<10016x64xf32, #tpu.memory_space<vmem_shared>> -> memref<624x64xf32, #tpu.memory_space<vmem_shared>>
      %dma_start3A_19 = arith.constant 0 : i32
      %dma_start3A_20 = tpu.memref_slice %arg2[%mul3A_14, %dma_start3A_19] : memref<10000x64xf32, #tpu.memory_space<hbm>> -> memref<624x64xf32, #tpu.memory_space<hbm>>
      tpu.enqueue_dma source(%dma_start3A_20 : memref<624x64xf32, #tpu.memory_space<hbm>>) target(%dma_start3A_18 : memref<624x64xf32, #tpu.memory_space<vmem_shared>>) target_semaphore(%arg19 : memref<!tpu.dma_semaphore, #tpu.memory_space<semaphore_mem>>)
      %mul3A_21 = arith.constant 80 : i32
      %mul3A_22 = arith.muli %arg1, %mul3A_21 : i32
      %dma_start3A_23 = arith.constant 0 : i32
      %dma_start3A_24 = tpu.memref_slice %arg6[%mul3A_22, %dma_start3A_23] : memref<1280x128xi32, #tpu.memory_space<hbm>> -> memref<80x128xi32, #tpu.memory_space<hbm>>
      %dma_start3A_25 = arith.constant 0 : i32
      %dma_start3A_26 = tpu.memref_slice %arg6[%mul3A_22, %dma_start3A_25] : memref<1280x128xi32, #tpu.memory_space<hbm>> -> memref<80x128xi32, #tpu.memory_space<hbm>>
      tpu.enqueue_dma source(%dma_start3A_26 : memref<80x128xi32, #tpu.memory_space<hbm>>) target(%arg12 : memref<80x128xi32, #tpu.memory_space<vmem>>) target_semaphore(%arg20 : memref<!tpu.dma_semaphore, #tpu.memory_space<semaphore_mem>>)
      %mul3A_27 = arith.constant 80 : i32
      %mul3A_28 = arith.muli %arg1, %mul3A_27 : i32
      %dma_start3A_29 = arith.constant 0 : i32
      %dma_start3A_30 = tpu.memref_slice %arg7[%mul3A_28, %dma_start3A_29] : memref<1280x128xi32, #tpu.memory_space<hbm>> -> memref<80x128xi32, #tpu.memory_space<hbm>>
      %dma_start3A_31 = arith.constant 0 : i32
      %dma_start3A_32 = tpu.memref_slice %arg7[%mul3A_28, %dma_start3A_31] : memref<1280x128xi32, #tpu.memory_space<hbm>> -> memref<80x128xi32, #tpu.memory_space<hbm>>
      tpu.enqueue_dma source(%dma_start3A_32 : memref<80x128xi32, #tpu.memory_space<hbm>>) target(%arg13 : memref<80x128xi32, #tpu.memory_space<vmem>>) target_semaphore(%arg21 : memref<!tpu.dma_semaphore, #tpu.memory_space<semaphore_mem>>)
      %eq3A_33 = arith.constant 15 : i32
      %eq3A_34 = arith.cmpi eq, %arg1, %eq3A_33 : i32
      %convert_element_type3A_35 = arith.extui %eq3A_34 : i1 to i32
      %cond3A_36 = arith.constant 0 : i32
      %cond3A_37 = arith.cmpi ne, %convert_element_type3A_35, %cond3A_36 : i32
      scf.if %cond3A_37 {
        "tpu.region"() ({
          %run_scoped3A = tpu.sem_alloc : memref<!tpu.dma_semaphore, #tpu.memory_space<semaphore_mem>>
          %dma_start3A_166 = arith.constant 9984 : i32
          %dma_start3A_167 = arith.constant 0 : i32
          %dma_start3A_168 = tpu.memref_slice %arg16[%dma_start3A_166, %dma_start3A_167] : memref<10000x64xf32, #tpu.memory_space<vmem_shared>> -> memref<16x64xf32, #tpu.memory_space<vmem_shared>>
          %dma_start3A_169 = arith.constant 9984 : i32
          %dma_start3A_170 = arith.constant 0 : i32
          %dma_start3A_171 = tpu.memref_slice %arg2[%dma_start3A_169, %dma_start3A_170] : memref<10000x64xf32, #tpu.memory_space<hbm>> -> memref<16x64xf32, #tpu.memory_space<hbm>>
          tpu.enqueue_dma source(%dma_start3A_171 : memref<16x64xf32, #tpu.memory_space<hbm>>) target(%dma_start3A_168 : memref<16x64xf32, #tpu.memory_space<vmem_shared>>) target_semaphore(%run_scoped3A : memref<!tpu.dma_semaphore, #tpu.memory_space<semaphore_mem>>)
          %dma_wait3A_172 = arith.constant 9984 : i32
          %dma_wait3A_173 = arith.constant 0 : i32
          %dma_wait3A_174 = tpu.memref_slice %arg16[%dma_wait3A_172, %dma_wait3A_173] : memref<10000x64xf32, #tpu.memory_space<vmem_shared>> -> memref<16x64xf32, #tpu.memory_space<vmem_shared>>
          %dma_wait3A_175 = arith.constant 9984 : i32
          %dma_wait3A_176 = arith.constant 0 : i32
          %dma_wait3A_177 = tpu.memref_slice %arg2[%dma_wait3A_175, %dma_wait3A_176] : memref<10000x64xf32, #tpu.memory_space<hbm>> -> memref<16x64xf32, #tpu.memory_space<hbm>>
          tpu.wait_dma2 semaphore(%run_scoped3A : memref<!tpu.dma_semaphore, #tpu.memory_space<semaphore_mem>>) src(%dma_wait3A_177 : memref<16x64xf32, #tpu.memory_space<hbm>>) dst(%dma_wait3A_174 : memref<16x64xf32, #tpu.memory_space<vmem_shared>>)
          tpu.yield
        }) : () -> ()
        "tpu.region"() ({
          %run_scoped3A = tpu.sem_alloc : memref<!tpu.dma_semaphore, #tpu.memory_space<semaphore_mem>>
          %dma_start3A_166 = arith.constant 9984 : i32
          %dma_start3A_167 = arith.constant 0 : i32
          %dma_start3A_168 = tpu.memref_slice %arg17[%dma_start3A_166, %dma_start3A_167] : memref<10016x64xf32, #tpu.memory_space<vmem_shared>> -> memref<16x64xf32, #tpu.memory_space<vmem_shared>>
          %dma_start3A_169 = arith.constant 9984 : i32
          %dma_start3A_170 = arith.constant 0 : i32
          %dma_start3A_171 = tpu.memref_slice %arg2[%dma_start3A_169, %dma_start3A_170] : memref<10000x64xf32, #tpu.memory_space<hbm>> -> memref<16x64xf32, #tpu.memory_space<hbm>>
          tpu.enqueue_dma source(%dma_start3A_171 : memref<16x64xf32, #tpu.memory_space<hbm>>) target(%dma_start3A_168 : memref<16x64xf32, #tpu.memory_space<vmem_shared>>) target_semaphore(%run_scoped3A : memref<!tpu.dma_semaphore, #tpu.memory_space<semaphore_mem>>)
          %dma_wait3A_172 = arith.constant 9984 : i32
          %dma_wait3A_173 = arith.constant 0 : i32
          %dma_wait3A_174 = tpu.memref_slice %arg17[%dma_wait3A_172, %dma_wait3A_173] : memref<10016x64xf32, #tpu.memory_space<vmem_shared>> -> memref<16x64xf32, #tpu.memory_space<vmem_shared>>
          %dma_wait3A_175 = arith.constant 9984 : i32
          %dma_wait3A_176 = arith.constant 0 : i32
          %dma_wait3A_177 = tpu.memref_slice %arg2[%dma_wait3A_175, %dma_wait3A_176] : memref<10000x64xf32, #tpu.memory_space<hbm>> -> memref<16x64xf32, #tpu.memory_space<hbm>>
          tpu.wait_dma2 semaphore(%run_scoped3A : memref<!tpu.dma_semaphore, #tpu.memory_space<semaphore_mem>>) src(%dma_wait3A_177 : memref<16x64xf32, #tpu.memory_space<hbm>>) dst(%dma_wait3A_174 : memref<16x64xf32, #tpu.memory_space<vmem_shared>>)
          tpu.yield
        }) : () -> ()
        "tpu.region"() ({
          %run_scoped3A = tpu.sem_alloc : memref<!tpu.dma_semaphore, #tpu.memory_space<semaphore_mem>>
          %dma_start3A_166 = arith.constant 10000 : i32
          %dma_start3A_167 = arith.constant 0 : i32
          %dma_start3A_168 = tpu.memref_slice %arg17[%dma_start3A_166, %dma_start3A_167] : memref<10016x64xf32, #tpu.memory_space<vmem_shared>> -> memref<16x64xf32, #tpu.memory_space<vmem_shared>>
          %dma_start3A_169 = arith.constant 0 : i32
          %dma_start3A_170 = arith.constant 0 : i32
          %dma_start3A_171 = tpu.memref_slice %arg2[%dma_start3A_169, %dma_start3A_170] : memref<10000x64xf32, #tpu.memory_space<hbm>> -> memref<16x64xf32, #tpu.memory_space<hbm>>
          tpu.enqueue_dma source(%dma_start3A_171 : memref<16x64xf32, #tpu.memory_space<hbm>>) target(%dma_start3A_168 : memref<16x64xf32, #tpu.memory_space<vmem_shared>>) target_semaphore(%run_scoped3A : memref<!tpu.dma_semaphore, #tpu.memory_space<semaphore_mem>>)
          %dma_wait3A_172 = arith.constant 10000 : i32
          %dma_wait3A_173 = arith.constant 0 : i32
          %dma_wait3A_174 = tpu.memref_slice %arg17[%dma_wait3A_172, %dma_wait3A_173] : memref<10016x64xf32, #tpu.memory_space<vmem_shared>> -> memref<16x64xf32, #tpu.memory_space<vmem_shared>>
          %dma_wait3A_175 = arith.constant 0 : i32
          %dma_wait3A_176 = arith.constant 0 : i32
          %dma_wait3A_177 = tpu.memref_slice %arg2[%dma_wait3A_175, %dma_wait3A_176] : memref<10000x64xf32, #tpu.memory_space<hbm>> -> memref<16x64xf32, #tpu.memory_space<hbm>>
          tpu.wait_dma2 semaphore(%run_scoped3A : memref<!tpu.dma_semaphore, #tpu.memory_space<semaphore_mem>>) src(%dma_wait3A_177 : memref<16x64xf32, #tpu.memory_space<hbm>>) dst(%dma_wait3A_174 : memref<16x64xf32, #tpu.memory_space<vmem_shared>>)
          tpu.yield
        }) : () -> ()
      } else {
      }
      %dma_wait3A = arith.constant 0 : i32
      %dma_wait3A_38 = tpu.memref_slice %arg16[%mul3A_9, %dma_wait3A] : memref<10000x64xf32, #tpu.memory_space<vmem_shared>> -> memref<624x64xf32, #tpu.memory_space<vmem_shared>>
      %dma_wait3A_39 = arith.constant 0 : i32
      %dma_wait3A_40 = tpu.memref_slice %arg2[%mul3A_7, %dma_wait3A_39] : memref<10000x64xf32, #tpu.memory_space<hbm>> -> memref<624x64xf32, #tpu.memory_space<hbm>>
      tpu.wait_dma2 semaphore(%arg18 : memref<!tpu.dma_semaphore, #tpu.memory_space<semaphore_mem>>) src(%dma_wait3A_40 : memref<624x64xf32, #tpu.memory_space<hbm>>) dst(%dma_wait3A_38 : memref<624x64xf32, #tpu.memory_space<vmem_shared>>)
      %dma_wait3A_41 = arith.constant 0 : i32
      %dma_wait3A_42 = tpu.memref_slice %arg17[%mul3A_16, %dma_wait3A_41] : memref<10016x64xf32, #tpu.memory_space<vmem_shared>> -> memref<624x64xf32, #tpu.memory_space<vmem_shared>>
      %dma_wait3A_43 = arith.constant 0 : i32
      %dma_wait3A_44 = tpu.memref_slice %arg2[%mul3A_14, %dma_wait3A_43] : memref<10000x64xf32, #tpu.memory_space<hbm>> -> memref<624x64xf32, #tpu.memory_space<hbm>>
      tpu.wait_dma2 semaphore(%arg19 : memref<!tpu.dma_semaphore, #tpu.memory_space<semaphore_mem>>) src(%dma_wait3A_44 : memref<624x64xf32, #tpu.memory_space<hbm>>) dst(%dma_wait3A_42 : memref<624x64xf32, #tpu.memory_space<vmem_shared>>)
      %dma_wait3A_45 = arith.constant 0 : i32
      %dma_wait3A_46 = tpu.memref_slice %arg6[%mul3A_22, %dma_wait3A_45] : memref<1280x128xi32, #tpu.memory_space<hbm>> -> memref<80x128xi32, #tpu.memory_space<hbm>>
      %dma_wait3A_47 = arith.constant 0 : i32
      %dma_wait3A_48 = tpu.memref_slice %arg6[%mul3A_22, %dma_wait3A_47] : memref<1280x128xi32, #tpu.memory_space<hbm>> -> memref<80x128xi32, #tpu.memory_space<hbm>>
      tpu.wait_dma2 semaphore(%arg20 : memref<!tpu.dma_semaphore, #tpu.memory_space<semaphore_mem>>) src(%dma_wait3A_48 : memref<80x128xi32, #tpu.memory_space<hbm>>) dst(%arg12 : memref<80x128xi32, #tpu.memory_space<vmem>>)
      %dma_wait3A_49 = arith.constant 0 : i32
      %dma_wait3A_50 = tpu.memref_slice %arg7[%mul3A_28, %dma_wait3A_49] : memref<1280x128xi32, #tpu.memory_space<hbm>> -> memref<80x128xi32, #tpu.memory_space<hbm>>
      %dma_wait3A_51 = arith.constant 0 : i32
      %dma_wait3A_52 = tpu.memref_slice %arg7[%mul3A_28, %dma_wait3A_51] : memref<1280x128xi32, #tpu.memory_space<hbm>> -> memref<80x128xi32, #tpu.memory_space<hbm>>
      tpu.wait_dma2 semaphore(%arg21 : memref<!tpu.dma_semaphore, #tpu.memory_space<semaphore_mem>>) src(%dma_wait3A_52 : memref<80x128xi32, #tpu.memory_space<hbm>>) dst(%arg13 : memref<80x128xi32, #tpu.memory_space<vmem>>)
      %barrier3A = arith.constant 0 : index
      tpu.barrier barrier_id(%barrier3A)
      %dma_start3A_53 = arith.constant 0 : i32
      %dma_start3A_54 = arith.constant 0 : i32
      %dma_start3A_55 = tpu.memref_slice %arg12[%dma_start3A_53, %dma_start3A_54] : memref<80x128xi32, #tpu.memory_space<vmem>> -> memref<1x128xi32, #tpu.memory_space<vmem>>
      %dma_start3A_56 = tpu.memref_squeeze %dma_start3A_55 : memref<1x128xi32, #tpu.memory_space<vmem>> -> memref<128xi32, #tpu.memory_space<vmem>>
      %dma_start3A_57 = arith.constant 0 : i32
      %dma_start3A_58 = arith.constant 0 : i32
      %dma_start3A_59 = tpu.memref_slice %arg16[%dma_start3A_57, %dma_start3A_58] : memref<10000x64xf32, #tpu.memory_space<vmem_shared>> -> memref<10000x64xf32, #tpu.memory_space<vmem_shared>>
      tpu.enqueue_indirect_dma source(%dma_start3A_59 : memref<10000x64xf32, #tpu.memory_space<vmem_shared>>) target(%arg14 : memref<128x64xf32, #tpu.memory_space<vmem>>) offsets(%dma_start3A_56 : memref<128xi32, #tpu.memory_space<vmem>>) semaphore(%arg18 : memref<!tpu.dma_semaphore, #tpu.memory_space<semaphore_mem>>)
      %dma_start3A_60 = arith.constant 1 : i32
      %dma_start3A_61 = arith.constant 0 : i32
      %dma_start3A_62 = tpu.memref_slice %arg12[%dma_start3A_60, %dma_start3A_61] : memref<80x128xi32, #tpu.memory_space<vmem>> -> memref<1x128xi32, #tpu.memory_space<vmem>>
      %dma_start3A_63 = tpu.memref_squeeze %dma_start3A_62 : memref<1x128xi32, #tpu.memory_space<vmem>> -> memref<128xi32, #tpu.memory_space<vmem>>
      %dma_start3A_64 = arith.constant 0 : i32
      %dma_start3A_65 = arith.constant 0 : i32
      %dma_start3A_66 = tpu.memref_slice %arg16[%dma_start3A_64, %dma_start3A_65] : memref<10000x64xf32, #tpu.memory_space<vmem_shared>> -> memref<10000x64xf32, #tpu.memory_space<vmem_shared>>
      tpu.enqueue_indirect_dma source(%dma_start3A_66 : memref<10000x64xf32, #tpu.memory_space<vmem_shared>>) target(%arg15 : memref<128x64xf32, #tpu.memory_space<vmem>>) offsets(%dma_start3A_63 : memref<128xi32, #tpu.memory_space<vmem>>) semaphore(%arg19 : memref<!tpu.dma_semaphore, #tpu.memory_space<semaphore_mem>>)
      %scan3A = arith.constant 0 : i32
      %scan3A_67 = arith.constant 0 : i32
      %scan3A_68 = arith.constant 40 : i32
      %scan3A_69 = arith.addi %scan3A_67, %scan3A_68 : i32
      %scan3A_70 = arith.constant 1 : i32
      scf.for %scan3A_166 = %scan3A_67 to %scan3A_69 step %scan3A_70  : i32 {
        %mul3A_167 = arith.constant 2 : i32
        %mul3A_168 = arith.muli %mul3A_167, %scan3A_166 : i32
        %add3A = arith.constant 1 : i32
        %add3A_169 = arith.addi %mul3A_168, %add3A : i32
        %dma_wait3A_170 = arith.constant 0 : i32
        %dma_wait3A_171 = tpu.memref_slice %arg12[%mul3A_168, %dma_wait3A_170] : memref<80x128xi32, #tpu.memory_space<vmem>> -> memref<1x128xi32, #tpu.memory_space<vmem>>
        %dma_wait3A_172 = tpu.memref_squeeze %dma_wait3A_171 : memref<1x128xi32, #tpu.memory_space<vmem>> -> memref<128xi32, #tpu.memory_space<vmem>>
        %dma_wait3A_173 = arith.constant 0 : i32
        %dma_wait3A_174 = arith.constant 0 : i32
        %dma_wait3A_175 = tpu.memref_slice %arg16[%dma_wait3A_173, %dma_wait3A_174] : memref<10000x64xf32, #tpu.memory_space<vmem_shared>> -> memref<10000x64xf32, #tpu.memory_space<vmem_shared>>
        tpu.wait_indirect_dma semaphore(%arg18 : memref<!tpu.dma_semaphore, #tpu.memory_space<semaphore_mem>>) src(%dma_wait3A_175 : memref<10000x64xf32, #tpu.memory_space<vmem_shared>>) dst(%arg14 : memref<128x64xf32, #tpu.memory_space<vmem>>)
        %dma_start3A_176 = arith.constant 0 : i32
        %dma_start3A_177 = tpu.memref_slice %arg13[%mul3A_168, %dma_start3A_176] : memref<80x128xi32, #tpu.memory_space<vmem>> -> memref<1x128xi32, #tpu.memory_space<vmem>>
        %dma_start3A_178 = tpu.memref_squeeze %dma_start3A_177 : memref<1x128xi32, #tpu.memory_space<vmem>> -> memref<128xi32, #tpu.memory_space<vmem>>
        %dma_start3A_179 = arith.constant 0 : i32
        %dma_start3A_180 = arith.constant 0 : i32
        %dma_start3A_181 = tpu.memref_slice %arg17[%dma_start3A_179, %dma_start3A_180] : memref<10016x64xf32, #tpu.memory_space<vmem_shared>> -> memref<10016x64xf32, #tpu.memory_space<vmem_shared>>
        tpu.enqueue_indirect_dma source(%arg14 : memref<128x64xf32, #tpu.memory_space<vmem>>) target(%dma_start3A_181 : memref<10016x64xf32, #tpu.memory_space<vmem_shared>>) offsets(%dma_start3A_178 : memref<128xi32, #tpu.memory_space<vmem>>) semaphore(%arg20 : memref<!tpu.dma_semaphore, #tpu.memory_space<semaphore_mem>>) {add = true}
        %dma_wait3A_182 = arith.constant 0 : i32
        %dma_wait3A_183 = tpu.memref_slice %arg13[%mul3A_168, %dma_wait3A_182] : memref<80x128xi32, #tpu.memory_space<vmem>> -> memref<1x128xi32, #tpu.memory_space<vmem>>
        %dma_wait3A_184 = tpu.memref_squeeze %dma_wait3A_183 : memref<1x128xi32, #tpu.memory_space<vmem>> -> memref<128xi32, #tpu.memory_space<vmem>>
        %dma_wait3A_185 = arith.constant 0 : i32
        %dma_wait3A_186 = arith.constant 0 : i32
        %dma_wait3A_187 = tpu.memref_slice %arg17[%dma_wait3A_185, %dma_wait3A_186] : memref<10016x64xf32, #tpu.memory_space<vmem_shared>> -> memref<10016x64xf32, #tpu.memory_space<vmem_shared>>
        tpu.wait_indirect_dma semaphore(%arg20 : memref<!tpu.dma_semaphore, #tpu.memory_space<semaphore_mem>>) src(%arg14 : memref<128x64xf32, #tpu.memory_space<vmem>>) dst(%dma_wait3A_187 : memref<10016x64xf32, #tpu.memory_space<vmem_shared>>)
        %add3A_188 = arith.constant 2 : i32
        %add3A_189 = arith.addi %mul3A_168, %add3A_188 : i32
        %lt3A = arith.constant 80 : i32
        %lt3A_190 = arith.cmpi slt, %add3A_189, %lt3A : i32
        %convert_element_type3A_191 = arith.extui %lt3A_190 : i1 to i32
        %cond3A_192 = arith.constant 0 : i32
        %cond3A_193 = arith.cmpi ne, %convert_element_type3A_191, %cond3A_192 : i32
        scf.if %cond3A_193 {
          %add3A_219 = arith.constant 2 : i32
          %add3A_220 = arith.addi %mul3A_168, %add3A_219 : i32
          %dma_start3A_221 = arith.constant 0 : i32
          %dma_start3A_222 = tpu.memref_slice %arg12[%add3A_220, %dma_start3A_221] : memref<80x128xi32, #tpu.memory_space<vmem>> -> memref<1x128xi32, #tpu.memory_space<vmem>>
          %dma_start3A_223 = tpu.memref_squeeze %dma_start3A_222 : memref<1x128xi32, #tpu.memory_space<vmem>> -> memref<128xi32, #tpu.memory_space<vmem>>
          %dma_start3A_224 = arith.constant 0 : i32
          %dma_start3A_225 = arith.constant 0 : i32
          %dma_start3A_226 = tpu.memref_slice %arg16[%dma_start3A_224, %dma_start3A_225] : memref<10000x64xf32, #tpu.memory_space<vmem_shared>> -> memref<10000x64xf32, #tpu.memory_space<vmem_shared>>
          tpu.enqueue_indirect_dma source(%dma_start3A_226 : memref<10000x64xf32, #tpu.memory_space<vmem_shared>>) target(%arg14 : memref<128x64xf32, #tpu.memory_space<vmem>>) offsets(%dma_start3A_223 : memref<128xi32, #tpu.memory_space<vmem>>) semaphore(%arg18 : memref<!tpu.dma_semaphore, #tpu.memory_space<semaphore_mem>>)
        } else {
        }
        %dma_wait3A_194 = arith.constant 0 : i32
        %dma_wait3A_195 = tpu.memref_slice %arg12[%add3A_169, %dma_wait3A_194] : memref<80x128xi32, #tpu.memory_space<vmem>> -> memref<1x128xi32, #tpu.memory_space<vmem>>
        %dma_wait3A_196 = tpu.memref_squeeze %dma_wait3A_195 : memref<1x128xi32, #tpu.memory_space<vmem>> -> memref<128xi32, #tpu.memory_space<vmem>>
        %dma_wait3A_197 = arith.constant 0 : i32
        %dma_wait3A_198 = arith.constant 0 : i32
        %dma_wait3A_199 = tpu.memref_slice %arg16[%dma_wait3A_197, %dma_wait3A_198] : memref<10000x64xf32, #tpu.memory_space<vmem_shared>> -> memref<10000x64xf32, #tpu.memory_space<vmem_shared>>
        tpu.wait_indirect_dma semaphore(%arg19 : memref<!tpu.dma_semaphore, #tpu.memory_space<semaphore_mem>>) src(%dma_wait3A_199 : memref<10000x64xf32, #tpu.memory_space<vmem_shared>>) dst(%arg15 : memref<128x64xf32, #tpu.memory_space<vmem>>)
        %dma_start3A_200 = arith.constant 0 : i32
        %dma_start3A_201 = tpu.memref_slice %arg13[%add3A_169, %dma_start3A_200] : memref<80x128xi32, #tpu.memory_space<vmem>> -> memref<1x128xi32, #tpu.memory_space<vmem>>
        %dma_start3A_202 = tpu.memref_squeeze %dma_start3A_201 : memref<1x128xi32, #tpu.memory_space<vmem>> -> memref<128xi32, #tpu.memory_space<vmem>>
        %dma_start3A_203 = arith.constant 0 : i32
        %dma_start3A_204 = arith.constant 0 : i32
        %dma_start3A_205 = tpu.memref_slice %arg17[%dma_start3A_203, %dma_start3A_204] : memref<10016x64xf32, #tpu.memory_space<vmem_shared>> -> memref<10016x64xf32, #tpu.memory_space<vmem_shared>>
        tpu.enqueue_indirect_dma source(%arg15 : memref<128x64xf32, #tpu.memory_space<vmem>>) target(%dma_start3A_205 : memref<10016x64xf32, #tpu.memory_space<vmem_shared>>) offsets(%dma_start3A_202 : memref<128xi32, #tpu.memory_space<vmem>>) semaphore(%arg21 : memref<!tpu.dma_semaphore, #tpu.memory_space<semaphore_mem>>) {add = true}
        %dma_wait3A_206 = arith.constant 0 : i32
        %dma_wait3A_207 = tpu.memref_slice %arg13[%add3A_169, %dma_wait3A_206] : memref<80x128xi32, #tpu.memory_space<vmem>> -> memref<1x128xi32, #tpu.memory_space<vmem>>
        %dma_wait3A_208 = tpu.memref_squeeze %dma_wait3A_207 : memref<1x128xi32, #tpu.memory_space<vmem>> -> memref<128xi32, #tpu.memory_space<vmem>>
        %dma_wait3A_209 = arith.constant 0 : i32
        %dma_wait3A_210 = arith.constant 0 : i32
        %dma_wait3A_211 = tpu.memref_slice %arg17[%dma_wait3A_209, %dma_wait3A_210] : memref<10016x64xf32, #tpu.memory_space<vmem_shared>> -> memref<10016x64xf32, #tpu.memory_space<vmem_shared>>
        tpu.wait_indirect_dma semaphore(%arg21 : memref<!tpu.dma_semaphore, #tpu.memory_space<semaphore_mem>>) src(%arg15 : memref<128x64xf32, #tpu.memory_space<vmem>>) dst(%dma_wait3A_211 : memref<10016x64xf32, #tpu.memory_space<vmem_shared>>)
        %add3A_212 = arith.constant 2 : i32
        %add3A_213 = arith.addi %add3A_169, %add3A_212 : i32
        %lt3A_214 = arith.constant 80 : i32
        %lt3A_215 = arith.cmpi slt, %add3A_213, %lt3A_214 : i32
        %convert_element_type3A_216 = arith.extui %lt3A_215 : i1 to i32
        %cond3A_217 = arith.constant 0 : i32
        %cond3A_218 = arith.cmpi ne, %convert_element_type3A_216, %cond3A_217 : i32
        scf.if %cond3A_218 {
          %add3A_219 = arith.constant 2 : i32
          %add3A_220 = arith.addi %add3A_169, %add3A_219 : i32
          %dma_start3A_221 = arith.constant 0 : i32
          %dma_start3A_222 = tpu.memref_slice %arg12[%add3A_220, %dma_start3A_221] : memref<80x128xi32, #tpu.memory_space<vmem>> -> memref<1x128xi32, #tpu.memory_space<vmem>>
          %dma_start3A_223 = tpu.memref_squeeze %dma_start3A_222 : memref<1x128xi32, #tpu.memory_space<vmem>> -> memref<128xi32, #tpu.memory_space<vmem>>
          %dma_start3A_224 = arith.constant 0 : i32
          %dma_start3A_225 = arith.constant 0 : i32
          %dma_start3A_226 = tpu.memref_slice %arg16[%dma_start3A_224, %dma_start3A_225] : memref<10000x64xf32, #tpu.memory_space<vmem_shared>> -> memref<10000x64xf32, #tpu.memory_space<vmem_shared>>
          tpu.enqueue_indirect_dma source(%dma_start3A_226 : memref<10000x64xf32, #tpu.memory_space<vmem_shared>>) target(%arg15 : memref<128x64xf32, #tpu.memory_space<vmem>>) offsets(%dma_start3A_223 : memref<128xi32, #tpu.memory_space<vmem>>) semaphore(%arg19 : memref<!tpu.dma_semaphore, #tpu.memory_space<semaphore_mem>>)
        } else {
        }
      }
      %scan3A_71 = arith.constant 40 : i32
      %barrier3A_72 = arith.constant 0 : index
      tpu.barrier barrier_id(%barrier3A_72)
      %mul3A_73 = arith.constant 624 : i32
      %mul3A_74 = arith.muli %arg1, %mul3A_73 : i32
      %mul3A_75 = arith.constant 624 : i32
      %mul3A_76 = arith.muli %arg1, %mul3A_75 : i32
      %dma_start3A_77 = arith.constant 0 : i32
      %dma_start3A_78 = tpu.memref_slice %arg8[%mul3A_76, %dma_start3A_77] : memref<10000x64xf32, #tpu.memory_space<hbm>> -> memref<624x64xf32, #tpu.memory_space<hbm>>
      %dma_start3A_79 = arith.constant 0 : i32
      %dma_start3A_80 = tpu.memref_slice %arg17[%mul3A_74, %dma_start3A_79] : memref<10016x64xf32, #tpu.memory_space<vmem_shared>> -> memref<624x64xf32, #tpu.memory_space<vmem_shared>>
      tpu.enqueue_dma source(%dma_start3A_80 : memref<624x64xf32, #tpu.memory_space<vmem_shared>>) target(%dma_start3A_78 : memref<624x64xf32, #tpu.memory_space<hbm>>) target_semaphore(%arg21 : memref<!tpu.dma_semaphore, #tpu.memory_space<semaphore_mem>>)
      %eq3A_81 = arith.constant 15 : i32
      %eq3A_82 = arith.cmpi eq, %arg1, %eq3A_81 : i32
      %convert_element_type3A_83 = arith.extui %eq3A_82 : i1 to i32
      %cond3A_84 = arith.constant 0 : i32
      %cond3A_85 = arith.cmpi ne, %convert_element_type3A_83, %cond3A_84 : i32
      scf.if %cond3A_85 {
        "tpu.region"() ({
          %run_scoped3A = tpu.sem_alloc : memref<!tpu.dma_semaphore, #tpu.memory_space<semaphore_mem>>
          %dma_start3A_166 = arith.constant 9984 : i32
          %dma_start3A_167 = arith.constant 0 : i32
          %dma_start3A_168 = tpu.memref_slice %arg8[%dma_start3A_166, %dma_start3A_167] : memref<10000x64xf32, #tpu.memory_space<hbm>> -> memref<16x64xf32, #tpu.memory_space<hbm>>
          %dma_start3A_169 = arith.constant 9984 : i32
          %dma_start3A_170 = arith.constant 0 : i32
          %dma_start3A_171 = tpu.memref_slice %arg17[%dma_start3A_169, %dma_start3A_170] : memref<10016x64xf32, #tpu.memory_space<vmem_shared>> -> memref<16x64xf32, #tpu.memory_space<vmem_shared>>
          tpu.enqueue_dma source(%dma_start3A_171 : memref<16x64xf32, #tpu.memory_space<vmem_shared>>) target(%dma_start3A_168 : memref<16x64xf32, #tpu.memory_space<hbm>>) target_semaphore(%run_scoped3A : memref<!tpu.dma_semaphore, #tpu.memory_space<semaphore_mem>>)
          %dma_wait3A_172 = arith.constant 9984 : i32
          %dma_wait3A_173 = arith.constant 0 : i32
          %dma_wait3A_174 = tpu.memref_slice %arg8[%dma_wait3A_172, %dma_wait3A_173] : memref<10000x64xf32, #tpu.memory_space<hbm>> -> memref<16x64xf32, #tpu.memory_space<hbm>>
          %dma_wait3A_175 = arith.constant 9984 : i32
          %dma_wait3A_176 = arith.constant 0 : i32
          %dma_wait3A_177 = tpu.memref_slice %arg17[%dma_wait3A_175, %dma_wait3A_176] : memref<10016x64xf32, #tpu.memory_space<vmem_shared>> -> memref<16x64xf32, #tpu.memory_space<vmem_shared>>
          tpu.wait_dma2 semaphore(%run_scoped3A : memref<!tpu.dma_semaphore, #tpu.memory_space<semaphore_mem>>) src(%dma_wait3A_177 : memref<16x64xf32, #tpu.memory_space<vmem_shared>>) dst(%dma_wait3A_174 : memref<16x64xf32, #tpu.memory_space<hbm>>)
          tpu.yield
        }) : () -> ()
      } else {
      }
      %mul3A_86 = arith.constant 624 : i32
      %mul3A_87 = arith.muli %arg1, %mul3A_86 : i32
      %mul3A_88 = arith.constant 624 : i32
      %mul3A_89 = arith.muli %arg1, %mul3A_88 : i32
      %dma_start3A_90 = arith.constant 0 : i32
      %dma_start3A_91 = tpu.memref_slice %arg16[%mul3A_89, %dma_start3A_90] : memref<10000x64xf32, #tpu.memory_space<vmem_shared>> -> memref<624x64xf32, #tpu.memory_space<vmem_shared>>
      %dma_start3A_92 = arith.constant 0 : i32
      %dma_start3A_93 = tpu.memref_slice %arg3[%mul3A_87, %dma_start3A_92] : memref<10000x64xf32, #tpu.memory_space<hbm>> -> memref<624x64xf32, #tpu.memory_space<hbm>>
      tpu.enqueue_dma source(%dma_start3A_93 : memref<624x64xf32, #tpu.memory_space<hbm>>) target(%dma_start3A_91 : memref<624x64xf32, #tpu.memory_space<vmem_shared>>) target_semaphore(%arg18 : memref<!tpu.dma_semaphore, #tpu.memory_space<semaphore_mem>>)
      %mul3A_94 = arith.constant 624 : i32
      %mul3A_95 = arith.muli %arg1, %mul3A_94 : i32
      %mul3A_96 = arith.constant 624 : i32
      %mul3A_97 = arith.muli %arg1, %mul3A_96 : i32
      %dma_wait3A_98 = arith.constant 0 : i32
      %dma_wait3A_99 = tpu.memref_slice %arg8[%mul3A_97, %dma_wait3A_98] : memref<10000x64xf32, #tpu.memory_space<hbm>> -> memref<624x64xf32, #tpu.memory_space<hbm>>
      %dma_wait3A_100 = arith.constant 0 : i32
      %dma_wait3A_101 = tpu.memref_slice %arg17[%mul3A_95, %dma_wait3A_100] : memref<10016x64xf32, #tpu.memory_space<vmem_shared>> -> memref<624x64xf32, #tpu.memory_space<vmem_shared>>
      tpu.wait_dma2 semaphore(%arg21 : memref<!tpu.dma_semaphore, #tpu.memory_space<semaphore_mem>>) src(%dma_wait3A_101 : memref<624x64xf32, #tpu.memory_space<vmem_shared>>) dst(%dma_wait3A_99 : memref<624x64xf32, #tpu.memory_space<hbm>>)
      %mul3A_102 = arith.constant 624 : i32
      %mul3A_103 = arith.muli %arg1, %mul3A_102 : i32
      %mul3A_104 = arith.constant 624 : i32
      %mul3A_105 = arith.muli %arg1, %mul3A_104 : i32
      %dma_start3A_106 = arith.constant 0 : i32
      %dma_start3A_107 = tpu.memref_slice %arg17[%mul3A_105, %dma_start3A_106] : memref<10016x64xf32, #tpu.memory_space<vmem_shared>> -> memref<624x64xf32, #tpu.memory_space<vmem_shared>>
      %dma_start3A_108 = arith.constant 0 : i32
      %dma_start3A_109 = tpu.memref_slice %arg3[%mul3A_103, %dma_start3A_108] : memref<10000x64xf32, #tpu.memory_space<hbm>> -> memref<624x64xf32, #tpu.memory_space<hbm>>
      tpu.enqueue_dma source(%dma_start3A_109 : memref<624x64xf32, #tpu.memory_space<hbm>>) target(%dma_start3A_107 : memref<624x64xf32, #tpu.memory_space<vmem_shared>>) target_semaphore(%arg19 : memref<!tpu.dma_semaphore, #tpu.memory_space<semaphore_mem>>)
      %eq3A_110 = arith.constant 15 : i32
      %eq3A_111 = arith.cmpi eq, %arg1, %eq3A_110 : i32
      %convert_element_type3A_112 = arith.extui %eq3A_111 : i1 to i32
      %cond3A_113 = arith.constant 0 : i32
      %cond3A_114 = arith.cmpi ne, %convert_element_type3A_112, %cond3A_113 : i32
      scf.if %cond3A_114 {
        "tpu.region"() ({
          %run_scoped3A = tpu.sem_alloc : memref<!tpu.dma_semaphore, #tpu.memory_space<semaphore_mem>>
          %dma_start3A_166 = arith.constant 9984 : i32
          %dma_start3A_167 = arith.constant 0 : i32
          %dma_start3A_168 = tpu.memref_slice %arg16[%dma_start3A_166, %dma_start3A_167] : memref<10000x64xf32, #tpu.memory_space<vmem_shared>> -> memref<16x64xf32, #tpu.memory_space<vmem_shared>>
          %dma_start3A_169 = arith.constant 9984 : i32
          %dma_start3A_170 = arith.constant 0 : i32
          %dma_start3A_171 = tpu.memref_slice %arg3[%dma_start3A_169, %dma_start3A_170] : memref<10000x64xf32, #tpu.memory_space<hbm>> -> memref<16x64xf32, #tpu.memory_space<hbm>>
          tpu.enqueue_dma source(%dma_start3A_171 : memref<16x64xf32, #tpu.memory_space<hbm>>) target(%dma_start3A_168 : memref<16x64xf32, #tpu.memory_space<vmem_shared>>) target_semaphore(%run_scoped3A : memref<!tpu.dma_semaphore, #tpu.memory_space<semaphore_mem>>)
          %dma_wait3A_172 = arith.constant 9984 : i32
          %dma_wait3A_173 = arith.constant 0 : i32
          %dma_wait3A_174 = tpu.memref_slice %arg16[%dma_wait3A_172, %dma_wait3A_173] : memref<10000x64xf32, #tpu.memory_space<vmem_shared>> -> memref<16x64xf32, #tpu.memory_space<vmem_shared>>
          %dma_wait3A_175 = arith.constant 9984 : i32
          %dma_wait3A_176 = arith.constant 0 : i32
          %dma_wait3A_177 = tpu.memref_slice %arg3[%dma_wait3A_175, %dma_wait3A_176] : memref<10000x64xf32, #tpu.memory_space<hbm>> -> memref<16x64xf32, #tpu.memory_space<hbm>>
          tpu.wait_dma2 semaphore(%run_scoped3A : memref<!tpu.dma_semaphore, #tpu.memory_space<semaphore_mem>>) src(%dma_wait3A_177 : memref<16x64xf32, #tpu.memory_space<hbm>>) dst(%dma_wait3A_174 : memref<16x64xf32, #tpu.memory_space<vmem_shared>>)
          tpu.yield
        }) : () -> ()
        "tpu.region"() ({
          %run_scoped3A = tpu.sem_alloc : memref<!tpu.dma_semaphore, #tpu.memory_space<semaphore_mem>>
          %dma_start3A_166 = arith.constant 9984 : i32
          %dma_start3A_167 = arith.constant 0 : i32
          %dma_start3A_168 = tpu.memref_slice %arg17[%dma_start3A_166, %dma_start3A_167] : memref<10016x64xf32, #tpu.memory_space<vmem_shared>> -> memref<16x64xf32, #tpu.memory_space<vmem_shared>>
          %dma_start3A_169 = arith.constant 9984 : i32
          %dma_start3A_170 = arith.constant 0 : i32
          %dma_start3A_171 = tpu.memref_slice %arg3[%dma_start3A_169, %dma_start3A_170] : memref<10000x64xf32, #tpu.memory_space<hbm>> -> memref<16x64xf32, #tpu.memory_space<hbm>>
          tpu.enqueue_dma source(%dma_start3A_171 : memref<16x64xf32, #tpu.memory_space<hbm>>) target(%dma_start3A_168 : memref<16x64xf32, #tpu.memory_space<vmem_shared>>) target_semaphore(%run_scoped3A : memref<!tpu.dma_semaphore, #tpu.memory_space<semaphore_mem>>)
          %dma_wait3A_172 = arith.constant 9984 : i32
          %dma_wait3A_173 = arith.constant 0 : i32
          %dma_wait3A_174 = tpu.memref_slice %arg17[%dma_wait3A_172, %dma_wait3A_173] : memref<10016x64xf32, #tpu.memory_space<vmem_shared>> -> memref<16x64xf32, #tpu.memory_space<vmem_shared>>
          %dma_wait3A_175 = arith.constant 9984 : i32
          %dma_wait3A_176 = arith.constant 0 : i32
          %dma_wait3A_177 = tpu.memref_slice %arg3[%dma_wait3A_175, %dma_wait3A_176] : memref<10000x64xf32, #tpu.memory_space<hbm>> -> memref<16x64xf32, #tpu.memory_space<hbm>>
          tpu.wait_dma2 semaphore(%run_scoped3A : memref<!tpu.dma_semaphore, #tpu.memory_space<semaphore_mem>>) src(%dma_wait3A_177 : memref<16x64xf32, #tpu.memory_space<hbm>>) dst(%dma_wait3A_174 : memref<16x64xf32, #tpu.memory_space<vmem_shared>>)
          tpu.yield
        }) : () -> ()
        "tpu.region"() ({
          %run_scoped3A = tpu.sem_alloc : memref<!tpu.dma_semaphore, #tpu.memory_space<semaphore_mem>>
          %dma_start3A_166 = arith.constant 10000 : i32
          %dma_start3A_167 = arith.constant 0 : i32
          %dma_start3A_168 = tpu.memref_slice %arg17[%dma_start3A_166, %dma_start3A_167] : memref<10016x64xf32, #tpu.memory_space<vmem_shared>> -> memref<16x64xf32, #tpu.memory_space<vmem_shared>>
          %dma_start3A_169 = arith.constant 0 : i32
          %dma_start3A_170 = arith.constant 0 : i32
          %dma_start3A_171 = tpu.memref_slice %arg3[%dma_start3A_169, %dma_start3A_170] : memref<10000x64xf32, #tpu.memory_space<hbm>> -> memref<16x64xf32, #tpu.memory_space<hbm>>
          tpu.enqueue_dma source(%dma_start3A_171 : memref<16x64xf32, #tpu.memory_space<hbm>>) target(%dma_start3A_168 : memref<16x64xf32, #tpu.memory_space<vmem_shared>>) target_semaphore(%run_scoped3A : memref<!tpu.dma_semaphore, #tpu.memory_space<semaphore_mem>>)
          %dma_wait3A_172 = arith.constant 10000 : i32
          %dma_wait3A_173 = arith.constant 0 : i32
          %dma_wait3A_174 = tpu.memref_slice %arg17[%dma_wait3A_172, %dma_wait3A_173] : memref<10016x64xf32, #tpu.memory_space<vmem_shared>> -> memref<16x64xf32, #tpu.memory_space<vmem_shared>>
          %dma_wait3A_175 = arith.constant 0 : i32
          %dma_wait3A_176 = arith.constant 0 : i32
          %dma_wait3A_177 = tpu.memref_slice %arg3[%dma_wait3A_175, %dma_wait3A_176] : memref<10000x64xf32, #tpu.memory_space<hbm>> -> memref<16x64xf32, #tpu.memory_space<hbm>>
          tpu.wait_dma2 semaphore(%run_scoped3A : memref<!tpu.dma_semaphore, #tpu.memory_space<semaphore_mem>>) src(%dma_wait3A_177 : memref<16x64xf32, #tpu.memory_space<hbm>>) dst(%dma_wait3A_174 : memref<16x64xf32, #tpu.memory_space<vmem_shared>>)
          tpu.yield
        }) : () -> ()
      } else {
      }
      %dma_wait3A_115 = arith.constant 0 : i32
      %dma_wait3A_116 = tpu.memref_slice %arg16[%mul3A_89, %dma_wait3A_115] : memref<10000x64xf32, #tpu.memory_space<vmem_shared>> -> memref<624x64xf32, #tpu.memory_space<vmem_shared>>
      %dma_wait3A_117 = arith.constant 0 : i32
      %dma_wait3A_118 = tpu.memref_slice %arg3[%mul3A_87, %dma_wait3A_117] : memref<10000x64xf32, #tpu.memory_space<hbm>> -> memref<624x64xf32, #tpu.memory_space<hbm>>
      tpu.wait_dma2 semaphore(%arg18 : memref<!tpu.dma_semaphore, #tpu.memory_space<semaphore_mem>>) src(%dma_wait3A_118 : memref<624x64xf32, #tpu.memory_space<hbm>>) dst(%dma_wait3A_116 : memref<624x64xf32, #tpu.memory_space<vmem_shared>>)
      %dma_wait3A_119 = arith.constant 0 : i32
      %dma_wait3A_120 = tpu.memref_slice %arg17[%mul3A_105, %dma_wait3A_119] : memref<10016x64xf32, #tpu.memory_space<vmem_shared>> -> memref<624x64xf32, #tpu.memory_space<vmem_shared>>
      %dma_wait3A_121 = arith.constant 0 : i32
      %dma_wait3A_122 = tpu.memref_slice %arg3[%mul3A_103, %dma_wait3A_121] : memref<10000x64xf32, #tpu.memory_space<hbm>> -> memref<624x64xf32, #tpu.memory_space<hbm>>
      tpu.wait_dma2 semaphore(%arg19 : memref<!tpu.dma_semaphore, #tpu.memory_space<semaphore_mem>>) src(%dma_wait3A_122 : memref<624x64xf32, #tpu.memory_space<hbm>>) dst(%dma_wait3A_120 : memref<624x64xf32, #tpu.memory_space<vmem_shared>>)
      %barrier3A_123 = arith.constant 0 : index
      tpu.barrier barrier_id(%barrier3A_123)
      %dma_start3A_124 = arith.constant 0 : i32
      %dma_start3A_125 = arith.constant 0 : i32
      %dma_start3A_126 = tpu.memref_slice %arg12[%dma_start3A_124, %dma_start3A_125] : memref<80x128xi32, #tpu.memory_space<vmem>> -> memref<1x128xi32, #tpu.memory_space<vmem>>
      %dma_start3A_127 = tpu.memref_squeeze %dma_start3A_126 : memref<1x128xi32, #tpu.memory_space<vmem>> -> memref<128xi32, #tpu.memory_space<vmem>>
      %dma_start3A_128 = arith.constant 0 : i32
      %dma_start3A_129 = arith.constant 0 : i32
      %dma_start3A_130 = tpu.memref_slice %arg16[%dma_start3A_128, %dma_start3A_129] : memref<10000x64xf32, #tpu.memory_space<vmem_shared>> -> memref<10000x64xf32, #tpu.memory_space<vmem_shared>>
      tpu.enqueue_indirect_dma source(%dma_start3A_130 : memref<10000x64xf32, #tpu.memory_space<vmem_shared>>) target(%arg14 : memref<128x64xf32, #tpu.memory_space<vmem>>) offsets(%dma_start3A_127 : memref<128xi32, #tpu.memory_space<vmem>>) semaphore(%arg18 : memref<!tpu.dma_semaphore, #tpu.memory_space<semaphore_mem>>)
      %dma_start3A_131 = arith.constant 1 : i32
      %dma_start3A_132 = arith.constant 0 : i32
      %dma_start3A_133 = tpu.memref_slice %arg12[%dma_start3A_131, %dma_start3A_132] : memref<80x128xi32, #tpu.memory_space<vmem>> -> memref<1x128xi32, #tpu.memory_space<vmem>>
      %dma_start3A_134 = tpu.memref_squeeze %dma_start3A_133 : memref<1x128xi32, #tpu.memory_space<vmem>> -> memref<128xi32, #tpu.memory_space<vmem>>
      %dma_start3A_135 = arith.constant 0 : i32
      %dma_start3A_136 = arith.constant 0 : i32
      %dma_start3A_137 = tpu.memref_slice %arg16[%dma_start3A_135, %dma_start3A_136] : memref<10000x64xf32, #tpu.memory_space<vmem_shared>> -> memref<10000x64xf32, #tpu.memory_space<vmem_shared>>
      tpu.enqueue_indirect_dma source(%dma_start3A_137 : memref<10000x64xf32, #tpu.memory_space<vmem_shared>>) target(%arg15 : memref<128x64xf32, #tpu.memory_space<vmem>>) offsets(%dma_start3A_134 : memref<128xi32, #tpu.memory_space<vmem>>) semaphore(%arg19 : memref<!tpu.dma_semaphore, #tpu.memory_space<semaphore_mem>>)
      %scan3A_138 = arith.constant 0 : i32
      %scan3A_139 = arith.constant 0 : i32
      %scan3A_140 = arith.constant 40 : i32
      %scan3A_141 = arith.addi %scan3A_139, %scan3A_140 : i32
      %scan3A_142 = arith.constant 1 : i32
      scf.for %scan3A_166 = %scan3A_139 to %scan3A_141 step %scan3A_142  : i32 {
        %mul3A_167 = arith.constant 2 : i32
        %mul3A_168 = arith.muli %mul3A_167, %scan3A_166 : i32
        %add3A = arith.constant 1 : i32
        %add3A_169 = arith.addi %mul3A_168, %add3A : i32
        %dma_wait3A_170 = arith.constant 0 : i32
        %dma_wait3A_171 = tpu.memref_slice %arg12[%mul3A_168, %dma_wait3A_170] : memref<80x128xi32, #tpu.memory_space<vmem>> -> memref<1x128xi32, #tpu.memory_space<vmem>>
        %dma_wait3A_172 = tpu.memref_squeeze %dma_wait3A_171 : memref<1x128xi32, #tpu.memory_space<vmem>> -> memref<128xi32, #tpu.memory_space<vmem>>
        %dma_wait3A_173 = arith.constant 0 : i32
        %dma_wait3A_174 = arith.constant 0 : i32
        %dma_wait3A_175 = tpu.memref_slice %arg16[%dma_wait3A_173, %dma_wait3A_174] : memref<10000x64xf32, #tpu.memory_space<vmem_shared>> -> memref<10000x64xf32, #tpu.memory_space<vmem_shared>>
        tpu.wait_indirect_dma semaphore(%arg18 : memref<!tpu.dma_semaphore, #tpu.memory_space<semaphore_mem>>) src(%dma_wait3A_175 : memref<10000x64xf32, #tpu.memory_space<vmem_shared>>) dst(%arg14 : memref<128x64xf32, #tpu.memory_space<vmem>>)
        %dma_start3A_176 = arith.constant 0 : i32
        %dma_start3A_177 = tpu.memref_slice %arg13[%mul3A_168, %dma_start3A_176] : memref<80x128xi32, #tpu.memory_space<vmem>> -> memref<1x128xi32, #tpu.memory_space<vmem>>
        %dma_start3A_178 = tpu.memref_squeeze %dma_start3A_177 : memref<1x128xi32, #tpu.memory_space<vmem>> -> memref<128xi32, #tpu.memory_space<vmem>>
        %dma_start3A_179 = arith.constant 0 : i32
        %dma_start3A_180 = arith.constant 0 : i32
        %dma_start3A_181 = tpu.memref_slice %arg17[%dma_start3A_179, %dma_start3A_180] : memref<10016x64xf32, #tpu.memory_space<vmem_shared>> -> memref<10016x64xf32, #tpu.memory_space<vmem_shared>>
        tpu.enqueue_indirect_dma source(%arg14 : memref<128x64xf32, #tpu.memory_space<vmem>>) target(%dma_start3A_181 : memref<10016x64xf32, #tpu.memory_space<vmem_shared>>) offsets(%dma_start3A_178 : memref<128xi32, #tpu.memory_space<vmem>>) semaphore(%arg20 : memref<!tpu.dma_semaphore, #tpu.memory_space<semaphore_mem>>) {add = true}
        %dma_wait3A_182 = arith.constant 0 : i32
        %dma_wait3A_183 = tpu.memref_slice %arg13[%mul3A_168, %dma_wait3A_182] : memref<80x128xi32, #tpu.memory_space<vmem>> -> memref<1x128xi32, #tpu.memory_space<vmem>>
        %dma_wait3A_184 = tpu.memref_squeeze %dma_wait3A_183 : memref<1x128xi32, #tpu.memory_space<vmem>> -> memref<128xi32, #tpu.memory_space<vmem>>
        %dma_wait3A_185 = arith.constant 0 : i32
        %dma_wait3A_186 = arith.constant 0 : i32
        %dma_wait3A_187 = tpu.memref_slice %arg17[%dma_wait3A_185, %dma_wait3A_186] : memref<10016x64xf32, #tpu.memory_space<vmem_shared>> -> memref<10016x64xf32, #tpu.memory_space<vmem_shared>>
        tpu.wait_indirect_dma semaphore(%arg20 : memref<!tpu.dma_semaphore, #tpu.memory_space<semaphore_mem>>) src(%arg14 : memref<128x64xf32, #tpu.memory_space<vmem>>) dst(%dma_wait3A_187 : memref<10016x64xf32, #tpu.memory_space<vmem_shared>>)
        %add3A_188 = arith.constant 2 : i32
        %add3A_189 = arith.addi %mul3A_168, %add3A_188 : i32
        %lt3A = arith.constant 80 : i32
        %lt3A_190 = arith.cmpi slt, %add3A_189, %lt3A : i32
        %convert_element_type3A_191 = arith.extui %lt3A_190 : i1 to i32
        %cond3A_192 = arith.constant 0 : i32
        %cond3A_193 = arith.cmpi ne, %convert_element_type3A_191, %cond3A_192 : i32
        scf.if %cond3A_193 {
          %add3A_219 = arith.constant 2 : i32
          %add3A_220 = arith.addi %mul3A_168, %add3A_219 : i32
          %dma_start3A_221 = arith.constant 0 : i32
          %dma_start3A_222 = tpu.memref_slice %arg12[%add3A_220, %dma_start3A_221] : memref<80x128xi32, #tpu.memory_space<vmem>> -> memref<1x128xi32, #tpu.memory_space<vmem>>
          %dma_start3A_223 = tpu.memref_squeeze %dma_start3A_222 : memref<1x128xi32, #tpu.memory_space<vmem>> -> memref<128xi32, #tpu.memory_space<vmem>>
          %dma_start3A_224 = arith.constant 0 : i32
          %dma_start3A_225 = arith.constant 0 : i32
          %dma_start3A_226 = tpu.memref_slice %arg16[%dma_start3A_224, %dma_start3A_225] : memref<10000x64xf32, #tpu.memory_space<vmem_shared>> -> memref<10000x64xf32, #tpu.memory_space<vmem_shared>>
          tpu.enqueue_indirect_dma source(%dma_start3A_226 : memref<10000x64xf32, #tpu.memory_space<vmem_shared>>) target(%arg14 : memref<128x64xf32, #tpu.memory_space<vmem>>) offsets(%dma_start3A_223 : memref<128xi32, #tpu.memory_space<vmem>>) semaphore(%arg18 : memref<!tpu.dma_semaphore, #tpu.memory_space<semaphore_mem>>)
        } else {
        }
        %dma_wait3A_194 = arith.constant 0 : i32
        %dma_wait3A_195 = tpu.memref_slice %arg12[%add3A_169, %dma_wait3A_194] : memref<80x128xi32, #tpu.memory_space<vmem>> -> memref<1x128xi32, #tpu.memory_space<vmem>>
        %dma_wait3A_196 = tpu.memref_squeeze %dma_wait3A_195 : memref<1x128xi32, #tpu.memory_space<vmem>> -> memref<128xi32, #tpu.memory_space<vmem>>
        %dma_wait3A_197 = arith.constant 0 : i32
        %dma_wait3A_198 = arith.constant 0 : i32
        %dma_wait3A_199 = tpu.memref_slice %arg16[%dma_wait3A_197, %dma_wait3A_198] : memref<10000x64xf32, #tpu.memory_space<vmem_shared>> -> memref<10000x64xf32, #tpu.memory_space<vmem_shared>>
        tpu.wait_indirect_dma semaphore(%arg19 : memref<!tpu.dma_semaphore, #tpu.memory_space<semaphore_mem>>) src(%dma_wait3A_199 : memref<10000x64xf32, #tpu.memory_space<vmem_shared>>) dst(%arg15 : memref<128x64xf32, #tpu.memory_space<vmem>>)
        %dma_start3A_200 = arith.constant 0 : i32
        %dma_start3A_201 = tpu.memref_slice %arg13[%add3A_169, %dma_start3A_200] : memref<80x128xi32, #tpu.memory_space<vmem>> -> memref<1x128xi32, #tpu.memory_space<vmem>>
        %dma_start3A_202 = tpu.memref_squeeze %dma_start3A_201 : memref<1x128xi32, #tpu.memory_space<vmem>> -> memref<128xi32, #tpu.memory_space<vmem>>
        %dma_start3A_203 = arith.constant 0 : i32
        %dma_start3A_204 = arith.constant 0 : i32
        %dma_start3A_205 = tpu.memref_slice %arg17[%dma_start3A_203, %dma_start3A_204] : memref<10016x64xf32, #tpu.memory_space<vmem_shared>> -> memref<10016x64xf32, #tpu.memory_space<vmem_shared>>
        tpu.enqueue_indirect_dma source(%arg15 : memref<128x64xf32, #tpu.memory_space<vmem>>) target(%dma_start3A_205 : memref<10016x64xf32, #tpu.memory_space<vmem_shared>>) offsets(%dma_start3A_202 : memref<128xi32, #tpu.memory_space<vmem>>) semaphore(%arg21 : memref<!tpu.dma_semaphore, #tpu.memory_space<semaphore_mem>>) {add = true}
        %dma_wait3A_206 = arith.constant 0 : i32
        %dma_wait3A_207 = tpu.memref_slice %arg13[%add3A_169, %dma_wait3A_206] : memref<80x128xi32, #tpu.memory_space<vmem>> -> memref<1x128xi32, #tpu.memory_space<vmem>>
        %dma_wait3A_208 = tpu.memref_squeeze %dma_wait3A_207 : memref<1x128xi32, #tpu.memory_space<vmem>> -> memref<128xi32, #tpu.memory_space<vmem>>
        %dma_wait3A_209 = arith.constant 0 : i32
        %dma_wait3A_210 = arith.constant 0 : i32
        %dma_wait3A_211 = tpu.memref_slice %arg17[%dma_wait3A_209, %dma_wait3A_210] : memref<10016x64xf32, #tpu.memory_space<vmem_shared>> -> memref<10016x64xf32, #tpu.memory_space<vmem_shared>>
        tpu.wait_indirect_dma semaphore(%arg21 : memref<!tpu.dma_semaphore, #tpu.memory_space<semaphore_mem>>) src(%arg15 : memref<128x64xf32, #tpu.memory_space<vmem>>) dst(%dma_wait3A_211 : memref<10016x64xf32, #tpu.memory_space<vmem_shared>>)
        %add3A_212 = arith.constant 2 : i32
        %add3A_213 = arith.addi %add3A_169, %add3A_212 : i32
        %lt3A_214 = arith.constant 80 : i32
        %lt3A_215 = arith.cmpi slt, %add3A_213, %lt3A_214 : i32
        %convert_element_type3A_216 = arith.extui %lt3A_215 : i1 to i32
        %cond3A_217 = arith.constant 0 : i32
        %cond3A_218 = arith.cmpi ne, %convert_element_type3A_216, %cond3A_217 : i32
        scf.if %cond3A_218 {
          %add3A_219 = arith.constant 2 : i32
          %add3A_220 = arith.addi %add3A_169, %add3A_219 : i32
          %dma_start3A_221 = arith.constant 0 : i32
          %dma_start3A_222 = tpu.memref_slice %arg12[%add3A_220, %dma_start3A_221] : memref<80x128xi32, #tpu.memory_space<vmem>> -> memref<1x128xi32, #tpu.memory_space<vmem>>
          %dma_start3A_223 = tpu.memref_squeeze %dma_start3A_222 : memref<1x128xi32, #tpu.memory_space<vmem>> -> memref<128xi32, #tpu.memory_space<vmem>>
          %dma_start3A_224 = arith.constant 0 : i32
          %dma_start3A_225 = arith.constant 0 : i32
          %dma_start3A_226 = tpu.memref_slice %arg16[%dma_start3A_224, %dma_start3A_225] : memref<10000x64xf32, #tpu.memory_space<vmem_shared>> -> memref<10000x64xf32, #tpu.memory_space<vmem_shared>>
          tpu.enqueue_indirect_dma source(%dma_start3A_226 : memref<10000x64xf32, #tpu.memory_space<vmem_shared>>) target(%arg15 : memref<128x64xf32, #tpu.memory_space<vmem>>) offsets(%dma_start3A_223 : memref<128xi32, #tpu.memory_space<vmem>>) semaphore(%arg19 : memref<!tpu.dma_semaphore, #tpu.memory_space<semaphore_mem>>)
        } else {
        }
      }
      %scan3A_143 = arith.constant 40 : i32
      %barrier3A_144 = arith.constant 0 : index
      tpu.barrier barrier_id(%barrier3A_144)
      %mul3A_145 = arith.constant 624 : i32
      %mul3A_146 = arith.muli %arg1, %mul3A_145 : i32
      %mul3A_147 = arith.constant 624 : i32
      %mul3A_148 = arith.muli %arg1, %mul3A_147 : i32
      %dma_start3A_149 = arith.constant 0 : i32
      %dma_start3A_150 = tpu.memref_slice %arg9[%mul3A_148, %dma_start3A_149] : memref<10000x64xf32, #tpu.memory_space<hbm>> -> memref<624x64xf32, #tpu.memory_space<hbm>>
      %dma_start3A_151 = arith.constant 0 : i32
      %dma_start3A_152 = tpu.memref_slice %arg17[%mul3A_146, %dma_start3A_151] : memref<10016x64xf32, #tpu.memory_space<vmem_shared>> -> memref<624x64xf32, #tpu.memory_space<vmem_shared>>
      tpu.enqueue_dma source(%dma_start3A_152 : memref<624x64xf32, #tpu.memory_space<vmem_shared>>) target(%dma_start3A_150 : memref<624x64xf32, #tpu.memory_space<hbm>>) target_semaphore(%arg21 : memref<!tpu.dma_semaphore, #tpu.memory_space<semaphore_mem>>)
      %mul3A_153 = arith.constant 624 : i32
      %mul3A_154 = arith.muli %arg1, %mul3A_153 : i32
      %mul3A_155 = arith.constant 624 : i32
      %mul3A_156 = arith.muli %arg1, %mul3A_155 : i32
      %dma_wait3A_157 = arith.constant 0 : i32
      %dma_wait3A_158 = tpu.memref_slice %arg9[%mul3A_156, %dma_wait3A_157] : memref<10000x64xf32, #tpu.memory_space<hbm>> -> memref<624x64xf32, #tpu.memory_space<hbm>>
      %dma_wait3A_159 = arith.constant 0 : i32
      %dma_wait3A_160 = tpu.memref_slice %arg17[%mul3A_154, %dma_wait3A_159] : memref<10016x64xf32, #tpu.memory_space<vmem_shared>> -> memref<624x64xf32, #tpu.memory_space<vmem_shared>>
      tpu.wait_dma2 semaphore(%arg21 : memref<!tpu.dma_semaphore, #tpu.memory_space<semaphore_mem>>) src(%dma_wait3A_160 : memref<624x64xf32, #tpu.memory_space<vmem_shared>>) dst(%dma_wait3A_158 : memref<624x64xf32, #tpu.memory_space<hbm>>)
      %eq3A_161 = arith.constant 15 : i32
      %eq3A_162 = arith.cmpi eq, %arg1, %eq3A_161 : i32
      %convert_element_type3A_163 = arith.extui %eq3A_162 : i1 to i32
      %cond3A_164 = arith.constant 0 : i32
      %cond3A_165 = arith.cmpi ne, %convert_element_type3A_163, %cond3A_164 : i32
      scf.if %cond3A_165 {
        "tpu.region"() ({
          %run_scoped3A = tpu.sem_alloc : memref<!tpu.dma_semaphore, #tpu.memory_space<semaphore_mem>>
          %dma_start3A_166 = arith.constant 9984 : i32
          %dma_start3A_167 = arith.constant 0 : i32
          %dma_start3A_168 = tpu.memref_slice %arg9[%dma_start3A_166, %dma_start3A_167] : memref<10000x64xf32, #tpu.memory_space<hbm>> -> memref<16x64xf32, #tpu.memory_space<hbm>>
          %dma_start3A_169 = arith.constant 9984 : i32
          %dma_start3A_170 = arith.constant 0 : i32
          %dma_start3A_171 = tpu.memref_slice %arg17[%dma_start3A_169, %dma_start3A_170] : memref<10016x64xf32, #tpu.memory_space<vmem_shared>> -> memref<16x64xf32, #tpu.memory_space<vmem_shared>>
          tpu.enqueue_dma source(%dma_start3A_171 : memref<16x64xf32, #tpu.memory_space<vmem_shared>>) target(%dma_start3A_168 : memref<16x64xf32, #tpu.memory_space<hbm>>) target_semaphore(%run_scoped3A : memref<!tpu.dma_semaphore, #tpu.memory_space<semaphore_mem>>)
          %dma_wait3A_172 = arith.constant 9984 : i32
          %dma_wait3A_173 = arith.constant 0 : i32
          %dma_wait3A_174 = tpu.memref_slice %arg9[%dma_wait3A_172, %dma_wait3A_173] : memref<10000x64xf32, #tpu.memory_space<hbm>> -> memref<16x64xf32, #tpu.memory_space<hbm>>
          %dma_wait3A_175 = arith.constant 9984 : i32
          %dma_wait3A_176 = arith.constant 0 : i32
          %dma_wait3A_177 = tpu.memref_slice %arg17[%dma_wait3A_175, %dma_wait3A_176] : memref<10016x64xf32, #tpu.memory_space<vmem_shared>> -> memref<16x64xf32, #tpu.memory_space<vmem_shared>>
          tpu.wait_dma2 semaphore(%run_scoped3A : memref<!tpu.dma_semaphore, #tpu.memory_space<semaphore_mem>>) src(%dma_wait3A_177 : memref<16x64xf32, #tpu.memory_space<vmem_shared>>) dst(%dma_wait3A_174 : memref<16x64xf32, #tpu.memory_space<hbm>>)
          tpu.yield
        }) : () -> ()
      } else {
      }
    } else {
    }
    %eq3A_2 = arith.constant 1 : i32
    %eq3A_3 = arith.cmpi eq, %arg0, %eq3A_2 : i32
    %convert_element_type3A_4 = arith.extui %eq3A_3 : i1 to i32
    %cond3A_5 = arith.constant 0 : i32
    %cond3A_6 = arith.cmpi ne, %convert_element_type3A_4, %cond3A_5 : i32
    scf.if %cond3A_6 {
      %mul3A = arith.constant 624 : i32
      %mul3A_7 = arith.muli %arg1, %mul3A : i32
      %mul3A_8 = arith.constant 624 : i32
      %mul3A_9 = arith.muli %arg1, %mul3A_8 : i32
      %dma_start3A = arith.constant 0 : i32
      %dma_start3A_10 = tpu.memref_slice %arg16[%mul3A_9, %dma_start3A] : memref<10000x64xf32, #tpu.memory_space<vmem_shared>> -> memref<624x64xf32, #tpu.memory_space<vmem_shared>>
      %dma_start3A_11 = arith.constant 0 : i32
      %dma_start3A_12 = tpu.memref_slice %arg4[%mul3A_7, %dma_start3A_11] : memref<10000x64xf32, #tpu.memory_space<hbm>> -> memref<624x64xf32, #tpu.memory_space<hbm>>
      tpu.enqueue_dma source(%dma_start3A_12 : memref<624x64xf32, #tpu.memory_space<hbm>>) target(%dma_start3A_10 : memref<624x64xf32, #tpu.memory_space<vmem_shared>>) target_semaphore(%arg18 : memref<!tpu.dma_semaphore, #tpu.memory_space<semaphore_mem>>)
      %mul3A_13 = arith.constant 624 : i32
      %mul3A_14 = arith.muli %arg1, %mul3A_13 : i32
      %mul3A_15 = arith.constant 624 : i32
      %mul3A_16 = arith.muli %arg1, %mul3A_15 : i32
      %dma_start3A_17 = arith.constant 0 : i32
      %dma_start3A_18 = tpu.memref_slice %arg17[%mul3A_16, %dma_start3A_17] : memref<10016x64xf32, #tpu.memory_space<vmem_shared>> -> memref<624x64xf32, #tpu.memory_space<vmem_shared>>
      %dma_start3A_19 = arith.constant 0 : i32
      %dma_start3A_20 = tpu.memref_slice %arg4[%mul3A_14, %dma_start3A_19] : memref<10000x64xf32, #tpu.memory_space<hbm>> -> memref<624x64xf32, #tpu.memory_space<hbm>>
      tpu.enqueue_dma source(%dma_start3A_20 : memref<624x64xf32, #tpu.memory_space<hbm>>) target(%dma_start3A_18 : memref<624x64xf32, #tpu.memory_space<vmem_shared>>) target_semaphore(%arg19 : memref<!tpu.dma_semaphore, #tpu.memory_space<semaphore_mem>>)
      %mul3A_21 = arith.constant 80 : i32
      %mul3A_22 = arith.muli %arg1, %mul3A_21 : i32
      %dma_start3A_23 = arith.constant 0 : i32
      %dma_start3A_24 = tpu.memref_slice %arg6[%mul3A_22, %dma_start3A_23] : memref<1280x128xi32, #tpu.memory_space<hbm>> -> memref<80x128xi32, #tpu.memory_space<hbm>>
      %dma_start3A_25 = arith.constant 0 : i32
      %dma_start3A_26 = tpu.memref_slice %arg6[%mul3A_22, %dma_start3A_25] : memref<1280x128xi32, #tpu.memory_space<hbm>> -> memref<80x128xi32, #tpu.memory_space<hbm>>
      tpu.enqueue_dma source(%dma_start3A_26 : memref<80x128xi32, #tpu.memory_space<hbm>>) target(%arg12 : memref<80x128xi32, #tpu.memory_space<vmem>>) target_semaphore(%arg20 : memref<!tpu.dma_semaphore, #tpu.memory_space<semaphore_mem>>)
      %mul3A_27 = arith.constant 80 : i32
      %mul3A_28 = arith.muli %arg1, %mul3A_27 : i32
      %dma_start3A_29 = arith.constant 0 : i32
      %dma_start3A_30 = tpu.memref_slice %arg7[%mul3A_28, %dma_start3A_29] : memref<1280x128xi32, #tpu.memory_space<hbm>> -> memref<80x128xi32, #tpu.memory_space<hbm>>
      %dma_start3A_31 = arith.constant 0 : i32
      %dma_start3A_32 = tpu.memref_slice %arg7[%mul3A_28, %dma_start3A_31] : memref<1280x128xi32, #tpu.memory_space<hbm>> -> memref<80x128xi32, #tpu.memory_space<hbm>>
      tpu.enqueue_dma source(%dma_start3A_32 : memref<80x128xi32, #tpu.memory_space<hbm>>) target(%arg13 : memref<80x128xi32, #tpu.memory_space<vmem>>) target_semaphore(%arg21 : memref<!tpu.dma_semaphore, #tpu.memory_space<semaphore_mem>>)
      %eq3A_33 = arith.constant 15 : i32
      %eq3A_34 = arith.cmpi eq, %arg1, %eq3A_33 : i32
      %convert_element_type3A_35 = arith.extui %eq3A_34 : i1 to i32
      %cond3A_36 = arith.constant 0 : i32
      %cond3A_37 = arith.cmpi ne, %convert_element_type3A_35, %cond3A_36 : i32
      scf.if %cond3A_37 {
        "tpu.region"() ({
          %run_scoped3A = tpu.sem_alloc : memref<!tpu.dma_semaphore, #tpu.memory_space<semaphore_mem>>
          %dma_start3A_166 = arith.constant 9984 : i32
          %dma_start3A_167 = arith.constant 0 : i32
          %dma_start3A_168 = tpu.memref_slice %arg16[%dma_start3A_166, %dma_start3A_167] : memref<10000x64xf32, #tpu.memory_space<vmem_shared>> -> memref<16x64xf32, #tpu.memory_space<vmem_shared>>
          %dma_start3A_169 = arith.constant 9984 : i32
          %dma_start3A_170 = arith.constant 0 : i32
          %dma_start3A_171 = tpu.memref_slice %arg4[%dma_start3A_169, %dma_start3A_170] : memref<10000x64xf32, #tpu.memory_space<hbm>> -> memref<16x64xf32, #tpu.memory_space<hbm>>
          tpu.enqueue_dma source(%dma_start3A_171 : memref<16x64xf32, #tpu.memory_space<hbm>>) target(%dma_start3A_168 : memref<16x64xf32, #tpu.memory_space<vmem_shared>>) target_semaphore(%run_scoped3A : memref<!tpu.dma_semaphore, #tpu.memory_space<semaphore_mem>>)
          %dma_wait3A_172 = arith.constant 9984 : i32
          %dma_wait3A_173 = arith.constant 0 : i32
          %dma_wait3A_174 = tpu.memref_slice %arg16[%dma_wait3A_172, %dma_wait3A_173] : memref<10000x64xf32, #tpu.memory_space<vmem_shared>> -> memref<16x64xf32, #tpu.memory_space<vmem_shared>>
          %dma_wait3A_175 = arith.constant 9984 : i32
          %dma_wait3A_176 = arith.constant 0 : i32
          %dma_wait3A_177 = tpu.memref_slice %arg4[%dma_wait3A_175, %dma_wait3A_176] : memref<10000x64xf32, #tpu.memory_space<hbm>> -> memref<16x64xf32, #tpu.memory_space<hbm>>
          tpu.wait_dma2 semaphore(%run_scoped3A : memref<!tpu.dma_semaphore, #tpu.memory_space<semaphore_mem>>) src(%dma_wait3A_177 : memref<16x64xf32, #tpu.memory_space<hbm>>) dst(%dma_wait3A_174 : memref<16x64xf32, #tpu.memory_space<vmem_shared>>)
          tpu.yield
        }) : () -> ()
        "tpu.region"() ({
          %run_scoped3A = tpu.sem_alloc : memref<!tpu.dma_semaphore, #tpu.memory_space<semaphore_mem>>
          %dma_start3A_166 = arith.constant 9984 : i32
          %dma_start3A_167 = arith.constant 0 : i32
          %dma_start3A_168 = tpu.memref_slice %arg17[%dma_start3A_166, %dma_start3A_167] : memref<10016x64xf32, #tpu.memory_space<vmem_shared>> -> memref<16x64xf32, #tpu.memory_space<vmem_shared>>
          %dma_start3A_169 = arith.constant 9984 : i32
          %dma_start3A_170 = arith.constant 0 : i32
          %dma_start3A_171 = tpu.memref_slice %arg4[%dma_start3A_169, %dma_start3A_170] : memref<10000x64xf32, #tpu.memory_space<hbm>> -> memref<16x64xf32, #tpu.memory_space<hbm>>
          tpu.enqueue_dma source(%dma_start3A_171 : memref<16x64xf32, #tpu.memory_space<hbm>>) target(%dma_start3A_168 : memref<16x64xf32, #tpu.memory_space<vmem_shared>>) target_semaphore(%run_scoped3A : memref<!tpu.dma_semaphore, #tpu.memory_space<semaphore_mem>>)
          %dma_wait3A_172 = arith.constant 9984 : i32
          %dma_wait3A_173 = arith.constant 0 : i32
          %dma_wait3A_174 = tpu.memref_slice %arg17[%dma_wait3A_172, %dma_wait3A_173] : memref<10016x64xf32, #tpu.memory_space<vmem_shared>> -> memref<16x64xf32, #tpu.memory_space<vmem_shared>>
          %dma_wait3A_175 = arith.constant 9984 : i32
          %dma_wait3A_176 = arith.constant 0 : i32
          %dma_wait3A_177 = tpu.memref_slice %arg4[%dma_wait3A_175, %dma_wait3A_176] : memref<10000x64xf32, #tpu.memory_space<hbm>> -> memref<16x64xf32, #tpu.memory_space<hbm>>
          tpu.wait_dma2 semaphore(%run_scoped3A : memref<!tpu.dma_semaphore, #tpu.memory_space<semaphore_mem>>) src(%dma_wait3A_177 : memref<16x64xf32, #tpu.memory_space<hbm>>) dst(%dma_wait3A_174 : memref<16x64xf32, #tpu.memory_space<vmem_shared>>)
          tpu.yield
        }) : () -> ()
        "tpu.region"() ({
          %run_scoped3A = tpu.sem_alloc : memref<!tpu.dma_semaphore, #tpu.memory_space<semaphore_mem>>
          %dma_start3A_166 = arith.constant 10000 : i32
          %dma_start3A_167 = arith.constant 0 : i32
          %dma_start3A_168 = tpu.memref_slice %arg17[%dma_start3A_166, %dma_start3A_167] : memref<10016x64xf32, #tpu.memory_space<vmem_shared>> -> memref<16x64xf32, #tpu.memory_space<vmem_shared>>
          %dma_start3A_169 = arith.constant 0 : i32
          %dma_start3A_170 = arith.constant 0 : i32
          %dma_start3A_171 = tpu.memref_slice %arg4[%dma_start3A_169, %dma_start3A_170] : memref<10000x64xf32, #tpu.memory_space<hbm>> -> memref<16x64xf32, #tpu.memory_space<hbm>>
          tpu.enqueue_dma source(%dma_start3A_171 : memref<16x64xf32, #tpu.memory_space<hbm>>) target(%dma_start3A_168 : memref<16x64xf32, #tpu.memory_space<vmem_shared>>) target_semaphore(%run_scoped3A : memref<!tpu.dma_semaphore, #tpu.memory_space<semaphore_mem>>)
          %dma_wait3A_172 = arith.constant 10000 : i32
          %dma_wait3A_173 = arith.constant 0 : i32
          %dma_wait3A_174 = tpu.memref_slice %arg17[%dma_wait3A_172, %dma_wait3A_173] : memref<10016x64xf32, #tpu.memory_space<vmem_shared>> -> memref<16x64xf32, #tpu.memory_space<vmem_shared>>
          %dma_wait3A_175 = arith.constant 0 : i32
          %dma_wait3A_176 = arith.constant 0 : i32
          %dma_wait3A_177 = tpu.memref_slice %arg4[%dma_wait3A_175, %dma_wait3A_176] : memref<10000x64xf32, #tpu.memory_space<hbm>> -> memref<16x64xf32, #tpu.memory_space<hbm>>
          tpu.wait_dma2 semaphore(%run_scoped3A : memref<!tpu.dma_semaphore, #tpu.memory_space<semaphore_mem>>) src(%dma_wait3A_177 : memref<16x64xf32, #tpu.memory_space<hbm>>) dst(%dma_wait3A_174 : memref<16x64xf32, #tpu.memory_space<vmem_shared>>)
          tpu.yield
        }) : () -> ()
      } else {
      }
      %dma_wait3A = arith.constant 0 : i32
      %dma_wait3A_38 = tpu.memref_slice %arg16[%mul3A_9, %dma_wait3A] : memref<10000x64xf32, #tpu.memory_space<vmem_shared>> -> memref<624x64xf32, #tpu.memory_space<vmem_shared>>
      %dma_wait3A_39 = arith.constant 0 : i32
      %dma_wait3A_40 = tpu.memref_slice %arg4[%mul3A_7, %dma_wait3A_39] : memref<10000x64xf32, #tpu.memory_space<hbm>> -> memref<624x64xf32, #tpu.memory_space<hbm>>
      tpu.wait_dma2 semaphore(%arg18 : memref<!tpu.dma_semaphore, #tpu.memory_space<semaphore_mem>>) src(%dma_wait3A_40 : memref<624x64xf32, #tpu.memory_space<hbm>>) dst(%dma_wait3A_38 : memref<624x64xf32, #tpu.memory_space<vmem_shared>>)
      %dma_wait3A_41 = arith.constant 0 : i32
      %dma_wait3A_42 = tpu.memref_slice %arg17[%mul3A_16, %dma_wait3A_41] : memref<10016x64xf32, #tpu.memory_space<vmem_shared>> -> memref<624x64xf32, #tpu.memory_space<vmem_shared>>
      %dma_wait3A_43 = arith.constant 0 : i32
      %dma_wait3A_44 = tpu.memref_slice %arg4[%mul3A_14, %dma_wait3A_43] : memref<10000x64xf32, #tpu.memory_space<hbm>> -> memref<624x64xf32, #tpu.memory_space<hbm>>
      tpu.wait_dma2 semaphore(%arg19 : memref<!tpu.dma_semaphore, #tpu.memory_space<semaphore_mem>>) src(%dma_wait3A_44 : memref<624x64xf32, #tpu.memory_space<hbm>>) dst(%dma_wait3A_42 : memref<624x64xf32, #tpu.memory_space<vmem_shared>>)
      %dma_wait3A_45 = arith.constant 0 : i32
      %dma_wait3A_46 = tpu.memref_slice %arg6[%mul3A_22, %dma_wait3A_45] : memref<1280x128xi32, #tpu.memory_space<hbm>> -> memref<80x128xi32, #tpu.memory_space<hbm>>
      %dma_wait3A_47 = arith.constant 0 : i32
      %dma_wait3A_48 = tpu.memref_slice %arg6[%mul3A_22, %dma_wait3A_47] : memref<1280x128xi32, #tpu.memory_space<hbm>> -> memref<80x128xi32, #tpu.memory_space<hbm>>
      tpu.wait_dma2 semaphore(%arg20 : memref<!tpu.dma_semaphore, #tpu.memory_space<semaphore_mem>>) src(%dma_wait3A_48 : memref<80x128xi32, #tpu.memory_space<hbm>>) dst(%arg12 : memref<80x128xi32, #tpu.memory_space<vmem>>)
      %dma_wait3A_49 = arith.constant 0 : i32
      %dma_wait3A_50 = tpu.memref_slice %arg7[%mul3A_28, %dma_wait3A_49] : memref<1280x128xi32, #tpu.memory_space<hbm>> -> memref<80x128xi32, #tpu.memory_space<hbm>>
      %dma_wait3A_51 = arith.constant 0 : i32
      %dma_wait3A_52 = tpu.memref_slice %arg7[%mul3A_28, %dma_wait3A_51] : memref<1280x128xi32, #tpu.memory_space<hbm>> -> memref<80x128xi32, #tpu.memory_space<hbm>>
      tpu.wait_dma2 semaphore(%arg21 : memref<!tpu.dma_semaphore, #tpu.memory_space<semaphore_mem>>) src(%dma_wait3A_52 : memref<80x128xi32, #tpu.memory_space<hbm>>) dst(%arg13 : memref<80x128xi32, #tpu.memory_space<vmem>>)
      %barrier3A = arith.constant 0 : index
      tpu.barrier barrier_id(%barrier3A)
      %dma_start3A_53 = arith.constant 0 : i32
      %dma_start3A_54 = arith.constant 0 : i32
      %dma_start3A_55 = tpu.memref_slice %arg12[%dma_start3A_53, %dma_start3A_54] : memref<80x128xi32, #tpu.memory_space<vmem>> -> memref<1x128xi32, #tpu.memory_space<vmem>>
      %dma_start3A_56 = tpu.memref_squeeze %dma_start3A_55 : memref<1x128xi32, #tpu.memory_space<vmem>> -> memref<128xi32, #tpu.memory_space<vmem>>
      %dma_start3A_57 = arith.constant 0 : i32
      %dma_start3A_58 = arith.constant 0 : i32
      %dma_start3A_59 = tpu.memref_slice %arg16[%dma_start3A_57, %dma_start3A_58] : memref<10000x64xf32, #tpu.memory_space<vmem_shared>> -> memref<10000x64xf32, #tpu.memory_space<vmem_shared>>
      tpu.enqueue_indirect_dma source(%dma_start3A_59 : memref<10000x64xf32, #tpu.memory_space<vmem_shared>>) target(%arg14 : memref<128x64xf32, #tpu.memory_space<vmem>>) offsets(%dma_start3A_56 : memref<128xi32, #tpu.memory_space<vmem>>) semaphore(%arg18 : memref<!tpu.dma_semaphore, #tpu.memory_space<semaphore_mem>>)
      %dma_start3A_60 = arith.constant 1 : i32
      %dma_start3A_61 = arith.constant 0 : i32
      %dma_start3A_62 = tpu.memref_slice %arg12[%dma_start3A_60, %dma_start3A_61] : memref<80x128xi32, #tpu.memory_space<vmem>> -> memref<1x128xi32, #tpu.memory_space<vmem>>
      %dma_start3A_63 = tpu.memref_squeeze %dma_start3A_62 : memref<1x128xi32, #tpu.memory_space<vmem>> -> memref<128xi32, #tpu.memory_space<vmem>>
      %dma_start3A_64 = arith.constant 0 : i32
      %dma_start3A_65 = arith.constant 0 : i32
      %dma_start3A_66 = tpu.memref_slice %arg16[%dma_start3A_64, %dma_start3A_65] : memref<10000x64xf32, #tpu.memory_space<vmem_shared>> -> memref<10000x64xf32, #tpu.memory_space<vmem_shared>>
      tpu.enqueue_indirect_dma source(%dma_start3A_66 : memref<10000x64xf32, #tpu.memory_space<vmem_shared>>) target(%arg15 : memref<128x64xf32, #tpu.memory_space<vmem>>) offsets(%dma_start3A_63 : memref<128xi32, #tpu.memory_space<vmem>>) semaphore(%arg19 : memref<!tpu.dma_semaphore, #tpu.memory_space<semaphore_mem>>)
      %scan3A = arith.constant 0 : i32
      %scan3A_67 = arith.constant 0 : i32
      %scan3A_68 = arith.constant 40 : i32
      %scan3A_69 = arith.addi %scan3A_67, %scan3A_68 : i32
      %scan3A_70 = arith.constant 1 : i32
      scf.for %scan3A_166 = %scan3A_67 to %scan3A_69 step %scan3A_70  : i32 {
        %mul3A_167 = arith.constant 2 : i32
        %mul3A_168 = arith.muli %mul3A_167, %scan3A_166 : i32
        %add3A = arith.constant 1 : i32
        %add3A_169 = arith.addi %mul3A_168, %add3A : i32
        %dma_wait3A_170 = arith.constant 0 : i32
        %dma_wait3A_171 = tpu.memref_slice %arg12[%mul3A_168, %dma_wait3A_170] : memref<80x128xi32, #tpu.memory_space<vmem>> -> memref<1x128xi32, #tpu.memory_space<vmem>>
        %dma_wait3A_172 = tpu.memref_squeeze %dma_wait3A_171 : memref<1x128xi32, #tpu.memory_space<vmem>> -> memref<128xi32, #tpu.memory_space<vmem>>
        %dma_wait3A_173 = arith.constant 0 : i32
        %dma_wait3A_174 = arith.constant 0 : i32
        %dma_wait3A_175 = tpu.memref_slice %arg16[%dma_wait3A_173, %dma_wait3A_174] : memref<10000x64xf32, #tpu.memory_space<vmem_shared>> -> memref<10000x64xf32, #tpu.memory_space<vmem_shared>>
        tpu.wait_indirect_dma semaphore(%arg18 : memref<!tpu.dma_semaphore, #tpu.memory_space<semaphore_mem>>) src(%dma_wait3A_175 : memref<10000x64xf32, #tpu.memory_space<vmem_shared>>) dst(%arg14 : memref<128x64xf32, #tpu.memory_space<vmem>>)
        %dma_start3A_176 = arith.constant 0 : i32
        %dma_start3A_177 = tpu.memref_slice %arg13[%mul3A_168, %dma_start3A_176] : memref<80x128xi32, #tpu.memory_space<vmem>> -> memref<1x128xi32, #tpu.memory_space<vmem>>
        %dma_start3A_178 = tpu.memref_squeeze %dma_start3A_177 : memref<1x128xi32, #tpu.memory_space<vmem>> -> memref<128xi32, #tpu.memory_space<vmem>>
        %dma_start3A_179 = arith.constant 0 : i32
        %dma_start3A_180 = arith.constant 0 : i32
        %dma_start3A_181 = tpu.memref_slice %arg17[%dma_start3A_179, %dma_start3A_180] : memref<10016x64xf32, #tpu.memory_space<vmem_shared>> -> memref<10016x64xf32, #tpu.memory_space<vmem_shared>>
        tpu.enqueue_indirect_dma source(%arg14 : memref<128x64xf32, #tpu.memory_space<vmem>>) target(%dma_start3A_181 : memref<10016x64xf32, #tpu.memory_space<vmem_shared>>) offsets(%dma_start3A_178 : memref<128xi32, #tpu.memory_space<vmem>>) semaphore(%arg20 : memref<!tpu.dma_semaphore, #tpu.memory_space<semaphore_mem>>) {add = true}
        %dma_wait3A_182 = arith.constant 0 : i32
        %dma_wait3A_183 = tpu.memref_slice %arg13[%mul3A_168, %dma_wait3A_182] : memref<80x128xi32, #tpu.memory_space<vmem>> -> memref<1x128xi32, #tpu.memory_space<vmem>>
        %dma_wait3A_184 = tpu.memref_squeeze %dma_wait3A_183 : memref<1x128xi32, #tpu.memory_space<vmem>> -> memref<128xi32, #tpu.memory_space<vmem>>
        %dma_wait3A_185 = arith.constant 0 : i32
        %dma_wait3A_186 = arith.constant 0 : i32
        %dma_wait3A_187 = tpu.memref_slice %arg17[%dma_wait3A_185, %dma_wait3A_186] : memref<10016x64xf32, #tpu.memory_space<vmem_shared>> -> memref<10016x64xf32, #tpu.memory_space<vmem_shared>>
        tpu.wait_indirect_dma semaphore(%arg20 : memref<!tpu.dma_semaphore, #tpu.memory_space<semaphore_mem>>) src(%arg14 : memref<128x64xf32, #tpu.memory_space<vmem>>) dst(%dma_wait3A_187 : memref<10016x64xf32, #tpu.memory_space<vmem_shared>>)
        %add3A_188 = arith.constant 2 : i32
        %add3A_189 = arith.addi %mul3A_168, %add3A_188 : i32
        %lt3A = arith.constant 80 : i32
        %lt3A_190 = arith.cmpi slt, %add3A_189, %lt3A : i32
        %convert_element_type3A_191 = arith.extui %lt3A_190 : i1 to i32
        %cond3A_192 = arith.constant 0 : i32
        %cond3A_193 = arith.cmpi ne, %convert_element_type3A_191, %cond3A_192 : i32
        scf.if %cond3A_193 {
          %add3A_219 = arith.constant 2 : i32
          %add3A_220 = arith.addi %mul3A_168, %add3A_219 : i32
          %dma_start3A_221 = arith.constant 0 : i32
          %dma_start3A_222 = tpu.memref_slice %arg12[%add3A_220, %dma_start3A_221] : memref<80x128xi32, #tpu.memory_space<vmem>> -> memref<1x128xi32, #tpu.memory_space<vmem>>
          %dma_start3A_223 = tpu.memref_squeeze %dma_start3A_222 : memref<1x128xi32, #tpu.memory_space<vmem>> -> memref<128xi32, #tpu.memory_space<vmem>>
          %dma_start3A_224 = arith.constant 0 : i32
          %dma_start3A_225 = arith.constant 0 : i32
          %dma_start3A_226 = tpu.memref_slice %arg16[%dma_start3A_224, %dma_start3A_225] : memref<10000x64xf32, #tpu.memory_space<vmem_shared>> -> memref<10000x64xf32, #tpu.memory_space<vmem_shared>>
          tpu.enqueue_indirect_dma source(%dma_start3A_226 : memref<10000x64xf32, #tpu.memory_space<vmem_shared>>) target(%arg14 : memref<128x64xf32, #tpu.memory_space<vmem>>) offsets(%dma_start3A_223 : memref<128xi32, #tpu.memory_space<vmem>>) semaphore(%arg18 : memref<!tpu.dma_semaphore, #tpu.memory_space<semaphore_mem>>)
        } else {
        }
        %dma_wait3A_194 = arith.constant 0 : i32
        %dma_wait3A_195 = tpu.memref_slice %arg12[%add3A_169, %dma_wait3A_194] : memref<80x128xi32, #tpu.memory_space<vmem>> -> memref<1x128xi32, #tpu.memory_space<vmem>>
        %dma_wait3A_196 = tpu.memref_squeeze %dma_wait3A_195 : memref<1x128xi32, #tpu.memory_space<vmem>> -> memref<128xi32, #tpu.memory_space<vmem>>
        %dma_wait3A_197 = arith.constant 0 : i32
        %dma_wait3A_198 = arith.constant 0 : i32
        %dma_wait3A_199 = tpu.memref_slice %arg16[%dma_wait3A_197, %dma_wait3A_198] : memref<10000x64xf32, #tpu.memory_space<vmem_shared>> -> memref<10000x64xf32, #tpu.memory_space<vmem_shared>>
        tpu.wait_indirect_dma semaphore(%arg19 : memref<!tpu.dma_semaphore, #tpu.memory_space<semaphore_mem>>) src(%dma_wait3A_199 : memref<10000x64xf32, #tpu.memory_space<vmem_shared>>) dst(%arg15 : memref<128x64xf32, #tpu.memory_space<vmem>>)
        %dma_start3A_200 = arith.constant 0 : i32
        %dma_start3A_201 = tpu.memref_slice %arg13[%add3A_169, %dma_start3A_200] : memref<80x128xi32, #tpu.memory_space<vmem>> -> memref<1x128xi32, #tpu.memory_space<vmem>>
        %dma_start3A_202 = tpu.memref_squeeze %dma_start3A_201 : memref<1x128xi32, #tpu.memory_space<vmem>> -> memref<128xi32, #tpu.memory_space<vmem>>
        %dma_start3A_203 = arith.constant 0 : i32
        %dma_start3A_204 = arith.constant 0 : i32
        %dma_start3A_205 = tpu.memref_slice %arg17[%dma_start3A_203, %dma_start3A_204] : memref<10016x64xf32, #tpu.memory_space<vmem_shared>> -> memref<10016x64xf32, #tpu.memory_space<vmem_shared>>
        tpu.enqueue_indirect_dma source(%arg15 : memref<128x64xf32, #tpu.memory_space<vmem>>) target(%dma_start3A_205 : memref<10016x64xf32, #tpu.memory_space<vmem_shared>>) offsets(%dma_start3A_202 : memref<128xi32, #tpu.memory_space<vmem>>) semaphore(%arg21 : memref<!tpu.dma_semaphore, #tpu.memory_space<semaphore_mem>>) {add = true}
        %dma_wait3A_206 = arith.constant 0 : i32
        %dma_wait3A_207 = tpu.memref_slice %arg13[%add3A_169, %dma_wait3A_206] : memref<80x128xi32, #tpu.memory_space<vmem>> -> memref<1x128xi32, #tpu.memory_space<vmem>>
        %dma_wait3A_208 = tpu.memref_squeeze %dma_wait3A_207 : memref<1x128xi32, #tpu.memory_space<vmem>> -> memref<128xi32, #tpu.memory_space<vmem>>
        %dma_wait3A_209 = arith.constant 0 : i32
        %dma_wait3A_210 = arith.constant 0 : i32
        %dma_wait3A_211 = tpu.memref_slice %arg17[%dma_wait3A_209, %dma_wait3A_210] : memref<10016x64xf32, #tpu.memory_space<vmem_shared>> -> memref<10016x64xf32, #tpu.memory_space<vmem_shared>>
        tpu.wait_indirect_dma semaphore(%arg21 : memref<!tpu.dma_semaphore, #tpu.memory_space<semaphore_mem>>) src(%arg15 : memref<128x64xf32, #tpu.memory_space<vmem>>) dst(%dma_wait3A_211 : memref<10016x64xf32, #tpu.memory_space<vmem_shared>>)
        %add3A_212 = arith.constant 2 : i32
        %add3A_213 = arith.addi %add3A_169, %add3A_212 : i32
        %lt3A_214 = arith.constant 80 : i32
        %lt3A_215 = arith.cmpi slt, %add3A_213, %lt3A_214 : i32
        %convert_element_type3A_216 = arith.extui %lt3A_215 : i1 to i32
        %cond3A_217 = arith.constant 0 : i32
        %cond3A_218 = arith.cmpi ne, %convert_element_type3A_216, %cond3A_217 : i32
        scf.if %cond3A_218 {
          %add3A_219 = arith.constant 2 : i32
          %add3A_220 = arith.addi %add3A_169, %add3A_219 : i32
          %dma_start3A_221 = arith.constant 0 : i32
          %dma_start3A_222 = tpu.memref_slice %arg12[%add3A_220, %dma_start3A_221] : memref<80x128xi32, #tpu.memory_space<vmem>> -> memref<1x128xi32, #tpu.memory_space<vmem>>
          %dma_start3A_223 = tpu.memref_squeeze %dma_start3A_222 : memref<1x128xi32, #tpu.memory_space<vmem>> -> memref<128xi32, #tpu.memory_space<vmem>>
          %dma_start3A_224 = arith.constant 0 : i32
          %dma_start3A_225 = arith.constant 0 : i32
          %dma_start3A_226 = tpu.memref_slice %arg16[%dma_start3A_224, %dma_start3A_225] : memref<10000x64xf32, #tpu.memory_space<vmem_shared>> -> memref<10000x64xf32, #tpu.memory_space<vmem_shared>>
          tpu.enqueue_indirect_dma source(%dma_start3A_226 : memref<10000x64xf32, #tpu.memory_space<vmem_shared>>) target(%arg15 : memref<128x64xf32, #tpu.memory_space<vmem>>) offsets(%dma_start3A_223 : memref<128xi32, #tpu.memory_space<vmem>>) semaphore(%arg19 : memref<!tpu.dma_semaphore, #tpu.memory_space<semaphore_mem>>)
        } else {
        }
      }
      %scan3A_71 = arith.constant 40 : i32
      %barrier3A_72 = arith.constant 0 : index
      tpu.barrier barrier_id(%barrier3A_72)
      %mul3A_73 = arith.constant 624 : i32
      %mul3A_74 = arith.muli %arg1, %mul3A_73 : i32
      %mul3A_75 = arith.constant 624 : i32
      %mul3A_76 = arith.muli %arg1, %mul3A_75 : i32
      %dma_start3A_77 = arith.constant 0 : i32
      %dma_start3A_78 = tpu.memref_slice %arg10[%mul3A_76, %dma_start3A_77] : memref<10000x64xf32, #tpu.memory_space<hbm>> -> memref<624x64xf32, #tpu.memory_space<hbm>>
      %dma_start3A_79 = arith.constant 0 : i32
      %dma_start3A_80 = tpu.memref_slice %arg17[%mul3A_74, %dma_start3A_79] : memref<10016x64xf32, #tpu.memory_space<vmem_shared>> -> memref<624x64xf32, #tpu.memory_space<vmem_shared>>
      tpu.enqueue_dma source(%dma_start3A_80 : memref<624x64xf32, #tpu.memory_space<vmem_shared>>) target(%dma_start3A_78 : memref<624x64xf32, #tpu.memory_space<hbm>>) target_semaphore(%arg21 : memref<!tpu.dma_semaphore, #tpu.memory_space<semaphore_mem>>)
      %eq3A_81 = arith.constant 15 : i32
      %eq3A_82 = arith.cmpi eq, %arg1, %eq3A_81 : i32
      %convert_element_type3A_83 = arith.extui %eq3A_82 : i1 to i32
      %cond3A_84 = arith.constant 0 : i32
      %cond3A_85 = arith.cmpi ne, %convert_element_type3A_83, %cond3A_84 : i32
      scf.if %cond3A_85 {
        "tpu.region"() ({
          %run_scoped3A = tpu.sem_alloc : memref<!tpu.dma_semaphore, #tpu.memory_space<semaphore_mem>>
          %dma_start3A_166 = arith.constant 9984 : i32
          %dma_start3A_167 = arith.constant 0 : i32
          %dma_start3A_168 = tpu.memref_slice %arg10[%dma_start3A_166, %dma_start3A_167] : memref<10000x64xf32, #tpu.memory_space<hbm>> -> memref<16x64xf32, #tpu.memory_space<hbm>>
          %dma_start3A_169 = arith.constant 9984 : i32
          %dma_start3A_170 = arith.constant 0 : i32
          %dma_start3A_171 = tpu.memref_slice %arg17[%dma_start3A_169, %dma_start3A_170] : memref<10016x64xf32, #tpu.memory_space<vmem_shared>> -> memref<16x64xf32, #tpu.memory_space<vmem_shared>>
          tpu.enqueue_dma source(%dma_start3A_171 : memref<16x64xf32, #tpu.memory_space<vmem_shared>>) target(%dma_start3A_168 : memref<16x64xf32, #tpu.memory_space<hbm>>) target_semaphore(%run_scoped3A : memref<!tpu.dma_semaphore, #tpu.memory_space<semaphore_mem>>)
          %dma_wait3A_172 = arith.constant 9984 : i32
          %dma_wait3A_173 = arith.constant 0 : i32
          %dma_wait3A_174 = tpu.memref_slice %arg10[%dma_wait3A_172, %dma_wait3A_173] : memref<10000x64xf32, #tpu.memory_space<hbm>> -> memref<16x64xf32, #tpu.memory_space<hbm>>
          %dma_wait3A_175 = arith.constant 9984 : i32
          %dma_wait3A_176 = arith.constant 0 : i32
          %dma_wait3A_177 = tpu.memref_slice %arg17[%dma_wait3A_175, %dma_wait3A_176] : memref<10016x64xf32, #tpu.memory_space<vmem_shared>> -> memref<16x64xf32, #tpu.memory_space<vmem_shared>>
          tpu.wait_dma2 semaphore(%run_scoped3A : memref<!tpu.dma_semaphore, #tpu.memory_space<semaphore_mem>>) src(%dma_wait3A_177 : memref<16x64xf32, #tpu.memory_space<vmem_shared>>) dst(%dma_wait3A_174 : memref<16x64xf32, #tpu.memory_space<hbm>>)
          tpu.yield
        }) : () -> ()
      } else {
      }
      %mul3A_86 = arith.constant 624 : i32
      %mul3A_87 = arith.muli %arg1, %mul3A_86 : i32
      %mul3A_88 = arith.constant 624 : i32
      %mul3A_89 = arith.muli %arg1, %mul3A_88 : i32
      %dma_start3A_90 = arith.constant 0 : i32
      %dma_start3A_91 = tpu.memref_slice %arg16[%mul3A_89, %dma_start3A_90] : memref<10000x64xf32, #tpu.memory_space<vmem_shared>> -> memref<624x64xf32, #tpu.memory_space<vmem_shared>>
      %dma_start3A_92 = arith.constant 0 : i32
      %dma_start3A_93 = tpu.memref_slice %arg5[%mul3A_87, %dma_start3A_92] : memref<10000x64xf32, #tpu.memory_space<hbm>> -> memref<624x64xf32, #tpu.memory_space<hbm>>
      tpu.enqueue_dma source(%dma_start3A_93 : memref<624x64xf32, #tpu.memory_space<hbm>>) target(%dma_start3A_91 : memref<624x64xf32, #tpu.memory_space<vmem_shared>>) target_semaphore(%arg18 : memref<!tpu.dma_semaphore, #tpu.memory_space<semaphore_mem>>)
      %mul3A_94 = arith.constant 624 : i32
      %mul3A_95 = arith.muli %arg1, %mul3A_94 : i32
      %mul3A_96 = arith.constant 624 : i32
      %mul3A_97 = arith.muli %arg1, %mul3A_96 : i32
      %dma_wait3A_98 = arith.constant 0 : i32
      %dma_wait3A_99 = tpu.memref_slice %arg10[%mul3A_97, %dma_wait3A_98] : memref<10000x64xf32, #tpu.memory_space<hbm>> -> memref<624x64xf32, #tpu.memory_space<hbm>>
      %dma_wait3A_100 = arith.constant 0 : i32
      %dma_wait3A_101 = tpu.memref_slice %arg17[%mul3A_95, %dma_wait3A_100] : memref<10016x64xf32, #tpu.memory_space<vmem_shared>> -> memref<624x64xf32, #tpu.memory_space<vmem_shared>>
      tpu.wait_dma2 semaphore(%arg21 : memref<!tpu.dma_semaphore, #tpu.memory_space<semaphore_mem>>) src(%dma_wait3A_101 : memref<624x64xf32, #tpu.memory_space<vmem_shared>>) dst(%dma_wait3A_99 : memref<624x64xf32, #tpu.memory_space<hbm>>)
      %mul3A_102 = arith.constant 624 : i32
      %mul3A_103 = arith.muli %arg1, %mul3A_102 : i32
      %mul3A_104 = arith.constant 624 : i32
      %mul3A_105 = arith.muli %arg1, %mul3A_104 : i32
      %dma_start3A_106 = arith.constant 0 : i32
      %dma_start3A_107 = tpu.memref_slice %arg17[%mul3A_105, %dma_start3A_106] : memref<10016x64xf32, #tpu.memory_space<vmem_shared>> -> memref<624x64xf32, #tpu.memory_space<vmem_shared>>
      %dma_start3A_108 = arith.constant 0 : i32
      %dma_start3A_109 = tpu.memref_slice %arg5[%mul3A_103, %dma_start3A_108] : memref<10000x64xf32, #tpu.memory_space<hbm>> -> memref<624x64xf32, #tpu.memory_space<hbm>>
      tpu.enqueue_dma source(%dma_start3A_109 : memref<624x64xf32, #tpu.memory_space<hbm>>) target(%dma_start3A_107 : memref<624x64xf32, #tpu.memory_space<vmem_shared>>) target_semaphore(%arg19 : memref<!tpu.dma_semaphore, #tpu.memory_space<semaphore_mem>>)
      %eq3A_110 = arith.constant 15 : i32
      %eq3A_111 = arith.cmpi eq, %arg1, %eq3A_110 : i32
      %convert_element_type3A_112 = arith.extui %eq3A_111 : i1 to i32
      %cond3A_113 = arith.constant 0 : i32
      %cond3A_114 = arith.cmpi ne, %convert_element_type3A_112, %cond3A_113 : i32
      scf.if %cond3A_114 {
        "tpu.region"() ({
          %run_scoped3A = tpu.sem_alloc : memref<!tpu.dma_semaphore, #tpu.memory_space<semaphore_mem>>
          %dma_start3A_166 = arith.constant 9984 : i32
          %dma_start3A_167 = arith.constant 0 : i32
          %dma_start3A_168 = tpu.memref_slice %arg16[%dma_start3A_166, %dma_start3A_167] : memref<10000x64xf32, #tpu.memory_space<vmem_shared>> -> memref<16x64xf32, #tpu.memory_space<vmem_shared>>
          %dma_start3A_169 = arith.constant 9984 : i32
          %dma_start3A_170 = arith.constant 0 : i32
          %dma_start3A_171 = tpu.memref_slice %arg5[%dma_start3A_169, %dma_start3A_170] : memref<10000x64xf32, #tpu.memory_space<hbm>> -> memref<16x64xf32, #tpu.memory_space<hbm>>
          tpu.enqueue_dma source(%dma_start3A_171 : memref<16x64xf32, #tpu.memory_space<hbm>>) target(%dma_start3A_168 : memref<16x64xf32, #tpu.memory_space<vmem_shared>>) target_semaphore(%run_scoped3A : memref<!tpu.dma_semaphore, #tpu.memory_space<semaphore_mem>>)
          %dma_wait3A_172 = arith.constant 9984 : i32
          %dma_wait3A_173 = arith.constant 0 : i32
          %dma_wait3A_174 = tpu.memref_slice %arg16[%dma_wait3A_172, %dma_wait3A_173] : memref<10000x64xf32, #tpu.memory_space<vmem_shared>> -> memref<16x64xf32, #tpu.memory_space<vmem_shared>>
          %dma_wait3A_175 = arith.constant 9984 : i32
          %dma_wait3A_176 = arith.constant 0 : i32
          %dma_wait3A_177 = tpu.memref_slice %arg5[%dma_wait3A_175, %dma_wait3A_176] : memref<10000x64xf32, #tpu.memory_space<hbm>> -> memref<16x64xf32, #tpu.memory_space<hbm>>
          tpu.wait_dma2 semaphore(%run_scoped3A : memref<!tpu.dma_semaphore, #tpu.memory_space<semaphore_mem>>) src(%dma_wait3A_177 : memref<16x64xf32, #tpu.memory_space<hbm>>) dst(%dma_wait3A_174 : memref<16x64xf32, #tpu.memory_space<vmem_shared>>)
          tpu.yield
        }) : () -> ()
        "tpu.region"() ({
          %run_scoped3A = tpu.sem_alloc : memref<!tpu.dma_semaphore, #tpu.memory_space<semaphore_mem>>
          %dma_start3A_166 = arith.constant 9984 : i32
          %dma_start3A_167 = arith.constant 0 : i32
          %dma_start3A_168 = tpu.memref_slice %arg17[%dma_start3A_166, %dma_start3A_167] : memref<10016x64xf32, #tpu.memory_space<vmem_shared>> -> memref<16x64xf32, #tpu.memory_space<vmem_shared>>
          %dma_start3A_169 = arith.constant 9984 : i32
          %dma_start3A_170 = arith.constant 0 : i32
          %dma_start3A_171 = tpu.memref_slice %arg5[%dma_start3A_169, %dma_start3A_170] : memref<10000x64xf32, #tpu.memory_space<hbm>> -> memref<16x64xf32, #tpu.memory_space<hbm>>
          tpu.enqueue_dma source(%dma_start3A_171 : memref<16x64xf32, #tpu.memory_space<hbm>>) target(%dma_start3A_168 : memref<16x64xf32, #tpu.memory_space<vmem_shared>>) target_semaphore(%run_scoped3A : memref<!tpu.dma_semaphore, #tpu.memory_space<semaphore_mem>>)
          %dma_wait3A_172 = arith.constant 9984 : i32
          %dma_wait3A_173 = arith.constant 0 : i32
          %dma_wait3A_174 = tpu.memref_slice %arg17[%dma_wait3A_172, %dma_wait3A_173] : memref<10016x64xf32, #tpu.memory_space<vmem_shared>> -> memref<16x64xf32, #tpu.memory_space<vmem_shared>>
          %dma_wait3A_175 = arith.constant 9984 : i32
          %dma_wait3A_176 = arith.constant 0 : i32
          %dma_wait3A_177 = tpu.memref_slice %arg5[%dma_wait3A_175, %dma_wait3A_176] : memref<10000x64xf32, #tpu.memory_space<hbm>> -> memref<16x64xf32, #tpu.memory_space<hbm>>
          tpu.wait_dma2 semaphore(%run_scoped3A : memref<!tpu.dma_semaphore, #tpu.memory_space<semaphore_mem>>) src(%dma_wait3A_177 : memref<16x64xf32, #tpu.memory_space<hbm>>) dst(%dma_wait3A_174 : memref<16x64xf32, #tpu.memory_space<vmem_shared>>)
          tpu.yield
        }) : () -> ()
        "tpu.region"() ({
          %run_scoped3A = tpu.sem_alloc : memref<!tpu.dma_semaphore, #tpu.memory_space<semaphore_mem>>
          %dma_start3A_166 = arith.constant 10000 : i32
          %dma_start3A_167 = arith.constant 0 : i32
          %dma_start3A_168 = tpu.memref_slice %arg17[%dma_start3A_166, %dma_start3A_167] : memref<10016x64xf32, #tpu.memory_space<vmem_shared>> -> memref<16x64xf32, #tpu.memory_space<vmem_shared>>
          %dma_start3A_169 = arith.constant 0 : i32
          %dma_start3A_170 = arith.constant 0 : i32
          %dma_start3A_171 = tpu.memref_slice %arg5[%dma_start3A_169, %dma_start3A_170] : memref<10000x64xf32, #tpu.memory_space<hbm>> -> memref<16x64xf32, #tpu.memory_space<hbm>>
          tpu.enqueue_dma source(%dma_start3A_171 : memref<16x64xf32, #tpu.memory_space<hbm>>) target(%dma_start3A_168 : memref<16x64xf32, #tpu.memory_space<vmem_shared>>) target_semaphore(%run_scoped3A : memref<!tpu.dma_semaphore, #tpu.memory_space<semaphore_mem>>)
          %dma_wait3A_172 = arith.constant 10000 : i32
          %dma_wait3A_173 = arith.constant 0 : i32
          %dma_wait3A_174 = tpu.memref_slice %arg17[%dma_wait3A_172, %dma_wait3A_173] : memref<10016x64xf32, #tpu.memory_space<vmem_shared>> -> memref<16x64xf32, #tpu.memory_space<vmem_shared>>
          %dma_wait3A_175 = arith.constant 0 : i32
          %dma_wait3A_176 = arith.constant 0 : i32
          %dma_wait3A_177 = tpu.memref_slice %arg5[%dma_wait3A_175, %dma_wait3A_176] : memref<10000x64xf32, #tpu.memory_space<hbm>> -> memref<16x64xf32, #tpu.memory_space<hbm>>
          tpu.wait_dma2 semaphore(%run_scoped3A : memref<!tpu.dma_semaphore, #tpu.memory_space<semaphore_mem>>) src(%dma_wait3A_177 : memref<16x64xf32, #tpu.memory_space<hbm>>) dst(%dma_wait3A_174 : memref<16x64xf32, #tpu.memory_space<vmem_shared>>)
          tpu.yield
        }) : () -> ()
      } else {
      }
      %dma_wait3A_115 = arith.constant 0 : i32
      %dma_wait3A_116 = tpu.memref_slice %arg16[%mul3A_89, %dma_wait3A_115] : memref<10000x64xf32, #tpu.memory_space<vmem_shared>> -> memref<624x64xf32, #tpu.memory_space<vmem_shared>>
      %dma_wait3A_117 = arith.constant 0 : i32
      %dma_wait3A_118 = tpu.memref_slice %arg5[%mul3A_87, %dma_wait3A_117] : memref<10000x64xf32, #tpu.memory_space<hbm>> -> memref<624x64xf32, #tpu.memory_space<hbm>>
      tpu.wait_dma2 semaphore(%arg18 : memref<!tpu.dma_semaphore, #tpu.memory_space<semaphore_mem>>) src(%dma_wait3A_118 : memref<624x64xf32, #tpu.memory_space<hbm>>) dst(%dma_wait3A_116 : memref<624x64xf32, #tpu.memory_space<vmem_shared>>)
      %dma_wait3A_119 = arith.constant 0 : i32
      %dma_wait3A_120 = tpu.memref_slice %arg17[%mul3A_105, %dma_wait3A_119] : memref<10016x64xf32, #tpu.memory_space<vmem_shared>> -> memref<624x64xf32, #tpu.memory_space<vmem_shared>>
      %dma_wait3A_121 = arith.constant 0 : i32
      %dma_wait3A_122 = tpu.memref_slice %arg5[%mul3A_103, %dma_wait3A_121] : memref<10000x64xf32, #tpu.memory_space<hbm>> -> memref<624x64xf32, #tpu.memory_space<hbm>>
      tpu.wait_dma2 semaphore(%arg19 : memref<!tpu.dma_semaphore, #tpu.memory_space<semaphore_mem>>) src(%dma_wait3A_122 : memref<624x64xf32, #tpu.memory_space<hbm>>) dst(%dma_wait3A_120 : memref<624x64xf32, #tpu.memory_space<vmem_shared>>)
      %barrier3A_123 = arith.constant 0 : index
      tpu.barrier barrier_id(%barrier3A_123)
      %dma_start3A_124 = arith.constant 0 : i32
      %dma_start3A_125 = arith.constant 0 : i32
      %dma_start3A_126 = tpu.memref_slice %arg12[%dma_start3A_124, %dma_start3A_125] : memref<80x128xi32, #tpu.memory_space<vmem>> -> memref<1x128xi32, #tpu.memory_space<vmem>>
      %dma_start3A_127 = tpu.memref_squeeze %dma_start3A_126 : memref<1x128xi32, #tpu.memory_space<vmem>> -> memref<128xi32, #tpu.memory_space<vmem>>
      %dma_start3A_128 = arith.constant 0 : i32
      %dma_start3A_129 = arith.constant 0 : i32
      %dma_start3A_130 = tpu.memref_slice %arg16[%dma_start3A_128, %dma_start3A_129] : memref<10000x64xf32, #tpu.memory_space<vmem_shared>> -> memref<10000x64xf32, #tpu.memory_space<vmem_shared>>
      tpu.enqueue_indirect_dma source(%dma_start3A_130 : memref<10000x64xf32, #tpu.memory_space<vmem_shared>>) target(%arg14 : memref<128x64xf32, #tpu.memory_space<vmem>>) offsets(%dma_start3A_127 : memref<128xi32, #tpu.memory_space<vmem>>) semaphore(%arg18 : memref<!tpu.dma_semaphore, #tpu.memory_space<semaphore_mem>>)
      %dma_start3A_131 = arith.constant 1 : i32
      %dma_start3A_132 = arith.constant 0 : i32
      %dma_start3A_133 = tpu.memref_slice %arg12[%dma_start3A_131, %dma_start3A_132] : memref<80x128xi32, #tpu.memory_space<vmem>> -> memref<1x128xi32, #tpu.memory_space<vmem>>
      %dma_start3A_134 = tpu.memref_squeeze %dma_start3A_133 : memref<1x128xi32, #tpu.memory_space<vmem>> -> memref<128xi32, #tpu.memory_space<vmem>>
      %dma_start3A_135 = arith.constant 0 : i32
      %dma_start3A_136 = arith.constant 0 : i32
      %dma_start3A_137 = tpu.memref_slice %arg16[%dma_start3A_135, %dma_start3A_136] : memref<10000x64xf32, #tpu.memory_space<vmem_shared>> -> memref<10000x64xf32, #tpu.memory_space<vmem_shared>>
      tpu.enqueue_indirect_dma source(%dma_start3A_137 : memref<10000x64xf32, #tpu.memory_space<vmem_shared>>) target(%arg15 : memref<128x64xf32, #tpu.memory_space<vmem>>) offsets(%dma_start3A_134 : memref<128xi32, #tpu.memory_space<vmem>>) semaphore(%arg19 : memref<!tpu.dma_semaphore, #tpu.memory_space<semaphore_mem>>)
      %scan3A_138 = arith.constant 0 : i32
      %scan3A_139 = arith.constant 0 : i32
      %scan3A_140 = arith.constant 40 : i32
      %scan3A_141 = arith.addi %scan3A_139, %scan3A_140 : i32
      %scan3A_142 = arith.constant 1 : i32
      scf.for %scan3A_166 = %scan3A_139 to %scan3A_141 step %scan3A_142  : i32 {
        %mul3A_167 = arith.constant 2 : i32
        %mul3A_168 = arith.muli %mul3A_167, %scan3A_166 : i32
        %add3A = arith.constant 1 : i32
        %add3A_169 = arith.addi %mul3A_168, %add3A : i32
        %dma_wait3A_170 = arith.constant 0 : i32
        %dma_wait3A_171 = tpu.memref_slice %arg12[%mul3A_168, %dma_wait3A_170] : memref<80x128xi32, #tpu.memory_space<vmem>> -> memref<1x128xi32, #tpu.memory_space<vmem>>
        %dma_wait3A_172 = tpu.memref_squeeze %dma_wait3A_171 : memref<1x128xi32, #tpu.memory_space<vmem>> -> memref<128xi32, #tpu.memory_space<vmem>>
        %dma_wait3A_173 = arith.constant 0 : i32
        %dma_wait3A_174 = arith.constant 0 : i32
        %dma_wait3A_175 = tpu.memref_slice %arg16[%dma_wait3A_173, %dma_wait3A_174] : memref<10000x64xf32, #tpu.memory_space<vmem_shared>> -> memref<10000x64xf32, #tpu.memory_space<vmem_shared>>
        tpu.wait_indirect_dma semaphore(%arg18 : memref<!tpu.dma_semaphore, #tpu.memory_space<semaphore_mem>>) src(%dma_wait3A_175 : memref<10000x64xf32, #tpu.memory_space<vmem_shared>>) dst(%arg14 : memref<128x64xf32, #tpu.memory_space<vmem>>)
        %dma_start3A_176 = arith.constant 0 : i32
        %dma_start3A_177 = tpu.memref_slice %arg13[%mul3A_168, %dma_start3A_176] : memref<80x128xi32, #tpu.memory_space<vmem>> -> memref<1x128xi32, #tpu.memory_space<vmem>>
        %dma_start3A_178 = tpu.memref_squeeze %dma_start3A_177 : memref<1x128xi32, #tpu.memory_space<vmem>> -> memref<128xi32, #tpu.memory_space<vmem>>
        %dma_start3A_179 = arith.constant 0 : i32
        %dma_start3A_180 = arith.constant 0 : i32
        %dma_start3A_181 = tpu.memref_slice %arg17[%dma_start3A_179, %dma_start3A_180] : memref<10016x64xf32, #tpu.memory_space<vmem_shared>> -> memref<10016x64xf32, #tpu.memory_space<vmem_shared>>
        tpu.enqueue_indirect_dma source(%arg14 : memref<128x64xf32, #tpu.memory_space<vmem>>) target(%dma_start3A_181 : memref<10016x64xf32, #tpu.memory_space<vmem_shared>>) offsets(%dma_start3A_178 : memref<128xi32, #tpu.memory_space<vmem>>) semaphore(%arg20 : memref<!tpu.dma_semaphore, #tpu.memory_space<semaphore_mem>>) {add = true}
        %dma_wait3A_182 = arith.constant 0 : i32
        %dma_wait3A_183 = tpu.memref_slice %arg13[%mul3A_168, %dma_wait3A_182] : memref<80x128xi32, #tpu.memory_space<vmem>> -> memref<1x128xi32, #tpu.memory_space<vmem>>
        %dma_wait3A_184 = tpu.memref_squeeze %dma_wait3A_183 : memref<1x128xi32, #tpu.memory_space<vmem>> -> memref<128xi32, #tpu.memory_space<vmem>>
        %dma_wait3A_185 = arith.constant 0 : i32
        %dma_wait3A_186 = arith.constant 0 : i32
        %dma_wait3A_187 = tpu.memref_slice %arg17[%dma_wait3A_185, %dma_wait3A_186] : memref<10016x64xf32, #tpu.memory_space<vmem_shared>> -> memref<10016x64xf32, #tpu.memory_space<vmem_shared>>
        tpu.wait_indirect_dma semaphore(%arg20 : memref<!tpu.dma_semaphore, #tpu.memory_space<semaphore_mem>>) src(%arg14 : memref<128x64xf32, #tpu.memory_space<vmem>>) dst(%dma_wait3A_187 : memref<10016x64xf32, #tpu.memory_space<vmem_shared>>)
        %add3A_188 = arith.constant 2 : i32
        %add3A_189 = arith.addi %mul3A_168, %add3A_188 : i32
        %lt3A = arith.constant 80 : i32
        %lt3A_190 = arith.cmpi slt, %add3A_189, %lt3A : i32
        %convert_element_type3A_191 = arith.extui %lt3A_190 : i1 to i32
        %cond3A_192 = arith.constant 0 : i32
        %cond3A_193 = arith.cmpi ne, %convert_element_type3A_191, %cond3A_192 : i32
        scf.if %cond3A_193 {
          %add3A_219 = arith.constant 2 : i32
          %add3A_220 = arith.addi %mul3A_168, %add3A_219 : i32
          %dma_start3A_221 = arith.constant 0 : i32
          %dma_start3A_222 = tpu.memref_slice %arg12[%add3A_220, %dma_start3A_221] : memref<80x128xi32, #tpu.memory_space<vmem>> -> memref<1x128xi32, #tpu.memory_space<vmem>>
          %dma_start3A_223 = tpu.memref_squeeze %dma_start3A_222 : memref<1x128xi32, #tpu.memory_space<vmem>> -> memref<128xi32, #tpu.memory_space<vmem>>
          %dma_start3A_224 = arith.constant 0 : i32
          %dma_start3A_225 = arith.constant 0 : i32
          %dma_start3A_226 = tpu.memref_slice %arg16[%dma_start3A_224, %dma_start3A_225] : memref<10000x64xf32, #tpu.memory_space<vmem_shared>> -> memref<10000x64xf32, #tpu.memory_space<vmem_shared>>
          tpu.enqueue_indirect_dma source(%dma_start3A_226 : memref<10000x64xf32, #tpu.memory_space<vmem_shared>>) target(%arg14 : memref<128x64xf32, #tpu.memory_space<vmem>>) offsets(%dma_start3A_223 : memref<128xi32, #tpu.memory_space<vmem>>) semaphore(%arg18 : memref<!tpu.dma_semaphore, #tpu.memory_space<semaphore_mem>>)
        } else {
        }
        %dma_wait3A_194 = arith.constant 0 : i32
        %dma_wait3A_195 = tpu.memref_slice %arg12[%add3A_169, %dma_wait3A_194] : memref<80x128xi32, #tpu.memory_space<vmem>> -> memref<1x128xi32, #tpu.memory_space<vmem>>
        %dma_wait3A_196 = tpu.memref_squeeze %dma_wait3A_195 : memref<1x128xi32, #tpu.memory_space<vmem>> -> memref<128xi32, #tpu.memory_space<vmem>>
        %dma_wait3A_197 = arith.constant 0 : i32
        %dma_wait3A_198 = arith.constant 0 : i32
        %dma_wait3A_199 = tpu.memref_slice %arg16[%dma_wait3A_197, %dma_wait3A_198] : memref<10000x64xf32, #tpu.memory_space<vmem_shared>> -> memref<10000x64xf32, #tpu.memory_space<vmem_shared>>
        tpu.wait_indirect_dma semaphore(%arg19 : memref<!tpu.dma_semaphore, #tpu.memory_space<semaphore_mem>>) src(%dma_wait3A_199 : memref<10000x64xf32, #tpu.memory_space<vmem_shared>>) dst(%arg15 : memref<128x64xf32, #tpu.memory_space<vmem>>)
        %dma_start3A_200 = arith.constant 0 : i32
        %dma_start3A_201 = tpu.memref_slice %arg13[%add3A_169, %dma_start3A_200] : memref<80x128xi32, #tpu.memory_space<vmem>> -> memref<1x128xi32, #tpu.memory_space<vmem>>
        %dma_start3A_202 = tpu.memref_squeeze %dma_start3A_201 : memref<1x128xi32, #tpu.memory_space<vmem>> -> memref<128xi32, #tpu.memory_space<vmem>>
        %dma_start3A_203 = arith.constant 0 : i32
        %dma_start3A_204 = arith.constant 0 : i32
        %dma_start3A_205 = tpu.memref_slice %arg17[%dma_start3A_203, %dma_start3A_204] : memref<10016x64xf32, #tpu.memory_space<vmem_shared>> -> memref<10016x64xf32, #tpu.memory_space<vmem_shared>>
        tpu.enqueue_indirect_dma source(%arg15 : memref<128x64xf32, #tpu.memory_space<vmem>>) target(%dma_start3A_205 : memref<10016x64xf32, #tpu.memory_space<vmem_shared>>) offsets(%dma_start3A_202 : memref<128xi32, #tpu.memory_space<vmem>>) semaphore(%arg21 : memref<!tpu.dma_semaphore, #tpu.memory_space<semaphore_mem>>) {add = true}
        %dma_wait3A_206 = arith.constant 0 : i32
        %dma_wait3A_207 = tpu.memref_slice %arg13[%add3A_169, %dma_wait3A_206] : memref<80x128xi32, #tpu.memory_space<vmem>> -> memref<1x128xi32, #tpu.memory_space<vmem>>
        %dma_wait3A_208 = tpu.memref_squeeze %dma_wait3A_207 : memref<1x128xi32, #tpu.memory_space<vmem>> -> memref<128xi32, #tpu.memory_space<vmem>>
        %dma_wait3A_209 = arith.constant 0 : i32
        %dma_wait3A_210 = arith.constant 0 : i32
        %dma_wait3A_211 = tpu.memref_slice %arg17[%dma_wait3A_209, %dma_wait3A_210] : memref<10016x64xf32, #tpu.memory_space<vmem_shared>> -> memref<10016x64xf32, #tpu.memory_space<vmem_shared>>
        tpu.wait_indirect_dma semaphore(%arg21 : memref<!tpu.dma_semaphore, #tpu.memory_space<semaphore_mem>>) src(%arg15 : memref<128x64xf32, #tpu.memory_space<vmem>>) dst(%dma_wait3A_211 : memref<10016x64xf32, #tpu.memory_space<vmem_shared>>)
        %add3A_212 = arith.constant 2 : i32
        %add3A_213 = arith.addi %add3A_169, %add3A_212 : i32
        %lt3A_214 = arith.constant 80 : i32
        %lt3A_215 = arith.cmpi slt, %add3A_213, %lt3A_214 : i32
        %convert_element_type3A_216 = arith.extui %lt3A_215 : i1 to i32
        %cond3A_217 = arith.constant 0 : i32
        %cond3A_218 = arith.cmpi ne, %convert_element_type3A_216, %cond3A_217 : i32
        scf.if %cond3A_218 {
          %add3A_219 = arith.constant 2 : i32
          %add3A_220 = arith.addi %add3A_169, %add3A_219 : i32
          %dma_start3A_221 = arith.constant 0 : i32
          %dma_start3A_222 = tpu.memref_slice %arg12[%add3A_220, %dma_start3A_221] : memref<80x128xi32, #tpu.memory_space<vmem>> -> memref<1x128xi32, #tpu.memory_space<vmem>>
          %dma_start3A_223 = tpu.memref_squeeze %dma_start3A_222 : memref<1x128xi32, #tpu.memory_space<vmem>> -> memref<128xi32, #tpu.memory_space<vmem>>
          %dma_start3A_224 = arith.constant 0 : i32
          %dma_start3A_225 = arith.constant 0 : i32
          %dma_start3A_226 = tpu.memref_slice %arg16[%dma_start3A_224, %dma_start3A_225] : memref<10000x64xf32, #tpu.memory_space<vmem_shared>> -> memref<10000x64xf32, #tpu.memory_space<vmem_shared>>
          tpu.enqueue_indirect_dma source(%dma_start3A_226 : memref<10000x64xf32, #tpu.memory_space<vmem_shared>>) target(%arg15 : memref<128x64xf32, #tpu.memory_space<vmem>>) offsets(%dma_start3A_223 : memref<128xi32, #tpu.memory_space<vmem>>) semaphore(%arg19 : memref<!tpu.dma_semaphore, #tpu.memory_space<semaphore_mem>>)
        } else {
        }
      }
      %scan3A_143 = arith.constant 40 : i32
      %barrier3A_144 = arith.constant 0 : index
      tpu.barrier barrier_id(%barrier3A_144)
      %mul3A_145 = arith.constant 624 : i32
      %mul3A_146 = arith.muli %arg1, %mul3A_145 : i32
      %mul3A_147 = arith.constant 624 : i32
      %mul3A_148 = arith.muli %arg1, %mul3A_147 : i32
      %dma_start3A_149 = arith.constant 0 : i32
      %dma_start3A_150 = tpu.memref_slice %arg11[%mul3A_148, %dma_start3A_149] : memref<10000x64xf32, #tpu.memory_space<hbm>> -> memref<624x64xf32, #tpu.memory_space<hbm>>
      %dma_start3A_151 = arith.constant 0 : i32
      %dma_start3A_152 = tpu.memref_slice %arg17[%mul3A_146, %dma_start3A_151] : memref<10016x64xf32, #tpu.memory_space<vmem_shared>> -> memref<624x64xf32, #tpu.memory_space<vmem_shared>>
      tpu.enqueue_dma source(%dma_start3A_152 : memref<624x64xf32, #tpu.memory_space<vmem_shared>>) target(%dma_start3A_150 : memref<624x64xf32, #tpu.memory_space<hbm>>) target_semaphore(%arg21 : memref<!tpu.dma_semaphore, #tpu.memory_space<semaphore_mem>>)
      %mul3A_153 = arith.constant 624 : i32
      %mul3A_154 = arith.muli %arg1, %mul3A_153 : i32
      %mul3A_155 = arith.constant 624 : i32
      %mul3A_156 = arith.muli %arg1, %mul3A_155 : i32
      %dma_wait3A_157 = arith.constant 0 : i32
      %dma_wait3A_158 = tpu.memref_slice %arg11[%mul3A_156, %dma_wait3A_157] : memref<10000x64xf32, #tpu.memory_space<hbm>> -> memref<624x64xf32, #tpu.memory_space<hbm>>
      %dma_wait3A_159 = arith.constant 0 : i32
      %dma_wait3A_160 = tpu.memref_slice %arg17[%mul3A_154, %dma_wait3A_159] : memref<10016x64xf32, #tpu.memory_space<vmem_shared>> -> memref<624x64xf32, #tpu.memory_space<vmem_shared>>
      tpu.wait_dma2 semaphore(%arg21 : memref<!tpu.dma_semaphore, #tpu.memory_space<semaphore_mem>>) src(%dma_wait3A_160 : memref<624x64xf32, #tpu.memory_space<vmem_shared>>) dst(%dma_wait3A_158 : memref<624x64xf32, #tpu.memory_space<hbm>>)
      %eq3A_161 = arith.constant 15 : i32
      %eq3A_162 = arith.cmpi eq, %arg1, %eq3A_161 : i32
      %convert_element_type3A_163 = arith.extui %eq3A_162 : i1 to i32
      %cond3A_164 = arith.constant 0 : i32
      %cond3A_165 = arith.cmpi ne, %convert_element_type3A_163, %cond3A_164 : i32
      scf.if %cond3A_165 {
        "tpu.region"() ({
          %run_scoped3A = tpu.sem_alloc : memref<!tpu.dma_semaphore, #tpu.memory_space<semaphore_mem>>
          %dma_start3A_166 = arith.constant 9984 : i32
          %dma_start3A_167 = arith.constant 0 : i32
          %dma_start3A_168 = tpu.memref_slice %arg11[%dma_start3A_166, %dma_start3A_167] : memref<10000x64xf32, #tpu.memory_space<hbm>> -> memref<16x64xf32, #tpu.memory_space<hbm>>
          %dma_start3A_169 = arith.constant 9984 : i32
          %dma_start3A_170 = arith.constant 0 : i32
          %dma_start3A_171 = tpu.memref_slice %arg17[%dma_start3A_169, %dma_start3A_170] : memref<10016x64xf32, #tpu.memory_space<vmem_shared>> -> memref<16x64xf32, #tpu.memory_space<vmem_shared>>
          tpu.enqueue_dma source(%dma_start3A_171 : memref<16x64xf32, #tpu.memory_space<vmem_shared>>) target(%dma_start3A_168 : memref<16x64xf32, #tpu.memory_space<hbm>>) target_semaphore(%run_scoped3A : memref<!tpu.dma_semaphore, #tpu.memory_space<semaphore_mem>>)
          %dma_wait3A_172 = arith.constant 9984 : i32
          %dma_wait3A_173 = arith.constant 0 : i32
          %dma_wait3A_174 = tpu.memref_slice %arg11[%dma_wait3A_172, %dma_wait3A_173] : memref<10000x64xf32, #tpu.memory_space<hbm>> -> memref<16x64xf32, #tpu.memory_space<hbm>>
          %dma_wait3A_175 = arith.constant 9984 : i32
          %dma_wait3A_176 = arith.constant 0 : i32
          %dma_wait3A_177 = tpu.memref_slice %arg17[%dma_wait3A_175, %dma_wait3A_176] : memref<10016x64xf32, #tpu.memory_space<vmem_shared>> -> memref<16x64xf32, #tpu.memory_space<vmem_shared>>
          tpu.wait_dma2 semaphore(%run_scoped3A : memref<!tpu.dma_semaphore, #tpu.memory_space<semaphore_mem>>) src(%dma_wait3A_177 : memref<16x64xf32, #tpu.memory_space<vmem_shared>>) dst(%dma_wait3A_174 : memref<16x64xf32, #tpu.memory_space<hbm>>)
          tpu.yield
        }) : () -> ()
      } else {
      }
    } else {
    }
    return
  }
}

module attributes {stable_mosaic.version = 14 : i64} {
  func.func @_emb_body(%arg0: i32, %arg1: memref<1000x256xf32, #tpu.memory_space<vmem>>, %arg2: memref<256x256xf32, #tpu.memory_space<vmem>>, %arg3: memref<1x256xf32, #tpu.memory_space<vmem>>, %arg4: memref<1000x64xf32, #tpu.memory_space<vmem>>, %arg5: memref<1000x64xf32, #tpu.memory_space<vmem>>, %arg6: memref<1000x64xf32, #tpu.memory_space<vmem>>, %arg7: memref<1000x64xf32, #tpu.memory_space<vmem>>) attributes {dimension_semantics = [#tpu.dimension_semantics<arbitrary>], iteration_bounds = array<i64: 10>, scalar_prefetch = 0 : i64, scratch_operands = 0 : i64, tpu.core_type = #tpu.core_type<tc>, window_params = [{transform_indices = @transform_0, window_bounds = array<i64: 1000, 256>}, {pipeline_mode = #tpu.pipeline_mode<synchronous>, transform_indices = @transform_1, window_bounds = array<i64: 256, 256>}, {pipeline_mode = #tpu.pipeline_mode<synchronous>, transform_indices = @transform_2, window_bounds = array<i64: 1, 256>}, {transform_indices = @transform_3, window_bounds = array<i64: 1000, 64>}, {transform_indices = @transform_4, window_bounds = array<i64: 1000, 64>}, {transform_indices = @transform_5, window_bounds = array<i64: 1000, 64>}, {transform_indices = @transform_6, window_bounds = array<i64: 1000, 64>}]} {
    %get3A = arith.constant 0 : index
    %get3A_0 = arith.constant 0 : index
    %get3A_1 = vector.load %arg1[%get3A, %get3A_0] : memref<1000x256xf32, #tpu.memory_space<vmem>>, vector<1000x256xf32>
    %get3A_2 = arith.constant 0 : index
    %get3A_3 = arith.constant 0 : index
    %get3A_4 = vector.load %arg2[%get3A_2, %get3A_3] : memref<256x256xf32, #tpu.memory_space<vmem>>, vector<256x256xf32>
    %dot_general3A = arith.constant dense<0.000000e+00> : vector<1000x256xf32>
    %dot_general3A_5 = tpu.matmul %get3A_1, %get3A_4, %dot_general3A {dimension_numbers = #tpu.dot_dimension_numbers<[1], [0], [0], [1], [0, 0, 1, 1], [], []>, transpose_lhs_hint = false} : vector<1000x256xf32>, vector<256x256xf32>, vector<1000x256xf32> -> vector<1000x256xf32>
    %get3A_6 = arith.constant 0 : index
    %get3A_7 = arith.constant 0 : index
    %get3A_8 = vector.load %arg3[%get3A_6, %get3A_7] : memref<1x256xf32, #tpu.memory_space<vmem>>, vector<1x256xf32>
    %add3A = vector.broadcast %get3A_8 : vector<1x256xf32> to vector<1000x256xf32>
    %add3A_9 = arith.addf %dot_general3A_5, %add3A : vector<1000x256xf32>
    %slice3A = vector.extract_strided_slice %add3A_9 {offsets = [0, 0], sizes = [1000, 64], strides = [1, 1]} : vector<1000x256xf32> to vector<1000x64xf32>
    %swap3A = arith.constant 0 : index
    %swap3A_10 = arith.constant 0 : index
    %swap3A_11 = vector.load %arg4[%swap3A, %swap3A_10] : memref<1000x64xf32, #tpu.memory_space<vmem>>, vector<1000x64xf32>
    tpu.vector_store %arg4[%swap3A, %swap3A_10], %slice3A {strides = array<i32>} : memref<1000x64xf32, #tpu.memory_space<vmem>>, vector<1000x64xf32>,
    %slice3A_12 = vector.extract_strided_slice %add3A_9 {offsets = [0, 64], sizes = [1000, 64], strides = [1, 1]} : vector<1000x256xf32> to vector<1000x64xf32>
    %swap3A_13 = arith.constant 0 : index
    %swap3A_14 = arith.constant 0 : index
    %swap3A_15 = vector.load %arg5[%swap3A_13, %swap3A_14] : memref<1000x64xf32, #tpu.memory_space<vmem>>, vector<1000x64xf32>
    tpu.vector_store %arg5[%swap3A_13, %swap3A_14], %slice3A_12 {strides = array<i32>} : memref<1000x64xf32, #tpu.memory_space<vmem>>, vector<1000x64xf32>,
    %slice3A_16 = vector.extract_strided_slice %add3A_9 {offsets = [0, 128], sizes = [1000, 64], strides = [1, 1]} : vector<1000x256xf32> to vector<1000x64xf32>
    %swap3A_17 = arith.constant 0 : index
    %swap3A_18 = arith.constant 0 : index
    %swap3A_19 = vector.load %arg6[%swap3A_17, %swap3A_18] : memref<1000x64xf32, #tpu.memory_space<vmem>>, vector<1000x64xf32>
    tpu.vector_store %arg6[%swap3A_17, %swap3A_18], %slice3A_16 {strides = array<i32>} : memref<1000x64xf32, #tpu.memory_space<vmem>>, vector<1000x64xf32>,
    %slice3A_20 = vector.extract_strided_slice %add3A_9 {offsets = [0, 192], sizes = [1000, 64], strides = [1, 1]} : vector<1000x256xf32> to vector<1000x64xf32>
    %swap3A_21 = arith.constant 0 : index
    %swap3A_22 = arith.constant 0 : index
    %swap3A_23 = vector.load %arg7[%swap3A_21, %swap3A_22] : memref<1000x64xf32, #tpu.memory_space<vmem>>, vector<1000x64xf32>
    tpu.vector_store %arg7[%swap3A_21, %swap3A_22], %slice3A_20 {strides = array<i32>} : memref<1000x64xf32, #tpu.memory_space<vmem>>, vector<1000x64xf32>,
    return
  }
  func.func @transform_0(%arg0: i32) -> (i32, i32) {
    %c0_i32 = arith.constant 0 : i32
    %c0_i32_0 = arith.constant 0 : i32
    return %arg0, %c0_i32 : i32, i32
  }
  func.func @transform_1(%arg0: i32) -> (i32, i32) {
    %c0_i32 = arith.constant 0 : i32
    %c0_i32_0 = arith.constant 0 : i32
    %c0_i32_1 = arith.constant 0 : i32
    return %c0_i32, %c0_i32_0 : i32, i32
  }
  func.func @transform_2(%arg0: i32) -> (i32, i32) {
    %c0_i32 = arith.constant 0 : i32
    %c0_i32_0 = arith.constant 0 : i32
    %c0_i32_1 = arith.constant 0 : i32
    return %c0_i32, %c0_i32_0 : i32, i32
  }
  func.func @transform_3(%arg0: i32) -> (i32, i32) {
    %c0_i32 = arith.constant 0 : i32
    %c0_i32_0 = arith.constant 0 : i32
    return %arg0, %c0_i32 : i32, i32
  }
  func.func @transform_4(%arg0: i32) -> (i32, i32) {
    %c0_i32 = arith.constant 0 : i32
    %c0_i32_0 = arith.constant 0 : i32
    return %arg0, %c0_i32 : i32, i32
  }
  func.func @transform_5(%arg0: i32) -> (i32, i32) {
    %c0_i32 = arith.constant 0 : i32
    %c0_i32_0 = arith.constant 0 : i32
    return %arg0, %c0_i32 : i32, i32
  }
  func.func @transform_6(%arg0: i32) -> (i32, i32) {
    %c0_i32 = arith.constant 0 : i32
    %c0_i32_0 = arith.constant 0 : i32
    return %arg0, %c0_i32 : i32, i32
  }
}

module attributes {stable_mosaic.version = 14 : i64} {
  func.func @_mlp_body(%arg0: i32, %arg1: memref<1000x64xf32, #tpu.memory_space<vmem>>, %arg2: memref<1000x64xf32, #tpu.memory_space<vmem>>, %arg3: memref<1000x64xf32, #tpu.memory_space<vmem>>, %arg4: memref<1000x64xf32, #tpu.memory_space<vmem>>, %arg5: memref<256x256xf32, #tpu.memory_space<vmem>>, %arg6: memref<1x256xf32, #tpu.memory_space<vmem>>, %arg7: memref<256x256xf32, #tpu.memory_space<vmem>>, %arg8: memref<1x256xf32, #tpu.memory_space<vmem>>, %arg9: memref<1000x64xf32, #tpu.memory_space<vmem>>, %arg10: memref<1000x64xf32, #tpu.memory_space<vmem>>, %arg11: memref<1000x64xf32, #tpu.memory_space<vmem>>, %arg12: memref<1000x64xf32, #tpu.memory_space<vmem>>) attributes {dimension_semantics = [#tpu.dimension_semantics<arbitrary>], iteration_bounds = array<i64: 10>, scalar_prefetch = 0 : i64, scratch_operands = 0 : i64, tpu.core_type = #tpu.core_type<tc>, window_params = [{transform_indices = @transform_0, window_bounds = array<i64: 1000, 64>}, {transform_indices = @transform_1, window_bounds = array<i64: 1000, 64>}, {transform_indices = @transform_2, window_bounds = array<i64: 1000, 64>}, {transform_indices = @transform_3, window_bounds = array<i64: 1000, 64>}, {pipeline_mode = #tpu.pipeline_mode<synchronous>, transform_indices = @transform_4, window_bounds = array<i64: 256, 256>}, {pipeline_mode = #tpu.pipeline_mode<synchronous>, transform_indices = @transform_5, window_bounds = array<i64: 1, 256>}, {pipeline_mode = #tpu.pipeline_mode<synchronous>, transform_indices = @transform_6, window_bounds = array<i64: 256, 256>}, {pipeline_mode = #tpu.pipeline_mode<synchronous>, transform_indices = @transform_7, window_bounds = array<i64: 1, 256>}, {transform_indices = @transform_8, window_bounds = array<i64: 1000, 64>}, {transform_indices = @transform_9, window_bounds = array<i64: 1000, 64>}, {transform_indices = @transform_10, window_bounds = array<i64: 1000, 64>}, {transform_indices = @transform_11, window_bounds = array<i64: 1000, 64>}]} {
    %get3A = arith.constant 0 : index
    %get3A_0 = arith.constant 0 : index
    %get3A_1 = vector.load %arg1[%get3A, %get3A_0] : memref<1000x64xf32, #tpu.memory_space<vmem>>, vector<1000x64xf32>
    %get3A_2 = arith.constant 0 : index
    %get3A_3 = arith.constant 0 : index
    %get3A_4 = vector.load %arg2[%get3A_2, %get3A_3] : memref<1000x64xf32, #tpu.memory_space<vmem>>, vector<1000x64xf32>
    %get3A_5 = arith.constant 0 : index
    %get3A_6 = arith.constant 0 : index
    %get3A_7 = vector.load %arg3[%get3A_5, %get3A_6] : memref<1000x64xf32, #tpu.memory_space<vmem>>, vector<1000x64xf32>
    %get3A_8 = arith.constant 0 : index
    %get3A_9 = arith.constant 0 : index
    %get3A_10 = vector.load %arg4[%get3A_8, %get3A_9] : memref<1000x64xf32, #tpu.memory_space<vmem>>, vector<1000x64xf32>
    %concatenate3A = tpu.concatenate %get3A_1, %get3A_4, %get3A_7, %get3A_10 in 1 : vector<1000x64xf32>, vector<1000x64xf32>, vector<1000x64xf32>, vector<1000x64xf32> -> vector<1000x256xf32>
    %get3A_11 = arith.constant 0 : index
    %get3A_12 = arith.constant 0 : index
    %get3A_13 = vector.load %arg5[%get3A_11, %get3A_12] : memref<256x256xf32, #tpu.memory_space<vmem>>, vector<256x256xf32>
    %dot_general3A = arith.constant dense<0.000000e+00> : vector<1000x256xf32>
    %dot_general3A_14 = tpu.matmul %concatenate3A, %get3A_13, %dot_general3A {dimension_numbers = #tpu.dot_dimension_numbers<[1], [0], [0], [1], [0, 0, 1, 1], [], []>, transpose_lhs_hint = false} : vector<1000x256xf32>, vector<256x256xf32>, vector<1000x256xf32> -> vector<1000x256xf32>
    %get3A_15 = arith.constant 0 : index
    %get3A_16 = arith.constant 0 : index
    %get3A_17 = vector.load %arg6[%get3A_15, %get3A_16] : memref<1x256xf32, #tpu.memory_space<vmem>>, vector<1x256xf32>
    %add3A = vector.broadcast %get3A_17 : vector<1x256xf32> to vector<1000x256xf32>
    %add3A_18 = arith.addf %dot_general3A_14, %add3A : vector<1000x256xf32>
    %max3A = arith.constant 0.000000e+00 : f32
    %max3A_19 = vector.broadcast %max3A : f32 to vector<1000x256xf32>
    %max3A_20 = arith.maximumf %add3A_18, %max3A_19 : vector<1000x256xf32>
    %get3A_21 = arith.constant 0 : index
    %get3A_22 = arith.constant 0 : index
    %get3A_23 = vector.load %arg7[%get3A_21, %get3A_22] : memref<256x256xf32, #tpu.memory_space<vmem>>, vector<256x256xf32>
    %dot_general3A_24 = arith.constant dense<0.000000e+00> : vector<1000x256xf32>
    %dot_general3A_25 = tpu.matmul %max3A_20, %get3A_23, %dot_general3A_24 {dimension_numbers = #tpu.dot_dimension_numbers<[1], [0], [0], [1], [0, 0, 1, 1], [], []>, transpose_lhs_hint = false} : vector<1000x256xf32>, vector<256x256xf32>, vector<1000x256xf32> -> vector<1000x256xf32>
    %get3A_26 = arith.constant 0 : index
    %get3A_27 = arith.constant 0 : index
    %get3A_28 = vector.load %arg8[%get3A_26, %get3A_27] : memref<1x256xf32, #tpu.memory_space<vmem>>, vector<1x256xf32>
    %add3A_29 = vector.broadcast %get3A_28 : vector<1x256xf32> to vector<1000x256xf32>
    %add3A_30 = arith.addf %dot_general3A_25, %add3A_29 : vector<1000x256xf32>
    %max3A_31 = arith.constant 0.000000e+00 : f32
    %max3A_32 = vector.broadcast %max3A_31 : f32 to vector<1000x256xf32>
    %max3A_33 = arith.maximumf %add3A_30, %max3A_32 : vector<1000x256xf32>
    %slice3A = vector.extract_strided_slice %max3A_33 {offsets = [0, 0], sizes = [1000, 64], strides = [1, 1]} : vector<1000x256xf32> to vector<1000x64xf32>
    %swap3A = arith.constant 0 : index
    %swap3A_34 = arith.constant 0 : index
    %swap3A_35 = vector.load %arg9[%swap3A, %swap3A_34] : memref<1000x64xf32, #tpu.memory_space<vmem>>, vector<1000x64xf32>
    tpu.vector_store %arg9[%swap3A, %swap3A_34], %slice3A {strides = array<i32>} : memref<1000x64xf32, #tpu.memory_space<vmem>>, vector<1000x64xf32>,
    %slice3A_36 = vector.extract_strided_slice %max3A_33 {offsets = [0, 64], sizes = [1000, 64], strides = [1, 1]} : vector<1000x256xf32> to vector<1000x64xf32>
    %swap3A_37 = arith.constant 0 : index
    %swap3A_38 = arith.constant 0 : index
    %swap3A_39 = vector.load %arg10[%swap3A_37, %swap3A_38] : memref<1000x64xf32, #tpu.memory_space<vmem>>, vector<1000x64xf32>
    tpu.vector_store %arg10[%swap3A_37, %swap3A_38], %slice3A_36 {strides = array<i32>} : memref<1000x64xf32, #tpu.memory_space<vmem>>, vector<1000x64xf32>,
    %slice3A_40 = vector.extract_strided_slice %max3A_33 {offsets = [0, 128], sizes = [1000, 64], strides = [1, 1]} : vector<1000x256xf32> to vector<1000x64xf32>
    %swap3A_41 = arith.constant 0 : index
    %swap3A_42 = arith.constant 0 : index
    %swap3A_43 = vector.load %arg11[%swap3A_41, %swap3A_42] : memref<1000x64xf32, #tpu.memory_space<vmem>>, vector<1000x64xf32>
    tpu.vector_store %arg11[%swap3A_41, %swap3A_42], %slice3A_40 {strides = array<i32>} : memref<1000x64xf32, #tpu.memory_space<vmem>>, vector<1000x64xf32>,
    %slice3A_44 = vector.extract_strided_slice %max3A_33 {offsets = [0, 192], sizes = [1000, 64], strides = [1, 1]} : vector<1000x256xf32> to vector<1000x64xf32>
    %swap3A_45 = arith.constant 0 : index
    %swap3A_46 = arith.constant 0 : index
    %swap3A_47 = vector.load %arg12[%swap3A_45, %swap3A_46] : memref<1000x64xf32, #tpu.memory_space<vmem>>, vector<1000x64xf32>
    tpu.vector_store %arg12[%swap3A_45, %swap3A_46], %slice3A_44 {strides = array<i32>} : memref<1000x64xf32, #tpu.memory_space<vmem>>, vector<1000x64xf32>,
    return
  }
  func.func @transform_0(%arg0: i32) -> (i32, i32) {
    %c0_i32 = arith.constant 0 : i32
    %c0_i32_0 = arith.constant 0 : i32
    return %arg0, %c0_i32 : i32, i32
  }
  func.func @transform_1(%arg0: i32) -> (i32, i32) {
    %c0_i32 = arith.constant 0 : i32
    %c0_i32_0 = arith.constant 0 : i32
    return %arg0, %c0_i32 : i32, i32
  }
  func.func @transform_2(%arg0: i32) -> (i32, i32) {
    %c0_i32 = arith.constant 0 : i32
    %c0_i32_0 = arith.constant 0 : i32
    return %arg0, %c0_i32 : i32, i32
  }
  func.func @transform_3(%arg0: i32) -> (i32, i32) {
    %c0_i32 = arith.constant 0 : i32
    %c0_i32_0 = arith.constant 0 : i32
    return %arg0, %c0_i32 : i32, i32
  }
  func.func @transform_4(%arg0: i32) -> (i32, i32) {
    %c0_i32 = arith.constant 0 : i32
    %c0_i32_0 = arith.constant 0 : i32
    %c0_i32_1 = arith.constant 0 : i32
    return %c0_i32, %c0_i32_0 : i32, i32
  }
  func.func @transform_5(%arg0: i32) -> (i32, i32) {
    %c0_i32 = arith.constant 0 : i32
    %c0_i32_0 = arith.constant 0 : i32
    %c0_i32_1 = arith.constant 0 : i32
    return %c0_i32, %c0_i32_0 : i32, i32
  }
  func.func @transform_6(%arg0: i32) -> (i32, i32) {
    %c0_i32 = arith.constant 0 : i32
    %c0_i32_0 = arith.constant 0 : i32
    %c0_i32_1 = arith.constant 0 : i32
    return %c0_i32, %c0_i32_0 : i32, i32
  }
  func.func @transform_7(%arg0: i32) -> (i32, i32) {
    %c0_i32 = arith.constant 0 : i32
    %c0_i32_0 = arith.constant 0 : i32
    %c0_i32_1 = arith.constant 0 : i32
    return %c0_i32, %c0_i32_0 : i32, i32
  }
  func.func @transform_8(%arg0: i32) -> (i32, i32) {
    %c0_i32 = arith.constant 0 : i32
    %c0_i32_0 = arith.constant 0 : i32
    return %arg0, %c0_i32 : i32, i32
  }
  func.func @transform_9(%arg0: i32) -> (i32, i32) {
    %c0_i32 = arith.constant 0 : i32
    %c0_i32_0 = arith.constant 0 : i32
    return %arg0, %c0_i32 : i32, i32
  }
  func.func @transform_10(%arg0: i32) -> (i32, i32) {
    %c0_i32 = arith.constant 0 : i32
    %c0_i32_0 = arith.constant 0 : i32
    return %arg0, %c0_i32 : i32, i32
  }
  func.func @transform_11(%arg0: i32) -> (i32, i32) {
    %c0_i32 = arith.constant 0 : i32
    %c0_i32_0 = arith.constant 0 : i32
    return %arg0, %c0_i32 : i32, i32
  }
}

module attributes {stable_mosaic.version = 14 : i64} {
  func.func @_mlp_read_body(%arg0: i32, %arg1: memref<1000x64xf32, #tpu.memory_space<vmem>>, %arg2: memref<1000x64xf32, #tpu.memory_space<vmem>>, %arg3: memref<1000x64xf32, #tpu.memory_space<vmem>>, %arg4: memref<1000x64xf32, #tpu.memory_space<vmem>>, %arg5: memref<256x256xf32, #tpu.memory_space<vmem>>, %arg6: memref<1x256xf32, #tpu.memory_space<vmem>>, %arg7: memref<256x256xf32, #tpu.memory_space<vmem>>, %arg8: memref<1x256xf32, #tpu.memory_space<vmem>>, %arg9: memref<256x256xf32, #tpu.memory_space<vmem>>, %arg10: memref<1x256xf32, #tpu.memory_space<vmem>>, %arg11: memref<1000x256xf32, #tpu.memory_space<vmem>>) attributes {dimension_semantics = [#tpu.dimension_semantics<arbitrary>], iteration_bounds = array<i64: 10>, scalar_prefetch = 0 : i64, scratch_operands = 0 : i64, tpu.core_type = #tpu.core_type<tc>, window_params = [{transform_indices = @transform_0, window_bounds = array<i64: 1000, 64>}, {transform_indices = @transform_1, window_bounds = array<i64: 1000, 64>}, {transform_indices = @transform_2, window_bounds = array<i64: 1000, 64>}, {transform_indices = @transform_3, window_bounds = array<i64: 1000, 64>}, {pipeline_mode = #tpu.pipeline_mode<synchronous>, transform_indices = @transform_4, window_bounds = array<i64: 256, 256>}, {pipeline_mode = #tpu.pipeline_mode<synchronous>, transform_indices = @transform_5, window_bounds = array<i64: 1, 256>}, {pipeline_mode = #tpu.pipeline_mode<synchronous>, transform_indices = @transform_6, window_bounds = array<i64: 256, 256>}, {pipeline_mode = #tpu.pipeline_mode<synchronous>, transform_indices = @transform_7, window_bounds = array<i64: 1, 256>}, {pipeline_mode = #tpu.pipeline_mode<synchronous>, transform_indices = @transform_8, window_bounds = array<i64: 256, 256>}, {pipeline_mode = #tpu.pipeline_mode<synchronous>, transform_indices = @transform_9, window_bounds = array<i64: 1, 256>}, {transform_indices = @transform_10, window_bounds = array<i64: 1000, 256>}]} {
    %get3A = arith.constant 0 : index
    %get3A_0 = arith.constant 0 : index
    %get3A_1 = vector.load %arg1[%get3A, %get3A_0] : memref<1000x64xf32, #tpu.memory_space<vmem>>, vector<1000x64xf32>
    %get3A_2 = arith.constant 0 : index
    %get3A_3 = arith.constant 0 : index
    %get3A_4 = vector.load %arg2[%get3A_2, %get3A_3] : memref<1000x64xf32, #tpu.memory_space<vmem>>, vector<1000x64xf32>
    %get3A_5 = arith.constant 0 : index
    %get3A_6 = arith.constant 0 : index
    %get3A_7 = vector.load %arg3[%get3A_5, %get3A_6] : memref<1000x64xf32, #tpu.memory_space<vmem>>, vector<1000x64xf32>
    %get3A_8 = arith.constant 0 : index
    %get3A_9 = arith.constant 0 : index
    %get3A_10 = vector.load %arg4[%get3A_8, %get3A_9] : memref<1000x64xf32, #tpu.memory_space<vmem>>, vector<1000x64xf32>
    %concatenate3A = tpu.concatenate %get3A_1, %get3A_4, %get3A_7, %get3A_10 in 1 : vector<1000x64xf32>, vector<1000x64xf32>, vector<1000x64xf32>, vector<1000x64xf32> -> vector<1000x256xf32>
    %get3A_11 = arith.constant 0 : index
    %get3A_12 = arith.constant 0 : index
    %get3A_13 = vector.load %arg5[%get3A_11, %get3A_12] : memref<256x256xf32, #tpu.memory_space<vmem>>, vector<256x256xf32>
    %dot_general3A = arith.constant dense<0.000000e+00> : vector<1000x256xf32>
    %dot_general3A_14 = tpu.matmul %concatenate3A, %get3A_13, %dot_general3A {dimension_numbers = #tpu.dot_dimension_numbers<[1], [0], [0], [1], [0, 0, 1, 1], [], []>, transpose_lhs_hint = false} : vector<1000x256xf32>, vector<256x256xf32>, vector<1000x256xf32> -> vector<1000x256xf32>
    %get3A_15 = arith.constant 0 : index
    %get3A_16 = arith.constant 0 : index
    %get3A_17 = vector.load %arg6[%get3A_15, %get3A_16] : memref<1x256xf32, #tpu.memory_space<vmem>>, vector<1x256xf32>
    %add3A = vector.broadcast %get3A_17 : vector<1x256xf32> to vector<1000x256xf32>
    %add3A_18 = arith.addf %dot_general3A_14, %add3A : vector<1000x256xf32>
    %max3A = arith.constant 0.000000e+00 : f32
    %max3A_19 = vector.broadcast %max3A : f32 to vector<1000x256xf32>
    %max3A_20 = arith.maximumf %add3A_18, %max3A_19 : vector<1000x256xf32>
    %get3A_21 = arith.constant 0 : index
    %get3A_22 = arith.constant 0 : index
    %get3A_23 = vector.load %arg7[%get3A_21, %get3A_22] : memref<256x256xf32, #tpu.memory_space<vmem>>, vector<256x256xf32>
    %dot_general3A_24 = arith.constant dense<0.000000e+00> : vector<1000x256xf32>
    %dot_general3A_25 = tpu.matmul %max3A_20, %get3A_23, %dot_general3A_24 {dimension_numbers = #tpu.dot_dimension_numbers<[1], [0], [0], [1], [0, 0, 1, 1], [], []>, transpose_lhs_hint = false} : vector<1000x256xf32>, vector<256x256xf32>, vector<1000x256xf32> -> vector<1000x256xf32>
    %get3A_26 = arith.constant 0 : index
    %get3A_27 = arith.constant 0 : index
    %get3A_28 = vector.load %arg8[%get3A_26, %get3A_27] : memref<1x256xf32, #tpu.memory_space<vmem>>, vector<1x256xf32>
    %add3A_29 = vector.broadcast %get3A_28 : vector<1x256xf32> to vector<1000x256xf32>
    %add3A_30 = arith.addf %dot_general3A_25, %add3A_29 : vector<1000x256xf32>
    %max3A_31 = arith.constant 0.000000e+00 : f32
    %max3A_32 = vector.broadcast %max3A_31 : f32 to vector<1000x256xf32>
    %max3A_33 = arith.maximumf %add3A_30, %max3A_32 : vector<1000x256xf32>
    %get3A_34 = arith.constant 0 : index
    %get3A_35 = arith.constant 0 : index
    %get3A_36 = vector.load %arg9[%get3A_34, %get3A_35] : memref<256x256xf32, #tpu.memory_space<vmem>>, vector<256x256xf32>
    %dot_general3A_37 = arith.constant dense<0.000000e+00> : vector<1000x256xf32>
    %dot_general3A_38 = tpu.matmul %max3A_33, %get3A_36, %dot_general3A_37 {dimension_numbers = #tpu.dot_dimension_numbers<[1], [0], [0], [1], [0, 0, 1, 1], [], []>, transpose_lhs_hint = false} : vector<1000x256xf32>, vector<256x256xf32>, vector<1000x256xf32> -> vector<1000x256xf32>
    %get3A_39 = arith.constant 0 : index
    %get3A_40 = arith.constant 0 : index
    %get3A_41 = vector.load %arg10[%get3A_39, %get3A_40] : memref<1x256xf32, #tpu.memory_space<vmem>>, vector<1x256xf32>
    %add3A_42 = vector.broadcast %get3A_41 : vector<1x256xf32> to vector<1000x256xf32>
    %add3A_43 = arith.addf %dot_general3A_38, %add3A_42 : vector<1000x256xf32>
    %swap3A = arith.constant 0 : index
    %swap3A_44 = arith.constant 0 : index
    %swap3A_45 = vector.load %arg11[%swap3A, %swap3A_44] : memref<1000x256xf32, #tpu.memory_space<vmem>>, vector<1000x256xf32>
    tpu.vector_store %arg11[%swap3A, %swap3A_44], %add3A_43 {strides = array<i32>} : memref<1000x256xf32, #tpu.memory_space<vmem>>, vector<1000x256xf32>,
    return
  }
  func.func @transform_0(%arg0: i32) -> (i32, i32) {
    %c0_i32 = arith.constant 0 : i32
    %c0_i32_0 = arith.constant 0 : i32
    return %arg0, %c0_i32 : i32, i32
  }
  func.func @transform_1(%arg0: i32) -> (i32, i32) {
    %c0_i32 = arith.constant 0 : i32
    %c0_i32_0 = arith.constant 0 : i32
    return %arg0, %c0_i32 : i32, i32
  }
  func.func @transform_2(%arg0: i32) -> (i32, i32) {
    %c0_i32 = arith.constant 0 : i32
    %c0_i32_0 = arith.constant 0 : i32
    return %arg0, %c0_i32 : i32, i32
  }
  func.func @transform_3(%arg0: i32) -> (i32, i32) {
    %c0_i32 = arith.constant 0 : i32
    %c0_i32_0 = arith.constant 0 : i32
    return %arg0, %c0_i32 : i32, i32
  }
  func.func @transform_4(%arg0: i32) -> (i32, i32) {
    %c0_i32 = arith.constant 0 : i32
    %c0_i32_0 = arith.constant 0 : i32
    %c0_i32_1 = arith.constant 0 : i32
    return %c0_i32, %c0_i32_0 : i32, i32
  }
  func.func @transform_5(%arg0: i32) -> (i32, i32) {
    %c0_i32 = arith.constant 0 : i32
    %c0_i32_0 = arith.constant 0 : i32
    %c0_i32_1 = arith.constant 0 : i32
    return %c0_i32, %c0_i32_0 : i32, i32
  }
  func.func @transform_6(%arg0: i32) -> (i32, i32) {
    %c0_i32 = arith.constant 0 : i32
    %c0_i32_0 = arith.constant 0 : i32
    %c0_i32_1 = arith.constant 0 : i32
    return %c0_i32, %c0_i32_0 : i32, i32
  }
  func.func @transform_7(%arg0: i32) -> (i32, i32) {
    %c0_i32 = arith.constant 0 : i32
    %c0_i32_0 = arith.constant 0 : i32
    %c0_i32_1 = arith.constant 0 : i32
    return %c0_i32, %c0_i32_0 : i32, i32
  }
  func.func @transform_8(%arg0: i32) -> (i32, i32) {
    %c0_i32 = arith.constant 0 : i32
    %c0_i32_0 = arith.constant 0 : i32
    %c0_i32_1 = arith.constant 0 : i32
    return %c0_i32, %c0_i32_0 : i32, i32
  }
  func.func @transform_9(%arg0: i32) -> (i32, i32) {
    %c0_i32 = arith.constant 0 : i32
    %c0_i32_0 = arith.constant 0 : i32
    %c0_i32_1 = arith.constant 0 : i32
    return %c0_i32, %c0_i32_0 : i32, i32
  }
  func.func @transform_10(%arg0: i32) -> (i32, i32) {
    %c0_i32 = arith.constant 0 : i32
    %c0_i32_0 = arith.constant 0 : i32
    return %arg0, %c0_i32 : i32, i32
  }
}

</mosaic_0001>

<sc_bundles>
// kernel: kernel.12.cloned.1.call-start
scs
__scs_entry_jumppad:
0x0: {  	(pc) =	sbr.rel $0x88, $3  }
0x1: {  	(tag) =	ssettag $0x0;
	lr =	simm.s32 $0x1  }
0x2: {  	[smem:$0x3F97] =	sst lr;
	_ =	strace $0xD0000000  }
0x3: {  	_ = 	snop  }
0x4: {  	_ = 	snop  }
0x5: {  	_ = 	snop  }
0x6: {  	_ = 	snop  }
0x7: {  	_ = 	snop  }
__scs_overlays_trampoline_lowered:
0x8: {  	[smem:$0x3FA6] =	sst s0  }
0x9: {  	[smem:$0x3FA7] =	sst s1  }
0xa: {  	[smem:$0x3FA8] =	sst s2  }
0xb: {  	[smem:$0x3FA9] =	sst s3  }
0xc: {  	[smem:$0x3FAA] =	sst s4  }
0xd: {  	[smem:$0x3FAB] =	sst s5  }
0xe: {  	[smem:$0x3FAC] =	sst s6  }
0xf: {  	[smem:$0x3FAD] =	sst s7  }
0x10: {  	[smem:$0x3FAE] =	sst s8  }
0x11: {  	[smem:$0x3FAF] =	sst s9;
	s0 =	simm.s32 @!p0 $0x0  }
0x12: {  	s1 =	sld [smem:$0x3F95];
	s0 =	simm.s32 @p0 $0x1  }
0x13: {  	[smem:$0x3FB0] =	sst s0;
	s0 =	simm.s32 @!p1 $0x0  }
0x14: {  	s2 =	sld [smem:$0x3F94];
	s0 =	simm.s32 @p1 $0x1  }
0x15: {  	[smem:$0x3FB1] =	sst s0;
	s0 =	simm.s32 @!p2 $0x0  }
0x16: {  	s3 =	sld [smem:$0x3FDB];
	s0 =	simm.s32 @p2 $0x1  }
0x17: {  	s4 =	simm.s32 $0x1BF5;
	[smem:$0x3FB3] =	sst s0  }
0x18: {  	s0 =	sld [smem:$0x3F96];
	_ =	swait.ge [sflag:s4], $0x0  }
0x19: {  	s7 =	sld [smem:$0x3F97]  }
0x1a: {  	s8 =	sadd.s32 $0xFFFFE003, lr  }
0x1b: {  	s9 =	sadd.s32 $0xFFFFFEF7, lr;
	s5 =	simm.s32 $0xFFFFFFFF;
	p2 =	slt.u32 s8, $0xFFFFF086  }
0x1c: {  	p1 =	slt.u32 s9, $0xF7A;
	s5 =	simm.s32 @!p2 $0x0  }
0x1d: {  	s5 =	simm.s32 @p1 $0x1;
	p0 =	seq.s32 s7, s2  }
0x1e: {  	s7 =	smul.u32 @!p0 $0xF7A, s2;
	p2 =	seq.s32 @!p0 s5, $0x0  }
0x1f: {  	s9 =	smul.u32 $0xF7A, s1;
	s8 =	simm.s32 @!p0 $0x1BF5;
	p2 =	por !p2, p0  }
0x20: {  	[sflag:s8] =	ssyncset.s32 @!p0 $0xFFFFF086;
	s6 =	sadd.s32 @!p0 s3, s7;
	s7 =	simm.s32 @!p0 $0x108  }
0x21: {  	s3 =	sadd.s32 s3, s9;
	s6 =	sadd.s32 @!p0 $0x88, s6;
	s7 =	simm.s32 @p2 $0x1082  }
0x22: {  	[simem:s7], [sflag:s8] =	dma.local @!p0 [hbm:s6], $0xF7A  }
0x23: {  	s9 =	sor.u32 $0xD0000000, s2;
	s6 =	simm.s32 $0x108;
	_ =	swait.ge @!p0 [sflag:s8], $0x0  }
0x24: {  	s3 =	sadd.s32 $0x88, s3;
	s6 =	simm.s32 @!p1 $0x1082;
	[sflag:s4] =	ssyncset.s32 $0xFFFFF086  }
0x25: {  	[simem:s6], [sflag:s4] =	dma.local [hbm:s3], $0xF7A  }
0x26: {  	[smem:$0x3F97] =	sst s1;
	(tag) =	ssettag s2;
	_ =	strace s9  }
0x27: {  	s1 =	sld [smem:$0x3FA7]  }
0x28: {  	s2 =	sld [smem:$0x3FA8]  }
0x29: {  	s4 =	sld [smem:$0x3FAA]  }
0x2a: {  	p0 =	seq.s32 s5, $0x0;
	s5 =	sld [smem:$0x3FAB]  }
0x2b: {  	s6 =	sld [smem:$0x3FAC]  }
0x2c: {  	s7 =	sld [smem:$0x3FAD]  }
0x2d: {  	s3 =	simm.s32 $0x108;
	s8 =	sld [smem:$0x3FAE]  }
0x2e: {  	s3 =	simm.s32 @!p0 $0x1082;
	s9 =	sld [smem:$0x3FAF]  }
0x2f: {  	lr =	sadd.s32 s0, s3;
	s0 =	sld [smem:$0x3FA6]  }
0x30: {  	s3 =	sld [smem:$0x3FA9]  }
0x31: {  	[smem:$0x3FB2] =	sst s10  }
0x32: {  	s10 =	sld [smem:$0x3FB0];
	_ =	sdelay $0x3  }
0x33: {  	p0 =	seq.s32 s10, $0x1;
	s10 =	sld [smem:$0x3FB2];
	_ =	sdelay $0x3  }
0x34: {  	[smem:$0x3FB2] =	sst s10  }
0x35: {  	s10 =	sld [smem:$0x3FB1];
	_ =	sdelay $0x3  }
0x36: {  	p1 =	seq.s32 s10, $0x1;
	s10 =	sld [smem:$0x3FB2];
	_ =	sdelay $0x3  }
0x37: {  	[smem:$0x3FB2] =	sst s10  }
0x38: {  	s10 =	sld [smem:$0x3FB3]  }
0x39: {  	_ = 	snop;
	(pc) =	sbr.ind lr, $3  }
0x3a: {  	_ = 	snop  }
0x3b: {  	_ = 	snop  }
0x3c: {  	p2 =	seq.s32 s10, $0x1;
	s10 =	sld [smem:$0x3FB2]  }
0x3d: {  	_ =	shalt  }
0x3e: {  	_ =	shalt  }
0x3f: {  	_ =	shalt  }
0x40: {  	_ =	shalt  }
0x41: {  	_ =	shalt  }
0x42: {  	_ =	shalt  }
0x43: {  	_ =	shalt  }
0x44: {  	_ =	shalt  }
0x45: {  	_ =	shalt  }
0x46: {  	_ =	shalt  }
0x47: {  	_ =	shalt  }
0x48: {  	_ =	shalt  }
0x49: {  	_ =	shalt  }
0x4a: {  	_ =	shalt  }
0x4b: {  	_ =	shalt  }
0x4c: {  	_ =	shalt  }
0x4d: {  	_ =	shalt  }
0x4e: {  	_ =	shalt  }
0x4f: {  	_ =	shalt  }
0x50: {  	_ =	shalt  }
0x51: {  	_ =	shalt  }
0x52: {  	_ =	shalt  }
0x53: {  	_ =	shalt  }
0x54: {  	_ =	shalt  }
0x55: {  	_ =	shalt  }
0x56: {  	_ =	shalt  }
0x57: {  	_ =	shalt  }
0x58: {  	_ =	shalt  }
0x59: {  	_ =	shalt  }
0x5a: {  	_ =	shalt  }
0x5b: {  	_ =	shalt  }
0x5c: {  	_ =	shalt  }
0x5d: {  	_ =	shalt  }
0x5e: {  	_ =	shalt  }
0x5f: {  	_ =	shalt  }
0x60: {  	_ =	shalt  }
0x61: {  	_ =	shalt  }
0x62: {  	_ =	shalt  }
0x63: {  	_ =	shalt  }
0x64: {  	_ =	shalt  }
0x65: {  	_ =	shalt  }
0x66: {  	_ =	shalt  }
0x67: {  	_ =	shalt  }
0x68: {  	_ =	shalt  }
0x69: {  	_ =	shalt  }
0x6a: {  	_ =	shalt  }
0x6b: {  	_ =	shalt  }
0x6c: {  	_ =	shalt  }
0x6d: {  	_ =	shalt  }
0x6e: {  	_ =	shalt  }
0x6f: {  	_ =	shalt  }
0x70: {  	_ =	shalt  }
0x71: {  	_ =	shalt  }
0x72: {  	_ =	shalt  }
0x73: {  	_ =	shalt  }
0x74: {  	_ =	shalt  }
0x75: {  	_ =	shalt  }
0x76: {  	_ =	shalt  }
0x77: {  	_ =	shalt  }
0x78: {  	_ =	shalt  }
0x79: {  	_ =	shalt  }
0x7a: {  	_ =	shalt  }
0x7b: {  	_ =	shalt  }
0x7c: {  	_ =	shalt  }
0x7d: {  	_ =	shalt  }
0x7e: {  	_ =	shalt  }
0x7f: {  	_ =	shalt  }
0x80: {  	_ =	shalt  }
0x81: {  	_ =	shalt  }
0x82: {  	_ =	shalt  }
0x83: {  	_ =	shalt  }
0x84: {  	_ =	shalt  }
0x85: {  	_ =	shalt  }
0x86: {  	_ =	shalt  }
0x87: {  	_ =	shalt  }
.Lfunc_end0:
.L_simem_size_0:
called_computation.1_lowered:
.L_overlay_start_0:
0x88: {  	s2 =	sld [smem:$0x3FD9]  }
0x89: {  	s3 =	sld [smem:$0x3FFE];
	_ =	sdelay $0x1  }
0x8a: {  	s1 =	srdreg.scid  }
0x8b: {  	s0 =	sand.u32 $0x1, s1  }
0x8c: {  	s17 =	sshll.u32 s0, $0xA;
	s2 =	sadd.s32 s3, s2  }
0x8d: {  	s2 =	sadd.s32 s2, s17  }
0x8e: {  	[smem:$0x3FBE] =	sst s2  }
0x8f: {  	_ = 	snop  }
0x90: {  	s2 =	sld [smem:$0x3FD0];
	(tm) =	ssettm $0x1  }
0x91: {  	s18 =	sld [smem:$0x3FFB];
	_ =	sdelay $0x3  }
0x92: {  	_ =	strace s18  }
0x93: {  	s3 =	sld [smem:$0x3FFC];
	_ =	sdelay $0x3  }
0x94: {  	_ =	strace s3  }
0x95: {  	s3 =	sld [smem:$0x3FFD];
	_ =	sdelay $0x3  }
0x96: {  	_ =	strace s3  }
0x97: {  	_ =	strace $0x8FFFFFFF  }
0x98: {  	s19 =	sld [smem:$0x3FDB];
	_ =	sdelay $0x1  }
0x99: {  	s4 =	simm.s32 $_scs_section_size  }
0x9a: {  	s5 =	simm.s32 $_size__tile_overlayer_lowered;
	s6 =	simm.s32 $_tile_overlayer_lowered  }
0x9b: {  	s22 =	simm.s32 $0x1BFF;
	s21 =	sshll.u32 s6, $0x1;
	s3 =	sadd.s32 s4, s19  }
0x9c: {  	s7 =	simm.s32 $0x0;
	s20 =	sshll.u32 s5, $0x1;
	s5 =	sadd.s32 s21, s3  }
0x9d: {  	[timem:s7], [sflag:s22] =	dma.local [hbm:s5], s20  }
0x9e: {  	_ =	swait.ge [sflag:s22], s20  }
0x9f: {  	s4 =	ssub.s32 $0x0, s20;
	[sflag:s22] =	ssyncset.done $0x0  }
0xa0: {  	[sflag:s22] =	ssyncadd.s32 s4;
	_ =	sdelay $0x1  }
0xa1: {  	s23 =	simm.s32 $0x1B8B  }
0xa2: {  	_ =	swait.ge [sflag:s23], $0x1  }
0xa3: {  	[sflag:s23] =	ssyncset.done $0x0  }
0xa4: {  	s25 =	simm.s32 $0x1B8E;
	s24 =	sld [smem:$0x3FFE];
	[sflag:s23] =	ssyncadd.s32 $0xFFFFFFFF  }
0xa5: {  	s26 =	simm.s32 $execute0_lowered;
	[smem:$0x3FD2] =	sst s25  }
0xa6: {  	s5 =	sshll.u32 s26, $0x1;
	_ =	strace $0x80000049;
	[dreg:$0x1] =	wrdreg $0xFFFFFFFF  }
0xa7: {  	s28 =	simm.s32 $_size_execute0_lowered;
	s3 =	sadd.s32 s3, s5;
	[dreg:$0x0] =	wrdreg $0x0  }
0xa8: {  	s5 =	sshll.u32 s28, $0x1;
	[dreg:$0x2] =	wrdreg s3  }
0xa9: {  	[dreg:$0x3] =	wrdreg s5  }
0xaa: {  	[dreg:$0x4] =	wrdreg $0xC0  }
0xab: {  	_ =	task [dreg:s7], $0x5FFFF  }
0xac: {  	[dreg:$0x1] =	wrdreg $0xFFFFFFFF  }
0xad: {  	[dreg:$0x0] =	wrdreg $0x60  }
0xae: {  	[dreg:$0x2] =	wrdreg s2  }
0xaf: {  	[dreg:$0x3] =	wrdreg s24  }
0xb0: {  	[dreg:$0x4] =	wrdreg $0x90000  }
0xb1: {  	[dreg:$0x5] =	wrdreg $0x12C400  }
0xb2: {  	[dreg:$0x6] =	wrdreg $0x9  }
0xb3: {  	_ =	task.clear_ibuf [dreg:s7], $0x7FFFF;
	_ =	strace $0x90000049  }
0xb4: {  	s29 =	simm.s32 $0x9;
	_ =	strace $0x8000004B  }
0xb5: {  	_ =	swait.ge [sflag:s29], $0x1  }
0xb6: {  	[sflag:s29] =	ssyncadd.s32 $0xFFFFFFFF  }
0xb7: {  	_ =	strace $0x9000004B  }
0xb8: {  	_ =	sfence  }
0xb9: {  	s30 =	sld [smem:$0x0];
	_ =	sdelay $0x2  }
0xba: {  	s31 =	sshll.u32 s1, $0xD;
	s1 =	sshrl.u32 s1, $0x2  }
0xbb: {  	s3 =	sand.u32 $0x4000, s31;
	s1 =	sadd.s32 s1, s30  }
0xbc: {  	s0 =	sor.u32 s3, s0;
	s1 =	sshll.u32 s1, $0x11  }
0xbd: {  	s0 =	sor.u32 s1, s0  }
0xbe: {  	s0 =	sadd.s32 $0x8F2B, s0  }
0xbf: {  	[sflag:s0] =	ssyncadd.remote.s32 $0x1  }
0xc0: {  	_ =	sfence.sel $0xFFFF  }
0xc1: {  	[dreg:$0x0] =	wrdreg $0xFFFFFFFF;
	(pc) =	sbr.abs _section_cstart, $3  }
0xc2: {  	[dreg:$0x1] =	wrdreg $0xFFFFFFFF  }
0xc3: {  	_ =	task.clear_ibuf [dreg:s7], $0x2FFFF;
	_ =	strace $0x9FFFFFFF  }
0xc4: {  	(tm) =	ssettm $0x7FFFFFFF  }
0xc5: {  	_ =	shalt  }
tec
execute0_lowered:
.L_overlay_start_1:
0x0: {  	(tag) =	ssettag $0x1  }
0x1: {  	s10 =	rddreg [dreg:$0x0]  }
0x2: {  	s0 =	rddreg [dreg:$0x1]  }
0x3: {  	s2 =	rddreg [dreg:$0x2]  }
0x4: {  	s4 =	rddreg [dreg:$0x3];
	s1 =	simm.s32 $0x0;
	s12 =	stileid.u32  }
0x5: {  	s5 =	srdreg.scid;
	s28 =	simm.s32 $0x5000;
	[smem:$0x7FF] =	sst s1  }
0x6: {  	s14 =	sadd.s32 $0x3C00, s0;
	s29 =	smul.u32 $0x500, s12;
	s15 =	sadd.s32 $0x17600, s0  }
0x7: {  	s21 =	sadd.s32 $0x83600, s0;
	_ =	strace $0x8000004A;
	[dreg:$0x5] =	wrdreg s14  }
0x8: {  	s3 =	smul.u32 $0x9C00, s12;
	s18 =	sadd.s32 $0x48A00, s0;
	[dreg:$0x12] =	wrdreg s21  }
0x9: {  	s16 =	sadd.s32 $0x2B000, s0;
	s5 =	sand.u32 $0x1, s5;
	[dreg:$0x8] =	wrdreg s18  }
0xa: {  	s19 =	sadd.s32 $0x83800, s0;
	p1 =	sne.s32 s12, $0xF;
	[dreg:$0x6] =	wrdreg s15  }
0xb: {  	p2 =	seq.s32 s12, $0xF;
	s7 =	ssub.s32 $0x2, s5;
	[dreg:$0x7] =	wrdreg s16  }
0xc: {  	p0 =	seq.s32 s5, $0x1;
	s5 =	sadd.s32 $0x6FC00, s0;
	[dreg:$0x9] =	wrdreg s19  }
0xd: {  	s21 =	simm.s32 $0x3;
	s1 =	sadd.s32 s29, s0;
	s6 =	sshrl.u32 s3, $0x3  }
0xe: {  	s9 =	sshrl.u32 s7, $0x1;
	[dreg:$0xe] =	wrdreg s5;
	s29 =	sadd.s32 $0x9C000, s2  }
0xf: {  	s11 =	sadd.s32 s3, s2;
	s30 =	sadd.s32 s10, s6;
	[dreg:$0x18] =	wrdreg s29  }
0x10: {  	s13 =	sadd.s32 s3, s4;
	s31 =	sadd.s32 $0x43A00, s1;
	[dreg:$0xa] =	wrdreg s30  }
0x11: {  	s8 =	sadd.s32 s6, s0;
	s1 =	sadd.s32 $0x3EA00, s1;
	[dreg:$0xb] =	wrdreg s31  }
0x12: {  	s7 =	ssub.s32 s7, s9;
	s9 =	sadd.s32 $0x17400, s0;
	[dreg:$0xc] =	wrdreg s1  }
0x13: {  	s17 =	sadd.s32 s14, s6;
	s14 =	sadd.s32 $0x2AE00, s0;
	[dreg:$0xf] =	wrdreg s9  }
0x14: {  	s0 =	sadd.s32 $0x3E800, s0;
	s22 =	sadd.s32 s18, s6;
	[dreg:$0x10] =	wrdreg s14  }
0x15: {  	s23 =	sadd.s32 s15, s6;
	s26 =	sadd.s32 s16, s6;
	[dreg:$0x13] =	wrdreg s0  }
0x16: {  	s24 =	sadd.s32 s19, s6;
	s18 =	simm.s32 $0x1;
	[dreg:$0x14] =	wrdreg s22  }
0x17: {  	s16 =	simm.s32 $0x2;
	s6 =	simm.s32 $0x7000;
	[dreg:$0x15] =	wrdreg s23  }
0x18: {  	s3 =	sadd.s32 $0x5C400, s8;
	s20 =	sadd.s32 $0x6FE00, s8;
	[dreg:$0x16] =	wrdreg s24  }
.Ltmp0:
0x19: {  	s25 =	smax.u32 s7, $0x1;
	[dreg:$0xd] =	wrdreg s3;
	(pc) =	sbr.rel .LBB2_1-.Ltmp0, $4  }
0x1a: {  	s30 =	sadd.s32 $0x13800, s10;
	s0 =	sadd.s32 $0x9C000, s4;
	[dreg:$0x11] =	wrdreg s20  }
0x1b: {  	s31 =	sadd.s32 $0x9C400, s4;
	s22 =	simm.s32 $0x4;
	[dreg:$0x17] =	wrdreg s25  }
0x1c: {  	s24 =	simm.s32 $0x80;
	s7 =	simm.s32 $0x4F00;
	[dreg:$0x19] =	wrdreg s30  }
0x1d: {  	s8 =	simm.s32 $0x4F80;
	s10 =	simm.s32 $0x0;
	[dreg:$0x1a] =	wrdreg s31  }
.LBB2_12:
0x1e: {  	s1 =	sadd.s32 $0x13800, s3  }
0x1f: {  	s30 =	sshrl.u32 s0, $0x3;
	s5 =	simm.s32 $0x1FC5;
	s31 =	simm.s32 $0x5  }
0x20: {  	[hbm:s1], [sflag:s5] =	dma.local [spmem:s30], $0x80  }
0x21: {  	_ =	swait.ge [sflag:s31], $0x80  }
0x22: {  	[sflag:s31] =	ssyncset.done $0x0  }
0x23: {  	[sflag:s31] =	ssyncadd.s32 $0xFFFFFF80  }
.LBB2_13:
0x24: {  	s10 =	sadd.s32 $0x1, s10;
	s1 =	rddreg [dreg:$0x17]  }
0x25: {  	p3 =	sne.s32 s10, s1  }
.Ltmp1:
0x26: {  	_ = 	snop;
	(pc) =	sbr.rel @!p3 .LBB2_14-.Ltmp1, $1  }
0x27: {  	_ =	sdelay $0x3  }
.LBB2_1:
0x28: {  	s1 =	stileid.u32  }
.Ltmp2:
0x29: {  	s30 =	sshrl.u32 s11, $0x3;
	s5 =	sshrl.u32 @!p1 s0, $0x3;
	(pc) =	sbr.rel @!p0 .LBB2_2-.Ltmp2, $4  }
0x2a: {  	s29 =	sshrl.u32 @p1 s11, $0x3;
	s23 =	sshrl.u32 @p1 s13, $0x3;
	s19 =	sshrl.u32 @!p1 s11, $0x3  }
0x2b: {  	s14 =	sshrl.u32 @!p1 s13, $0x3;
	s25 =	sshll.u32 s1, $0x6;
	s1 =	rddreg [dreg:$0x18]  }
0x2c: {  	s3 =	sshrl.u32 s13, $0x3;
	s12 =	sshrl.u32 @!p1 s1, $0x3;
	s1 =	rddreg [dreg:$0x1a]  }
0x2d: {  	s20 =	sor.u32 $0x1C01, s25;
	s15 =	sor.u32 $0x1C02, s25;
	s9 =	sshrl.u32 @!p1 s1, $0x3  }
0x2e: {  	s1 =	rddreg [dreg:$0x15]  }
0x2f: {  	[spmem:s30], [sflag:s20] =	dma.local [hbm:s1], $0x1380  }
0x30: {  	[spmem:s3], [sflag:s15] =	dma.local [hbm:s1], $0x1380  }
0x31: {  	s1 =	simm.s32 $0x0;
	s30 =	rddreg [dreg:$0xb]  }
0x32: {  	[tilespmem:s1], [sflag:$0x3] =	stream.linear.gather [hbm4b:s30+s1], $0x2800, $0x38;
	[tilespmem:$0x1C8C0] =	vst v63  }
0x33: {  	s31 =	simm.s32 $0x2800;
	s30 =	rddreg [dreg:$0xc]  }
0x34: {  	[tilespmem:s31], [sflag:$0x4] =	stream.linear.gather [hbm4b:s30+s1], $0x2800, $0x38;
	[tilespmem:$0x1C8C0] =	vst v63  }
0x35: {  	s1 =	simm.s32 @!p1 $0x1FC5;
	s31 =	rddreg [dreg:$0x10];
	s30 =	simm.s32 @!p1 $0x5  }
0x36: {  	[spmem:s12], [sflag:s1] =	dma.local @!p1 [hbm:s31], $0x80  }
0x37: {  	_ =	swait.ge @!p1 [sflag:s30], $0x80  }
0x38: {  	[sflag:s30] =	ssyncset.done @!p1 $0x0  }
0x39: {  	[sflag:s30] =	ssyncadd.s32 @!p1 $0xFFFFFF80  }
0x3a: {  	[spmem:s5], [sflag:s1] =	dma.local @!p1 [hbm:s31], $0x80  }
0x3b: {  	_ =	swait.ge @!p1 [sflag:s30], $0x80  }
0x3c: {  	[sflag:s30] =	ssyncset.done @!p1 $0x0  }
0x3d: {  	s31 =	rddreg [dreg:$0x6];
	[sflag:s30] =	ssyncadd.s32 @!p1 $0xFFFFFF80  }
0x3e: {  	[spmem:s9], [sflag:s1] =	dma.local @!p1 [hbm:s31], $0x80  }
0x3f: {  	_ =	swait.ge @!p1 [sflag:s30], $0x80  }
0x40: {  	[sflag:s30] =	ssyncset.done @!p1 $0x0  }
0x41: {  	[sflag:s30] =	ssyncadd.s32 @!p1 $0xFFFFFF80  }
0x42: {  	_ =	swait.ge [sflag:s18], $0x1380  }
0x43: {  	[sflag:s18] =	ssyncset.done $0x0  }
0x44: {  	[sflag:s18] =	ssyncadd.s32 $0xFFFFEC80  }
0x45: {  	_ =	swait.ge [sflag:s16], $0x1380  }
0x46: {  	[sflag:s16] =	ssyncset.done $0x0  }
0x47: {  	[sflag:s16] =	ssyncadd.s32 $0xFFFFEC80  }
0x48: {  	_ =	swait.ge [sflag:s21], $0x2800  }
0x49: {  	[sflag:s21] =	ssyncset.done $0x0  }
0x4a: {  	[sflag:s21] =	ssyncadd.s32 $0xFFFFD800  }
0x4b: {  	_ =	swait.ge [sflag:s22], $0x2800  }
0x4c: {  	[sflag:s22] =	ssyncset.done $0x0  }
0x4d: {  	[sflag:s22] =	ssyncadd.s32 $0xFFFFD800  }
0x4e: {  	s1 =	simm.s32 $0x0;
	[bflag:$0x0] =	sbarrier.arrive $0xFFFF  }
0x4f: {  	[tilespmem:s28], [sflag:$0x1] =	stream.indirect.gather [spmem:s2], $0x40, s1, s24, $0xb8;
	[tilespmem:$0x1C8C0] =	vst v63  }
0x50: {  	_ = 	snop  }
0x51: {  	[tilespmem:s6], [sflag:$0x2] =	stream.indirect.gather [spmem:s2], $0x40, s24, s24, $0xb8;
	[tilespmem:$0x1C8C0] =	vst v63  }
0x52: {  	_ =	swait.ge [sflag:s18], $0x2000  }
0x53: {  	[sflag:s18] =	ssyncset.done $0x0  }
0x54: {  	s1 =	simm.s32 $0x2800;
	[sflag:s18] =	ssyncadd.s32 $0xFFFFE000  }
0x55: {  	[spmem:s4] =	stream.indirect.scatter.add.f32 [tilespmem:s28], [sflag:$0x3], $0x40, s1, s24, $0xb8;
	[tilespmem:$0x1C8C0] =	vst v63  }
0x56: {  	_ =	swait.ge [sflag:s21], $0x2000  }
0x57: {  	[sflag:s21] =	ssyncset.done $0x0  }
0x58: {  	s1 =	simm.s32 $0x100;
	[sflag:s21] =	ssyncadd.s32 $0xFFFFE000  }
0x59: {  	[tilespmem:s28], [sflag:$0x1] =	stream.indirect.gather [spmem:s2], $0x40, s1, s24, $0xb8;
	[tilespmem:$0x1C8C0] =	vst v63  }
0x5a: {  	_ =	swait.ge [sflag:s16], $0x2000  }
0x5b: {  	[sflag:s16] =	ssyncset.done $0x0  }
0x5c: {  	s1 =	simm.s32 $0x2880;
	[sflag:s16] =	ssyncadd.s32 $0xFFFFE000  }
0x5d: {  	[spmem:s4] =	stream.indirect.scatter.add.f32 [tilespmem:s6], [sflag:$0x4], $0x40, s1, s24, $0xb8;
	[tilespmem:$0x1C8C0] =	vst v63  }
0x5e: {  	_ =	swait.ge [sflag:s22], $0x2000  }
0x5f: {  	[sflag:s22] =	ssyncset.done $0x0  }
0x60: {  	s31 =	simm.s32 $0x180;
	s30 =	simm.s32 $0x400;
	[sflag:s22] =	ssyncadd.s32 $0xFFFFE000  }
.LBB2_8:
0x61: {  	[tilespmem:s6], [sflag:$0x2] =	stream.indirect.gather [spmem:s2], $0x40, s31, s24, $0xb8;
	[tilespmem:$0x1C8C0] =	vst v63  }
0x62: {  	s1 =	smov.u32 s30  }
0x63: {  	p3 =	sne.s32 s30, $0x9800;
	s30 =	sadd.s32 $0x400, s30;
	_ =	swait.ge [sflag:s18], $0x2000  }
0x64: {  	s1 =	sshra.s32 s1, $0x2;
	[sflag:s18] =	ssyncset.done $0x0  }
0x65: {  	s31 =	sadd.s32 $0x2800, s1;
	[sflag:s18] =	ssyncadd.s32 $0xFFFFE000  }
0x66: {  	[spmem:s4] =	stream.indirect.scatter.add.f32 [tilespmem:s28], [sflag:$0x3], $0x40, s31, s24, $0xb8;
	[tilespmem:$0x1C8C0] =	vst v63  }
0x67: {  	_ =	swait.ge [sflag:s21], $0x2000  }
0x68: {  	[sflag:s21] =	ssyncset.done $0x0  }
0x69: {  	s31 =	sadd.s32 $0x100, s1;
	[sflag:s21] =	ssyncadd.s32 $0xFFFFE000  }
0x6a: {  	[tilespmem:s28], [sflag:$0x1] =	stream.indirect.gather [spmem:s2], $0x40, s31, s24, $0xb8;
	[tilespmem:$0x1C8C0] =	vst v63  }
0x6b: {  	_ =	swait.ge [sflag:s16], $0x2000  }
0x6c: {  	[sflag:s16] =	ssyncset.done $0x0  }
.Ltmp3:
0x6d: {  	s31 =	sadd.s32 $0x2880, s1;
	[sflag:s16] =	ssyncadd.s32 $0xFFFFE000;
	(pc) =	sbr.rel @p3 .LBB2_8-.Ltmp3, $4  }
0x6e: {  	[spmem:s4] =	stream.indirect.scatter.add.f32 [tilespmem:s6], [sflag:$0x4], $0x40, s31, s24, $0xb8;
	[tilespmem:$0x1C8C0] =	vst v63  }
0x6f: {  	_ =	swait.ge [sflag:s22], $0x2000  }
0x70: {  	[sflag:s22] =	ssyncset.done $0x0  }
0x71: {  	s31 =	sadd.s32 $0x180, s1;
	[sflag:s22] =	ssyncadd.s32 $0xFFFFE000  }
0x72: {  	[tilespmem:s6], [sflag:$0x2] =	stream.indirect.gather [spmem:s2], $0x40, s31, s24, $0xb8;
	[tilespmem:$0x1C8C0] =	vst v63  }
0x73: {  	_ =	swait.ge [sflag:s18], $0x2000  }
0x74: {  	[sflag:s18] =	ssyncset.done $0x0  }
0x75: {  	[sflag:s18] =	ssyncadd.s32 $0xFFFFE000  }
0x76: {  	[spmem:s4] =	stream.indirect.scatter.add.f32 [tilespmem:s28], [sflag:$0x3], $0x40, s7, s24, $0xb8;
	[tilespmem:$0x1C8C0] =	vst v63  }
0x77: {  	_ =	swait.ge [sflag:s21], $0x2000  }
0x78: {  	[sflag:s21] =	ssyncset.done $0x0  }
0x79: {  	[sflag:s21] =	ssyncadd.s32 $0xFFFFE000  }
0x7a: {  	_ =	swait.ge [sflag:s16], $0x2000  }
0x7b: {  	[sflag:s16] =	ssyncset.done $0x0  }
0x7c: {  	[sflag:s16] =	ssyncadd.s32 $0xFFFFE000  }
0x7d: {  	[spmem:s4] =	stream.indirect.scatter.add.f32 [tilespmem:s6], [sflag:$0x4], $0x40, s8, s24, $0xb8;
	[tilespmem:$0x1C8C0] =	vst v63  }
0x7e: {  	_ =	swait.ge [sflag:s22], $0x2000  }
0x7f: {  	[sflag:s22] =	ssyncset.done $0x0  }
0x80: {  	[sflag:s22] =	ssyncadd.s32 $0xFFFFE000  }
0x81: {  	[bflag:$0x0] =	sbarrier.arrive $0xFFFF  }
0x82: {  	s25 =	sor.u32 $0x1C04, s25;
	s1 =	rddreg [dreg:$0x11]  }
0x83: {  	[hbm:s1], [sflag:s25] =	dma.local [spmem:s3], $0x1380  }
0x84: {  	s1 =	simm.s32 @p1 $0x4  }
0x85: {  	[spmem:s29], [sflag:s20] =	dma.local @p1 [hbm:s26], $0x1380  }
0x86: {  	_ =	swait.ge @p1 [sflag:s1], $0x1380  }
0x87: {  	[sflag:s1] =	ssyncset.done @p1 $0x0  }
0x88: {  	[sflag:s1] =	ssyncadd.s32 @p1 $0xFFFFEC80  }
0x89: {  	[spmem:s23], [sflag:s15] =	dma.local @p1 [hbm:s26], $0x1380  }
0x8a: {  	s1 =	simm.s32 @!p1 $0x1FC5;
	s23 =	rddreg [dreg:$0x12]  }
0x8b: {  	[hbm:s23], [sflag:s1] =	dma.local @!p1 [spmem:s5], $0x80  }
0x8c: {  	s23 =	simm.s32 @!p1 $0x5  }
0x8d: {  	_ =	swait.ge @!p1 [sflag:s23], $0x80  }
0x8e: {  	[sflag:s23] =	ssyncset.done @!p1 $0x0  }
0x8f: {  	[sflag:s23] =	ssyncadd.s32 @!p1 $0xFFFFFF80  }
0x90: {  	[spmem:s19], [sflag:s20] =	dma.local @!p1 [hbm:s26], $0x1380  }
0x91: {  	s19 =	simm.s32 @!p1 $0x4  }
0x92: {  	_ =	swait.ge @!p1 [sflag:s19], $0x1380  }
0x93: {  	[sflag:s19] =	ssyncset.done @!p1 $0x0  }
0x94: {  	[sflag:s19] =	ssyncadd.s32 @!p1 $0xFFFFEC80  }
0x95: {  	[spmem:s14], [sflag:s15] =	dma.local @!p1 [hbm:s26], $0x1380  }
0x96: {  	s14 =	rddreg [dreg:$0x13]  }
0x97: {  	[spmem:s12], [sflag:s1] =	dma.local @!p1 [hbm:s14], $0x80  }
0x98: {  	_ =	swait.ge @!p1 [sflag:s23], $0x80  }
0x99: {  	[sflag:s23] =	ssyncset.done @!p1 $0x0  }
0x9a: {  	[sflag:s23] =	ssyncadd.s32 @!p1 $0xFFFFFF80  }
0x9b: {  	[spmem:s5], [sflag:s1] =	dma.local @!p1 [hbm:s14], $0x80  }
0x9c: {  	_ =	swait.ge @!p1 [sflag:s23], $0x80  }
0x9d: {  	[sflag:s23] =	ssyncset.done @!p1 $0x0  }
0x9e: {  	s5 =	rddreg [dreg:$0x7];
	[sflag:s23] =	ssyncadd.s32 @!p1 $0xFFFFFF80  }
0x9f: {  	[spmem:s9], [sflag:s1] =	dma.local @!p1 [hbm:s5], $0x80  }
0xa0: {  	_ =	swait.ge @!p1 [sflag:s23], $0x80  }
0xa1: {  	[sflag:s23] =	ssyncset.done @!p1 $0x0  }
0xa2: {  	[sflag:s23] =	ssyncadd.s32 @!p1 $0xFFFFFF80  }
0xa3: {  	_ =	swait.ge [sflag:s18], $0x1380  }
0xa4: {  	[sflag:s18] =	ssyncset.done $0x0  }
0xa5: {  	[sflag:s18] =	ssyncadd.s32 $0xFFFFEC80  }
0xa6: {  	_ =	swait.ge [sflag:s16], $0x1380  }
0xa7: {  	[sflag:s16] =	ssyncset.done $0x0  }
0xa8: {  	[sflag:s16] =	ssyncadd.s32 $0xFFFFEC80  }
0xa9: {  	s23 =	simm.s32 $0x0;
	[bflag:$0x0] =	sbarrier.arrive $0xFFFF  }
0xaa: {  	[tilespmem:s28], [sflag:$0x1] =	stream.indirect.gather [spmem:s2], $0x40, s23, s24, $0xb8;
	[tilespmem:$0x1C8C0] =	vst v63  }
0xab: {  	_ = 	snop  }
0xac: {  	[tilespmem:s6], [sflag:$0x2] =	stream.indirect.gather [spmem:s2], $0x40, s24, s24, $0xb8;
	[tilespmem:$0x1C8C0] =	vst v63  }
0xad: {  	_ =	swait.ge [sflag:s18], $0x2000  }
0xae: {  	[sflag:s18] =	ssyncset.done $0x0  }
0xaf: {  	s29 =	simm.s32 $0x2800;
	[sflag:s18] =	ssyncadd.s32 $0xFFFFE000  }
0xb0: {  	[spmem:s4] =	stream.indirect.scatter.add.f32 [tilespmem:s28], [sflag:$0x3], $0x40, s29, s24, $0xb8;
	[tilespmem:$0x1C8C0] =	vst v63  }
0xb1: {  	_ =	swait.ge [sflag:s21], $0x2000  }
0xb2: {  	[sflag:s21] =	ssyncset.done $0x0  }
0xb3: {  	s30 =	simm.s32 $0x100;
	[sflag:s21] =	ssyncadd.s32 $0xFFFFE000  }
0xb4: {  	[tilespmem:s28], [sflag:$0x1] =	stream.indirect.gather [spmem:s2], $0x40, s30, s24, $0xb8;
	[tilespmem:$0x1C8C0] =	vst v63  }
0xb5: {  	_ =	swait.ge [sflag:s16], $0x2000  }
0xb6: {  	[sflag:s16] =	ssyncset.done $0x0  }
0xb7: {  	s31 =	simm.s32 $0x2880;
	[sflag:s16] =	ssyncadd.s32 $0xFFFFE000  }
0xb8: {  	[spmem:s4] =	stream.indirect.scatter.add.f32 [tilespmem:s6], [sflag:$0x4], $0x40, s31, s24, $0xb8;
	[tilespmem:$0x1C8C0] =	vst v63  }
0xb9: {  	_ =	swait.ge [sflag:s22], $0x2000  }
0xba: {  	[sflag:s22] =	ssyncset.done $0x0  }
0xbb: {  	s5 =	simm.s32 $0x400;
	s9 =	simm.s32 $0x180;
	[sflag:s22] =	ssyncadd.s32 $0xFFFFE000  }
.LBB2_10:
0xbc: {  	[tilespmem:s6], [sflag:$0x2] =	stream.indirect.gather [spmem:s2], $0x40, s9, s24, $0xb8;
	[tilespmem:$0x1C8C0] =	vst v63  }
0xbd: {  	s1 =	smov.u32 s5  }
0xbe: {  	p3 =	sne.s32 s5, $0x9800;
	s5 =	sadd.s32 $0x400, s5;
	_ =	swait.ge [sflag:s18], $0x2000  }
0xbf: {  	s1 =	sshra.s32 s1, $0x2;
	[sflag:s18] =	ssyncset.done $0x0  }
0xc0: {  	s9 =	sadd.s32 $0x2800, s1;
	[sflag:s18] =	ssyncadd.s32 $0xFFFFE000  }
0xc1: {  	[spmem:s4] =	stream.indirect.scatter.add.f32 [tilespmem:s28], [sflag:$0x3], $0x40, s9, s24, $0xb8;
	[tilespmem:$0x1C8C0] =	vst v63  }
0xc2: {  	_ =	swait.ge [sflag:s21], $0x2000  }
0xc3: {  	[sflag:s21] =	ssyncset.done $0x0  }
0xc4: {  	s9 =	sadd.s32 $0x100, s1;
	[sflag:s21] =	ssyncadd.s32 $0xFFFFE000  }
0xc5: {  	[tilespmem:s28], [sflag:$0x1] =	stream.indirect.gather [spmem:s2], $0x40, s9, s24, $0xb8;
	[tilespmem:$0x1C8C0] =	vst v63  }
0xc6: {  	_ =	swait.ge [sflag:s16], $0x2000  }
0xc7: {  	[sflag:s16] =	ssyncset.done $0x0  }
.Ltmp4:
0xc8: {  	s9 =	sadd.s32 $0x2880, s1;
	[sflag:s16] =	ssyncadd.s32 $0xFFFFE000;
	(pc) =	sbr.rel @p3 .LBB2_10-.Ltmp4, $4  }
0xc9: {  	[spmem:s4] =	stream.indirect.scatter.add.f32 [tilespmem:s6], [sflag:$0x4], $0x40, s9, s24, $0xb8;
	[tilespmem:$0x1C8C0] =	vst v63  }
0xca: {  	_ =	swait.ge [sflag:s22], $0x2000  }
0xcb: {  	[sflag:s22] =	ssyncset.done $0x0  }
0xcc: {  	s9 =	sadd.s32 $0x180, s1;
	[sflag:s22] =	ssyncadd.s32 $0xFFFFE000  }
0xcd: {  	[tilespmem:s6], [sflag:$0x2] =	stream.indirect.gather [spmem:s2], $0x40, s9, s24, $0xb8;
	[tilespmem:$0x1C8C0] =	vst v63  }
0xce: {  	_ =	swait.ge [sflag:s18], $0x2000  }
0xcf: {  	[sflag:s18] =	ssyncset.done $0x0  }
0xd0: {  	[sflag:s18] =	ssyncadd.s32 $0xFFFFE000  }
0xd1: {  	[spmem:s4] =	stream.indirect.scatter.add.f32 [tilespmem:s28], [sflag:$0x3], $0x40, s7, s24, $0xb8;
	[tilespmem:$0x1C8C0] =	vst v63  }
0xd2: {  	_ =	swait.ge [sflag:s21], $0x2000  }
0xd3: {  	[sflag:s21] =	ssyncset.done $0x0  }
0xd4: {  	[sflag:s21] =	ssyncadd.s32 $0xFFFFE000  }
0xd5: {  	_ =	swait.ge [sflag:s16], $0x2000  }
0xd6: {  	[sflag:s16] =	ssyncset.done $0x0  }
0xd7: {  	[sflag:s16] =	ssyncadd.s32 $0xFFFFE000  }
0xd8: {  	[spmem:s4] =	stream.indirect.scatter.add.f32 [tilespmem:s6], [sflag:$0x4], $0x40, s8, s24, $0xb8;
	[tilespmem:$0x1C8C0] =	vst v63  }
0xd9: {  	_ =	swait.ge [sflag:s22], $0x2000  }
0xda: {  	[sflag:s22] =	ssyncset.done $0x0  }
0xdb: {  	[sflag:s22] =	ssyncadd.s32 $0xFFFFE000  }
0xdc: {  	[bflag:$0x0] =	sbarrier.arrive $0xFFFF  }
0xdd: {  	s1 =	rddreg [dreg:$0x16]  }
0xde: {  	[hbm:s1], [sflag:s25] =	dma.local [spmem:s3], $0x1380  }
.Ltmp5:
0xdf: {  	_ = 	snop;
	(pc) =	sbr.rel @p1 .LBB2_13-.Ltmp5, $4  }
.Ltmp6:
0xe0: {  	_ = 	snop;
	(pc) =	sbr.rel @!p1 .LBB2_12-.Ltmp6, $4  }
0xe1: {  	_ =	swait.ge [sflag:s22], $0x1380  }
0xe2: {  	[sflag:s22] =	ssyncset.done $0x0  }
0xe3: {  	s3 =	rddreg [dreg:$0x9];
	[sflag:s22] =	ssyncadd.s32 $0xFFFFEC80  }
0xe4: {  	_ = 	snop  }
.LBB2_2:
0xe5: {  	s1 =	rddreg [dreg:$0xa]  }
0xe6: {  	[spmem:s30], [sflag:s20] =	dma.local [hbm:s1], $0x1380  }
0xe7: {  	[spmem:s3], [sflag:s15] =	dma.local [hbm:s1], $0x1380  }
0xe8: {  	s1 =	simm.s32 $0x0;
	s30 =	rddreg [dreg:$0xb]  }
0xe9: {  	[tilespmem:s1], [sflag:$0x3] =	stream.linear.gather [hbm4b:s30+s1], $0x2800, $0x38;
	[tilespmem:$0x1C8C0] =	vst v63  }
0xea: {  	s31 =	simm.s32 $0x2800;
	s30 =	rddreg [dreg:$0xc]  }
0xeb: {  	[tilespmem:s31], [sflag:$0x4] =	stream.linear.gather [hbm4b:s30+s1], $0x2800, $0x38;
	[tilespmem:$0x1C8C0] =	vst v63  }
0xec: {  	s30 =	simm.s32 @!p1 $0x1FC5;
	s1 =	rddreg [dreg:$0x19];
	s31 =	simm.s32 @!p1 $0x5  }
0xed: {  	[spmem:s12], [sflag:s30] =	dma.local @!p1 [hbm:s1], $0x80  }
0xee: {  	_ =	swait.ge @!p1 [sflag:s31], $0x80  }
0xef: {  	[sflag:s31] =	ssyncset.done @!p1 $0x0  }
0xf0: {  	[sflag:s31] =	ssyncadd.s32 @!p1 $0xFFFFFF80  }
0xf1: {  	[spmem:s5], [sflag:s30] =	dma.local @!p1 [hbm:s1], $0x80  }
0xf2: {  	_ =	swait.ge @!p1 [sflag:s31], $0x80  }
0xf3: {  	[sflag:s31] =	ssyncset.done @!p1 $0x0  }
0xf4: {  	[sflag:s31] =	ssyncadd.s32 @!p1 $0xFFFFFF80  }
0xf5: {  	s1 =	rddreg [dreg:$0x0]  }
0xf6: {  	[spmem:s9], [sflag:s30] =	dma.local @!p1 [hbm:s1], $0x80  }
0xf7: {  	_ =	swait.ge @!p1 [sflag:s31], $0x80  }
0xf8: {  	[sflag:s31] =	ssyncset.done @!p1 $0x0  }
0xf9: {  	[sflag:s31] =	ssyncadd.s32 @!p1 $0xFFFFFF80  }
0xfa: {  	_ =	swait.ge [sflag:s18], $0x1380  }
0xfb: {  	[sflag:s18] =	ssyncset.done $0x0  }
0xfc: {  	[sflag:s18] =	ssyncadd.s32 $0xFFFFEC80  }
0xfd: {  	_ =	swait.ge [sflag:s16], $0x1380  }
0xfe: {  	[sflag:s16] =	ssyncset.done $0x0  }
0xff: {  	[sflag:s16] =	ssyncadd.s32 $0xFFFFEC80  }
0x100: {  	_ =	swait.ge [sflag:s21], $0x2800  }
0x101: {  	[sflag:s21] =	ssyncset.done $0x0  }
0x102: {  	[sflag:s21] =	ssyncadd.s32 $0xFFFFD800  }
0x103: {  	_ =	swait.ge [sflag:s22], $0x2800  }
0x104: {  	[sflag:s22] =	ssyncset.done $0x0  }
0x105: {  	[sflag:s22] =	ssyncadd.s32 $0xFFFFD800  }
0x106: {  	s30 =	simm.s32 $0x0;
	[bflag:$0x0] =	sbarrier.arrive $0xFFFF  }
0x107: {  	[tilespmem:s28], [sflag:$0x1] =	stream.indirect.gather [spmem:s2], $0x40, s30, s24, $0xb8;
	[tilespmem:$0x1C8C0] =	vst v63  }
0x108: {  	_ = 	snop  }
0x109: {  	[tilespmem:s6], [sflag:$0x2] =	stream.indirect.gather [spmem:s2], $0x40, s24, s24, $0xb8;
	[tilespmem:$0x1C8C0] =	vst v63  }
0x10a: {  	_ =	swait.ge [sflag:s18], $0x2000  }
0x10b: {  	[sflag:s18] =	ssyncset.done $0x0  }
0x10c: {  	s30 =	simm.s32 $0x2800;
	[sflag:s18] =	ssyncadd.s32 $0xFFFFE000  }
0x10d: {  	[spmem:s4] =	stream.indirect.scatter.add.f32 [tilespmem:s28], [sflag:$0x3], $0x40, s30, s24, $0xb8;
	[tilespmem:$0x1C8C0] =	vst v63  }
0x10e: {  	_ =	swait.ge [sflag:s21], $0x2000  }
0x10f: {  	[sflag:s21] =	ssyncset.done $0x0  }
0x110: {  	s30 =	simm.s32 $0x100;
	[sflag:s21] =	ssyncadd.s32 $0xFFFFE000  }
0x111: {  	[tilespmem:s28], [sflag:$0x1] =	stream.indirect.gather [spmem:s2], $0x40, s30, s24, $0xb8;
	[tilespmem:$0x1C8C0] =	vst v63  }
0x112: {  	_ =	swait.ge [sflag:s16], $0x2000  }
0x113: {  	[sflag:s16] =	ssyncset.done $0x0  }
0x114: {  	s30 =	simm.s32 $0x2880;
	[sflag:s16] =	ssyncadd.s32 $0xFFFFE000  }
0x115: {  	[spmem:s4] =	stream.indirect.scatter.add.f32 [tilespmem:s6], [sflag:$0x4], $0x40, s30, s24, $0xb8;
	[tilespmem:$0x1C8C0] =	vst v63  }
0x116: {  	_ =	swait.ge [sflag:s22], $0x2000  }
0x117: {  	[sflag:s22] =	ssyncset.done $0x0  }
0x118: {  	s31 =	simm.s32 $0x180;
	s30 =	simm.s32 $0x400;
	[sflag:s22] =	ssyncadd.s32 $0xFFFFE000  }
.LBB2_3:
0x119: {  	[tilespmem:s6], [sflag:$0x2] =	stream.indirect.gather [spmem:s2], $0x40, s31, s24, $0xb8;
	[tilespmem:$0x1C8C0] =	vst v63  }
0x11a: {  	s31 =	smov.u32 s30  }
0x11b: {  	p3 =	sne.s32 s30, $0x9800;
	s30 =	sadd.s32 $0x400, s30;
	_ =	swait.ge [sflag:s18], $0x2000  }
0x11c: {  	s31 =	sshra.s32 s31, $0x2;
	[sflag:s18] =	ssyncset.done $0x0  }
0x11d: {  	s1 =	sadd.s32 $0x2800, s31;
	[sflag:s18] =	ssyncadd.s32 $0xFFFFE000  }
0x11e: {  	[spmem:s4] =	stream.indirect.scatter.add.f32 [tilespmem:s28], [sflag:$0x3], $0x40, s1, s24, $0xb8;
	[tilespmem:$0x1C8C0] =	vst v63  }
0x11f: {  	_ =	swait.ge [sflag:s21], $0x2000  }
0x120: {  	[sflag:s21] =	ssyncset.done $0x0  }
0x121: {  	s1 =	sadd.s32 $0x100, s31;
	[sflag:s21] =	ssyncadd.s32 $0xFFFFE000  }
0x122: {  	[tilespmem:s28], [sflag:$0x1] =	stream.indirect.gather [spmem:s2], $0x40, s1, s24, $0xb8;
	[tilespmem:$0x1C8C0] =	vst v63  }
0x123: {  	_ =	swait.ge [sflag:s16], $0x2000  }
0x124: {  	[sflag:s16] =	ssyncset.done $0x0  }
.Ltmp7:
0x125: {  	s1 =	sadd.s32 $0x2880, s31;
	[sflag:s16] =	ssyncadd.s32 $0xFFFFE000;
	(pc) =	sbr.rel @p3 .LBB2_3-.Ltmp7, $4  }
0x126: {  	[spmem:s4] =	stream.indirect.scatter.add.f32 [tilespmem:s6], [sflag:$0x4], $0x40, s1, s24, $0xb8;
	[tilespmem:$0x1C8C0] =	vst v63  }
0x127: {  	_ =	swait.ge [sflag:s22], $0x2000  }
0x128: {  	[sflag:s22] =	ssyncset.done $0x0  }
0x129: {  	s31 =	sadd.s32 $0x180, s31;
	[sflag:s22] =	ssyncadd.s32 $0xFFFFE000  }
0x12a: {  	[tilespmem:s6], [sflag:$0x2] =	stream.indirect.gather [spmem:s2], $0x40, s31, s24, $0xb8;
	[tilespmem:$0x1C8C0] =	vst v63  }
0x12b: {  	_ =	swait.ge [sflag:s18], $0x2000  }
0x12c: {  	[sflag:s18] =	ssyncset.done $0x0  }
0x12d: {  	[sflag:s18] =	ssyncadd.s32 $0xFFFFE000  }
0x12e: {  	[spmem:s4] =	stream.indirect.scatter.add.f32 [tilespmem:s28], [sflag:$0x3], $0x40, s7, s24, $0xb8;
	[tilespmem:$0x1C8C0] =	vst v63  }
0x12f: {  	_ =	swait.ge [sflag:s21], $0x2000  }
0x130: {  	[sflag:s21] =	ssyncset.done $0x0  }
0x131: {  	[sflag:s21] =	ssyncadd.s32 $0xFFFFE000  }
0x132: {  	_ =	swait.ge [sflag:s16], $0x2000  }
0x133: {  	[sflag:s16] =	ssyncset.done $0x0  }
0x134: {  	[sflag:s16] =	ssyncadd.s32 $0xFFFFE000  }
0x135: {  	[spmem:s4] =	stream.indirect.scatter.add.f32 [tilespmem:s6], [sflag:$0x4], $0x40, s8, s24, $0xb8;
	[tilespmem:$0x1C8C0] =	vst v63  }
0x136: {  	_ =	swait.ge [sflag:s22], $0x2000  }
0x137: {  	[sflag:s22] =	ssyncset.done $0x0  }
0x138: {  	[sflag:s22] =	ssyncadd.s32 $0xFFFFE000  }
0x139: {  	[bflag:$0x0] =	sbarrier.arrive $0xFFFF  }
0x13a: {  	s25 =	sor.u32 $0x1C04, s25;
	s1 =	rddreg [dreg:$0xd]  }
0x13b: {  	[hbm:s1], [sflag:s25] =	dma.local [spmem:s3], $0x1380  }
0x13c: {  	s1 =	simm.s32 @p1 $0x4  }
0x13d: {  	[spmem:s29], [sflag:s20] =	dma.local @p1 [hbm:s17], $0x1380  }
0x13e: {  	_ =	swait.ge @p1 [sflag:s1], $0x1380  }
0x13f: {  	[sflag:s1] =	ssyncset.done @p1 $0x0  }
0x140: {  	[sflag:s1] =	ssyncadd.s32 @p1 $0xFFFFEC80  }
0x141: {  	[spmem:s23], [sflag:s15] =	dma.local @p1 [hbm:s17], $0x1380  }
0x142: {  	s1 =	simm.s32 @!p1 $0x1FC5;
	s23 =	rddreg [dreg:$0xe]  }
0x143: {  	[hbm:s23], [sflag:s1] =	dma.local @!p1 [spmem:s5], $0x80  }
0x144: {  	s23 =	simm.s32 @!p1 $0x5  }
0x145: {  	_ =	swait.ge @!p1 [sflag:s23], $0x80  }
0x146: {  	[sflag:s23] =	ssyncset.done @!p1 $0x0  }
0x147: {  	[sflag:s23] =	ssyncadd.s32 @!p1 $0xFFFFFF80  }
0x148: {  	[spmem:s19], [sflag:s20] =	dma.local @!p1 [hbm:s17], $0x1380  }
0x149: {  	s19 =	simm.s32 @!p1 $0x4  }
0x14a: {  	_ =	swait.ge @!p1 [sflag:s19], $0x1380  }
0x14b: {  	[sflag:s19] =	ssyncset.done @!p1 $0x0  }
0x14c: {  	[sflag:s19] =	ssyncadd.s32 @!p1 $0xFFFFEC80  }
0x14d: {  	[spmem:s14], [sflag:s15] =	dma.local @!p1 [hbm:s17], $0x1380  }
0x14e: {  	s14 =	rddreg [dreg:$0xf]  }
0x14f: {  	[spmem:s12], [sflag:s1] =	dma.local @!p1 [hbm:s14], $0x80  }
0x150: {  	_ =	swait.ge @!p1 [sflag:s23], $0x80  }
0x151: {  	[sflag:s23] =	ssyncset.done @!p1 $0x0  }
0x152: {  	[sflag:s23] =	ssyncadd.s32 @!p1 $0xFFFFFF80  }
0x153: {  	[spmem:s5], [sflag:s1] =	dma.local @!p1 [hbm:s14], $0x80  }
0x154: {  	_ =	swait.ge @!p1 [sflag:s23], $0x80  }
0x155: {  	[sflag:s23] =	ssyncset.done @!p1 $0x0  }
0x156: {  	s5 =	rddreg [dreg:$0x5];
	[sflag:s23] =	ssyncadd.s32 @!p1 $0xFFFFFF80  }
0x157: {  	[spmem:s9], [sflag:s1] =	dma.local @!p1 [hbm:s5], $0x80  }
0x158: {  	_ =	swait.ge @!p1 [sflag:s23], $0x80  }
0x159: {  	[sflag:s23] =	ssyncset.done @!p1 $0x0  }
0x15a: {  	[sflag:s23] =	ssyncadd.s32 @!p1 $0xFFFFFF80  }
0x15b: {  	_ =	swait.ge [sflag:s18], $0x1380  }
0x15c: {  	[sflag:s18] =	ssyncset.done $0x0  }
0x15d: {  	[sflag:s18] =	ssyncadd.s32 $0xFFFFEC80  }
0x15e: {  	_ =	swait.ge [sflag:s16], $0x1380  }
0x15f: {  	[sflag:s16] =	ssyncset.done $0x0  }
0x160: {  	[sflag:s16] =	ssyncadd.s32 $0xFFFFEC80  }
0x161: {  	s23 =	simm.s32 $0x0;
	[bflag:$0x0] =	sbarrier.arrive $0xFFFF  }
0x162: {  	[tilespmem:s28], [sflag:$0x1] =	stream.indirect.gather [spmem:s2], $0x40, s23, s24, $0xb8;
	[tilespmem:$0x1C8C0] =	vst v63  }
0x163: {  	_ = 	snop  }
0x164: {  	[tilespmem:s6], [sflag:$0x2] =	stream.indirect.gather [spmem:s2], $0x40, s24, s24, $0xb8;
	[tilespmem:$0x1C8C0] =	vst v63  }
0x165: {  	_ =	swait.ge [sflag:s18], $0x2000  }
0x166: {  	[sflag:s18] =	ssyncset.done $0x0  }
0x167: {  	s29 =	simm.s32 $0x2800;
	[sflag:s18] =	ssyncadd.s32 $0xFFFFE000  }
0x168: {  	[spmem:s4] =	stream.indirect.scatter.add.f32 [tilespmem:s28], [sflag:$0x3], $0x40, s29, s24, $0xb8;
	[tilespmem:$0x1C8C0] =	vst v63  }
0x169: {  	_ =	swait.ge [sflag:s21], $0x2000  }
0x16a: {  	[sflag:s21] =	ssyncset.done $0x0  }
0x16b: {  	s30 =	simm.s32 $0x100;
	[sflag:s21] =	ssyncadd.s32 $0xFFFFE000  }
0x16c: {  	[tilespmem:s28], [sflag:$0x1] =	stream.indirect.gather [spmem:s2], $0x40, s30, s24, $0xb8;
	[tilespmem:$0x1C8C0] =	vst v63  }
0x16d: {  	_ =	swait.ge [sflag:s16], $0x2000  }
0x16e: {  	[sflag:s16] =	ssyncset.done $0x0  }
0x16f: {  	s31 =	simm.s32 $0x2880;
	[sflag:s16] =	ssyncadd.s32 $0xFFFFE000  }
0x170: {  	[spmem:s4] =	stream.indirect.scatter.add.f32 [tilespmem:s6], [sflag:$0x4], $0x40, s31, s24, $0xb8;
	[tilespmem:$0x1C8C0] =	vst v63  }
0x171: {  	_ =	swait.ge [sflag:s22], $0x2000  }
0x172: {  	[sflag:s22] =	ssyncset.done $0x0  }
0x173: {  	s5 =	simm.s32 $0x400;
	s9 =	simm.s32 $0x180;
	[sflag:s22] =	ssyncadd.s32 $0xFFFFE000  }
.LBB2_5:
0x174: {  	[tilespmem:s6], [sflag:$0x2] =	stream.indirect.gather [spmem:s2], $0x40, s9, s24, $0xb8;
	[tilespmem:$0x1C8C0] =	vst v63  }
0x175: {  	s1 =	smov.u32 s5  }
0x176: {  	p3 =	sne.s32 s5, $0x9800;
	s5 =	sadd.s32 $0x400, s5;
	_ =	swait.ge [sflag:s18], $0x2000  }
0x177: {  	s1 =	sshra.s32 s1, $0x2;
	[sflag:s18] =	ssyncset.done $0x0  }
0x178: {  	s9 =	sadd.s32 $0x2800, s1;
	[sflag:s18] =	ssyncadd.s32 $0xFFFFE000  }
0x179: {  	[spmem:s4] =	stream.indirect.scatter.add.f32 [tilespmem:s28], [sflag:$0x3], $0x40, s9, s24, $0xb8;
	[tilespmem:$0x1C8C0] =	vst v63  }
0x17a: {  	_ =	swait.ge [sflag:s21], $0x2000  }
0x17b: {  	[sflag:s21] =	ssyncset.done $0x0  }
0x17c: {  	s9 =	sadd.s32 $0x100, s1;
	[sflag:s21] =	ssyncadd.s32 $0xFFFFE000  }
0x17d: {  	[tilespmem:s28], [sflag:$0x1] =	stream.indirect.gather [spmem:s2], $0x40, s9, s24, $0xb8;
	[tilespmem:$0x1C8C0] =	vst v63  }
0x17e: {  	_ =	swait.ge [sflag:s16], $0x2000  }
0x17f: {  	[sflag:s16] =	ssyncset.done $0x0  }
.Ltmp8:
0x180: {  	s9 =	sadd.s32 $0x2880, s1;
	[sflag:s16] =	ssyncadd.s32 $0xFFFFE000;
	(pc) =	sbr.rel @p3 .LBB2_5-.Ltmp8, $4  }
0x181: {  	[spmem:s4] =	stream.indirect.scatter.add.f32 [tilespmem:s6], [sflag:$0x4], $0x40, s9, s24, $0xb8;
	[tilespmem:$0x1C8C0] =	vst v63  }
0x182: {  	_ =	swait.ge [sflag:s22], $0x2000  }
0x183: {  	[sflag:s22] =	ssyncset.done $0x0  }
0x184: {  	s9 =	sadd.s32 $0x180, s1;
	[sflag:s22] =	ssyncadd.s32 $0xFFFFE000  }
0x185: {  	[tilespmem:s6], [sflag:$0x2] =	stream.indirect.gather [spmem:s2], $0x40, s9, s24, $0xb8;
	[tilespmem:$0x1C8C0] =	vst v63  }
0x186: {  	_ =	swait.ge [sflag:s18], $0x2000  }
0x187: {  	[sflag:s18] =	ssyncset.done $0x0  }
0x188: {  	[sflag:s18] =	ssyncadd.s32 $0xFFFFE000  }
0x189: {  	[spmem:s4] =	stream.indirect.scatter.add.f32 [tilespmem:s28], [sflag:$0x3], $0x40, s7, s24, $0xb8;
	[tilespmem:$0x1C8C0] =	vst v63  }
0x18a: {  	_ =	swait.ge [sflag:s21], $0x2000  }
0x18b: {  	[sflag:s21] =	ssyncset.done $0x0  }
0x18c: {  	[sflag:s21] =	ssyncadd.s32 $0xFFFFE000  }
0x18d: {  	_ =	swait.ge [sflag:s16], $0x2000  }
0x18e: {  	[sflag:s16] =	ssyncset.done $0x0  }
0x18f: {  	[sflag:s16] =	ssyncadd.s32 $0xFFFFE000  }
0x190: {  	[spmem:s4] =	stream.indirect.scatter.add.f32 [tilespmem:s6], [sflag:$0x4], $0x40, s8, s24, $0xb8;
	[tilespmem:$0x1C8C0] =	vst v63  }
0x191: {  	_ =	swait.ge [sflag:s22], $0x2000  }
0x192: {  	[sflag:s22] =	ssyncset.done $0x0  }
0x193: {  	[sflag:s22] =	ssyncadd.s32 $0xFFFFE000  }
0x194: {  	[bflag:$0x0] =	sbarrier.arrive $0xFFFF  }
0x195: {  	s1 =	rddreg [dreg:$0x14]  }
0x196: {  	[hbm:s1], [sflag:s25] =	dma.local [spmem:s3], $0x1380  }
.Ltmp9:
0x197: {  	_ = 	snop;
	(pc) =	sbr.rel @p2 .LBB2_12-.Ltmp9, $4  }
.Ltmp10:
0x198: {  	_ = 	snop;
	(pc) =	sbr.rel @!p2 .LBB2_13-.Ltmp10, $4  }
0x199: {  	_ =	swait.ge [sflag:s22], $0x1380  }
0x19a: {  	[sflag:s22] =	ssyncset.done $0x0  }
0x19b: {  	s3 =	rddreg [dreg:$0x8];
	[sflag:s22] =	ssyncadd.s32 $0xFFFFEC80  }
0x19c: {  	_ = 	snop  }
.LBB2_14:
0x19d: {  	_ =	sfence.sel $0x180000  }
0x19e: {  	[bflag:$0x0] =	sbarrier.arrive $0xFFFF  }
0x19f: {  	_ =	strace $0x9000004A  }
0x1a0: {  	s0 =	stileid.u32;
	[bflag:$0x2] =	sbarrier.arrive $0xFFFF  }
0x1a1: {  	p0 =	sne.s32 s0, $0x0;
	s0 =	rddreg [dreg:$0x4]  }
0x1a2: {  	s0 =	sadd.s32 @!p0 $0x100000, s0  }
0x1a3: {  	[sflag:s0] =	ssyncadd.tile.s32 @!p0 $0x1;
	_ =	shalt  }
.Lfunc_end2:
_tile_overlayer_lowered:
.L_overlay_start_2:
0x1a4: {  	(tag) =	ssettag $0x2  }
0x1a5: {  	s0 =	rddreg [dreg:$0x0];
	s2 =	stileid.u32  }
0x1a6: {  	s1 =	rddreg [dreg:$0x1];
	p0 =	sne.s32 s2, $0x0  }
0x1a7: {  	s3 =	rddreg [dreg:$0x2];
	[bflag:$0x3] =	sbarrier.arrive $0xFFFF;
	s2 =	simm.s32 @!p0 $0x1C05  }
0x1a8: {  	[timem:s3], [sflag:s2] =	dma.local @!p0 [hbm:s0], s1  }
0x1a9: {  	s0 =	simm.s32 @!p0 $0x5  }
0x1aa: {  	_ =	swait.ge @!p0 [sflag:s0], s1  }
0x1ab: {  	s1 =	ssub.s32 @!p0 $0x0, s1;
	[sflag:s0] =	ssyncset.done @!p0 $0x0  }
0x1ac: {  	[sflag:s0] =	ssyncadd.s32 @!p0 s1  }
0x1ad: {  	[bflag:$0x3] =	sbarrier.arrive $0xFFFF  }
0x1ae: {  	_ =	shalt  }

// kernel: kernel.15.cloned.1.call-start
scs
__scs_entry_jumppad:
0x0: {  	(pc) =	sbr.rel $0x88, $3  }
0x1: {  	(tag) =	ssettag $0x0;
	lr =	simm.s32 $0x1  }
0x2: {  	[smem:$0x3F97] =	sst lr;
	_ =	strace $0xD0000000  }
0x3: {  	_ = 	snop  }
0x4: {  	_ = 	snop  }
0x5: {  	_ = 	snop  }
0x6: {  	_ = 	snop  }
0x7: {  	_ = 	snop  }
__scs_overlays_trampoline_lowered:
0x8: {  	[smem:$0x3FA6] =	sst s0  }
0x9: {  	[smem:$0x3FA7] =	sst s1  }
0xa: {  	[smem:$0x3FA8] =	sst s2  }
0xb: {  	[smem:$0x3FA9] =	sst s3  }
0xc: {  	[smem:$0x3FAA] =	sst s4  }
0xd: {  	[smem:$0x3FAB] =	sst s5  }
0xe: {  	[smem:$0x3FAC] =	sst s6  }
0xf: {  	[smem:$0x3FAD] =	sst s7  }
0x10: {  	[smem:$0x3FAE] =	sst s8  }
0x11: {  	[smem:$0x3FAF] =	sst s9;
	s0 =	simm.s32 @!p0 $0x0  }
0x12: {  	s1 =	sld [smem:$0x3F95];
	s0 =	simm.s32 @p0 $0x1  }
0x13: {  	[smem:$0x3FB0] =	sst s0;
	s0 =	simm.s32 @!p1 $0x0  }
0x14: {  	s2 =	sld [smem:$0x3F94];
	s0 =	simm.s32 @p1 $0x1  }
0x15: {  	[smem:$0x3FB1] =	sst s0;
	s0 =	simm.s32 @!p2 $0x0  }
0x16: {  	s3 =	sld [smem:$0x3FDB];
	s0 =	simm.s32 @p2 $0x1  }
0x17: {  	s4 =	simm.s32 $0x1BF5;
	[smem:$0x3FB3] =	sst s0  }
0x18: {  	s0 =	sld [smem:$0x3F96];
	_ =	swait.ge [sflag:s4], $0x0  }
0x19: {  	s7 =	sld [smem:$0x3F97]  }
0x1a: {  	s8 =	sadd.s32 $0xFFFFE003, lr  }
0x1b: {  	s9 =	sadd.s32 $0xFFFFFEF7, lr;
	s5 =	simm.s32 $0xFFFFFFFF;
	p2 =	slt.u32 s8, $0xFFFFF086  }
0x1c: {  	p1 =	slt.u32 s9, $0xF7A;
	s5 =	simm.s32 @!p2 $0x0  }
0x1d: {  	s5 =	simm.s32 @p1 $0x1;
	p0 =	seq.s32 s7, s2  }
0x1e: {  	s7 =	smul.u32 @!p0 $0xF7A, s2;
	p2 =	seq.s32 @!p0 s5, $0x0  }
0x1f: {  	s9 =	smul.u32 $0xF7A, s1;
	s8 =	simm.s32 @!p0 $0x1BF5;
	p2 =	por !p2, p0  }
0x20: {  	[sflag:s8] =	ssyncset.s32 @!p0 $0xFFFFF086;
	s6 =	sadd.s32 @!p0 s3, s7;
	s7 =	simm.s32 @!p0 $0x108  }
0x21: {  	s3 =	sadd.s32 s3, s9;
	s6 =	sadd.s32 @!p0 $0x88, s6;
	s7 =	simm.s32 @p2 $0x1082  }
0x22: {  	[simem:s7], [sflag:s8] =	dma.local @!p0 [hbm:s6], $0xF7A  }
0x23: {  	s9 =	sor.u32 $0xD0000000, s2;
	s6 =	simm.s32 $0x108;
	_ =	swait.ge @!p0 [sflag:s8], $0x0  }
0x24: {  	s3 =	sadd.s32 $0x88, s3;
	s6 =	simm.s32 @!p1 $0x1082;
	[sflag:s4] =	ssyncset.s32 $0xFFFFF086  }
0x25: {  	[simem:s6], [sflag:s4] =	dma.local [hbm:s3], $0xF7A  }
0x26: {  	[smem:$0x3F97] =	sst s1;
	(tag) =	ssettag s2;
	_ =	strace s9  }
0x27: {  	s1 =	sld [smem:$0x3FA7]  }
0x28: {  	s2 =	sld [smem:$0x3FA8]  }
0x29: {  	s4 =	sld [smem:$0x3FAA]  }
0x2a: {  	p0 =	seq.s32 s5, $0x0;
	s5 =	sld [smem:$0x3FAB]  }
0x2b: {  	s6 =	sld [smem:$0x3FAC]  }
0x2c: {  	s7 =	sld [smem:$0x3FAD]  }
0x2d: {  	s3 =	simm.s32 $0x108;
	s8 =	sld [smem:$0x3FAE]  }
0x2e: {  	s3 =	simm.s32 @!p0 $0x1082;
	s9 =	sld [smem:$0x3FAF]  }
0x2f: {  	lr =	sadd.s32 s0, s3;
	s0 =	sld [smem:$0x3FA6]  }
0x30: {  	s3 =	sld [smem:$0x3FA9]  }
0x31: {  	[smem:$0x3FB2] =	sst s10  }
0x32: {  	s10 =	sld [smem:$0x3FB0];
	_ =	sdelay $0x3  }
0x33: {  	p0 =	seq.s32 s10, $0x1;
	s10 =	sld [smem:$0x3FB2];
	_ =	sdelay $0x3  }
0x34: {  	[smem:$0x3FB2] =	sst s10  }
0x35: {  	s10 =	sld [smem:$0x3FB1];
	_ =	sdelay $0x3  }
0x36: {  	p1 =	seq.s32 s10, $0x1;
	s10 =	sld [smem:$0x3FB2];
	_ =	sdelay $0x3  }
0x37: {  	[smem:$0x3FB2] =	sst s10  }
0x38: {  	s10 =	sld [smem:$0x3FB3]  }
0x39: {  	_ = 	snop;
	(pc) =	sbr.ind lr, $3  }
0x3a: {  	_ = 	snop  }
0x3b: {  	_ = 	snop  }
0x3c: {  	p2 =	seq.s32 s10, $0x1;
	s10 =	sld [smem:$0x3FB2]  }
0x3d: {  	_ =	shalt  }
0x3e: {  	_ =	shalt  }
0x3f: {  	_ =	shalt  }
0x40: {  	_ =	shalt  }
0x41: {  	_ =	shalt  }
0x42: {  	_ =	shalt  }
0x43: {  	_ =	shalt  }
0x44: {  	_ =	shalt  }
0x45: {  	_ =	shalt  }
0x46: {  	_ =	shalt  }
0x47: {  	_ =	shalt  }
0x48: {  	_ =	shalt  }
0x49: {  	_ =	shalt  }
0x4a: {  	_ =	shalt  }
0x4b: {  	_ =	shalt  }
0x4c: {  	_ =	shalt  }
0x4d: {  	_ =	shalt  }
0x4e: {  	_ =	shalt  }
0x4f: {  	_ =	shalt  }
0x50: {  	_ =	shalt  }
0x51: {  	_ =	shalt  }
0x52: {  	_ =	shalt  }
0x53: {  	_ =	shalt  }
0x54: {  	_ =	shalt  }
0x55: {  	_ =	shalt  }
0x56: {  	_ =	shalt  }
0x57: {  	_ =	shalt  }
0x58: {  	_ =	shalt  }
0x59: {  	_ =	shalt  }
0x5a: {  	_ =	shalt  }
0x5b: {  	_ =	shalt  }
0x5c: {  	_ =	shalt  }
0x5d: {  	_ =	shalt  }
0x5e: {  	_ =	shalt  }
0x5f: {  	_ =	shalt  }
0x60: {  	_ =	shalt  }
0x61: {  	_ =	shalt  }
0x62: {  	_ =	shalt  }
0x63: {  	_ =	shalt  }
0x64: {  	_ =	shalt  }
0x65: {  	_ =	shalt  }
0x66: {  	_ =	shalt  }
0x67: {  	_ =	shalt  }
0x68: {  	_ =	shalt  }
0x69: {  	_ =	shalt  }
0x6a: {  	_ =	shalt  }
0x6b: {  	_ =	shalt  }
0x6c: {  	_ =	shalt  }
0x6d: {  	_ =	shalt  }
0x6e: {  	_ =	shalt  }
0x6f: {  	_ =	shalt  }
0x70: {  	_ =	shalt  }
0x71: {  	_ =	shalt  }
0x72: {  	_ =	shalt  }
0x73: {  	_ =	shalt  }
0x74: {  	_ =	shalt  }
0x75: {  	_ =	shalt  }
0x76: {  	_ =	shalt  }
0x77: {  	_ =	shalt  }
0x78: {  	_ =	shalt  }
0x79: {  	_ =	shalt  }
0x7a: {  	_ =	shalt  }
0x7b: {  	_ =	shalt  }
0x7c: {  	_ =	shalt  }
0x7d: {  	_ =	shalt  }
0x7e: {  	_ =	shalt  }
0x7f: {  	_ =	shalt  }
0x80: {  	_ =	shalt  }
0x81: {  	_ =	shalt  }
0x82: {  	_ =	shalt  }
0x83: {  	_ =	shalt  }
0x84: {  	_ =	shalt  }
0x85: {  	_ =	shalt  }
0x86: {  	_ =	shalt  }
0x87: {  	_ =	shalt  }
.Lfunc_end0:
.L_simem_size_0:
called_computation.2_lowered:
.L_overlay_start_0:
0x88: {  	s2 =	sld [smem:$0x3FD9]  }
0x89: {  	s3 =	sld [smem:$0x3FFE];
	_ =	sdelay $0x1  }
0x8a: {  	s1 =	srdreg.scid  }
0x8b: {  	s0 =	sand.u32 $0x1, s1  }
0x8c: {  	s17 =	sshll.u32 s0, $0xA;
	s2 =	sadd.s32 s3, s2  }
0x8d: {  	s2 =	sadd.s32 s2, s17  }
0x8e: {  	[smem:$0x3FBE] =	sst s2  }
0x8f: {  	_ = 	snop  }
0x90: {  	s2 =	sld [smem:$0x3FD0];
	(tm) =	ssettm $0x1  }
0x91: {  	s18 =	sld [smem:$0x3FFB];
	_ =	sdelay $0x3  }
0x92: {  	_ =	strace s18  }
0x93: {  	s3 =	sld [smem:$0x3FFC];
	_ =	sdelay $0x3  }
0x94: {  	_ =	strace s3  }
0x95: {  	s3 =	sld [smem:$0x3FFD];
	_ =	sdelay $0x3  }
0x96: {  	_ =	strace s3  }
0x97: {  	_ =	strace $0x8FFFFFFF  }
0x98: {  	s19 =	sld [smem:$0x3FDB];
	_ =	sdelay $0x1  }
0x99: {  	s4 =	simm.s32 $_scs_section_size  }
0x9a: {  	s5 =	simm.s32 $_size__tile_overlayer_lowered;
	s6 =	simm.s32 $_tile_overlayer_lowered  }
0x9b: {  	s22 =	simm.s32 $0x1BFF;
	s21 =	sshll.u32 s6, $0x1;
	s3 =	sadd.s32 s4, s19  }
0x9c: {  	s7 =	simm.s32 $0x0;
	s20 =	sshll.u32 s5, $0x1;
	s5 =	sadd.s32 s21, s3  }
0x9d: {  	[timem:s7], [sflag:s22] =	dma.local [hbm:s5], s20  }
0x9e: {  	_ =	swait.ge [sflag:s22], s20  }
0x9f: {  	s4 =	ssub.s32 $0x0, s20;
	[sflag:s22] =	ssyncset.done $0x0  }
0xa0: {  	[sflag:s22] =	ssyncadd.s32 s4;
	_ =	sdelay $0x1  }
0xa1: {  	s23 =	simm.s32 $0x1B8B  }
0xa2: {  	_ =	swait.ge [sflag:s23], $0x1  }
0xa3: {  	[sflag:s23] =	ssyncset.done $0x0  }
0xa4: {  	s25 =	simm.s32 $0x1B8E;
	s24 =	sld [smem:$0x3FFE];
	[sflag:s23] =	ssyncadd.s32 $0xFFFFFFFF  }
0xa5: {  	s26 =	simm.s32 $execute0_lowered;
	[smem:$0x3FD2] =	sst s25  }
0xa6: {  	s5 =	sshll.u32 s26, $0x1;
	_ =	strace $0x8000004C;
	[dreg:$0x1] =	wrdreg $0xFFFFFFFF  }
0xa7: {  	s28 =	simm.s32 $_size_execute0_lowered;
	s3 =	sadd.s32 s3, s5;
	[dreg:$0x0] =	wrdreg $0x0  }
0xa8: {  	s5 =	sshll.u32 s28, $0x1;
	[dreg:$0x2] =	wrdreg s3  }
0xa9: {  	[dreg:$0x3] =	wrdreg s5  }
0xaa: {  	[dreg:$0x4] =	wrdreg $0xC0  }
0xab: {  	_ =	task [dreg:s7], $0x5FFFF  }
0xac: {  	[dreg:$0x1] =	wrdreg $0xFFFFFFFF  }
0xad: {  	[dreg:$0x0] =	wrdreg $0x60  }
0xae: {  	[dreg:$0x2] =	wrdreg s2  }
0xaf: {  	[dreg:$0x3] =	wrdreg s24  }
0xb0: {  	[dreg:$0x4] =	wrdreg $0x90000  }
0xb1: {  	[dreg:$0x5] =	wrdreg $0x12C400  }
0xb2: {  	[dreg:$0x6] =	wrdreg $0x9  }
0xb3: {  	_ =	task.clear_ibuf [dreg:s7], $0x7FFFF;
	_ =	strace $0x9000004C  }
0xb4: {  	s29 =	simm.s32 $0x9;
	_ =	strace $0x8000004E  }
0xb5: {  	_ =	swait.ge [sflag:s29], $0x1  }
0xb6: {  	[sflag:s29] =	ssyncadd.s32 $0xFFFFFFFF  }
0xb7: {  	_ =	strace $0x9000004E  }
0xb8: {  	_ =	sfence  }
0xb9: {  	s30 =	sld [smem:$0x0];
	_ =	sdelay $0x2  }
0xba: {  	s31 =	sshll.u32 s1, $0xD;
	s1 =	sshrl.u32 s1, $0x2  }
0xbb: {  	s3 =	sand.u32 $0x4000, s31;
	s1 =	sadd.s32 s1, s30  }
0xbc: {  	s0 =	sor.u32 s3, s0;
	s1 =	sshll.u32 s1, $0x11  }
0xbd: {  	s0 =	sor.u32 s1, s0  }
0xbe: {  	s0 =	sadd.s32 $0x8F2B, s0  }
0xbf: {  	[sflag:s0] =	ssyncadd.remote.s32 $0x1  }
0xc0: {  	_ =	sfence.sel $0xFFFF  }
0xc1: {  	[dreg:$0x0] =	wrdreg $0xFFFFFFFF;
	(pc) =	sbr.abs _section_cstart, $3  }
0xc2: {  	[dreg:$0x1] =	wrdreg $0xFFFFFFFF  }
0xc3: {  	_ =	task.clear_ibuf [dreg:s7], $0x2FFFF;
	_ =	strace $0x9FFFFFFF  }
0xc4: {  	(tm) =	ssettm $0x7FFFFFFF  }
0xc5: {  	_ =	shalt  }
tec
execute0_lowered:
.L_overlay_start_1:
0x0: {  	(tag) =	ssettag $0x1  }
0x1: {  	s10 =	rddreg [dreg:$0x0]  }
0x2: {  	s0 =	rddreg [dreg:$0x1]  }
0x3: {  	s2 =	rddreg [dreg:$0x2]  }
0x4: {  	s4 =	rddreg [dreg:$0x3];
	s1 =	simm.s32 $0x0;
	s12 =	stileid.u32  }
0x5: {  	s5 =	srdreg.scid;
	s28 =	simm.s32 $0x5000;
	[smem:$0x7FF] =	sst s1  }
0x6: {  	s14 =	sadd.s32 $0x3C00, s0;
	s29 =	smul.u32 $0x500, s12;
	s15 =	sadd.s32 $0x17600, s0  }
0x7: {  	s21 =	sadd.s32 $0x83600, s0;
	_ =	strace $0x8000004D;
	[dreg:$0x5] =	wrdreg s14  }
0x8: {  	s3 =	smul.u32 $0x9C00, s12;
	s18 =	sadd.s32 $0x48A00, s0;
	[dreg:$0x12] =	wrdreg s21  }
0x9: {  	s16 =	sadd.s32 $0x2B000, s0;
	s5 =	sand.u32 $0x1, s5;
	[dreg:$0x8] =	wrdreg s18  }
0xa: {  	s19 =	sadd.s32 $0x83800, s0;
	p1 =	sne.s32 s12, $0xF;
	[dreg:$0x6] =	wrdreg s15  }
0xb: {  	p2 =	seq.s32 s12, $0xF;
	s7 =	ssub.s32 $0x2, s5;
	[dreg:$0x7] =	wrdreg s16  }
0xc: {  	p0 =	seq.s32 s5, $0x1;
	s5 =	sadd.s32 $0x6FC00, s0;
	[dreg:$0x9] =	wrdreg s19  }
0xd: {  	s21 =	simm.s32 $0x3;
	s1 =	sadd.s32 s29, s0;
	s6 =	sshrl.u32 s3, $0x3  }
0xe: {  	s9 =	sshrl.u32 s7, $0x1;
	[dreg:$0xe] =	wrdreg s5;
	s29 =	sadd.s32 $0x9C000, s2  }
0xf: {  	s11 =	sadd.s32 s3, s2;
	s30 =	sadd.s32 s10, s6;
	[dreg:$0x18] =	wrdreg s29  }
0x10: {  	s13 =	sadd.s32 s3, s4;
	s31 =	sadd.s32 $0x43A00, s1;
	[dreg:$0xa] =	wrdreg s30  }
0x11: {  	s8 =	sadd.s32 s6, s0;
	s1 =	sadd.s32 $0x3EA00, s1;
	[dreg:$0xb] =	wrdreg s31  }
0x12: {  	s7 =	ssub.s32 s7, s9;
	s9 =	sadd.s32 $0x17400, s0;
	[dreg:$0xc] =	wrdreg s1  }
0x13: {  	s17 =	sadd.s32 s14, s6;
	s14 =	sadd.s32 $0x2AE00, s0;
	[dreg:$0xf] =	wrdreg s9  }
0x14: {  	s0 =	sadd.s32 $0x3E800, s0;
	s22 =	sadd.s32 s18, s6;
	[dreg:$0x10] =	wrdreg s14  }
0x15: {  	s23 =	sadd.s32 s15, s6;
	s26 =	sadd.s32 s16, s6;
	[dreg:$0x13] =	wrdreg s0  }
0x16: {  	s24 =	sadd.s32 s19, s6;
	s18 =	simm.s32 $0x1;
	[dreg:$0x14] =	wrdreg s22  }
0x17: {  	s16 =	simm.s32 $0x2;
	s6 =	simm.s32 $0x7000;
	[dreg:$0x15] =	wrdreg s23  }
0x18: {  	s3 =	sadd.s32 $0x5C400, s8;
	s20 =	sadd.s32 $0x6FE00, s8;
	[dreg:$0x16] =	wrdreg s24  }
.Ltmp0:
0x19: {  	s25 =	smax.u32 s7, $0x1;
	[dreg:$0xd] =	wrdreg s3;
	(pc) =	sbr.rel .LBB2_1-.Ltmp0, $4  }
0x1a: {  	s30 =	sadd.s32 $0x13800, s10;
	s0 =	sadd.s32 $0x9C000, s4;
	[dreg:$0x11] =	wrdreg s20  }
0x1b: {  	s31 =	sadd.s32 $0x9C400, s4;
	s22 =	simm.s32 $0x4;
	[dreg:$0x17] =	wrdreg s25  }
0x1c: {  	s24 =	simm.s32 $0x80;
	s7 =	simm.s32 $0x4F00;
	[dreg:$0x19] =	wrdreg s30  }
0x1d: {  	s8 =	simm.s32 $0x4F80;
	s10 =	simm.s32 $0x0;
	[dreg:$0x1a] =	wrdreg s31  }
.LBB2_12:
0x1e: {  	s1 =	sadd.s32 $0x13800, s3  }
0x1f: {  	s30 =	sshrl.u32 s0, $0x3;
	s5 =	simm.s32 $0x1FC5;
	s31 =	simm.s32 $0x5  }
0x20: {  	[hbm:s1], [sflag:s5] =	dma.local [spmem:s30], $0x80  }
0x21: {  	_ =	swait.ge [sflag:s31], $0x80  }
0x22: {  	[sflag:s31] =	ssyncset.done $0x0  }
0x23: {  	[sflag:s31] =	ssyncadd.s32 $0xFFFFFF80  }
.LBB2_13:
0x24: {  	s10 =	sadd.s32 $0x1, s10;
	s1 =	rddreg [dreg:$0x17]  }
0x25: {  	p3 =	sne.s32 s10, s1  }
.Ltmp1:
0x26: {  	_ = 	snop;
	(pc) =	sbr.rel @!p3 .LBB2_14-.Ltmp1, $1  }
0x27: {  	_ =	sdelay $0x3  }
.LBB2_1:
0x28: {  	s1 =	stileid.u32  }
.Ltmp2:
0x29: {  	s30 =	sshrl.u32 s11, $0x3;
	s5 =	sshrl.u32 @!p1 s0, $0x3;
	(pc) =	sbr.rel @!p0 .LBB2_2-.Ltmp2, $4  }
0x2a: {  	s29 =	sshrl.u32 @p1 s11, $0x3;
	s23 =	sshrl.u32 @p1 s13, $0x3;
	s19 =	sshrl.u32 @!p1 s11, $0x3  }
0x2b: {  	s14 =	sshrl.u32 @!p1 s13, $0x3;
	s25 =	sshll.u32 s1, $0x6;
	s1 =	rddreg [dreg:$0x18]  }
0x2c: {  	s3 =	sshrl.u32 s13, $0x3;
	s12 =	sshrl.u32 @!p1 s1, $0x3;
	s1 =	rddreg [dreg:$0x1a]  }
0x2d: {  	s20 =	sor.u32 $0x1C01, s25;
	s15 =	sor.u32 $0x1C02, s25;
	s9 =	sshrl.u32 @!p1 s1, $0x3  }
0x2e: {  	s1 =	rddreg [dreg:$0x15]  }
0x2f: {  	[spmem:s30], [sflag:s20] =	dma.local [hbm:s1], $0x1380  }
0x30: {  	[spmem:s3], [sflag:s15] =	dma.local [hbm:s1], $0x1380  }
0x31: {  	s1 =	simm.s32 $0x0;
	s30 =	rddreg [dreg:$0xb]  }
0x32: {  	[tilespmem:s1], [sflag:$0x3] =	stream.linear.gather [hbm4b:s30+s1], $0x2800, $0x38;
	[tilespmem:$0x1C8C0] =	vst v63  }
0x33: {  	s31 =	simm.s32 $0x2800;
	s30 =	rddreg [dreg:$0xc]  }
0x34: {  	[tilespmem:s31], [sflag:$0x4] =	stream.linear.gather [hbm4b:s30+s1], $0x2800, $0x38;
	[tilespmem:$0x1C8C0] =	vst v63  }
0x35: {  	s1 =	simm.s32 @!p1 $0x1FC5;
	s31 =	rddreg [dreg:$0x10];
	s30 =	simm.s32 @!p1 $0x5  }
0x36: {  	[spmem:s12], [sflag:s1] =	dma.local @!p1 [hbm:s31], $0x80  }
0x37: {  	_ =	swait.ge @!p1 [sflag:s30], $0x80  }
0x38: {  	[sflag:s30] =	ssyncset.done @!p1 $0x0  }
0x39: {  	[sflag:s30] =	ssyncadd.s32 @!p1 $0xFFFFFF80  }
0x3a: {  	[spmem:s5], [sflag:s1] =	dma.local @!p1 [hbm:s31], $0x80  }
0x3b: {  	_ =	swait.ge @!p1 [sflag:s30], $0x80  }
0x3c: {  	[sflag:s30] =	ssyncset.done @!p1 $0x0  }
0x3d: {  	s31 =	rddreg [dreg:$0x6];
	[sflag:s30] =	ssyncadd.s32 @!p1 $0xFFFFFF80  }
0x3e: {  	[spmem:s9], [sflag:s1] =	dma.local @!p1 [hbm:s31], $0x80  }
0x3f: {  	_ =	swait.ge @!p1 [sflag:s30], $0x80  }
0x40: {  	[sflag:s30] =	ssyncset.done @!p1 $0x0  }
0x41: {  	[sflag:s30] =	ssyncadd.s32 @!p1 $0xFFFFFF80  }
0x42: {  	_ =	swait.ge [sflag:s18], $0x1380  }
0x43: {  	[sflag:s18] =	ssyncset.done $0x0  }
0x44: {  	[sflag:s18] =	ssyncadd.s32 $0xFFFFEC80  }
0x45: {  	_ =	swait.ge [sflag:s16], $0x1380  }
0x46: {  	[sflag:s16] =	ssyncset.done $0x0  }
0x47: {  	[sflag:s16] =	ssyncadd.s32 $0xFFFFEC80  }
0x48: {  	_ =	swait.ge [sflag:s21], $0x2800  }
0x49: {  	[sflag:s21] =	ssyncset.done $0x0  }
0x4a: {  	[sflag:s21] =	ssyncadd.s32 $0xFFFFD800  }
0x4b: {  	_ =	swait.ge [sflag:s22], $0x2800  }
0x4c: {  	[sflag:s22] =	ssyncset.done $0x0  }
0x4d: {  	[sflag:s22] =	ssyncadd.s32 $0xFFFFD800  }
0x4e: {  	s1 =	simm.s32 $0x0;
	[bflag:$0x0] =	sbarrier.arrive $0xFFFF  }
0x4f: {  	[tilespmem:s28], [sflag:$0x1] =	stream.indirect.gather [spmem:s2], $0x40, s1, s24, $0xb8;
	[tilespmem:$0x1C8C0] =	vst v63  }
0x50: {  	_ = 	snop  }
0x51: {  	[tilespmem:s6], [sflag:$0x2] =	stream.indirect.gather [spmem:s2], $0x40, s24, s24, $0xb8;
	[tilespmem:$0x1C8C0] =	vst v63  }
0x52: {  	_ =	swait.ge [sflag:s18], $0x2000  }
0x53: {  	[sflag:s18] =	ssyncset.done $0x0  }
0x54: {  	s1 =	simm.s32 $0x2800;
	[sflag:s18] =	ssyncadd.s32 $0xFFFFE000  }
0x55: {  	[spmem:s4] =	stream.indirect.scatter.add.f32 [tilespmem:s28], [sflag:$0x3], $0x40, s1, s24, $0xb8;
	[tilespmem:$0x1C8C0] =	vst v63  }
0x56: {  	_ =	swait.ge [sflag:s21], $0x2000  }
0x57: {  	[sflag:s21] =	ssyncset.done $0x0  }
0x58: {  	s1 =	simm.s32 $0x100;
	[sflag:s21] =	ssyncadd.s32 $0xFFFFE000  }
0x59: {  	[tilespmem:s28], [sflag:$0x1] =	stream.indirect.gather [spmem:s2], $0x40, s1, s24, $0xb8;
	[tilespmem:$0x1C8C0] =	vst v63  }
0x5a: {  	_ =	swait.ge [sflag:s16], $0x2000  }
0x5b: {  	[sflag:s16] =	ssyncset.done $0x0  }
0x5c: {  	s1 =	simm.s32 $0x2880;
	[sflag:s16] =	ssyncadd.s32 $0xFFFFE000  }
0x5d: {  	[spmem:s4] =	stream.indirect.scatter.add.f32 [tilespmem:s6], [sflag:$0x4], $0x40, s1, s24, $0xb8;
	[tilespmem:$0x1C8C0] =	vst v63  }
0x5e: {  	_ =	swait.ge [sflag:s22], $0x2000  }
0x5f: {  	[sflag:s22] =	ssyncset.done $0x0  }
0x60: {  	s31 =	simm.s32 $0x180;
	s30 =	simm.s32 $0x400;
	[sflag:s22] =	ssyncadd.s32 $0xFFFFE000  }
.LBB2_8:
0x61: {  	[tilespmem:s6], [sflag:$0x2] =	stream.indirect.gather [spmem:s2], $0x40, s31, s24, $0xb8;
	[tilespmem:$0x1C8C0] =	vst v63  }
0x62: {  	s1 =	smov.u32 s30  }
0x63: {  	p3 =	sne.s32 s30, $0x9800;
	s30 =	sadd.s32 $0x400, s30;
	_ =	swait.ge [sflag:s18], $0x2000  }
0x64: {  	s1 =	sshra.s32 s1, $0x2;
	[sflag:s18] =	ssyncset.done $0x0  }
0x65: {  	s31 =	sadd.s32 $0x2800, s1;
	[sflag:s18] =	ssyncadd.s32 $0xFFFFE000  }
0x66: {  	[spmem:s4] =	stream.indirect.scatter.add.f32 [tilespmem:s28], [sflag:$0x3], $0x40, s31, s24, $0xb8;
	[tilespmem:$0x1C8C0] =	vst v63  }
0x67: {  	_ =	swait.ge [sflag:s21], $0x2000  }
0x68: {  	[sflag:s21] =	ssyncset.done $0x0  }
0x69: {  	s31 =	sadd.s32 $0x100, s1;
	[sflag:s21] =	ssyncadd.s32 $0xFFFFE000  }
0x6a: {  	[tilespmem:s28], [sflag:$0x1] =	stream.indirect.gather [spmem:s2], $0x40, s31, s24, $0xb8;
	[tilespmem:$0x1C8C0] =	vst v63  }
0x6b: {  	_ =	swait.ge [sflag:s16], $0x2000  }
0x6c: {  	[sflag:s16] =	ssyncset.done $0x0  }
.Ltmp3:
0x6d: {  	s31 =	sadd.s32 $0x2880, s1;
	[sflag:s16] =	ssyncadd.s32 $0xFFFFE000;
	(pc) =	sbr.rel @p3 .LBB2_8-.Ltmp3, $4  }
0x6e: {  	[spmem:s4] =	stream.indirect.scatter.add.f32 [tilespmem:s6], [sflag:$0x4], $0x40, s31, s24, $0xb8;
	[tilespmem:$0x1C8C0] =	vst v63  }
0x6f: {  	_ =	swait.ge [sflag:s22], $0x2000  }
0x70: {  	[sflag:s22] =	ssyncset.done $0x0  }
0x71: {  	s31 =	sadd.s32 $0x180, s1;
	[sflag:s22] =	ssyncadd.s32 $0xFFFFE000  }
0x72: {  	[tilespmem:s6], [sflag:$0x2] =	stream.indirect.gather [spmem:s2], $0x40, s31, s24, $0xb8;
	[tilespmem:$0x1C8C0] =	vst v63  }
0x73: {  	_ =	swait.ge [sflag:s18], $0x2000  }
0x74: {  	[sflag:s18] =	ssyncset.done $0x0  }
0x75: {  	[sflag:s18] =	ssyncadd.s32 $0xFFFFE000  }
0x76: {  	[spmem:s4] =	stream.indirect.scatter.add.f32 [tilespmem:s28], [sflag:$0x3], $0x40, s7, s24, $0xb8;
	[tilespmem:$0x1C8C0] =	vst v63  }
0x77: {  	_ =	swait.ge [sflag:s21], $0x2000  }
0x78: {  	[sflag:s21] =	ssyncset.done $0x0  }
0x79: {  	[sflag:s21] =	ssyncadd.s32 $0xFFFFE000  }
0x7a: {  	_ =	swait.ge [sflag:s16], $0x2000  }
0x7b: {  	[sflag:s16] =	ssyncset.done $0x0  }
0x7c: {  	[sflag:s16] =	ssyncadd.s32 $0xFFFFE000  }
0x7d: {  	[spmem:s4] =	stream.indirect.scatter.add.f32 [tilespmem:s6], [sflag:$0x4], $0x40, s8, s24, $0xb8;
	[tilespmem:$0x1C8C0] =	vst v63  }
0x7e: {  	_ =	swait.ge [sflag:s22], $0x2000  }
0x7f: {  	[sflag:s22] =	ssyncset.done $0x0  }
0x80: {  	[sflag:s22] =	ssyncadd.s32 $0xFFFFE000  }
0x81: {  	[bflag:$0x0] =	sbarrier.arrive $0xFFFF  }
0x82: {  	s25 =	sor.u32 $0x1C04, s25;
	s1 =	rddreg [dreg:$0x11]  }
0x83: {  	[hbm:s1], [sflag:s25] =	dma.local [spmem:s3], $0x1380  }
0x84: {  	s1 =	simm.s32 @p1 $0x4  }
0x85: {  	[spmem:s29], [sflag:s20] =	dma.local @p1 [hbm:s26], $0x1380  }
0x86: {  	_ =	swait.ge @p1 [sflag:s1], $0x1380  }
0x87: {  	[sflag:s1] =	ssyncset.done @p1 $0x0  }
0x88: {  	[sflag:s1] =	ssyncadd.s32 @p1 $0xFFFFEC80  }
0x89: {  	[spmem:s23], [sflag:s15] =	dma.local @p1 [hbm:s26], $0x1380  }
0x8a: {  	s1 =	simm.s32 @!p1 $0x1FC5;
	s23 =	rddreg [dreg:$0x12]  }
0x8b: {  	[hbm:s23], [sflag:s1] =	dma.local @!p1 [spmem:s5], $0x80  }
0x8c: {  	s23 =	simm.s32 @!p1 $0x5  }
0x8d: {  	_ =	swait.ge @!p1 [sflag:s23], $0x80  }
0x8e: {  	[sflag:s23] =	ssyncset.done @!p1 $0x0  }
0x8f: {  	[sflag:s23] =	ssyncadd.s32 @!p1 $0xFFFFFF80  }
0x90: {  	[spmem:s19], [sflag:s20] =	dma.local @!p1 [hbm:s26], $0x1380  }
0x91: {  	s19 =	simm.s32 @!p1 $0x4  }
0x92: {  	_ =	swait.ge @!p1 [sflag:s19], $0x1380  }
0x93: {  	[sflag:s19] =	ssyncset.done @!p1 $0x0  }
0x94: {  	[sflag:s19] =	ssyncadd.s32 @!p1 $0xFFFFEC80  }
0x95: {  	[spmem:s14], [sflag:s15] =	dma.local @!p1 [hbm:s26], $0x1380  }
0x96: {  	s14 =	rddreg [dreg:$0x13]  }
0x97: {  	[spmem:s12], [sflag:s1] =	dma.local @!p1 [hbm:s14], $0x80  }
0x98: {  	_ =	swait.ge @!p1 [sflag:s23], $0x80  }
0x99: {  	[sflag:s23] =	ssyncset.done @!p1 $0x0  }
0x9a: {  	[sflag:s23] =	ssyncadd.s32 @!p1 $0xFFFFFF80  }
0x9b: {  	[spmem:s5], [sflag:s1] =	dma.local @!p1 [hbm:s14], $0x80  }
0x9c: {  	_ =	swait.ge @!p1 [sflag:s23], $0x80  }
0x9d: {  	[sflag:s23] =	ssyncset.done @!p1 $0x0  }
0x9e: {  	s5 =	rddreg [dreg:$0x7];
	[sflag:s23] =	ssyncadd.s32 @!p1 $0xFFFFFF80  }
0x9f: {  	[spmem:s9], [sflag:s1] =	dma.local @!p1 [hbm:s5], $0x80  }
0xa0: {  	_ =	swait.ge @!p1 [sflag:s23], $0x80  }
0xa1: {  	[sflag:s23] =	ssyncset.done @!p1 $0x0  }
0xa2: {  	[sflag:s23] =	ssyncadd.s32 @!p1 $0xFFFFFF80  }
0xa3: {  	_ =	swait.ge [sflag:s18], $0x1380  }
0xa4: {  	[sflag:s18] =	ssyncset.done $0x0  }
0xa5: {  	[sflag:s18] =	ssyncadd.s32 $0xFFFFEC80  }
0xa6: {  	_ =	swait.ge [sflag:s16], $0x1380  }
0xa7: {  	[sflag:s16] =	ssyncset.done $0x0  }
0xa8: {  	[sflag:s16] =	ssyncadd.s32 $0xFFFFEC80  }
0xa9: {  	s23 =	simm.s32 $0x0;
	[bflag:$0x0] =	sbarrier.arrive $0xFFFF  }
0xaa: {  	[tilespmem:s28], [sflag:$0x1] =	stream.indirect.gather [spmem:s2], $0x40, s23, s24, $0xb8;
	[tilespmem:$0x1C8C0] =	vst v63  }
0xab: {  	_ = 	snop  }
0xac: {  	[tilespmem:s6], [sflag:$0x2] =	stream.indirect.gather [spmem:s2], $0x40, s24, s24, $0xb8;
	[tilespmem:$0x1C8C0] =	vst v63  }
0xad: {  	_ =	swait.ge [sflag:s18], $0x2000  }
0xae: {  	[sflag:s18] =	ssyncset.done $0x0  }
0xaf: {  	s29 =	simm.s32 $0x2800;
	[sflag:s18] =	ssyncadd.s32 $0xFFFFE000  }
0xb0: {  	[spmem:s4] =	stream.indirect.scatter.add.f32 [tilespmem:s28], [sflag:$0x3], $0x40, s29, s24, $0xb8;
	[tilespmem:$0x1C8C0] =	vst v63  }
0xb1: {  	_ =	swait.ge [sflag:s21], $0x2000  }
0xb2: {  	[sflag:s21] =	ssyncset.done $0x0  }
0xb3: {  	s30 =	simm.s32 $0x100;
	[sflag:s21] =	ssyncadd.s32 $0xFFFFE000  }
0xb4: {  	[tilespmem:s28], [sflag:$0x1] =	stream.indirect.gather [spmem:s2], $0x40, s30, s24, $0xb8;
	[tilespmem:$0x1C8C0] =	vst v63  }
0xb5: {  	_ =	swait.ge [sflag:s16], $0x2000  }
0xb6: {  	[sflag:s16] =	ssyncset.done $0x0  }
0xb7: {  	s31 =	simm.s32 $0x2880;
	[sflag:s16] =	ssyncadd.s32 $0xFFFFE000  }
0xb8: {  	[spmem:s4] =	stream.indirect.scatter.add.f32 [tilespmem:s6], [sflag:$0x4], $0x40, s31, s24, $0xb8;
	[tilespmem:$0x1C8C0] =	vst v63  }
0xb9: {  	_ =	swait.ge [sflag:s22], $0x2000  }
0xba: {  	[sflag:s22] =	ssyncset.done $0x0  }
0xbb: {  	s5 =	simm.s32 $0x400;
	s9 =	simm.s32 $0x180;
	[sflag:s22] =	ssyncadd.s32 $0xFFFFE000  }
.LBB2_10:
0xbc: {  	[tilespmem:s6], [sflag:$0x2] =	stream.indirect.gather [spmem:s2], $0x40, s9, s24, $0xb8;
	[tilespmem:$0x1C8C0] =	vst v63  }
0xbd: {  	s1 =	smov.u32 s5  }
0xbe: {  	p3 =	sne.s32 s5, $0x9800;
	s5 =	sadd.s32 $0x400, s5;
	_ =	swait.ge [sflag:s18], $0x2000  }
0xbf: {  	s1 =	sshra.s32 s1, $0x2;
	[sflag:s18] =	ssyncset.done $0x0  }
0xc0: {  	s9 =	sadd.s32 $0x2800, s1;
	[sflag:s18] =	ssyncadd.s32 $0xFFFFE000  }
0xc1: {  	[spmem:s4] =	stream.indirect.scatter.add.f32 [tilespmem:s28], [sflag:$0x3], $0x40, s9, s24, $0xb8;
	[tilespmem:$0x1C8C0] =	vst v63  }
0xc2: {  	_ =	swait.ge [sflag:s21], $0x2000  }
0xc3: {  	[sflag:s21] =	ssyncset.done $0x0  }
0xc4: {  	s9 =	sadd.s32 $0x100, s1;
	[sflag:s21] =	ssyncadd.s32 $0xFFFFE000  }
0xc5: {  	[tilespmem:s28], [sflag:$0x1] =	stream.indirect.gather [spmem:s2], $0x40, s9, s24, $0xb8;
	[tilespmem:$0x1C8C0] =	vst v63  }
0xc6: {  	_ =	swait.ge [sflag:s16], $0x2000  }
0xc7: {  	[sflag:s16] =	ssyncset.done $0x0  }
.Ltmp4:
0xc8: {  	s9 =	sadd.s32 $0x2880, s1;
	[sflag:s16] =	ssyncadd.s32 $0xFFFFE000;
	(pc) =	sbr.rel @p3 .LBB2_10-.Ltmp4, $4  }
0xc9: {  	[spmem:s4] =	stream.indirect.scatter.add.f32 [tilespmem:s6], [sflag:$0x4], $0x40, s9, s24, $0xb8;
	[tilespmem:$0x1C8C0] =	vst v63  }
0xca: {  	_ =	swait.ge [sflag:s22], $0x2000  }
0xcb: {  	[sflag:s22] =	ssyncset.done $0x0  }
0xcc: {  	s9 =	sadd.s32 $0x180, s1;
	[sflag:s22] =	ssyncadd.s32 $0xFFFFE000  }
0xcd: {  	[tilespmem:s6], [sflag:$0x2] =	stream.indirect.gather [spmem:s2], $0x40, s9, s24, $0xb8;
	[tilespmem:$0x1C8C0] =	vst v63  }
0xce: {  	_ =	swait.ge [sflag:s18], $0x2000  }
0xcf: {  	[sflag:s18] =	ssyncset.done $0x0  }
0xd0: {  	[sflag:s18] =	ssyncadd.s32 $0xFFFFE000  }
0xd1: {  	[spmem:s4] =	stream.indirect.scatter.add.f32 [tilespmem:s28], [sflag:$0x3], $0x40, s7, s24, $0xb8;
	[tilespmem:$0x1C8C0] =	vst v63  }
0xd2: {  	_ =	swait.ge [sflag:s21], $0x2000  }
0xd3: {  	[sflag:s21] =	ssyncset.done $0x0  }
0xd4: {  	[sflag:s21] =	ssyncadd.s32 $0xFFFFE000  }
0xd5: {  	_ =	swait.ge [sflag:s16], $0x2000  }
0xd6: {  	[sflag:s16] =	ssyncset.done $0x0  }
0xd7: {  	[sflag:s16] =	ssyncadd.s32 $0xFFFFE000  }
0xd8: {  	[spmem:s4] =	stream.indirect.scatter.add.f32 [tilespmem:s6], [sflag:$0x4], $0x40, s8, s24, $0xb8;
	[tilespmem:$0x1C8C0] =	vst v63  }
0xd9: {  	_ =	swait.ge [sflag:s22], $0x2000  }
0xda: {  	[sflag:s22] =	ssyncset.done $0x0  }
0xdb: {  	[sflag:s22] =	ssyncadd.s32 $0xFFFFE000  }
0xdc: {  	[bflag:$0x0] =	sbarrier.arrive $0xFFFF  }
0xdd: {  	s1 =	rddreg [dreg:$0x16]  }
0xde: {  	[hbm:s1], [sflag:s25] =	dma.local [spmem:s3], $0x1380  }
.Ltmp5:
0xdf: {  	_ = 	snop;
	(pc) =	sbr.rel @p1 .LBB2_13-.Ltmp5, $4  }
.Ltmp6:
0xe0: {  	_ = 	snop;
	(pc) =	sbr.rel @!p1 .LBB2_12-.Ltmp6, $4  }
0xe1: {  	_ =	swait.ge [sflag:s22], $0x1380  }
0xe2: {  	[sflag:s22] =	ssyncset.done $0x0  }
0xe3: {  	s3 =	rddreg [dreg:$0x9];
	[sflag:s22] =	ssyncadd.s32 $0xFFFFEC80  }
0xe4: {  	_ = 	snop  }
.LBB2_2:
0xe5: {  	s1 =	rddreg [dreg:$0xa]  }
0xe6: {  	[spmem:s30], [sflag:s20] =	dma.local [hbm:s1], $0x1380  }
0xe7: {  	[spmem:s3], [sflag:s15] =	dma.local [hbm:s1], $0x1380  }
0xe8: {  	s1 =	simm.s32 $0x0;
	s30 =	rddreg [dreg:$0xb]  }
0xe9: {  	[tilespmem:s1], [sflag:$0x3] =	stream.linear.gather [hbm4b:s30+s1], $0x2800, $0x38;
	[tilespmem:$0x1C8C0] =	vst v63  }
0xea: {  	s31 =	simm.s32 $0x2800;
	s30 =	rddreg [dreg:$0xc]  }
0xeb: {  	[tilespmem:s31], [sflag:$0x4] =	stream.linear.gather [hbm4b:s30+s1], $0x2800, $0x38;
	[tilespmem:$0x1C8C0] =	vst v63  }
0xec: {  	s30 =	simm.s32 @!p1 $0x1FC5;
	s1 =	rddreg [dreg:$0x19];
	s31 =	simm.s32 @!p1 $0x5  }
0xed: {  	[spmem:s12], [sflag:s30] =	dma.local @!p1 [hbm:s1], $0x80  }
0xee: {  	_ =	swait.ge @!p1 [sflag:s31], $0x80  }
0xef: {  	[sflag:s31] =	ssyncset.done @!p1 $0x0  }
0xf0: {  	[sflag:s31] =	ssyncadd.s32 @!p1 $0xFFFFFF80  }
0xf1: {  	[spmem:s5], [sflag:s30] =	dma.local @!p1 [hbm:s1], $0x80  }
0xf2: {  	_ =	swait.ge @!p1 [sflag:s31], $0x80  }
0xf3: {  	[sflag:s31] =	ssyncset.done @!p1 $0x0  }
0xf4: {  	[sflag:s31] =	ssyncadd.s32 @!p1 $0xFFFFFF80  }
0xf5: {  	s1 =	rddreg [dreg:$0x0]  }
0xf6: {  	[spmem:s9], [sflag:s30] =	dma.local @!p1 [hbm:s1], $0x80  }
0xf7: {  	_ =	swait.ge @!p1 [sflag:s31], $0x80  }
0xf8: {  	[sflag:s31] =	ssyncset.done @!p1 $0x0  }
0xf9: {  	[sflag:s31] =	ssyncadd.s32 @!p1 $0xFFFFFF80  }
0xfa: {  	_ =	swait.ge [sflag:s18], $0x1380  }
0xfb: {  	[sflag:s18] =	ssyncset.done $0x0  }
0xfc: {  	[sflag:s18] =	ssyncadd.s32 $0xFFFFEC80  }
0xfd: {  	_ =	swait.ge [sflag:s16], $0x1380  }
0xfe: {  	[sflag:s16] =	ssyncset.done $0x0  }
0xff: {  	[sflag:s16] =	ssyncadd.s32 $0xFFFFEC80  }
0x100: {  	_ =	swait.ge [sflag:s21], $0x2800  }
0x101: {  	[sflag:s21] =	ssyncset.done $0x0  }
0x102: {  	[sflag:s21] =	ssyncadd.s32 $0xFFFFD800  }
0x103: {  	_ =	swait.ge [sflag:s22], $0x2800  }
0x104: {  	[sflag:s22] =	ssyncset.done $0x0  }
0x105: {  	[sflag:s22] =	ssyncadd.s32 $0xFFFFD800  }
0x106: {  	s30 =	simm.s32 $0x0;
	[bflag:$0x0] =	sbarrier.arrive $0xFFFF  }
0x107: {  	[tilespmem:s28], [sflag:$0x1] =	stream.indirect.gather [spmem:s2], $0x40, s30, s24, $0xb8;
	[tilespmem:$0x1C8C0] =	vst v63  }
0x108: {  	_ = 	snop  }
0x109: {  	[tilespmem:s6], [sflag:$0x2] =	stream.indirect.gather [spmem:s2], $0x40, s24, s24, $0xb8;
	[tilespmem:$0x1C8C0] =	vst v63  }
0x10a: {  	_ =	swait.ge [sflag:s18], $0x2000  }
0x10b: {  	[sflag:s18] =	ssyncset.done $0x0  }
0x10c: {  	s30 =	simm.s32 $0x2800;
	[sflag:s18] =	ssyncadd.s32 $0xFFFFE000  }
0x10d: {  	[spmem:s4] =	stream.indirect.scatter.add.f32 [tilespmem:s28], [sflag:$0x3], $0x40, s30, s24, $0xb8;
	[tilespmem:$0x1C8C0] =	vst v63  }
0x10e: {  	_ =	swait.ge [sflag:s21], $0x2000  }
0x10f: {  	[sflag:s21] =	ssyncset.done $0x0  }
0x110: {  	s30 =	simm.s32 $0x100;
	[sflag:s21] =	ssyncadd.s32 $0xFFFFE000  }
0x111: {  	[tilespmem:s28], [sflag:$0x1] =	stream.indirect.gather [spmem:s2], $0x40, s30, s24, $0xb8;
	[tilespmem:$0x1C8C0] =	vst v63  }
0x112: {  	_ =	swait.ge [sflag:s16], $0x2000  }
0x113: {  	[sflag:s16] =	ssyncset.done $0x0  }
0x114: {  	s30 =	simm.s32 $0x2880;
	[sflag:s16] =	ssyncadd.s32 $0xFFFFE000  }
0x115: {  	[spmem:s4] =	stream.indirect.scatter.add.f32 [tilespmem:s6], [sflag:$0x4], $0x40, s30, s24, $0xb8;
	[tilespmem:$0x1C8C0] =	vst v63  }
0x116: {  	_ =	swait.ge [sflag:s22], $0x2000  }
0x117: {  	[sflag:s22] =	ssyncset.done $0x0  }
0x118: {  	s31 =	simm.s32 $0x180;
	s30 =	simm.s32 $0x400;
	[sflag:s22] =	ssyncadd.s32 $0xFFFFE000  }
.LBB2_3:
0x119: {  	[tilespmem:s6], [sflag:$0x2] =	stream.indirect.gather [spmem:s2], $0x40, s31, s24, $0xb8;
	[tilespmem:$0x1C8C0] =	vst v63  }
0x11a: {  	s31 =	smov.u32 s30  }
0x11b: {  	p3 =	sne.s32 s30, $0x9800;
	s30 =	sadd.s32 $0x400, s30;
	_ =	swait.ge [sflag:s18], $0x2000  }
0x11c: {  	s31 =	sshra.s32 s31, $0x2;
	[sflag:s18] =	ssyncset.done $0x0  }
0x11d: {  	s1 =	sadd.s32 $0x2800, s31;
	[sflag:s18] =	ssyncadd.s32 $0xFFFFE000  }
0x11e: {  	[spmem:s4] =	stream.indirect.scatter.add.f32 [tilespmem:s28], [sflag:$0x3], $0x40, s1, s24, $0xb8;
	[tilespmem:$0x1C8C0] =	vst v63  }
0x11f: {  	_ =	swait.ge [sflag:s21], $0x2000  }
0x120: {  	[sflag:s21] =	ssyncset.done $0x0  }
0x121: {  	s1 =	sadd.s32 $0x100, s31;
	[sflag:s21] =	ssyncadd.s32 $0xFFFFE000  }
0x122: {  	[tilespmem:s28], [sflag:$0x1] =	stream.indirect.gather [spmem:s2], $0x40, s1, s24, $0xb8;
	[tilespmem:$0x1C8C0] =	vst v63  }
0x123: {  	_ =	swait.ge [sflag:s16], $0x2000  }
0x124: {  	[sflag:s16] =	ssyncset.done $0x0  }
.Ltmp7:
0x125: {  	s1 =	sadd.s32 $0x2880, s31;
	[sflag:s16] =	ssyncadd.s32 $0xFFFFE000;
	(pc) =	sbr.rel @p3 .LBB2_3-.Ltmp7, $4  }
0x126: {  	[spmem:s4] =	stream.indirect.scatter.add.f32 [tilespmem:s6], [sflag:$0x4], $0x40, s1, s24, $0xb8;
	[tilespmem:$0x1C8C0] =	vst v63  }
0x127: {  	_ =	swait.ge [sflag:s22], $0x2000  }
0x128: {  	[sflag:s22] =	ssyncset.done $0x0  }
0x129: {  	s31 =	sadd.s32 $0x180, s31;
	[sflag:s22] =	ssyncadd.s32 $0xFFFFE000  }
0x12a: {  	[tilespmem:s6], [sflag:$0x2] =	stream.indirect.gather [spmem:s2], $0x40, s31, s24, $0xb8;
	[tilespmem:$0x1C8C0] =	vst v63  }
0x12b: {  	_ =	swait.ge [sflag:s18], $0x2000  }
0x12c: {  	[sflag:s18] =	ssyncset.done $0x0  }
0x12d: {  	[sflag:s18] =	ssyncadd.s32 $0xFFFFE000  }
0x12e: {  	[spmem:s4] =	stream.indirect.scatter.add.f32 [tilespmem:s28], [sflag:$0x3], $0x40, s7, s24, $0xb8;
	[tilespmem:$0x1C8C0] =	vst v63  }
0x12f: {  	_ =	swait.ge [sflag:s21], $0x2000  }
0x130: {  	[sflag:s21] =	ssyncset.done $0x0  }
0x131: {  	[sflag:s21] =	ssyncadd.s32 $0xFFFFE000  }
0x132: {  	_ =	swait.ge [sflag:s16], $0x2000  }
0x133: {  	[sflag:s16] =	ssyncset.done $0x0  }
0x134: {  	[sflag:s16] =	ssyncadd.s32 $0xFFFFE000  }
0x135: {  	[spmem:s4] =	stream.indirect.scatter.add.f32 [tilespmem:s6], [sflag:$0x4], $0x40, s8, s24, $0xb8;
	[tilespmem:$0x1C8C0] =	vst v63  }
0x136: {  	_ =	swait.ge [sflag:s22], $0x2000  }
0x137: {  	[sflag:s22] =	ssyncset.done $0x0  }
0x138: {  	[sflag:s22] =	ssyncadd.s32 $0xFFFFE000  }
0x139: {  	[bflag:$0x0] =	sbarrier.arrive $0xFFFF  }
0x13a: {  	s25 =	sor.u32 $0x1C04, s25;
	s1 =	rddreg [dreg:$0xd]  }
0x13b: {  	[hbm:s1], [sflag:s25] =	dma.local [spmem:s3], $0x1380  }
0x13c: {  	s1 =	simm.s32 @p1 $0x4  }
0x13d: {  	[spmem:s29], [sflag:s20] =	dma.local @p1 [hbm:s17], $0x1380  }
0x13e: {  	_ =	swait.ge @p1 [sflag:s1], $0x1380  }
0x13f: {  	[sflag:s1] =	ssyncset.done @p1 $0x0  }
0x140: {  	[sflag:s1] =	ssyncadd.s32 @p1 $0xFFFFEC80  }
0x141: {  	[spmem:s23], [sflag:s15] =	dma.local @p1 [hbm:s17], $0x1380  }
0x142: {  	s1 =	simm.s32 @!p1 $0x1FC5;
	s23 =	rddreg [dreg:$0xe]  }
0x143: {  	[hbm:s23], [sflag:s1] =	dma.local @!p1 [spmem:s5], $0x80  }
0x144: {  	s23 =	simm.s32 @!p1 $0x5  }
0x145: {  	_ =	swait.ge @!p1 [sflag:s23], $0x80  }
0x146: {  	[sflag:s23] =	ssyncset.done @!p1 $0x0  }
0x147: {  	[sflag:s23] =	ssyncadd.s32 @!p1 $0xFFFFFF80  }
0x148: {  	[spmem:s19], [sflag:s20] =	dma.local @!p1 [hbm:s17], $0x1380  }
0x149: {  	s19 =	simm.s32 @!p1 $0x4  }
0x14a: {  	_ =	swait.ge @!p1 [sflag:s19], $0x1380  }
0x14b: {  	[sflag:s19] =	ssyncset.done @!p1 $0x0  }
0x14c: {  	[sflag:s19] =	ssyncadd.s32 @!p1 $0xFFFFEC80  }
0x14d: {  	[spmem:s14], [sflag:s15] =	dma.local @!p1 [hbm:s17], $0x1380  }
0x14e: {  	s14 =	rddreg [dreg:$0xf]  }
0x14f: {  	[spmem:s12], [sflag:s1] =	dma.local @!p1 [hbm:s14], $0x80  }
0x150: {  	_ =	swait.ge @!p1 [sflag:s23], $0x80  }
0x151: {  	[sflag:s23] =	ssyncset.done @!p1 $0x0  }
0x152: {  	[sflag:s23] =	ssyncadd.s32 @!p1 $0xFFFFFF80  }
0x153: {  	[spmem:s5], [sflag:s1] =	dma.local @!p1 [hbm:s14], $0x80  }
0x154: {  	_ =	swait.ge @!p1 [sflag:s23], $0x80  }
0x155: {  	[sflag:s23] =	ssyncset.done @!p1 $0x0  }
0x156: {  	s5 =	rddreg [dreg:$0x5];
	[sflag:s23] =	ssyncadd.s32 @!p1 $0xFFFFFF80  }
0x157: {  	[spmem:s9], [sflag:s1] =	dma.local @!p1 [hbm:s5], $0x80  }
0x158: {  	_ =	swait.ge @!p1 [sflag:s23], $0x80  }
0x159: {  	[sflag:s23] =	ssyncset.done @!p1 $0x0  }
0x15a: {  	[sflag:s23] =	ssyncadd.s32 @!p1 $0xFFFFFF80  }
0x15b: {  	_ =	swait.ge [sflag:s18], $0x1380  }
0x15c: {  	[sflag:s18] =	ssyncset.done $0x0  }
0x15d: {  	[sflag:s18] =	ssyncadd.s32 $0xFFFFEC80  }
0x15e: {  	_ =	swait.ge [sflag:s16], $0x1380  }
0x15f: {  	[sflag:s16] =	ssyncset.done $0x0  }
0x160: {  	[sflag:s16] =	ssyncadd.s32 $0xFFFFEC80  }
0x161: {  	s23 =	simm.s32 $0x0;
	[bflag:$0x0] =	sbarrier.arrive $0xFFFF  }
0x162: {  	[tilespmem:s28], [sflag:$0x1] =	stream.indirect.gather [spmem:s2], $0x40, s23, s24, $0xb8;
	[tilespmem:$0x1C8C0] =	vst v63  }
0x163: {  	_ = 	snop  }
0x164: {  	[tilespmem:s6], [sflag:$0x2] =	stream.indirect.gather [spmem:s2], $0x40, s24, s24, $0xb8;
	[tilespmem:$0x1C8C0] =	vst v63  }
0x165: {  	_ =	swait.ge [sflag:s18], $0x2000  }
0x166: {  	[sflag:s18] =	ssyncset.done $0x0  }
0x167: {  	s29 =	simm.s32 $0x2800;
	[sflag:s18] =	ssyncadd.s32 $0xFFFFE000  }
0x168: {  	[spmem:s4] =	stream.indirect.scatter.add.f32 [tilespmem:s28], [sflag:$0x3], $0x40, s29, s24, $0xb8;
	[tilespmem:$0x1C8C0] =	vst v63  }
0x169: {  	_ =	swait.ge [sflag:s21], $0x2000  }
0x16a: {  	[sflag:s21] =	ssyncset.done $0x0  }
0x16b: {  	s30 =	simm.s32 $0x100;
	[sflag:s21] =	ssyncadd.s32 $0xFFFFE000  }
0x16c: {  	[tilespmem:s28], [sflag:$0x1] =	stream.indirect.gather [spmem:s2], $0x40, s30, s24, $0xb8;
	[tilespmem:$0x1C8C0] =	vst v63  }
0x16d: {  	_ =	swait.ge [sflag:s16], $0x2000  }
0x16e: {  	[sflag:s16] =	ssyncset.done $0x0  }
0x16f: {  	s31 =	simm.s32 $0x2880;
	[sflag:s16] =	ssyncadd.s32 $0xFFFFE000  }
0x170: {  	[spmem:s4] =	stream.indirect.scatter.add.f32 [tilespmem:s6], [sflag:$0x4], $0x40, s31, s24, $0xb8;
	[tilespmem:$0x1C8C0] =	vst v63  }
0x171: {  	_ =	swait.ge [sflag:s22], $0x2000  }
0x172: {  	[sflag:s22] =	ssyncset.done $0x0  }
0x173: {  	s5 =	simm.s32 $0x400;
	s9 =	simm.s32 $0x180;
	[sflag:s22] =	ssyncadd.s32 $0xFFFFE000  }
.LBB2_5:
0x174: {  	[tilespmem:s6], [sflag:$0x2] =	stream.indirect.gather [spmem:s2], $0x40, s9, s24, $0xb8;
	[tilespmem:$0x1C8C0] =	vst v63  }
0x175: {  	s1 =	smov.u32 s5  }
0x176: {  	p3 =	sne.s32 s5, $0x9800;
	s5 =	sadd.s32 $0x400, s5;
	_ =	swait.ge [sflag:s18], $0x2000  }
0x177: {  	s1 =	sshra.s32 s1, $0x2;
	[sflag:s18] =	ssyncset.done $0x0  }
0x178: {  	s9 =	sadd.s32 $0x2800, s1;
	[sflag:s18] =	ssyncadd.s32 $0xFFFFE000  }
0x179: {  	[spmem:s4] =	stream.indirect.scatter.add.f32 [tilespmem:s28], [sflag:$0x3], $0x40, s9, s24, $0xb8;
	[tilespmem:$0x1C8C0] =	vst v63  }
0x17a: {  	_ =	swait.ge [sflag:s21], $0x2000  }
0x17b: {  	[sflag:s21] =	ssyncset.done $0x0  }
0x17c: {  	s9 =	sadd.s32 $0x100, s1;
	[sflag:s21] =	ssyncadd.s32 $0xFFFFE000  }
0x17d: {  	[tilespmem:s28], [sflag:$0x1] =	stream.indirect.gather [spmem:s2], $0x40, s9, s24, $0xb8;
	[tilespmem:$0x1C8C0] =	vst v63  }
0x17e: {  	_ =	swait.ge [sflag:s16], $0x2000  }
0x17f: {  	[sflag:s16] =	ssyncset.done $0x0  }
.Ltmp8:
0x180: {  	s9 =	sadd.s32 $0x2880, s1;
	[sflag:s16] =	ssyncadd.s32 $0xFFFFE000;
	(pc) =	sbr.rel @p3 .LBB2_5-.Ltmp8, $4  }
0x181: {  	[spmem:s4] =	stream.indirect.scatter.add.f32 [tilespmem:s6], [sflag:$0x4], $0x40, s9, s24, $0xb8;
	[tilespmem:$0x1C8C0] =	vst v63  }
0x182: {  	_ =	swait.ge [sflag:s22], $0x2000  }
0x183: {  	[sflag:s22] =	ssyncset.done $0x0  }
0x184: {  	s9 =	sadd.s32 $0x180, s1;
	[sflag:s22] =	ssyncadd.s32 $0xFFFFE000  }
0x185: {  	[tilespmem:s6], [sflag:$0x2] =	stream.indirect.gather [spmem:s2], $0x40, s9, s24, $0xb8;
	[tilespmem:$0x1C8C0] =	vst v63  }
0x186: {  	_ =	swait.ge [sflag:s18], $0x2000  }
0x187: {  	[sflag:s18] =	ssyncset.done $0x0  }
0x188: {  	[sflag:s18] =	ssyncadd.s32 $0xFFFFE000  }
0x189: {  	[spmem:s4] =	stream.indirect.scatter.add.f32 [tilespmem:s28], [sflag:$0x3], $0x40, s7, s24, $0xb8;
	[tilespmem:$0x1C8C0] =	vst v63  }
0x18a: {  	_ =	swait.ge [sflag:s21], $0x2000  }
0x18b: {  	[sflag:s21] =	ssyncset.done $0x0  }
0x18c: {  	[sflag:s21] =	ssyncadd.s32 $0xFFFFE000  }
0x18d: {  	_ =	swait.ge [sflag:s16], $0x2000  }
0x18e: {  	[sflag:s16] =	ssyncset.done $0x0  }
0x18f: {  	[sflag:s16] =	ssyncadd.s32 $0xFFFFE000  }
0x190: {  	[spmem:s4] =	stream.indirect.scatter.add.f32 [tilespmem:s6], [sflag:$0x4], $0x40, s8, s24, $0xb8;
	[tilespmem:$0x1C8C0] =	vst v63  }
0x191: {  	_ =	swait.ge [sflag:s22], $0x2000  }
0x192: {  	[sflag:s22] =	ssyncset.done $0x0  }
0x193: {  	[sflag:s22] =	ssyncadd.s32 $0xFFFFE000  }
0x194: {  	[bflag:$0x0] =	sbarrier.arrive $0xFFFF  }
0x195: {  	s1 =	rddreg [dreg:$0x14]  }
0x196: {  	[hbm:s1], [sflag:s25] =	dma.local [spmem:s3], $0x1380  }
.Ltmp9:
0x197: {  	_ = 	snop;
	(pc) =	sbr.rel @p2 .LBB2_12-.Ltmp9, $4  }
.Ltmp10:
0x198: {  	_ = 	snop;
	(pc) =	sbr.rel @!p2 .LBB2_13-.Ltmp10, $4  }
0x199: {  	_ =	swait.ge [sflag:s22], $0x1380  }
0x19a: {  	[sflag:s22] =	ssyncset.done $0x0  }
0x19b: {  	s3 =	rddreg [dreg:$0x8];
	[sflag:s22] =	ssyncadd.s32 $0xFFFFEC80  }
0x19c: {  	_ = 	snop  }
.LBB2_14:
0x19d: {  	_ =	sfence.sel $0x180000  }
0x19e: {  	[bflag:$0x0] =	sbarrier.arrive $0xFFFF  }
0x19f: {  	_ =	strace $0x9000004D  }
0x1a0: {  	s0 =	stileid.u32;
	[bflag:$0x2] =	sbarrier.arrive $0xFFFF  }
0x1a1: {  	p0 =	sne.s32 s0, $0x0;
	s0 =	rddreg [dreg:$0x4]  }
0x1a2: {  	s0 =	sadd.s32 @!p0 $0x100000, s0  }
0x1a3: {  	[sflag:s0] =	ssyncadd.tile.s32 @!p0 $0x1;
	_ =	shalt  }
.Lfunc_end2:
_tile_overlayer_lowered:
.L_overlay_start_2:
0x1a4: {  	(tag) =	ssettag $0x2  }
0x1a5: {  	s0 =	rddreg [dreg:$0x0];
	s2 =	stileid.u32  }
0x1a6: {  	s1 =	rddreg [dreg:$0x1];
	p0 =	sne.s32 s2, $0x0  }
0x1a7: {  	s3 =	rddreg [dreg:$0x2];
	[bflag:$0x3] =	sbarrier.arrive $0xFFFF;
	s2 =	simm.s32 @!p0 $0x1C05  }
0x1a8: {  	[timem:s3], [sflag:s2] =	dma.local @!p0 [hbm:s0], s1  }
0x1a9: {  	s0 =	simm.s32 @!p0 $0x5  }
0x1aa: {  	_ =	swait.ge @!p0 [sflag:s0], s1  }
0x1ab: {  	s1 =	ssub.s32 @!p0 $0x0, s1;
	[sflag:s0] =	ssyncset.done @!p0 $0x0  }
0x1ac: {  	[sflag:s0] =	ssyncadd.s32 @!p0 s1  }
0x1ad: {  	[bflag:$0x3] =	sbarrier.arrive $0xFFFF  }
0x1ae: {  	_ =	shalt  }

// kernel: kernel.9.cloned.1.call-start
scs
__scs_entry_jumppad:
0x0: {  	(pc) =	sbr.rel $0x88, $3  }
0x1: {  	(tag) =	ssettag $0x0;
	lr =	simm.s32 $0x1  }
0x2: {  	[smem:$0x3F97] =	sst lr;
	_ =	strace $0xD0000000  }
0x3: {  	_ = 	snop  }
0x4: {  	_ = 	snop  }
0x5: {  	_ = 	snop  }
0x6: {  	_ = 	snop  }
0x7: {  	_ = 	snop  }
__scs_overlays_trampoline_lowered:
0x8: {  	[smem:$0x3FA6] =	sst s0  }
0x9: {  	[smem:$0x3FA7] =	sst s1  }
0xa: {  	[smem:$0x3FA8] =	sst s2  }
0xb: {  	[smem:$0x3FA9] =	sst s3  }
0xc: {  	[smem:$0x3FAA] =	sst s4  }
0xd: {  	[smem:$0x3FAB] =	sst s5  }
0xe: {  	[smem:$0x3FAC] =	sst s6  }
0xf: {  	[smem:$0x3FAD] =	sst s7  }
0x10: {  	[smem:$0x3FAE] =	sst s8  }
0x11: {  	[smem:$0x3FAF] =	sst s9;
	s0 =	simm.s32 @!p0 $0x0  }
0x12: {  	s1 =	sld [smem:$0x3F95];
	s0 =	simm.s32 @p0 $0x1  }
0x13: {  	[smem:$0x3FB0] =	sst s0;
	s0 =	simm.s32 @!p1 $0x0  }
0x14: {  	s2 =	sld [smem:$0x3F94];
	s0 =	simm.s32 @p1 $0x1  }
0x15: {  	[smem:$0x3FB1] =	sst s0;
	s0 =	simm.s32 @!p2 $0x0  }
0x16: {  	s3 =	sld [smem:$0x3FDB];
	s0 =	simm.s32 @p2 $0x1  }
0x17: {  	s4 =	simm.s32 $0x1BF5;
	[smem:$0x3FB3] =	sst s0  }
0x18: {  	s0 =	sld [smem:$0x3F96];
	_ =	swait.ge [sflag:s4], $0x0  }
0x19: {  	s7 =	sld [smem:$0x3F97]  }
0x1a: {  	s8 =	sadd.s32 $0xFFFFE003, lr  }
0x1b: {  	s9 =	sadd.s32 $0xFFFFFEF7, lr;
	s5 =	simm.s32 $0xFFFFFFFF;
	p2 =	slt.u32 s8, $0xFFFFF086  }
0x1c: {  	p1 =	slt.u32 s9, $0xF7A;
	s5 =	simm.s32 @!p2 $0x0  }
0x1d: {  	s5 =	simm.s32 @p1 $0x1;
	p0 =	seq.s32 s7, s2  }
0x1e: {  	s7 =	smul.u32 @!p0 $0xF7A, s2;
	p2 =	seq.s32 @!p0 s5, $0x0  }
0x1f: {  	s9 =	smul.u32 $0xF7A, s1;
	s8 =	simm.s32 @!p0 $0x1BF5;
	p2 =	por !p2, p0  }
0x20: {  	[sflag:s8] =	ssyncset.s32 @!p0 $0xFFFFF086;
	s6 =	sadd.s32 @!p0 s3, s7;
	s7 =	simm.s32 @!p0 $0x108  }
0x21: {  	s3 =	sadd.s32 s3, s9;
	s6 =	sadd.s32 @!p0 $0x88, s6;
	s7 =	simm.s32 @p2 $0x1082  }
0x22: {  	[simem:s7], [sflag:s8] =	dma.local @!p0 [hbm:s6], $0xF7A  }
0x23: {  	s9 =	sor.u32 $0xD0000000, s2;
	s6 =	simm.s32 $0x108;
	_ =	swait.ge @!p0 [sflag:s8], $0x0  }
0x24: {  	s3 =	sadd.s32 $0x88, s3;
	s6 =	simm.s32 @!p1 $0x1082;
	[sflag:s4] =	ssyncset.s32 $0xFFFFF086  }
0x25: {  	[simem:s6], [sflag:s4] =	dma.local [hbm:s3], $0xF7A  }
0x26: {  	[smem:$0x3F97] =	sst s1;
	(tag) =	ssettag s2;
	_ =	strace s9  }
0x27: {  	s1 =	sld [smem:$0x3FA7]  }
0x28: {  	s2 =	sld [smem:$0x3FA8]  }
0x29: {  	s4 =	sld [smem:$0x3FAA]  }
0x2a: {  	p0 =	seq.s32 s5, $0x0;
	s5 =	sld [smem:$0x3FAB]  }
0x2b: {  	s6 =	sld [smem:$0x3FAC]  }
0x2c: {  	s7 =	sld [smem:$0x3FAD]  }
0x2d: {  	s3 =	simm.s32 $0x108;
	s8 =	sld [smem:$0x3FAE]  }
0x2e: {  	s3 =	simm.s32 @!p0 $0x1082;
	s9 =	sld [smem:$0x3FAF]  }
0x2f: {  	lr =	sadd.s32 s0, s3;
	s0 =	sld [smem:$0x3FA6]  }
0x30: {  	s3 =	sld [smem:$0x3FA9]  }
0x31: {  	[smem:$0x3FB2] =	sst s10  }
0x32: {  	s10 =	sld [smem:$0x3FB0];
	_ =	sdelay $0x3  }
0x33: {  	p0 =	seq.s32 s10, $0x1;
	s10 =	sld [smem:$0x3FB2];
	_ =	sdelay $0x3  }
0x34: {  	[smem:$0x3FB2] =	sst s10  }
0x35: {  	s10 =	sld [smem:$0x3FB1];
	_ =	sdelay $0x3  }
0x36: {  	p1 =	seq.s32 s10, $0x1;
	s10 =	sld [smem:$0x3FB2];
	_ =	sdelay $0x3  }
0x37: {  	[smem:$0x3FB2] =	sst s10  }
0x38: {  	s10 =	sld [smem:$0x3FB3]  }
0x39: {  	_ = 	snop;
	(pc) =	sbr.ind lr, $3  }
0x3a: {  	_ = 	snop  }
0x3b: {  	_ = 	snop  }
0x3c: {  	p2 =	seq.s32 s10, $0x1;
	s10 =	sld [smem:$0x3FB2]  }
0x3d: {  	_ =	shalt  }
0x3e: {  	_ =	shalt  }
0x3f: {  	_ =	shalt  }
0x40: {  	_ =	shalt  }
0x41: {  	_ =	shalt  }
0x42: {  	_ =	shalt  }
0x43: {  	_ =	shalt  }
0x44: {  	_ =	shalt  }
0x45: {  	_ =	shalt  }
0x46: {  	_ =	shalt  }
0x47: {  	_ =	shalt  }
0x48: {  	_ =	shalt  }
0x49: {  	_ =	shalt  }
0x4a: {  	_ =	shalt  }
0x4b: {  	_ =	shalt  }
0x4c: {  	_ =	shalt  }
0x4d: {  	_ =	shalt  }
0x4e: {  	_ =	shalt  }
0x4f: {  	_ =	shalt  }
0x50: {  	_ =	shalt  }
0x51: {  	_ =	shalt  }
0x52: {  	_ =	shalt  }
0x53: {  	_ =	shalt  }
0x54: {  	_ =	shalt  }
0x55: {  	_ =	shalt  }
0x56: {  	_ =	shalt  }
0x57: {  	_ =	shalt  }
0x58: {  	_ =	shalt  }
0x59: {  	_ =	shalt  }
0x5a: {  	_ =	shalt  }
0x5b: {  	_ =	shalt  }
0x5c: {  	_ =	shalt  }
0x5d: {  	_ =	shalt  }
0x5e: {  	_ =	shalt  }
0x5f: {  	_ =	shalt  }
0x60: {  	_ =	shalt  }
0x61: {  	_ =	shalt  }
0x62: {  	_ =	shalt  }
0x63: {  	_ =	shalt  }
0x64: {  	_ =	shalt  }
0x65: {  	_ =	shalt  }
0x66: {  	_ =	shalt  }
0x67: {  	_ =	shalt  }
0x68: {  	_ =	shalt  }
0x69: {  	_ =	shalt  }
0x6a: {  	_ =	shalt  }
0x6b: {  	_ =	shalt  }
0x6c: {  	_ =	shalt  }
0x6d: {  	_ =	shalt  }
0x6e: {  	_ =	shalt  }
0x6f: {  	_ =	shalt  }
0x70: {  	_ =	shalt  }
0x71: {  	_ =	shalt  }
0x72: {  	_ =	shalt  }
0x73: {  	_ =	shalt  }
0x74: {  	_ =	shalt  }
0x75: {  	_ =	shalt  }
0x76: {  	_ =	shalt  }
0x77: {  	_ =	shalt  }
0x78: {  	_ =	shalt  }
0x79: {  	_ =	shalt  }
0x7a: {  	_ =	shalt  }
0x7b: {  	_ =	shalt  }
0x7c: {  	_ =	shalt  }
0x7d: {  	_ =	shalt  }
0x7e: {  	_ =	shalt  }
0x7f: {  	_ =	shalt  }
0x80: {  	_ =	shalt  }
0x81: {  	_ =	shalt  }
0x82: {  	_ =	shalt  }
0x83: {  	_ =	shalt  }
0x84: {  	_ =	shalt  }
0x85: {  	_ =	shalt  }
0x86: {  	_ =	shalt  }
0x87: {  	_ =	shalt  }
.Lfunc_end0:
.L_simem_size_0:
called_computation_lowered:
.L_overlay_start_0:
0x88: {  	s2 =	sld [smem:$0x3FD9]  }
0x89: {  	s3 =	sld [smem:$0x3FFE];
	_ =	sdelay $0x1  }
0x8a: {  	s1 =	srdreg.scid  }
0x8b: {  	s0 =	sand.u32 $0x1, s1  }
0x8c: {  	s17 =	sshll.u32 s0, $0xA;
	s2 =	sadd.s32 s3, s2  }
0x8d: {  	s2 =	sadd.s32 s2, s17  }
0x8e: {  	[smem:$0x3FBE] =	sst s2  }
0x8f: {  	_ = 	snop  }
0x90: {  	s2 =	sld [smem:$0x3FD0];
	(tm) =	ssettm $0x1  }
0x91: {  	s18 =	sld [smem:$0x3FFB];
	_ =	sdelay $0x3  }
0x92: {  	_ =	strace s18  }
0x93: {  	s3 =	sld [smem:$0x3FFC];
	_ =	sdelay $0x3  }
0x94: {  	_ =	strace s3  }
0x95: {  	s3 =	sld [smem:$0x3FFD];
	_ =	sdelay $0x3  }
0x96: {  	_ =	strace s3  }
0x97: {  	_ =	strace $0x8FFFFFFF  }
0x98: {  	s19 =	sld [smem:$0x3FDB];
	_ =	sdelay $0x1  }
0x99: {  	s4 =	simm.s32 $_scs_section_size  }
0x9a: {  	s5 =	simm.s32 $_size__tile_overlayer_lowered;
	s6 =	simm.s32 $_tile_overlayer_lowered  }
0x9b: {  	s22 =	simm.s32 $0x1BFF;
	s21 =	sshll.u32 s6, $0x1;
	s3 =	sadd.s32 s4, s19  }
0x9c: {  	s7 =	simm.s32 $0x0;
	s20 =	sshll.u32 s5, $0x1;
	s5 =	sadd.s32 s21, s3  }
0x9d: {  	[timem:s7], [sflag:s22] =	dma.local [hbm:s5], s20  }
0x9e: {  	_ =	swait.ge [sflag:s22], s20  }
0x9f: {  	s4 =	ssub.s32 $0x0, s20;
	[sflag:s22] =	ssyncset.done $0x0  }
0xa0: {  	[sflag:s22] =	ssyncadd.s32 s4;
	_ =	sdelay $0x1  }
0xa1: {  	s23 =	simm.s32 $0x1B8B  }
0xa2: {  	_ =	swait.ge [sflag:s23], $0x1  }
0xa3: {  	[sflag:s23] =	ssyncset.done $0x0  }
0xa4: {  	s25 =	simm.s32 $0x1B8E;
	s24 =	sld [smem:$0x3FFE];
	[sflag:s23] =	ssyncadd.s32 $0xFFFFFFFF  }
0xa5: {  	s26 =	simm.s32 $execute0_lowered;
	[smem:$0x3FD2] =	sst s25  }
0xa6: {  	s5 =	sshll.u32 s26, $0x1;
	_ =	strace $0x80000046;
	[dreg:$0x1] =	wrdreg $0xFFFFFFFF  }
0xa7: {  	s28 =	simm.s32 $_size_execute0_lowered;
	s3 =	sadd.s32 s3, s5;
	[dreg:$0x0] =	wrdreg $0x0  }
0xa8: {  	s5 =	sshll.u32 s28, $0x1;
	[dreg:$0x2] =	wrdreg s3  }
0xa9: {  	[dreg:$0x3] =	wrdreg s5  }
0xaa: {  	[dreg:$0x4] =	wrdreg $0xC0  }
0xab: {  	_ =	task [dreg:s7], $0x5FFFF  }
0xac: {  	[dreg:$0x1] =	wrdreg $0xFFFFFFFF  }
0xad: {  	[dreg:$0x0] =	wrdreg $0x60  }
0xae: {  	[dreg:$0x2] =	wrdreg s2  }
0xaf: {  	[dreg:$0x3] =	wrdreg s24  }
0xb0: {  	[dreg:$0x4] =	wrdreg $0x90000  }
0xb1: {  	[dreg:$0x5] =	wrdreg $0x12C400  }
0xb2: {  	[dreg:$0x6] =	wrdreg $0x9  }
0xb3: {  	_ =	task.clear_ibuf [dreg:s7], $0x7FFFF;
	_ =	strace $0x90000046  }
0xb4: {  	s29 =	simm.s32 $0x9;
	_ =	strace $0x80000048  }
0xb5: {  	_ =	swait.ge [sflag:s29], $0x1  }
0xb6: {  	[sflag:s29] =	ssyncadd.s32 $0xFFFFFFFF  }
0xb7: {  	_ =	strace $0x90000048  }
0xb8: {  	_ =	sfence  }
0xb9: {  	s30 =	sld [smem:$0x0];
	_ =	sdelay $0x2  }
0xba: {  	s31 =	sshll.u32 s1, $0xD;
	s1 =	sshrl.u32 s1, $0x2  }
0xbb: {  	s3 =	sand.u32 $0x4000, s31;
	s1 =	sadd.s32 s1, s30  }
0xbc: {  	s0 =	sor.u32 s3, s0;
	s1 =	sshll.u32 s1, $0x11  }
0xbd: {  	s0 =	sor.u32 s1, s0  }
0xbe: {  	s0 =	sadd.s32 $0x8F2B, s0  }
0xbf: {  	[sflag:s0] =	ssyncadd.remote.s32 $0x1  }
0xc0: {  	_ =	sfence.sel $0xFFFF  }
0xc1: {  	[dreg:$0x0] =	wrdreg $0xFFFFFFFF;
	(pc) =	sbr.abs _section_cstart, $3  }
0xc2: {  	[dreg:$0x1] =	wrdreg $0xFFFFFFFF  }
0xc3: {  	_ =	task.clear_ibuf [dreg:s7], $0x2FFFF;
	_ =	strace $0x9FFFFFFF  }
0xc4: {  	(tm) =	ssettm $0x7FFFFFFF  }
0xc5: {  	_ =	shalt  }
tec
execute0_lowered:
.L_overlay_start_1:
0x0: {  	(tag) =	ssettag $0x1  }
0x1: {  	s10 =	rddreg [dreg:$0x0]  }
0x2: {  	s0 =	rddreg [dreg:$0x1]  }
0x3: {  	s2 =	rddreg [dreg:$0x2]  }
0x4: {  	s4 =	rddreg [dreg:$0x3];
	s1 =	simm.s32 $0x0;
	s12 =	stileid.u32  }
0x5: {  	s5 =	srdreg.scid;
	s28 =	simm.s32 $0x5000;
	[smem:$0x7FF] =	sst s1  }
0x6: {  	s14 =	sadd.s32 $0x3C00, s0;
	s29 =	smul.u32 $0x500, s12;
	s15 =	sadd.s32 $0x17600, s0  }
0x7: {  	s21 =	sadd.s32 $0x83600, s0;
	_ =	strace $0x80000047;
	[dreg:$0x5] =	wrdreg s14  }
0x8: {  	s3 =	smul.u32 $0x9C00, s12;
	s18 =	sadd.s32 $0x48A00, s0;
	[dreg:$0x12] =	wrdreg s21  }
0x9: {  	s16 =	sadd.s32 $0x2B000, s0;
	s5 =	sand.u32 $0x1, s5;
	[dreg:$0x8] =	wrdreg s18  }
0xa: {  	s19 =	sadd.s32 $0x83800, s0;
	p1 =	sne.s32 s12, $0xF;
	[dreg:$0x6] =	wrdreg s15  }
0xb: {  	p2 =	seq.s32 s12, $0xF;
	s7 =	ssub.s32 $0x2, s5;
	[dreg:$0x7] =	wrdreg s16  }
0xc: {  	p0 =	seq.s32 s5, $0x1;
	s5 =	sadd.s32 $0x6FC00, s0;
	[dreg:$0x9] =	wrdreg s19  }
0xd: {  	s21 =	simm.s32 $0x3;
	s1 =	sadd.s32 s29, s0;
	s6 =	sshrl.u32 s3, $0x3  }
0xe: {  	s9 =	sshrl.u32 s7, $0x1;
	[dreg:$0xe] =	wrdreg s5;
	s29 =	sadd.s32 $0x9C000, s2  }
0xf: {  	s11 =	sadd.s32 s3, s2;
	s30 =	sadd.s32 s10, s6;
	[dreg:$0x18] =	wrdreg s29  }
0x10: {  	s13 =	sadd.s32 s3, s4;
	s31 =	sadd.s32 $0x43A00, s1;
	[dreg:$0xa] =	wrdreg s30  }
0x11: {  	s8 =	sadd.s32 s6, s0;
	s1 =	sadd.s32 $0x3EA00, s1;
	[dreg:$0xb] =	wrdreg s31  }
0x12: {  	s7 =	ssub.s32 s7, s9;
	s9 =	sadd.s32 $0x17400, s0;
	[dreg:$0xc] =	wrdreg s1  }
0x13: {  	s17 =	sadd.s32 s14, s6;
	s14 =	sadd.s32 $0x2AE00, s0;
	[dreg:$0xf] =	wrdreg s9  }
0x14: {  	s0 =	sadd.s32 $0x3E800, s0;
	s22 =	sadd.s32 s18, s6;
	[dreg:$0x10] =	wrdreg s14  }
0x15: {  	s23 =	sadd.s32 s15, s6;
	s26 =	sadd.s32 s16, s6;
	[dreg:$0x13] =	wrdreg s0  }
0x16: {  	s24 =	sadd.s32 s19, s6;
	s18 =	simm.s32 $0x1;
	[dreg:$0x14] =	wrdreg s22  }
0x17: {  	s16 =	simm.s32 $0x2;
	s6 =	simm.s32 $0x7000;
	[dreg:$0x15] =	wrdreg s23  }
0x18: {  	s3 =	sadd.s32 $0x5C400, s8;
	s20 =	sadd.s32 $0x6FE00, s8;
	[dreg:$0x16] =	wrdreg s24  }
.Ltmp0:
0x19: {  	s25 =	smax.u32 s7, $0x1;
	[dreg:$0xd] =	wrdreg s3;
	(pc) =	sbr.rel .LBB2_1-.Ltmp0, $4  }
0x1a: {  	s30 =	sadd.s32 $0x13800, s10;
	s0 =	sadd.s32 $0x9C000, s4;
	[dreg:$0x11] =	wrdreg s20  }
0x1b: {  	s31 =	sadd.s32 $0x9C400, s4;
	s22 =	simm.s32 $0x4;
	[dreg:$0x17] =	wrdreg s25  }
0x1c: {  	s24 =	simm.s32 $0x80;
	s7 =	simm.s32 $0x4F00;
	[dreg:$0x19] =	wrdreg s30  }
0x1d: {  	s8 =	simm.s32 $0x4F80;
	s10 =	simm.s32 $0x0;
	[dreg:$0x1a] =	wrdreg s31  }
.LBB2_12:
0x1e: {  	s1 =	sadd.s32 $0x13800, s3  }
0x1f: {  	s30 =	sshrl.u32 s0, $0x3;
	s5 =	simm.s32 $0x1FC5;
	s31 =	simm.s32 $0x5  }
0x20: {  	[hbm:s1], [sflag:s5] =	dma.local [spmem:s30], $0x80  }
0x21: {  	_ =	swait.ge [sflag:s31], $0x80  }
0x22: {  	[sflag:s31] =	ssyncset.done $0x0  }
0x23: {  	[sflag:s31] =	ssyncadd.s32 $0xFFFFFF80  }
.LBB2_13:
0x24: {  	s10 =	sadd.s32 $0x1, s10;
	s1 =	rddreg [dreg:$0x17]  }
0x25: {  	p3 =	sne.s32 s10, s1  }
.Ltmp1:
0x26: {  	_ = 	snop;
	(pc) =	sbr.rel @!p3 .LBB2_14-.Ltmp1, $1  }
0x27: {  	_ =	sdelay $0x3  }
.LBB2_1:
0x28: {  	s1 =	stileid.u32  }
.Ltmp2:
0x29: {  	s30 =	sshrl.u32 s11, $0x3;
	s5 =	sshrl.u32 @!p1 s0, $0x3;
	(pc) =	sbr.rel @!p0 .LBB2_2-.Ltmp2, $4  }
0x2a: {  	s29 =	sshrl.u32 @p1 s11, $0x3;
	s23 =	sshrl.u32 @p1 s13, $0x3;
	s19 =	sshrl.u32 @!p1 s11, $0x3  }
0x2b: {  	s14 =	sshrl.u32 @!p1 s13, $0x3;
	s25 =	sshll.u32 s1, $0x6;
	s1 =	rddreg [dreg:$0x18]  }
0x2c: {  	s3 =	sshrl.u32 s13, $0x3;
	s12 =	sshrl.u32 @!p1 s1, $0x3;
	s1 =	rddreg [dreg:$0x1a]  }
0x2d: {  	s20 =	sor.u32 $0x1C01, s25;
	s15 =	sor.u32 $0x1C02, s25;
	s9 =	sshrl.u32 @!p1 s1, $0x3  }
0x2e: {  	s1 =	rddreg [dreg:$0x15]  }
0x2f: {  	[spmem:s30], [sflag:s20] =	dma.local [hbm:s1], $0x1380  }
0x30: {  	[spmem:s3], [sflag:s15] =	dma.local [hbm:s1], $0x1380  }
0x31: {  	s1 =	simm.s32 $0x0;
	s30 =	rddreg [dreg:$0xb]  }
0x32: {  	[tilespmem:s1], [sflag:$0x3] =	stream.linear.gather [hbm4b:s30+s1], $0x2800, $0x38;
	[tilespmem:$0x1C8C0] =	vst v63  }
0x33: {  	s31 =	simm.s32 $0x2800;
	s30 =	rddreg [dreg:$0xc]  }
0x34: {  	[tilespmem:s31], [sflag:$0x4] =	stream.linear.gather [hbm4b:s30+s1], $0x2800, $0x38;
	[tilespmem:$0x1C8C0] =	vst v63  }
0x35: {  	s1 =	simm.s32 @!p1 $0x1FC5;
	s31 =	rddreg [dreg:$0x10];
	s30 =	simm.s32 @!p1 $0x5  }
0x36: {  	[spmem:s12], [sflag:s1] =	dma.local @!p1 [hbm:s31], $0x80  }
0x37: {  	_ =	swait.ge @!p1 [sflag:s30], $0x80  }
0x38: {  	[sflag:s30] =	ssyncset.done @!p1 $0x0  }
0x39: {  	[sflag:s30] =	ssyncadd.s32 @!p1 $0xFFFFFF80  }
0x3a: {  	[spmem:s5], [sflag:s1] =	dma.local @!p1 [hbm:s31], $0x80  }
0x3b: {  	_ =	swait.ge @!p1 [sflag:s30], $0x80  }
0x3c: {  	[sflag:s30] =	ssyncset.done @!p1 $0x0  }
0x3d: {  	s31 =	rddreg [dreg:$0x6];
	[sflag:s30] =	ssyncadd.s32 @!p1 $0xFFFFFF80  }
0x3e: {  	[spmem:s9], [sflag:s1] =	dma.local @!p1 [hbm:s31], $0x80  }
0x3f: {  	_ =	swait.ge @!p1 [sflag:s30], $0x80  }
0x40: {  	[sflag:s30] =	ssyncset.done @!p1 $0x0  }
0x41: {  	[sflag:s30] =	ssyncadd.s32 @!p1 $0xFFFFFF80  }
0x42: {  	_ =	swait.ge [sflag:s18], $0x1380  }
0x43: {  	[sflag:s18] =	ssyncset.done $0x0  }
0x44: {  	[sflag:s18] =	ssyncadd.s32 $0xFFFFEC80  }
0x45: {  	_ =	swait.ge [sflag:s16], $0x1380  }
0x46: {  	[sflag:s16] =	ssyncset.done $0x0  }
0x47: {  	[sflag:s16] =	ssyncadd.s32 $0xFFFFEC80  }
0x48: {  	_ =	swait.ge [sflag:s21], $0x2800  }
0x49: {  	[sflag:s21] =	ssyncset.done $0x0  }
0x4a: {  	[sflag:s21] =	ssyncadd.s32 $0xFFFFD800  }
0x4b: {  	_ =	swait.ge [sflag:s22], $0x2800  }
0x4c: {  	[sflag:s22] =	ssyncset.done $0x0  }
0x4d: {  	[sflag:s22] =	ssyncadd.s32 $0xFFFFD800  }
0x4e: {  	s1 =	simm.s32 $0x0;
	[bflag:$0x0] =	sbarrier.arrive $0xFFFF  }
0x4f: {  	[tilespmem:s28], [sflag:$0x1] =	stream.indirect.gather [spmem:s2], $0x40, s1, s24, $0xb8;
	[tilespmem:$0x1C8C0] =	vst v63  }
0x50: {  	_ = 	snop  }
0x51: {  	[tilespmem:s6], [sflag:$0x2] =	stream.indirect.gather [spmem:s2], $0x40, s24, s24, $0xb8;
	[tilespmem:$0x1C8C0] =	vst v63  }
0x52: {  	_ =	swait.ge [sflag:s18], $0x2000  }
0x53: {  	[sflag:s18] =	ssyncset.done $0x0  }
0x54: {  	s1 =	simm.s32 $0x2800;
	[sflag:s18] =	ssyncadd.s32 $0xFFFFE000  }
0x55: {  	[spmem:s4] =	stream.indirect.scatter.add.f32 [tilespmem:s28], [sflag:$0x3], $0x40, s1, s24, $0xb8;
	[tilespmem:$0x1C8C0] =	vst v63  }
0x56: {  	_ =	swait.ge [sflag:s21], $0x2000  }
0x57: {  	[sflag:s21] =	ssyncset.done $0x0  }
0x58: {  	s1 =	simm.s32 $0x100;
	[sflag:s21] =	ssyncadd.s32 $0xFFFFE000  }
0x59: {  	[tilespmem:s28], [sflag:$0x1] =	stream.indirect.gather [spmem:s2], $0x40, s1, s24, $0xb8;
	[tilespmem:$0x1C8C0] =	vst v63  }
0x5a: {  	_ =	swait.ge [sflag:s16], $0x2000  }
0x5b: {  	[sflag:s16] =	ssyncset.done $0x0  }
0x5c: {  	s1 =	simm.s32 $0x2880;
	[sflag:s16] =	ssyncadd.s32 $0xFFFFE000  }
0x5d: {  	[spmem:s4] =	stream.indirect.scatter.add.f32 [tilespmem:s6], [sflag:$0x4], $0x40, s1, s24, $0xb8;
	[tilespmem:$0x1C8C0] =	vst v63  }
0x5e: {  	_ =	swait.ge [sflag:s22], $0x2000  }
0x5f: {  	[sflag:s22] =	ssyncset.done $0x0  }
0x60: {  	s31 =	simm.s32 $0x180;
	s30 =	simm.s32 $0x400;
	[sflag:s22] =	ssyncadd.s32 $0xFFFFE000  }
.LBB2_8:
0x61: {  	[tilespmem:s6], [sflag:$0x2] =	stream.indirect.gather [spmem:s2], $0x40, s31, s24, $0xb8;
	[tilespmem:$0x1C8C0] =	vst v63  }
0x62: {  	s1 =	smov.u32 s30  }
0x63: {  	p3 =	sne.s32 s30, $0x9800;
	s30 =	sadd.s32 $0x400, s30;
	_ =	swait.ge [sflag:s18], $0x2000  }
0x64: {  	s1 =	sshra.s32 s1, $0x2;
	[sflag:s18] =	ssyncset.done $0x0  }
0x65: {  	s31 =	sadd.s32 $0x2800, s1;
	[sflag:s18] =	ssyncadd.s32 $0xFFFFE000  }
0x66: {  	[spmem:s4] =	stream.indirect.scatter.add.f32 [tilespmem:s28], [sflag:$0x3], $0x40, s31, s24, $0xb8;
	[tilespmem:$0x1C8C0] =	vst v63  }
0x67: {  	_ =	swait.ge [sflag:s21], $0x2000  }
0x68: {  	[sflag:s21] =	ssyncset.done $0x0  }
0x69: {  	s31 =	sadd.s32 $0x100, s1;
	[sflag:s21] =	ssyncadd.s32 $0xFFFFE000  }
0x6a: {  	[tilespmem:s28], [sflag:$0x1] =	stream.indirect.gather [spmem:s2], $0x40, s31, s24, $0xb8;
	[tilespmem:$0x1C8C0] =	vst v63  }
0x6b: {  	_ =	swait.ge [sflag:s16], $0x2000  }
0x6c: {  	[sflag:s16] =	ssyncset.done $0x0  }
.Ltmp3:
0x6d: {  	s31 =	sadd.s32 $0x2880, s1;
	[sflag:s16] =	ssyncadd.s32 $0xFFFFE000;
	(pc) =	sbr.rel @p3 .LBB2_8-.Ltmp3, $4  }
0x6e: {  	[spmem:s4] =	stream.indirect.scatter.add.f32 [tilespmem:s6], [sflag:$0x4], $0x40, s31, s24, $0xb8;
	[tilespmem:$0x1C8C0] =	vst v63  }
0x6f: {  	_ =	swait.ge [sflag:s22], $0x2000  }
0x70: {  	[sflag:s22] =	ssyncset.done $0x0  }
0x71: {  	s31 =	sadd.s32 $0x180, s1;
	[sflag:s22] =	ssyncadd.s32 $0xFFFFE000  }
0x72: {  	[tilespmem:s6], [sflag:$0x2] =	stream.indirect.gather [spmem:s2], $0x40, s31, s24, $0xb8;
	[tilespmem:$0x1C8C0] =	vst v63  }
0x73: {  	_ =	swait.ge [sflag:s18], $0x2000  }
0x74: {  	[sflag:s18] =	ssyncset.done $0x0  }
0x75: {  	[sflag:s18] =	ssyncadd.s32 $0xFFFFE000  }
0x76: {  	[spmem:s4] =	stream.indirect.scatter.add.f32 [tilespmem:s28], [sflag:$0x3], $0x40, s7, s24, $0xb8;
	[tilespmem:$0x1C8C0] =	vst v63  }
0x77: {  	_ =	swait.ge [sflag:s21], $0x2000  }
0x78: {  	[sflag:s21] =	ssyncset.done $0x0  }
0x79: {  	[sflag:s21] =	ssyncadd.s32 $0xFFFFE000  }
0x7a: {  	_ =	swait.ge [sflag:s16], $0x2000  }
0x7b: {  	[sflag:s16] =	ssyncset.done $0x0  }
0x7c: {  	[sflag:s16] =	ssyncadd.s32 $0xFFFFE000  }
0x7d: {  	[spmem:s4] =	stream.indirect.scatter.add.f32 [tilespmem:s6], [sflag:$0x4], $0x40, s8, s24, $0xb8;
	[tilespmem:$0x1C8C0] =	vst v63  }
0x7e: {  	_ =	swait.ge [sflag:s22], $0x2000  }
0x7f: {  	[sflag:s22] =	ssyncset.done $0x0  }
0x80: {  	[sflag:s22] =	ssyncadd.s32 $0xFFFFE000  }
0x81: {  	[bflag:$0x0] =	sbarrier.arrive $0xFFFF  }
0x82: {  	s25 =	sor.u32 $0x1C04, s25;
	s1 =	rddreg [dreg:$0x11]  }
0x83: {  	[hbm:s1], [sflag:s25] =	dma.local [spmem:s3], $0x1380  }
0x84: {  	s1 =	simm.s32 @p1 $0x4  }
0x85: {  	[spmem:s29], [sflag:s20] =	dma.local @p1 [hbm:s26], $0x1380  }
0x86: {  	_ =	swait.ge @p1 [sflag:s1], $0x1380  }
0x87: {  	[sflag:s1] =	ssyncset.done @p1 $0x0  }
0x88: {  	[sflag:s1] =	ssyncadd.s32 @p1 $0xFFFFEC80  }
0x89: {  	[spmem:s23], [sflag:s15] =	dma.local @p1 [hbm:s26], $0x1380  }
0x8a: {  	s1 =	simm.s32 @!p1 $0x1FC5;
	s23 =	rddreg [dreg:$0x12]  }
0x8b: {  	[hbm:s23], [sflag:s1] =	dma.local @!p1 [spmem:s5], $0x80  }
0x8c: {  	s23 =	simm.s32 @!p1 $0x5  }
0x8d: {  	_ =	swait.ge @!p1 [sflag:s23], $0x80  }
0x8e: {  	[sflag:s23] =	ssyncset.done @!p1 $0x0  }
0x8f: {  	[sflag:s23] =	ssyncadd.s32 @!p1 $0xFFFFFF80  }
0x90: {  	[spmem:s19], [sflag:s20] =	dma.local @!p1 [hbm:s26], $0x1380  }
0x91: {  	s19 =	simm.s32 @!p1 $0x4  }
0x92: {  	_ =	swait.ge @!p1 [sflag:s19], $0x1380  }
0x93: {  	[sflag:s19] =	ssyncset.done @!p1 $0x0  }
0x94: {  	[sflag:s19] =	ssyncadd.s32 @!p1 $0xFFFFEC80  }
0x95: {  	[spmem:s14], [sflag:s15] =	dma.local @!p1 [hbm:s26], $0x1380  }
0x96: {  	s14 =	rddreg [dreg:$0x13]  }
0x97: {  	[spmem:s12], [sflag:s1] =	dma.local @!p1 [hbm:s14], $0x80  }
0x98: {  	_ =	swait.ge @!p1 [sflag:s23], $0x80  }
0x99: {  	[sflag:s23] =	ssyncset.done @!p1 $0x0  }
0x9a: {  	[sflag:s23] =	ssyncadd.s32 @!p1 $0xFFFFFF80  }
0x9b: {  	[spmem:s5], [sflag:s1] =	dma.local @!p1 [hbm:s14], $0x80  }
0x9c: {  	_ =	swait.ge @!p1 [sflag:s23], $0x80  }
0x9d: {  	[sflag:s23] =	ssyncset.done @!p1 $0x0  }
0x9e: {  	s5 =	rddreg [dreg:$0x7];
	[sflag:s23] =	ssyncadd.s32 @!p1 $0xFFFFFF80  }
0x9f: {  	[spmem:s9], [sflag:s1] =	dma.local @!p1 [hbm:s5], $0x80  }
0xa0: {  	_ =	swait.ge @!p1 [sflag:s23], $0x80  }
0xa1: {  	[sflag:s23] =	ssyncset.done @!p1 $0x0  }
0xa2: {  	[sflag:s23] =	ssyncadd.s32 @!p1 $0xFFFFFF80  }
0xa3: {  	_ =	swait.ge [sflag:s18], $0x1380  }
0xa4: {  	[sflag:s18] =	ssyncset.done $0x0  }
0xa5: {  	[sflag:s18] =	ssyncadd.s32 $0xFFFFEC80  }
0xa6: {  	_ =	swait.ge [sflag:s16], $0x1380  }
0xa7: {  	[sflag:s16] =	ssyncset.done $0x0  }
0xa8: {  	[sflag:s16] =	ssyncadd.s32 $0xFFFFEC80  }
0xa9: {  	s23 =	simm.s32 $0x0;
	[bflag:$0x0] =	sbarrier.arrive $0xFFFF  }
0xaa: {  	[tilespmem:s28], [sflag:$0x1] =	stream.indirect.gather [spmem:s2], $0x40, s23, s24, $0xb8;
	[tilespmem:$0x1C8C0] =	vst v63  }
0xab: {  	_ = 	snop  }
0xac: {  	[tilespmem:s6], [sflag:$0x2] =	stream.indirect.gather [spmem:s2], $0x40, s24, s24, $0xb8;
	[tilespmem:$0x1C8C0] =	vst v63  }
0xad: {  	_ =	swait.ge [sflag:s18], $0x2000  }
0xae: {  	[sflag:s18] =	ssyncset.done $0x0  }
0xaf: {  	s29 =	simm.s32 $0x2800;
	[sflag:s18] =	ssyncadd.s32 $0xFFFFE000  }
0xb0: {  	[spmem:s4] =	stream.indirect.scatter.add.f32 [tilespmem:s28], [sflag:$0x3], $0x40, s29, s24, $0xb8;
	[tilespmem:$0x1C8C0] =	vst v63  }
0xb1: {  	_ =	swait.ge [sflag:s21], $0x2000  }
0xb2: {  	[sflag:s21] =	ssyncset.done $0x0  }
0xb3: {  	s30 =	simm.s32 $0x100;
	[sflag:s21] =	ssyncadd.s32 $0xFFFFE000  }
0xb4: {  	[tilespmem:s28], [sflag:$0x1] =	stream.indirect.gather [spmem:s2], $0x40, s30, s24, $0xb8;
	[tilespmem:$0x1C8C0] =	vst v63  }
0xb5: {  	_ =	swait.ge [sflag:s16], $0x2000  }
0xb6: {  	[sflag:s16] =	ssyncset.done $0x0  }
0xb7: {  	s31 =	simm.s32 $0x2880;
	[sflag:s16] =	ssyncadd.s32 $0xFFFFE000  }
0xb8: {  	[spmem:s4] =	stream.indirect.scatter.add.f32 [tilespmem:s6], [sflag:$0x4], $0x40, s31, s24, $0xb8;
	[tilespmem:$0x1C8C0] =	vst v63  }
0xb9: {  	_ =	swait.ge [sflag:s22], $0x2000  }
0xba: {  	[sflag:s22] =	ssyncset.done $0x0  }
0xbb: {  	s5 =	simm.s32 $0x400;
	s9 =	simm.s32 $0x180;
	[sflag:s22] =	ssyncadd.s32 $0xFFFFE000  }
.LBB2_10:
0xbc: {  	[tilespmem:s6], [sflag:$0x2] =	stream.indirect.gather [spmem:s2], $0x40, s9, s24, $0xb8;
	[tilespmem:$0x1C8C0] =	vst v63  }
0xbd: {  	s1 =	smov.u32 s5  }
0xbe: {  	p3 =	sne.s32 s5, $0x9800;
	s5 =	sadd.s32 $0x400, s5;
	_ =	swait.ge [sflag:s18], $0x2000  }
0xbf: {  	s1 =	sshra.s32 s1, $0x2;
	[sflag:s18] =	ssyncset.done $0x0  }
0xc0: {  	s9 =	sadd.s32 $0x2800, s1;
	[sflag:s18] =	ssyncadd.s32 $0xFFFFE000  }
0xc1: {  	[spmem:s4] =	stream.indirect.scatter.add.f32 [tilespmem:s28], [sflag:$0x3], $0x40, s9, s24, $0xb8;
	[tilespmem:$0x1C8C0] =	vst v63  }
0xc2: {  	_ =	swait.ge [sflag:s21], $0x2000  }
0xc3: {  	[sflag:s21] =	ssyncset.done $0x0  }
0xc4: {  	s9 =	sadd.s32 $0x100, s1;
	[sflag:s21] =	ssyncadd.s32 $0xFFFFE000  }
0xc5: {  	[tilespmem:s28], [sflag:$0x1] =	stream.indirect.gather [spmem:s2], $0x40, s9, s24, $0xb8;
	[tilespmem:$0x1C8C0] =	vst v63  }
0xc6: {  	_ =	swait.ge [sflag:s16], $0x2000  }
0xc7: {  	[sflag:s16] =	ssyncset.done $0x0  }
.Ltmp4:
0xc8: {  	s9 =	sadd.s32 $0x2880, s1;
	[sflag:s16] =	ssyncadd.s32 $0xFFFFE000;
	(pc) =	sbr.rel @p3 .LBB2_10-.Ltmp4, $4  }
0xc9: {  	[spmem:s4] =	stream.indirect.scatter.add.f32 [tilespmem:s6], [sflag:$0x4], $0x40, s9, s24, $0xb8;
	[tilespmem:$0x1C8C0] =	vst v63  }
0xca: {  	_ =	swait.ge [sflag:s22], $0x2000  }
0xcb: {  	[sflag:s22] =	ssyncset.done $0x0  }
0xcc: {  	s9 =	sadd.s32 $0x180, s1;
	[sflag:s22] =	ssyncadd.s32 $0xFFFFE000  }
0xcd: {  	[tilespmem:s6], [sflag:$0x2] =	stream.indirect.gather [spmem:s2], $0x40, s9, s24, $0xb8;
	[tilespmem:$0x1C8C0] =	vst v63  }
0xce: {  	_ =	swait.ge [sflag:s18], $0x2000  }
0xcf: {  	[sflag:s18] =	ssyncset.done $0x0  }
0xd0: {  	[sflag:s18] =	ssyncadd.s32 $0xFFFFE000  }
0xd1: {  	[spmem:s4] =	stream.indirect.scatter.add.f32 [tilespmem:s28], [sflag:$0x3], $0x40, s7, s24, $0xb8;
	[tilespmem:$0x1C8C0] =	vst v63  }
0xd2: {  	_ =	swait.ge [sflag:s21], $0x2000  }
0xd3: {  	[sflag:s21] =	ssyncset.done $0x0  }
0xd4: {  	[sflag:s21] =	ssyncadd.s32 $0xFFFFE000  }
0xd5: {  	_ =	swait.ge [sflag:s16], $0x2000  }
0xd6: {  	[sflag:s16] =	ssyncset.done $0x0  }
0xd7: {  	[sflag:s16] =	ssyncadd.s32 $0xFFFFE000  }
0xd8: {  	[spmem:s4] =	stream.indirect.scatter.add.f32 [tilespmem:s6], [sflag:$0x4], $0x40, s8, s24, $0xb8;
	[tilespmem:$0x1C8C0] =	vst v63  }
0xd9: {  	_ =	swait.ge [sflag:s22], $0x2000  }
0xda: {  	[sflag:s22] =	ssyncset.done $0x0  }
0xdb: {  	[sflag:s22] =	ssyncadd.s32 $0xFFFFE000  }
0xdc: {  	[bflag:$0x0] =	sbarrier.arrive $0xFFFF  }
0xdd: {  	s1 =	rddreg [dreg:$0x16]  }
0xde: {  	[hbm:s1], [sflag:s25] =	dma.local [spmem:s3], $0x1380  }
.Ltmp5:
0xdf: {  	_ = 	snop;
	(pc) =	sbr.rel @p1 .LBB2_13-.Ltmp5, $4  }
.Ltmp6:
0xe0: {  	_ = 	snop;
	(pc) =	sbr.rel @!p1 .LBB2_12-.Ltmp6, $4  }
0xe1: {  	_ =	swait.ge [sflag:s22], $0x1380  }
0xe2: {  	[sflag:s22] =	ssyncset.done $0x0  }
0xe3: {  	s3 =	rddreg [dreg:$0x9];
	[sflag:s22] =	ssyncadd.s32 $0xFFFFEC80  }
0xe4: {  	_ = 	snop  }
.LBB2_2:
0xe5: {  	s1 =	rddreg [dreg:$0xa]  }
0xe6: {  	[spmem:s30], [sflag:s20] =	dma.local [hbm:s1], $0x1380  }
0xe7: {  	[spmem:s3], [sflag:s15] =	dma.local [hbm:s1], $0x1380  }
0xe8: {  	s1 =	simm.s32 $0x0;
	s30 =	rddreg [dreg:$0xb]  }
0xe9: {  	[tilespmem:s1], [sflag:$0x3] =	stream.linear.gather [hbm4b:s30+s1], $0x2800, $0x38;
	[tilespmem:$0x1C8C0] =	vst v63  }
0xea: {  	s31 =	simm.s32 $0x2800;
	s30 =	rddreg [dreg:$0xc]  }
0xeb: {  	[tilespmem:s31], [sflag:$0x4] =	stream.linear.gather [hbm4b:s30+s1], $0x2800, $0x38;
	[tilespmem:$0x1C8C0] =	vst v63  }
0xec: {  	s30 =	simm.s32 @!p1 $0x1FC5;
	s1 =	rddreg [dreg:$0x19];
	s31 =	simm.s32 @!p1 $0x5  }
0xed: {  	[spmem:s12], [sflag:s30] =	dma.local @!p1 [hbm:s1], $0x80  }
0xee: {  	_ =	swait.ge @!p1 [sflag:s31], $0x80  }
0xef: {  	[sflag:s31] =	ssyncset.done @!p1 $0x0  }
0xf0: {  	[sflag:s31] =	ssyncadd.s32 @!p1 $0xFFFFFF80  }
0xf1: {  	[spmem:s5], [sflag:s30] =	dma.local @!p1 [hbm:s1], $0x80  }
0xf2: {  	_ =	swait.ge @!p1 [sflag:s31], $0x80  }
0xf3: {  	[sflag:s31] =	ssyncset.done @!p1 $0x0  }
0xf4: {  	[sflag:s31] =	ssyncadd.s32 @!p1 $0xFFFFFF80  }
0xf5: {  	s1 =	rddreg [dreg:$0x0]  }
0xf6: {  	[spmem:s9], [sflag:s30] =	dma.local @!p1 [hbm:s1], $0x80  }
0xf7: {  	_ =	swait.ge @!p1 [sflag:s31], $0x80  }
0xf8: {  	[sflag:s31] =	ssyncset.done @!p1 $0x0  }
0xf9: {  	[sflag:s31] =	ssyncadd.s32 @!p1 $0xFFFFFF80  }
0xfa: {  	_ =	swait.ge [sflag:s18], $0x1380  }
0xfb: {  	[sflag:s18] =	ssyncset.done $0x0  }
0xfc: {  	[sflag:s18] =	ssyncadd.s32 $0xFFFFEC80  }
0xfd: {  	_ =	swait.ge [sflag:s16], $0x1380  }
0xfe: {  	[sflag:s16] =	ssyncset.done $0x0  }
0xff: {  	[sflag:s16] =	ssyncadd.s32 $0xFFFFEC80  }
0x100: {  	_ =	swait.ge [sflag:s21], $0x2800  }
0x101: {  	[sflag:s21] =	ssyncset.done $0x0  }
0x102: {  	[sflag:s21] =	ssyncadd.s32 $0xFFFFD800  }
0x103: {  	_ =	swait.ge [sflag:s22], $0x2800  }
0x104: {  	[sflag:s22] =	ssyncset.done $0x0  }
0x105: {  	[sflag:s22] =	ssyncadd.s32 $0xFFFFD800  }
0x106: {  	s30 =	simm.s32 $0x0;
	[bflag:$0x0] =	sbarrier.arrive $0xFFFF  }
0x107: {  	[tilespmem:s28], [sflag:$0x1] =	stream.indirect.gather [spmem:s2], $0x40, s30, s24, $0xb8;
	[tilespmem:$0x1C8C0] =	vst v63  }
0x108: {  	_ = 	snop  }
0x109: {  	[tilespmem:s6], [sflag:$0x2] =	stream.indirect.gather [spmem:s2], $0x40, s24, s24, $0xb8;
	[tilespmem:$0x1C8C0] =	vst v63  }
0x10a: {  	_ =	swait.ge [sflag:s18], $0x2000  }
0x10b: {  	[sflag:s18] =	ssyncset.done $0x0  }
0x10c: {  	s30 =	simm.s32 $0x2800;
	[sflag:s18] =	ssyncadd.s32 $0xFFFFE000  }
0x10d: {  	[spmem:s4] =	stream.indirect.scatter.add.f32 [tilespmem:s28], [sflag:$0x3], $0x40, s30, s24, $0xb8;
	[tilespmem:$0x1C8C0] =	vst v63  }
0x10e: {  	_ =	swait.ge [sflag:s21], $0x2000  }
0x10f: {  	[sflag:s21] =	ssyncset.done $0x0  }
0x110: {  	s30 =	simm.s32 $0x100;
	[sflag:s21] =	ssyncadd.s32 $0xFFFFE000  }
0x111: {  	[tilespmem:s28], [sflag:$0x1] =	stream.indirect.gather [spmem:s2], $0x40, s30, s24, $0xb8;
	[tilespmem:$0x1C8C0] =	vst v63  }
0x112: {  	_ =	swait.ge [sflag:s16], $0x2000  }
0x113: {  	[sflag:s16] =	ssyncset.done $0x0  }
0x114: {  	s30 =	simm.s32 $0x2880;
	[sflag:s16] =	ssyncadd.s32 $0xFFFFE000  }
0x115: {  	[spmem:s4] =	stream.indirect.scatter.add.f32 [tilespmem:s6], [sflag:$0x4], $0x40, s30, s24, $0xb8;
	[tilespmem:$0x1C8C0] =	vst v63  }
0x116: {  	_ =	swait.ge [sflag:s22], $0x2000  }
0x117: {  	[sflag:s22] =	ssyncset.done $0x0  }
0x118: {  	s31 =	simm.s32 $0x180;
	s30 =	simm.s32 $0x400;
	[sflag:s22] =	ssyncadd.s32 $0xFFFFE000  }
.LBB2_3:
0x119: {  	[tilespmem:s6], [sflag:$0x2] =	stream.indirect.gather [spmem:s2], $0x40, s31, s24, $0xb8;
	[tilespmem:$0x1C8C0] =	vst v63  }
0x11a: {  	s31 =	smov.u32 s30  }
0x11b: {  	p3 =	sne.s32 s30, $0x9800;
	s30 =	sadd.s32 $0x400, s30;
	_ =	swait.ge [sflag:s18], $0x2000  }
0x11c: {  	s31 =	sshra.s32 s31, $0x2;
	[sflag:s18] =	ssyncset.done $0x0  }
0x11d: {  	s1 =	sadd.s32 $0x2800, s31;
	[sflag:s18] =	ssyncadd.s32 $0xFFFFE000  }
0x11e: {  	[spmem:s4] =	stream.indirect.scatter.add.f32 [tilespmem:s28], [sflag:$0x3], $0x40, s1, s24, $0xb8;
	[tilespmem:$0x1C8C0] =	vst v63  }
0x11f: {  	_ =	swait.ge [sflag:s21], $0x2000  }
0x120: {  	[sflag:s21] =	ssyncset.done $0x0  }
0x121: {  	s1 =	sadd.s32 $0x100, s31;
	[sflag:s21] =	ssyncadd.s32 $0xFFFFE000  }
0x122: {  	[tilespmem:s28], [sflag:$0x1] =	stream.indirect.gather [spmem:s2], $0x40, s1, s24, $0xb8;
	[tilespmem:$0x1C8C0] =	vst v63  }
0x123: {  	_ =	swait.ge [sflag:s16], $0x2000  }
0x124: {  	[sflag:s16] =	ssyncset.done $0x0  }
.Ltmp7:
0x125: {  	s1 =	sadd.s32 $0x2880, s31;
	[sflag:s16] =	ssyncadd.s32 $0xFFFFE000;
	(pc) =	sbr.rel @p3 .LBB2_3-.Ltmp7, $4  }
0x126: {  	[spmem:s4] =	stream.indirect.scatter.add.f32 [tilespmem:s6], [sflag:$0x4], $0x40, s1, s24, $0xb8;
	[tilespmem:$0x1C8C0] =	vst v63  }
0x127: {  	_ =	swait.ge [sflag:s22], $0x2000  }
0x128: {  	[sflag:s22] =	ssyncset.done $0x0  }
0x129: {  	s31 =	sadd.s32 $0x180, s31;
	[sflag:s22] =	ssyncadd.s32 $0xFFFFE000  }
0x12a: {  	[tilespmem:s6], [sflag:$0x2] =	stream.indirect.gather [spmem:s2], $0x40, s31, s24, $0xb8;
	[tilespmem:$0x1C8C0] =	vst v63  }
0x12b: {  	_ =	swait.ge [sflag:s18], $0x2000  }
0x12c: {  	[sflag:s18] =	ssyncset.done $0x0  }
0x12d: {  	[sflag:s18] =	ssyncadd.s32 $0xFFFFE000  }
0x12e: {  	[spmem:s4] =	stream.indirect.scatter.add.f32 [tilespmem:s28], [sflag:$0x3], $0x40, s7, s24, $0xb8;
	[tilespmem:$0x1C8C0] =	vst v63  }
0x12f: {  	_ =	swait.ge [sflag:s21], $0x2000  }
0x130: {  	[sflag:s21] =	ssyncset.done $0x0  }
0x131: {  	[sflag:s21] =	ssyncadd.s32 $0xFFFFE000  }
0x132: {  	_ =	swait.ge [sflag:s16], $0x2000  }
0x133: {  	[sflag:s16] =	ssyncset.done $0x0  }
0x134: {  	[sflag:s16] =	ssyncadd.s32 $0xFFFFE000  }
0x135: {  	[spmem:s4] =	stream.indirect.scatter.add.f32 [tilespmem:s6], [sflag:$0x4], $0x40, s8, s24, $0xb8;
	[tilespmem:$0x1C8C0] =	vst v63  }
0x136: {  	_ =	swait.ge [sflag:s22], $0x2000  }
0x137: {  	[sflag:s22] =	ssyncset.done $0x0  }
0x138: {  	[sflag:s22] =	ssyncadd.s32 $0xFFFFE000  }
0x139: {  	[bflag:$0x0] =	sbarrier.arrive $0xFFFF  }
0x13a: {  	s25 =	sor.u32 $0x1C04, s25;
	s1 =	rddreg [dreg:$0xd]  }
0x13b: {  	[hbm:s1], [sflag:s25] =	dma.local [spmem:s3], $0x1380  }
0x13c: {  	s1 =	simm.s32 @p1 $0x4  }
0x13d: {  	[spmem:s29], [sflag:s20] =	dma.local @p1 [hbm:s17], $0x1380  }
0x13e: {  	_ =	swait.ge @p1 [sflag:s1], $0x1380  }
0x13f: {  	[sflag:s1] =	ssyncset.done @p1 $0x0  }
0x140: {  	[sflag:s1] =	ssyncadd.s32 @p1 $0xFFFFEC80  }
0x141: {  	[spmem:s23], [sflag:s15] =	dma.local @p1 [hbm:s17], $0x1380  }
0x142: {  	s1 =	simm.s32 @!p1 $0x1FC5;
	s23 =	rddreg [dreg:$0xe]  }
0x143: {  	[hbm:s23], [sflag:s1] =	dma.local @!p1 [spmem:s5], $0x80  }
0x144: {  	s23 =	simm.s32 @!p1 $0x5  }
0x145: {  	_ =	swait.ge @!p1 [sflag:s23], $0x80  }
0x146: {  	[sflag:s23] =	ssyncset.done @!p1 $0x0  }
0x147: {  	[sflag:s23] =	ssyncadd.s32 @!p1 $0xFFFFFF80  }
0x148: {  	[spmem:s19], [sflag:s20] =	dma.local @!p1 [hbm:s17], $0x1380  }
0x149: {  	s19 =	simm.s32 @!p1 $0x4  }
0x14a: {  	_ =	swait.ge @!p1 [sflag:s19], $0x1380  }
0x14b: {  	[sflag:s19] =	ssyncset.done @!p1 $0x0  }
0x14c: {  	[sflag:s19] =	ssyncadd.s32 @!p1 $0xFFFFEC80  }
0x14d: {  	[spmem:s14], [sflag:s15] =	dma.local @!p1 [hbm:s17], $0x1380  }
0x14e: {  	s14 =	rddreg [dreg:$0xf]  }
0x14f: {  	[spmem:s12], [sflag:s1] =	dma.local @!p1 [hbm:s14], $0x80  }
0x150: {  	_ =	swait.ge @!p1 [sflag:s23], $0x80  }
0x151: {  	[sflag:s23] =	ssyncset.done @!p1 $0x0  }
0x152: {  	[sflag:s23] =	ssyncadd.s32 @!p1 $0xFFFFFF80  }
0x153: {  	[spmem:s5], [sflag:s1] =	dma.local @!p1 [hbm:s14], $0x80  }
0x154: {  	_ =	swait.ge @!p1 [sflag:s23], $0x80  }
0x155: {  	[sflag:s23] =	ssyncset.done @!p1 $0x0  }
0x156: {  	s5 =	rddreg [dreg:$0x5];
	[sflag:s23] =	ssyncadd.s32 @!p1 $0xFFFFFF80  }
0x157: {  	[spmem:s9], [sflag:s1] =	dma.local @!p1 [hbm:s5], $0x80  }
0x158: {  	_ =	swait.ge @!p1 [sflag:s23], $0x80  }
0x159: {  	[sflag:s23] =	ssyncset.done @!p1 $0x0  }
0x15a: {  	[sflag:s23] =	ssyncadd.s32 @!p1 $0xFFFFFF80  }
0x15b: {  	_ =	swait.ge [sflag:s18], $0x1380  }
0x15c: {  	[sflag:s18] =	ssyncset.done $0x0  }
0x15d: {  	[sflag:s18] =	ssyncadd.s32 $0xFFFFEC80  }
0x15e: {  	_ =	swait.ge [sflag:s16], $0x1380  }
0x15f: {  	[sflag:s16] =	ssyncset.done $0x0  }
0x160: {  	[sflag:s16] =	ssyncadd.s32 $0xFFFFEC80  }
0x161: {  	s23 =	simm.s32 $0x0;
	[bflag:$0x0] =	sbarrier.arrive $0xFFFF  }
0x162: {  	[tilespmem:s28], [sflag:$0x1] =	stream.indirect.gather [spmem:s2], $0x40, s23, s24, $0xb8;
	[tilespmem:$0x1C8C0] =	vst v63  }
0x163: {  	_ = 	snop  }
0x164: {  	[tilespmem:s6], [sflag:$0x2] =	stream.indirect.gather [spmem:s2], $0x40, s24, s24, $0xb8;
	[tilespmem:$0x1C8C0] =	vst v63  }
0x165: {  	_ =	swait.ge [sflag:s18], $0x2000  }
0x166: {  	[sflag:s18] =	ssyncset.done $0x0  }
0x167: {  	s29 =	simm.s32 $0x2800;
	[sflag:s18] =	ssyncadd.s32 $0xFFFFE000  }
0x168: {  	[spmem:s4] =	stream.indirect.scatter.add.f32 [tilespmem:s28], [sflag:$0x3], $0x40, s29, s24, $0xb8;
	[tilespmem:$0x1C8C0] =	vst v63  }
0x169: {  	_ =	swait.ge [sflag:s21], $0x2000  }
0x16a: {  	[sflag:s21] =	ssyncset.done $0x0  }
0x16b: {  	s30 =	simm.s32 $0x100;
	[sflag:s21] =	ssyncadd.s32 $0xFFFFE000  }
0x16c: {  	[tilespmem:s28], [sflag:$0x1] =	stream.indirect.gather [spmem:s2], $0x40, s30, s24, $0xb8;
	[tilespmem:$0x1C8C0] =	vst v63  }
0x16d: {  	_ =	swait.ge [sflag:s16], $0x2000  }
0x16e: {  	[sflag:s16] =	ssyncset.done $0x0  }
0x16f: {  	s31 =	simm.s32 $0x2880;
	[sflag:s16] =	ssyncadd.s32 $0xFFFFE000  }
0x170: {  	[spmem:s4] =	stream.indirect.scatter.add.f32 [tilespmem:s6], [sflag:$0x4], $0x40, s31, s24, $0xb8;
	[tilespmem:$0x1C8C0] =	vst v63  }
0x171: {  	_ =	swait.ge [sflag:s22], $0x2000  }
0x172: {  	[sflag:s22] =	ssyncset.done $0x0  }
0x173: {  	s5 =	simm.s32 $0x400;
	s9 =	simm.s32 $0x180;
	[sflag:s22] =	ssyncadd.s32 $0xFFFFE000  }
.LBB2_5:
0x174: {  	[tilespmem:s6], [sflag:$0x2] =	stream.indirect.gather [spmem:s2], $0x40, s9, s24, $0xb8;
	[tilespmem:$0x1C8C0] =	vst v63  }
0x175: {  	s1 =	smov.u32 s5  }
0x176: {  	p3 =	sne.s32 s5, $0x9800;
	s5 =	sadd.s32 $0x400, s5;
	_ =	swait.ge [sflag:s18], $0x2000  }
0x177: {  	s1 =	sshra.s32 s1, $0x2;
	[sflag:s18] =	ssyncset.done $0x0  }
0x178: {  	s9 =	sadd.s32 $0x2800, s1;
	[sflag:s18] =	ssyncadd.s32 $0xFFFFE000  }
0x179: {  	[spmem:s4] =	stream.indirect.scatter.add.f32 [tilespmem:s28], [sflag:$0x3], $0x40, s9, s24, $0xb8;
	[tilespmem:$0x1C8C0] =	vst v63  }
0x17a: {  	_ =	swait.ge [sflag:s21], $0x2000  }
0x17b: {  	[sflag:s21] =	ssyncset.done $0x0  }
0x17c: {  	s9 =	sadd.s32 $0x100, s1;
	[sflag:s21] =	ssyncadd.s32 $0xFFFFE000  }
0x17d: {  	[tilespmem:s28], [sflag:$0x1] =	stream.indirect.gather [spmem:s2], $0x40, s9, s24, $0xb8;
	[tilespmem:$0x1C8C0] =	vst v63  }
0x17e: {  	_ =	swait.ge [sflag:s16], $0x2000  }
0x17f: {  	[sflag:s16] =	ssyncset.done $0x0  }
.Ltmp8:
0x180: {  	s9 =	sadd.s32 $0x2880, s1;
	[sflag:s16] =	ssyncadd.s32 $0xFFFFE000;
	(pc) =	sbr.rel @p3 .LBB2_5-.Ltmp8, $4  }
0x181: {  	[spmem:s4] =	stream.indirect.scatter.add.f32 [tilespmem:s6], [sflag:$0x4], $0x40, s9, s24, $0xb8;
	[tilespmem:$0x1C8C0] =	vst v63  }
0x182: {  	_ =	swait.ge [sflag:s22], $0x2000  }
0x183: {  	[sflag:s22] =	ssyncset.done $0x0  }
0x184: {  	s9 =	sadd.s32 $0x180, s1;
	[sflag:s22] =	ssyncadd.s32 $0xFFFFE000  }
0x185: {  	[tilespmem:s6], [sflag:$0x2] =	stream.indirect.gather [spmem:s2], $0x40, s9, s24, $0xb8;
	[tilespmem:$0x1C8C0] =	vst v63  }
0x186: {  	_ =	swait.ge [sflag:s18], $0x2000  }
0x187: {  	[sflag:s18] =	ssyncset.done $0x0  }
0x188: {  	[sflag:s18] =	ssyncadd.s32 $0xFFFFE000  }
0x189: {  	[spmem:s4] =	stream.indirect.scatter.add.f32 [tilespmem:s28], [sflag:$0x3], $0x40, s7, s24, $0xb8;
	[tilespmem:$0x1C8C0] =	vst v63  }
0x18a: {  	_ =	swait.ge [sflag:s21], $0x2000  }
0x18b: {  	[sflag:s21] =	ssyncset.done $0x0  }
0x18c: {  	[sflag:s21] =	ssyncadd.s32 $0xFFFFE000  }
0x18d: {  	_ =	swait.ge [sflag:s16], $0x2000  }
0x18e: {  	[sflag:s16] =	ssyncset.done $0x0  }
0x18f: {  	[sflag:s16] =	ssyncadd.s32 $0xFFFFE000  }
0x190: {  	[spmem:s4] =	stream.indirect.scatter.add.f32 [tilespmem:s6], [sflag:$0x4], $0x40, s8, s24, $0xb8;
	[tilespmem:$0x1C8C0] =	vst v63  }
0x191: {  	_ =	swait.ge [sflag:s22], $0x2000  }
0x192: {  	[sflag:s22] =	ssyncset.done $0x0  }
0x193: {  	[sflag:s22] =	ssyncadd.s32 $0xFFFFE000  }
0x194: {  	[bflag:$0x0] =	sbarrier.arrive $0xFFFF  }
0x195: {  	s1 =	rddreg [dreg:$0x14]  }
0x196: {  	[hbm:s1], [sflag:s25] =	dma.local [spmem:s3], $0x1380  }
.Ltmp9:
0x197: {  	_ = 	snop;
	(pc) =	sbr.rel @p2 .LBB2_12-.Ltmp9, $4  }
.Ltmp10:
0x198: {  	_ = 	snop;
	(pc) =	sbr.rel @!p2 .LBB2_13-.Ltmp10, $4  }
0x199: {  	_ =	swait.ge [sflag:s22], $0x1380  }
0x19a: {  	[sflag:s22] =	ssyncset.done $0x0  }
0x19b: {  	s3 =	rddreg [dreg:$0x8];
	[sflag:s22] =	ssyncadd.s32 $0xFFFFEC80  }
0x19c: {  	_ = 	snop  }
.LBB2_14:
0x19d: {  	_ =	sfence.sel $0x180000  }
0x19e: {  	[bflag:$0x0] =	sbarrier.arrive $0xFFFF  }
0x19f: {  	_ =	strace $0x90000047  }
0x1a0: {  	s0 =	stileid.u32;
	[bflag:$0x2] =	sbarrier.arrive $0xFFFF  }
0x1a1: {  	p0 =	sne.s32 s0, $0x0;
	s0 =	rddreg [dreg:$0x4]  }
0x1a2: {  	s0 =	sadd.s32 @!p0 $0x100000, s0  }
0x1a3: {  	[sflag:s0] =	ssyncadd.tile.s32 @!p0 $0x1;
	_ =	shalt  }
.Lfunc_end2:
_tile_overlayer_lowered:
.L_overlay_start_2:
0x1a4: {  	(tag) =	ssettag $0x2  }
0x1a5: {  	s0 =	rddreg [dreg:$0x0];
	s2 =	stileid.u32  }
0x1a6: {  	s1 =	rddreg [dreg:$0x1];
	p0 =	sne.s32 s2, $0x0  }
0x1a7: {  	s3 =	rddreg [dreg:$0x2];
	[bflag:$0x3] =	sbarrier.arrive $0xFFFF;
	s2 =	simm.s32 @!p0 $0x1C05  }
0x1a8: {  	[timem:s3], [sflag:s2] =	dma.local @!p0 [hbm:s0], s1  }
0x1a9: {  	s0 =	simm.s32 @!p0 $0x5  }
0x1aa: {  	_ =	swait.ge @!p0 [sflag:s0], s1  }
0x1ab: {  	s1 =	ssub.s32 @!p0 $0x0, s1;
	[sflag:s0] =	ssyncset.done @!p0 $0x0  }
0x1ac: {  	[sflag:s0] =	ssyncadd.s32 @!p0 s1  }
0x1ad: {  	[bflag:$0x3] =	sbarrier.arrive $0xFFFF  }
0x1ae: {  	_ =	shalt  }

</sc_bundles>
